<compile_context>
chip_gen: v7x
topology: tpu7x:2x2x1
jax: 0.10.2.dev20260603
libtpu: 0.0.44.dev20260713+nightly
codegen_flags: <defaults>
</compile_context>

<pallas_src>
import jax
import jax.numpy as jnp
from jax import lax
from jax.experimental import pallas as pl
from jax.experimental.pallas import tpu as pltpu
from jax.experimental.pallas import tpu_sc as plsc

SN = 128
S = 50
SP = 64
RR = 4
CROP = 96
NC, NS = 2, 16
NW = NC * NS
SPT = SN // NW
L = 16
NCH = SP // L


def _sload(ref, i):
    return ref[pl.ds(i, L)][0]


def _sc_body(ev_hbm, tt_hbm, len_hbm, st_hbm, out_hbm,
             ev, ttin, lenv, stv, loc, mmv, vals, snap,
             slabs, sem_a, sem_b):
    wid = lax.axis_index("s") * NC + lax.axis_index("c")
    base = wid * SPT

    pltpu.sync_copy(ev_hbm.at[pl.ds(base * S * 4, SPT * S * 4)],
                    ev.at[pl.ds(0, SPT * S * 4)])
    pltpu.sync_copy(tt_hbm.at[pl.ds(base * S, SPT * S)],
                    ttin.at[pl.ds(0, SPT * S)])
    pltpu.sync_copy(len_hbm, lenv.at[pl.ds(0, SN)])
    pltpu.sync_copy(st_hbm, stv)

    zero16f = jnp.zeros((L,), jnp.float32)

    def zrow(row, carry):
        for b in range(2):
            for p in range(2):
                for k in range(CROP // L):
                    slabs[b, p, row, pl.ds(k * L, L)] = zero16f
        return carry
    lax.fori_loop(0, CROP, zrow, 0)

    start = _sload(stv, 0)
    sems = [sem_a, sem_b]
    lane = jnp.arange(L, dtype=jnp.int32)
    pending = [None, None]

    for si in range(SPT):
        eb = si * S * 4

        locc, pvc, xcc, ycc, mvc = [], [], [], [], []
        for k in range(NCH):
            ix = eb + 4 * (k * L + lane)
            in_s = (k * L + lane) < S
            ixc = jnp.where(in_s, ix, eb)
            x = plsc.load_gather(ev, [ixc]).astype(jnp.int32)
            y = plsc.load_gather(ev, [ixc + 1]).astype(jnp.int32)
            p = plsc.load_gather(ev, [ixc + 2]).astype(jnp.int32)
            lc = jnp.where(in_s, (p * 128 + x) * 128 + y, -1)
            loc[pl.ds(k * L, L)] = lc
            locc.append(lc)
            xs = x - start
            ys = y - start
            ok = (in_s & (xs >= 0) & (xs < CROP) & (ys >= 0) & (ys < CROP))
            pvc.append(p)
            xcc.append(jnp.clip(xs, 0, CROP - 1))
            ycc.append(jnp.clip(ys, 0, CROP - 1))
            mvc.append(ok)
            t = plsc.load_gather(ev, [ixc + 3])
            tp = plsc.load_gather(ev, [jnp.maximum(ixc - 4, eb) + 3])
            mmv[pl.ds(k * L, L)] = jnp.exp((tp - t) / jnp.float32(50.0))

        loc0 = _sload(loc, 0)
        tt0 = _sload(ttin, si * S)
        init0 = jnp.where(tt0 == 0, jnp.float32(0.3), jnp.float32(0.0))
        for k in range(NCH):
            m0 = locc[k] == loc0
            vals[pl.ds(k * L, L)] = jnp.where(m0, init0, 0.0)
            snap[pl.ds(k * L, L)] = jnp.where(m0, jnp.float32(0.3), 0.0)
            for r in range(1, RR):
                snap[pl.ds(r * SP + k * L, L)] = zero16f

        lenval = _sload(lenv, base + si)

        def step(n, carry):
            mmn = _sload(mmv, n)
            locn = _sload(loc, n)
            ttn = _sload(ttin, si * S + n)
            g = jnp.where(lenval >= n, jnp.float32(0.3), jnp.float32(0.0))
            c = _sload(vals, n) * mmn
            delta = g * (jnp.float32(1.0) - c)
            sb = ttn * SP
            for k in range(NCH):
                sl = pl.ds(k * L, L)
                v = vals[sl] * mmn + jnp.where(loc[sl] == locn, delta, 0.0)
                vals[sl] = v
                snap[pl.ds(sb + k * L, L)] = v
            return carry
        lax.fori_loop(1, S, step, 0)

        gi = base + si
        for r in range(RR):
            b = r % 2
            if pending[b] is not None:
                h, rst = pending[b]
                h.wait()
                plsc.subcore_barrier()
                for (pv, xv, yv, mv) in rst:
                    plsc.store_scatter(slabs.at[b], [pv, xv, yv],
                                       zero16f, mask=mv)
            for k in range(NCH):
                vvec = snap[pl.ds(r * SP + k * L, L)]
                plsc.store_scatter(slabs.at[b], [pvc[k], xcc[k], ycc[k]],
                                   vvec, mask=mvc[k])
            plsc.subcore_barrier()
            h = pltpu.async_copy(slabs.at[b], out_hbm.at[gi, r],
                                 sems[b])
            pending[b] = (h, list(zip(pvc, xcc, ycc, mvc)))

    for b in range(2):
        h, _ = pending[b]
        h.wait()
    plsc.subcore_barrier()


@jax.jit
def _run(event_flat, tt_flat, length, start_arr):
    mesh = plsc.VectorSubcoreMesh(core_axis_name="c", subcore_axis_name="s",
                                  num_cores=NC, num_subcores=NS)
    f = pl.kernel(
        _sc_body,
        out_type=jax.ShapeDtypeStruct((SN, RR, 2, CROP, CROP), jnp.float32),
        mesh=mesh,
        compiler_params=pltpu.CompilerParams(needs_layout_passes=False),
        scratch_types=[
            pltpu.VMEM((SPT * S * 4 + L,), jnp.float32),
            pltpu.VMEM((SPT * S + L,), jnp.int32),
            pltpu.VMEM((SN + L,), jnp.int32),
            pltpu.VMEM((L,), jnp.int32),
            pltpu.VMEM((SP + L,), jnp.int32),
            pltpu.VMEM((SP + L,), jnp.float32),
            pltpu.VMEM((SP + L,), jnp.float32),
            pltpu.VMEM((RR * SP,), jnp.float32),
            pltpu.VMEM((2, 2, CROP, CROP), jnp.float32),
            pltpu.SemaphoreType.DMA,
            pltpu.SemaphoreType.DMA,
        ],
    )
    return f(event_flat, tt_flat, length, start_arr)


def kernel(event, time_trace, length, test):
    ev_flat = event.astype(jnp.float32).reshape(-1)
    tt_flat = time_trace.astype(jnp.int32).reshape(-1)
    ln = length.astype(jnp.int32)
    start = jnp.where(jnp.asarray(test, dtype=jnp.int32) == 1, 26, 16)
    start_arr = jnp.broadcast_to(start.astype(jnp.int32), (L,))
    return _run(ev_flat, tt_flat, ln, start_arr)

# --- scband reference (transcript-rebuilt; emitter-appended) ---
"""Pipeline reference for scband-te-55044300865689 (READ-ONLY COPY).

The authoritative reference and input builder live on the scoring server;
editing this copy changes nothing except your own understanding.
"""

import jax, jax.numpy as jnp
import numpy as np

RR = 4
PFRAC = 0.3
GMAX = 1.0
GMIN = 0.0
TAU = 50.0
SPKRANGE = 50
SN = 128


def setup_inputs(seed: int = 0) -> dict:
    key = jax.random.key(seed)
    k1, k2, k3, k4, k5 = jax.random.split(key, 5)
    xy = jax.random.randint(k1, (SN, SPKRANGE, 2), 0, 128)
    pol = jax.random.randint(k2, (SN, SPKRANGE, 1), 0, 2)
    dt = jax.random.randint(k3, (SN, SPKRANGE, 1), 1, 20)
    t = jnp.cumsum(dt, axis=1)
    event = jnp.concatenate([xy, pol, t], axis=2).astype(jnp.float32)
    time_trace = jax.random.randint(k4, (SN, SPKRANGE), 0, RR).astype(jnp.int32)
    length = jax.random.randint(k5, (SN,), 0, SPKRANGE).astype(jnp.int32)
    return {"event": event, "time_trace": time_trace, "length": length, "test": 0}


def _forward(event, time_trace, length, test):
    e = event.astype(jnp.int32)
    tt = time_trace.astype(jnp.int32)
    length = length.astype(jnp.int32)
    idx = jnp.arange(SN)
    T2G = jnp.zeros((SN, RR, 2, 128, 128), dtype=jnp.float32)
    # N = 0: scatter-add initial spike into replica 0
    T2G = T2G.at[idx, 0, e[:, 0, 2], e[:, 0, 0], e[:, 0, 1]].add(PFRAC * (GMAX - GMIN))

    def step(T2G, N):
        # exponential decay factor per sample, broadcast over (2,128,128)
        mm = jnp.exp((e[:, N - 1, 3] - e[:, N, 3]).astype(jnp.float32) / TAU)
        prev = T2G[idx, tt[:, N - 1]]                       # gather [SN,2,128,128]
        slab = mm[:, None, None, None] * (prev - GMIN) + GMIN
        T2G = T2G.at[idx, tt[:, N]].set(slab)               # scatter-overwrite rows
        cur = T2G[idx, tt[:, N], e[:, N, 2], e[:, N, 0], e[:, N, 1]]
        add = (length >= N).astype(jnp.float32) * PFRAC * (GMAX - cur)
        T2G = T2G.at[idx, tt[:, N], e[:, N, 2], e[:, N, 0], e[:, N, 1]].add(add)
        return T2G, None

    T2G, _ = jax.lax.scan(step, T2G, jnp.arange(1, SPKRANGE))
    # torchvision CenterCrop: 76 if test==1 else 96
    crop = jnp.where(jnp.asarray(test, dtype=jnp.int32) == 1, 76, 96)
    start = (128 - crop) // 2
    return jax.lax.dynamic_slice(T2G, (0, 0, 0, start, start), (SN, RR, 2, 96, 96))


def reference(event, time_trace, length, test):
    return _forward(event, time_trace, length, test)

if __name__ == "__main__":
    import jax
    _d = setup_inputs()
    print(jax.jit(kernel)(*tuple(_d.values())))

</pallas_src>

<mosaic_0001>
#map = affine_map<(d0, d1) -> (0)>
#map1 = affine_map<(d0, d1) -> (0, 0, 0, 0, 0)>
module attributes {stable_mosaic.version = 14 : i64} {
  func.func @_sc_body(%arg0: i32, %arg1: i32, %arg2: memref<25600xf32, #tpu.memory_space<hbm>>, %arg3: memref<6400xi32, #tpu.memory_space<hbm>>, %arg4: memref<128xi32, #tpu.memory_space<hbm>>, %arg5: memref<16xi32, #tpu.memory_space<hbm>>, %arg6: memref<128x4x2x96x96xf32, #tpu.memory_space<hbm>>, %arg7: memref<816xf32, #tpu.memory_space<vmem>>, %arg8: memref<216xi32, #tpu.memory_space<vmem>>, %arg9: memref<144xi32, #tpu.memory_space<vmem>>, %arg10: memref<16xi32, #tpu.memory_space<vmem>>, %arg11: memref<80xi32, #tpu.memory_space<vmem>>, %arg12: memref<80xf32, #tpu.memory_space<vmem>>, %arg13: memref<80xf32, #tpu.memory_space<vmem>>, %arg14: memref<256xf32, #tpu.memory_space<vmem>>, %arg15: memref<2x2x96x96xf32, #tpu.memory_space<vmem>>, %arg16: memref<!tpu.dma_semaphore, #tpu.memory_space<semaphore_mem>>, %arg17: memref<!tpu.dma_semaphore, #tpu.memory_space<semaphore_mem>>) attributes {dimension_semantics = [#tpu.dimension_semantics<core_parallel>, #tpu.dimension_semantics<subcore_parallel>], iteration_bounds = array<i64: 2, 16>, scalar_prefetch = 0 : i64, scratch_operands = 11 : i64, tpu.core_type = #tpu.core_type<sc_vector_subcore>, window_params = [{transform_indices = #map}, {transform_indices = #map}, {transform_indices = #map}, {transform_indices = #map}, {transform_indices = #map1}]} {
    %mul3A = arith.constant 2 : i32
    %mul3A_0 = arith.muli %arg1, %mul3A : i32
    %add3A = arith.addi %mul3A_0, %arg0 : i32
    %mul3A_1 = arith.constant 4 : i32
    %mul3A_2 = arith.muli %add3A, %mul3A_1 : i32
    %mul3A_3 = arith.constant 50 : i32
    %mul3A_4 = arith.muli %mul3A_2, %mul3A_3 : i32
    %mul3A_5 = arith.constant 4 : i32
    %mul3A_6 = arith.muli %mul3A_4, %mul3A_5 : i32
    "tpu.region"() ({
      %run_scoped3A = tpu.sem_alloc : memref<!tpu.dma_semaphore, #tpu.memory_space<semaphore_mem>>
      %dma_start3A_3561 = arith.constant 0 : i32
      %dma_start3A_3562 = tpu.memref_slice %arg7[%dma_start3A_3561] : memref<816xf32, #tpu.memory_space<vmem>> -> memref<800xf32, #tpu.memory_space<vmem>>
      %dma_start3A_3563 = tpu.memref_slice %arg2[%mul3A_6] : memref<25600xf32, #tpu.memory_space<hbm>> -> memref<800xf32, #tpu.memory_space<hbm>>
      %dma_start3A_3564 = arith.constant 0 : i32
      %dma_start3A_3565 = tpu.memref_slice %arg7[%dma_start3A_3564] : memref<816xf32, #tpu.memory_space<vmem>> -> memref<800xf32, #tpu.memory_space<vmem>>
      %dma_start3A_3566 = tpu.memref_slice %arg2[%mul3A_6] : memref<25600xf32, #tpu.memory_space<hbm>> -> memref<800xf32, #tpu.memory_space<hbm>>
      tpu.enqueue_dma source(%dma_start3A_3566 : memref<800xf32, #tpu.memory_space<hbm>>) target(%dma_start3A_3565 : memref<800xf32, #tpu.memory_space<vmem>>) target_semaphore(%run_scoped3A : memref<!tpu.dma_semaphore, #tpu.memory_space<semaphore_mem>>)
      %dma_wait3A_3567 = arith.constant 0 : i32
      %dma_wait3A_3568 = tpu.memref_slice %arg7[%dma_wait3A_3567] : memref<816xf32, #tpu.memory_space<vmem>> -> memref<800xf32, #tpu.memory_space<vmem>>
      %dma_wait3A_3569 = tpu.memref_slice %arg2[%mul3A_6] : memref<25600xf32, #tpu.memory_space<hbm>> -> memref<800xf32, #tpu.memory_space<hbm>>
      %dma_wait3A_3570 = arith.constant 0 : i32
      %dma_wait3A_3571 = tpu.memref_slice %arg7[%dma_wait3A_3570] : memref<816xf32, #tpu.memory_space<vmem>> -> memref<800xf32, #tpu.memory_space<vmem>>
      %dma_wait3A_3572 = tpu.memref_slice %arg2[%mul3A_6] : memref<25600xf32, #tpu.memory_space<hbm>> -> memref<800xf32, #tpu.memory_space<hbm>>
      tpu.wait_dma2 semaphore(%run_scoped3A : memref<!tpu.dma_semaphore, #tpu.memory_space<semaphore_mem>>) src(%dma_wait3A_3572 : memref<800xf32, #tpu.memory_space<hbm>>) dst(%dma_wait3A_3571 : memref<800xf32, #tpu.memory_space<vmem>>)
      tpu.yield
    }) : () -> ()
    %mul3A_7 = arith.constant 50 : i32
    %mul3A_8 = arith.muli %mul3A_2, %mul3A_7 : i32
    "tpu.region"() ({
      %run_scoped3A = tpu.sem_alloc : memref<!tpu.dma_semaphore, #tpu.memory_space<semaphore_mem>>
      %dma_start3A_3561 = arith.constant 0 : i32
      %dma_start3A_3562 = tpu.memref_slice %arg8[%dma_start3A_3561] : memref<216xi32, #tpu.memory_space<vmem>> -> memref<200xi32, #tpu.memory_space<vmem>>
      %dma_start3A_3563 = tpu.memref_slice %arg3[%mul3A_8] : memref<6400xi32, #tpu.memory_space<hbm>> -> memref<200xi32, #tpu.memory_space<hbm>>
      %dma_start3A_3564 = arith.constant 0 : i32
      %dma_start3A_3565 = tpu.memref_slice %arg8[%dma_start3A_3564] : memref<216xi32, #tpu.memory_space<vmem>> -> memref<200xi32, #tpu.memory_space<vmem>>
      %dma_start3A_3566 = tpu.memref_slice %arg3[%mul3A_8] : memref<6400xi32, #tpu.memory_space<hbm>> -> memref<200xi32, #tpu.memory_space<hbm>>
      tpu.enqueue_dma source(%dma_start3A_3566 : memref<200xi32, #tpu.memory_space<hbm>>) target(%dma_start3A_3565 : memref<200xi32, #tpu.memory_space<vmem>>) target_semaphore(%run_scoped3A : memref<!tpu.dma_semaphore, #tpu.memory_space<semaphore_mem>>)
      %dma_wait3A_3567 = arith.constant 0 : i32
      %dma_wait3A_3568 = tpu.memref_slice %arg8[%dma_wait3A_3567] : memref<216xi32, #tpu.memory_space<vmem>> -> memref<200xi32, #tpu.memory_space<vmem>>
      %dma_wait3A_3569 = tpu.memref_slice %arg3[%mul3A_8] : memref<6400xi32, #tpu.memory_space<hbm>> -> memref<200xi32, #tpu.memory_space<hbm>>
      %dma_wait3A_3570 = arith.constant 0 : i32
      %dma_wait3A_3571 = tpu.memref_slice %arg8[%dma_wait3A_3570] : memref<216xi32, #tpu.memory_space<vmem>> -> memref<200xi32, #tpu.memory_space<vmem>>
      %dma_wait3A_3572 = tpu.memref_slice %arg3[%mul3A_8] : memref<6400xi32, #tpu.memory_space<hbm>> -> memref<200xi32, #tpu.memory_space<hbm>>
      tpu.wait_dma2 semaphore(%run_scoped3A : memref<!tpu.dma_semaphore, #tpu.memory_space<semaphore_mem>>) src(%dma_wait3A_3572 : memref<200xi32, #tpu.memory_space<hbm>>) dst(%dma_wait3A_3571 : memref<200xi32, #tpu.memory_space<vmem>>)
      tpu.yield
    }) : () -> ()
    "tpu.region"() ({
      %run_scoped3A = tpu.sem_alloc : memref<!tpu.dma_semaphore, #tpu.memory_space<semaphore_mem>>
      %dma_start3A_3561 = arith.constant 0 : i32
      %dma_start3A_3562 = tpu.memref_slice %arg9[%dma_start3A_3561] : memref<144xi32, #tpu.memory_space<vmem>> -> memref<128xi32, #tpu.memory_space<vmem>>
      %dma_start3A_3563 = arith.constant 0 : i32
      %dma_start3A_3564 = tpu.memref_slice %arg9[%dma_start3A_3563] : memref<144xi32, #tpu.memory_space<vmem>> -> memref<128xi32, #tpu.memory_space<vmem>>
      tpu.enqueue_dma source(%arg4 : memref<128xi32, #tpu.memory_space<hbm>>) target(%dma_start3A_3564 : memref<128xi32, #tpu.memory_space<vmem>>) target_semaphore(%run_scoped3A : memref<!tpu.dma_semaphore, #tpu.memory_space<semaphore_mem>>)
      %dma_wait3A_3565 = arith.constant 0 : i32
      %dma_wait3A_3566 = tpu.memref_slice %arg9[%dma_wait3A_3565] : memref<144xi32, #tpu.memory_space<vmem>> -> memref<128xi32, #tpu.memory_space<vmem>>
      %dma_wait3A_3567 = arith.constant 0 : i32
      %dma_wait3A_3568 = tpu.memref_slice %arg9[%dma_wait3A_3567] : memref<144xi32, #tpu.memory_space<vmem>> -> memref<128xi32, #tpu.memory_space<vmem>>
      tpu.wait_dma2 semaphore(%run_scoped3A : memref<!tpu.dma_semaphore, #tpu.memory_space<semaphore_mem>>) src(%arg4 : memref<128xi32, #tpu.memory_space<hbm>>) dst(%dma_wait3A_3568 : memref<128xi32, #tpu.memory_space<vmem>>)
      tpu.yield
    }) : () -> ()
    "tpu.region"() ({
      %run_scoped3A = tpu.sem_alloc : memref<!tpu.dma_semaphore, #tpu.memory_space<semaphore_mem>>
      tpu.enqueue_dma source(%arg5 : memref<16xi32, #tpu.memory_space<hbm>>) target(%arg10 : memref<16xi32, #tpu.memory_space<vmem>>) target_semaphore(%run_scoped3A : memref<!tpu.dma_semaphore, #tpu.memory_space<semaphore_mem>>)
      tpu.wait_dma2 semaphore(%run_scoped3A : memref<!tpu.dma_semaphore, #tpu.memory_space<semaphore_mem>>) src(%arg5 : memref<16xi32, #tpu.memory_space<hbm>>) dst(%arg10 : memref<16xi32, #tpu.memory_space<vmem>>)
      tpu.yield
    }) : () -> ()
    %broadcast_in_dim3A = arith.constant 0.000000e+00 : f32
    %broadcast_in_dim3A_9 = vector.broadcast %broadcast_in_dim3A : f32 to vector<16xf32>
    %scan3A = arith.constant 0 : i32
    %scan3A_10 = arith.constant 0 : i32
    %scan3A_11 = arith.constant 96 : i32
    %scan3A_12 = arith.addi %scan3A_10, %scan3A_11 : i32
    %scan3A_13 = arith.constant 1 : i32
    scf.for %scan3A_3561 = %scan3A_10 to %scan3A_12 step %scan3A_13  : i32 {
      %swap3A_3562 = arith.constant 0 : i32
      %swap3A_3563 = arith.constant 0 : i32
      %swap3A_3564 = arith.index_cast %swap3A_3562 : i32 to index
      %swap3A_3565 = arith.index_cast %swap3A_3563 : i32 to index
      %swap3A_3566 = arith.index_cast %scan3A_3561 : i32 to index
      %swap3A_3567 = arith.constant 0 : index
      %swap3A_3568 = tpu.vector_load %arg15[%swap3A_3564, %swap3A_3565, %swap3A_3566, %swap3A_3567] {strides = array<i32>} : memref<2x2x96x96xf32, #tpu.memory_space<vmem>>, vector<16xf32>,
      tpu.vector_store %arg15[%swap3A_3564, %swap3A_3565, %swap3A_3566, %swap3A_3567], %broadcast_in_dim3A_9 {strides = array<i32>} : memref<2x2x96x96xf32, #tpu.memory_space<vmem>>, vector<16xf32>,
      %swap3A_3569 = arith.constant 0 : i32
      %swap3A_3570 = arith.constant 0 : i32
      %swap3A_3571 = arith.index_cast %swap3A_3569 : i32 to index
      %swap3A_3572 = arith.index_cast %swap3A_3570 : i32 to index
      %swap3A_3573 = arith.index_cast %scan3A_3561 : i32 to index
      %swap3A_3574 = arith.constant 16 : index
      %swap3A_3575 = tpu.vector_load %arg15[%swap3A_3571, %swap3A_3572, %swap3A_3573, %swap3A_3574] {strides = array<i32>} : memref<2x2x96x96xf32, #tpu.memory_space<vmem>>, vector<16xf32>,
      tpu.vector_store %arg15[%swap3A_3571, %swap3A_3572, %swap3A_3573, %swap3A_3574], %broadcast_in_dim3A_9 {strides = array<i32>} : memref<2x2x96x96xf32, #tpu.memory_space<vmem>>, vector<16xf32>,
      %swap3A_3576 = arith.constant 0 : i32
      %swap3A_3577 = arith.constant 0 : i32
      %swap3A_3578 = arith.index_cast %swap3A_3576 : i32 to index
      %swap3A_3579 = arith.index_cast %swap3A_3577 : i32 to index
      %swap3A_3580 = arith.index_cast %scan3A_3561 : i32 to index
      %swap3A_3581 = arith.constant 32 : index
      %swap3A_3582 = tpu.vector_load %arg15[%swap3A_3578, %swap3A_3579, %swap3A_3580, %swap3A_3581] {strides = array<i32>} : memref<2x2x96x96xf32, #tpu.memory_space<vmem>>, vector<16xf32>,
      tpu.vector_store %arg15[%swap3A_3578, %swap3A_3579, %swap3A_3580, %swap3A_3581], %broadcast_in_dim3A_9 {strides = array<i32>} : memref<2x2x96x96xf32, #tpu.memory_space<vmem>>, vector<16xf32>,
      %swap3A_3583 = arith.constant 0 : i32
      %swap3A_3584 = arith.constant 0 : i32
      %swap3A_3585 = arith.index_cast %swap3A_3583 : i32 to index
      %swap3A_3586 = arith.index_cast %swap3A_3584 : i32 to index
      %swap3A_3587 = arith.index_cast %scan3A_3561 : i32 to index
      %swap3A_3588 = arith.constant 48 : index
      %swap3A_3589 = tpu.vector_load %arg15[%swap3A_3585, %swap3A_3586, %swap3A_3587, %swap3A_3588] {strides = array<i32>} : memref<2x2x96x96xf32, #tpu.memory_space<vmem>>, vector<16xf32>,
      tpu.vector_store %arg15[%swap3A_3585, %swap3A_3586, %swap3A_3587, %swap3A_3588], %broadcast_in_dim3A_9 {strides = array<i32>} : memref<2x2x96x96xf32, #tpu.memory_space<vmem>>, vector<16xf32>,
      %swap3A_3590 = arith.constant 0 : i32
      %swap3A_3591 = arith.constant 0 : i32
      %swap3A_3592 = arith.index_cast %swap3A_3590 : i32 to index
      %swap3A_3593 = arith.index_cast %swap3A_3591 : i32 to index
      %swap3A_3594 = arith.index_cast %scan3A_3561 : i32 to index
      %swap3A_3595 = arith.constant 64 : index
      %swap3A_3596 = tpu.vector_load %arg15[%swap3A_3592, %swap3A_3593, %swap3A_3594, %swap3A_3595] {strides = array<i32>} : memref<2x2x96x96xf32, #tpu.memory_space<vmem>>, vector<16xf32>,
      tpu.vector_store %arg15[%swap3A_3592, %swap3A_3593, %swap3A_3594, %swap3A_3595], %broadcast_in_dim3A_9 {strides = array<i32>} : memref<2x2x96x96xf32, #tpu.memory_space<vmem>>, vector<16xf32>,
      %swap3A_3597 = arith.constant 0 : i32
      %swap3A_3598 = arith.constant 0 : i32
      %swap3A_3599 = arith.index_cast %swap3A_3597 : i32 to index
      %swap3A_3600 = arith.index_cast %swap3A_3598 : i32 to index
      %swap3A_3601 = arith.index_cast %scan3A_3561 : i32 to index
      %swap3A_3602 = arith.constant 80 : index
      %swap3A_3603 = tpu.vector_load %arg15[%swap3A_3599, %swap3A_3600, %swap3A_3601, %swap3A_3602] {strides = array<i32>} : memref<2x2x96x96xf32, #tpu.memory_space<vmem>>, vector<16xf32>,
      tpu.vector_store %arg15[%swap3A_3599, %swap3A_3600, %swap3A_3601, %swap3A_3602], %broadcast_in_dim3A_9 {strides = array<i32>} : memref<2x2x96x96xf32, #tpu.memory_space<vmem>>, vector<16xf32>,
      %swap3A_3604 = arith.constant 0 : i32
      %swap3A_3605 = arith.constant 1 : i32
      %swap3A_3606 = arith.index_cast %swap3A_3604 : i32 to index
      %swap3A_3607 = arith.index_cast %swap3A_3605 : i32 to index
      %swap3A_3608 = arith.index_cast %scan3A_3561 : i32 to index
      %swap3A_3609 = arith.constant 0 : index
      %swap3A_3610 = tpu.vector_load %arg15[%swap3A_3606, %swap3A_3607, %swap3A_3608, %swap3A_3609] {strides = array<i32>} : memref<2x2x96x96xf32, #tpu.memory_space<vmem>>, vector<16xf32>,
      tpu.vector_store %arg15[%swap3A_3606, %swap3A_3607, %swap3A_3608, %swap3A_3609], %broadcast_in_dim3A_9 {strides = array<i32>} : memref<2x2x96x96xf32, #tpu.memory_space<vmem>>, vector<16xf32>,
      %swap3A_3611 = arith.constant 0 : i32
      %swap3A_3612 = arith.constant 1 : i32
      %swap3A_3613 = arith.index_cast %swap3A_3611 : i32 to index
      %swap3A_3614 = arith.index_cast %swap3A_3612 : i32 to index
      %swap3A_3615 = arith.index_cast %scan3A_3561 : i32 to index
      %swap3A_3616 = arith.constant 16 : index
      %swap3A_3617 = tpu.vector_load %arg15[%swap3A_3613, %swap3A_3614, %swap3A_3615, %swap3A_3616] {strides = array<i32>} : memref<2x2x96x96xf32, #tpu.memory_space<vmem>>, vector<16xf32>,
      tpu.vector_store %arg15[%swap3A_3613, %swap3A_3614, %swap3A_3615, %swap3A_3616], %broadcast_in_dim3A_9 {strides = array<i32>} : memref<2x2x96x96xf32, #tpu.memory_space<vmem>>, vector<16xf32>,
      %swap3A_3618 = arith.constant 0 : i32
      %swap3A_3619 = arith.constant 1 : i32
      %swap3A_3620 = arith.index_cast %swap3A_3618 : i32 to index
      %swap3A_3621 = arith.index_cast %swap3A_3619 : i32 to index
      %swap3A_3622 = arith.index_cast %scan3A_3561 : i32 to index
      %swap3A_3623 = arith.constant 32 : index
      %swap3A_3624 = tpu.vector_load %arg15[%swap3A_3620, %swap3A_3621, %swap3A_3622, %swap3A_3623] {strides = array<i32>} : memref<2x2x96x96xf32, #tpu.memory_space<vmem>>, vector<16xf32>,
      tpu.vector_store %arg15[%swap3A_3620, %swap3A_3621, %swap3A_3622, %swap3A_3623], %broadcast_in_dim3A_9 {strides = array<i32>} : memref<2x2x96x96xf32, #tpu.memory_space<vmem>>, vector<16xf32>,
      %swap3A_3625 = arith.constant 0 : i32
      %swap3A_3626 = arith.constant 1 : i32
      %swap3A_3627 = arith.index_cast %swap3A_3625 : i32 to index
      %swap3A_3628 = arith.index_cast %swap3A_3626 : i32 to index
      %swap3A_3629 = arith.index_cast %scan3A_3561 : i32 to index
      %swap3A_3630 = arith.constant 48 : index
      %swap3A_3631 = tpu.vector_load %arg15[%swap3A_3627, %swap3A_3628, %swap3A_3629, %swap3A_3630] {strides = array<i32>} : memref<2x2x96x96xf32, #tpu.memory_space<vmem>>, vector<16xf32>,
      tpu.vector_store %arg15[%swap3A_3627, %swap3A_3628, %swap3A_3629, %swap3A_3630], %broadcast_in_dim3A_9 {strides = array<i32>} : memref<2x2x96x96xf32, #tpu.memory_space<vmem>>, vector<16xf32>,
      %swap3A_3632 = arith.constant 0 : i32
      %swap3A_3633 = arith.constant 1 : i32
      %swap3A_3634 = arith.index_cast %swap3A_3632 : i32 to index
      %swap3A_3635 = arith.index_cast %swap3A_3633 : i32 to index
      %swap3A_3636 = arith.index_cast %scan3A_3561 : i32 to index
      %swap3A_3637 = arith.constant 64 : index
      %swap3A_3638 = tpu.vector_load %arg15[%swap3A_3634, %swap3A_3635, %swap3A_3636, %swap3A_3637] {strides = array<i32>} : memref<2x2x96x96xf32, #tpu.memory_space<vmem>>, vector<16xf32>,
      tpu.vector_store %arg15[%swap3A_3634, %swap3A_3635, %swap3A_3636, %swap3A_3637], %broadcast_in_dim3A_9 {strides = array<i32>} : memref<2x2x96x96xf32, #tpu.memory_space<vmem>>, vector<16xf32>,
      %swap3A_3639 = arith.constant 0 : i32
      %swap3A_3640 = arith.constant 1 : i32
      %swap3A_3641 = arith.index_cast %swap3A_3639 : i32 to index
      %swap3A_3642 = arith.index_cast %swap3A_3640 : i32 to index
      %swap3A_3643 = arith.index_cast %scan3A_3561 : i32 to index
      %swap3A_3644 = arith.constant 80 : index
      %swap3A_3645 = tpu.vector_load %arg15[%swap3A_3641, %swap3A_3642, %swap3A_3643, %swap3A_3644] {strides = array<i32>} : memref<2x2x96x96xf32, #tpu.memory_space<vmem>>, vector<16xf32>,
      tpu.vector_store %arg15[%swap3A_3641, %swap3A_3642, %swap3A_3643, %swap3A_3644], %broadcast_in_dim3A_9 {strides = array<i32>} : memref<2x2x96x96xf32, #tpu.memory_space<vmem>>, vector<16xf32>,
      %swap3A_3646 = arith.constant 1 : i32
      %swap3A_3647 = arith.constant 0 : i32
      %swap3A_3648 = arith.index_cast %swap3A_3646 : i32 to index
      %swap3A_3649 = arith.index_cast %swap3A_3647 : i32 to index
      %swap3A_3650 = arith.index_cast %scan3A_3561 : i32 to index
      %swap3A_3651 = arith.constant 0 : index
      %swap3A_3652 = tpu.vector_load %arg15[%swap3A_3648, %swap3A_3649, %swap3A_3650, %swap3A_3651] {strides = array<i32>} : memref<2x2x96x96xf32, #tpu.memory_space<vmem>>, vector<16xf32>,
      tpu.vector_store %arg15[%swap3A_3648, %swap3A_3649, %swap3A_3650, %swap3A_3651], %broadcast_in_dim3A_9 {strides = array<i32>} : memref<2x2x96x96xf32, #tpu.memory_space<vmem>>, vector<16xf32>,
      %swap3A_3653 = arith.constant 1 : i32
      %swap3A_3654 = arith.constant 0 : i32
      %swap3A_3655 = arith.index_cast %swap3A_3653 : i32 to index
      %swap3A_3656 = arith.index_cast %swap3A_3654 : i32 to index
      %swap3A_3657 = arith.index_cast %scan3A_3561 : i32 to index
      %swap3A_3658 = arith.constant 16 : index
      %swap3A_3659 = tpu.vector_load %arg15[%swap3A_3655, %swap3A_3656, %swap3A_3657, %swap3A_3658] {strides = array<i32>} : memref<2x2x96x96xf32, #tpu.memory_space<vmem>>, vector<16xf32>,
      tpu.vector_store %arg15[%swap3A_3655, %swap3A_3656, %swap3A_3657, %swap3A_3658], %broadcast_in_dim3A_9 {strides = array<i32>} : memref<2x2x96x96xf32, #tpu.memory_space<vmem>>, vector<16xf32>,
      %swap3A_3660 = arith.constant 1 : i32
      %swap3A_3661 = arith.constant 0 : i32
      %swap3A_3662 = arith.index_cast %swap3A_3660 : i32 to index
      %swap3A_3663 = arith.index_cast %swap3A_3661 : i32 to index
      %swap3A_3664 = arith.index_cast %scan3A_3561 : i32 to index
      %swap3A_3665 = arith.constant 32 : index
      %swap3A_3666 = tpu.vector_load %arg15[%swap3A_3662, %swap3A_3663, %swap3A_3664, %swap3A_3665] {strides = array<i32>} : memref<2x2x96x96xf32, #tpu.memory_space<vmem>>, vector<16xf32>,
      tpu.vector_store %arg15[%swap3A_3662, %swap3A_3663, %swap3A_3664, %swap3A_3665], %broadcast_in_dim3A_9 {strides = array<i32>} : memref<2x2x96x96xf32, #tpu.memory_space<vmem>>, vector<16xf32>,
      %swap3A_3667 = arith.constant 1 : i32
      %swap3A_3668 = arith.constant 0 : i32
      %swap3A_3669 = arith.index_cast %swap3A_3667 : i32 to index
      %swap3A_3670 = arith.index_cast %swap3A_3668 : i32 to index
      %swap3A_3671 = arith.index_cast %scan3A_3561 : i32 to index
      %swap3A_3672 = arith.constant 48 : index
      %swap3A_3673 = tpu.vector_load %arg15[%swap3A_3669, %swap3A_3670, %swap3A_3671, %swap3A_3672] {strides = array<i32>} : memref<2x2x96x96xf32, #tpu.memory_space<vmem>>, vector<16xf32>,
      tpu.vector_store %arg15[%swap3A_3669, %swap3A_3670, %swap3A_3671, %swap3A_3672], %broadcast_in_dim3A_9 {strides = array<i32>} : memref<2x2x96x96xf32, #tpu.memory_space<vmem>>, vector<16xf32>,
      %swap3A_3674 = arith.constant 1 : i32
      %swap3A_3675 = arith.constant 0 : i32
      %swap3A_3676 = arith.index_cast %swap3A_3674 : i32 to index
      %swap3A_3677 = arith.index_cast %swap3A_3675 : i32 to index
      %swap3A_3678 = arith.index_cast %scan3A_3561 : i32 to index
      %swap3A_3679 = arith.constant 64 : index
      %swap3A_3680 = tpu.vector_load %arg15[%swap3A_3676, %swap3A_3677, %swap3A_3678, %swap3A_3679] {strides = array<i32>} : memref<2x2x96x96xf32, #tpu.memory_space<vmem>>, vector<16xf32>,
      tpu.vector_store %arg15[%swap3A_3676, %swap3A_3677, %swap3A_3678, %swap3A_3679], %broadcast_in_dim3A_9 {strides = array<i32>} : memref<2x2x96x96xf32, #tpu.memory_space<vmem>>, vector<16xf32>,
      %swap3A_3681 = arith.constant 1 : i32
      %swap3A_3682 = arith.constant 0 : i32
      %swap3A_3683 = arith.index_cast %swap3A_3681 : i32 to index
      %swap3A_3684 = arith.index_cast %swap3A_3682 : i32 to index
      %swap3A_3685 = arith.index_cast %scan3A_3561 : i32 to index
      %swap3A_3686 = arith.constant 80 : index
      %swap3A_3687 = tpu.vector_load %arg15[%swap3A_3683, %swap3A_3684, %swap3A_3685, %swap3A_3686] {strides = array<i32>} : memref<2x2x96x96xf32, #tpu.memory_space<vmem>>, vector<16xf32>,
      tpu.vector_store %arg15[%swap3A_3683, %swap3A_3684, %swap3A_3685, %swap3A_3686], %broadcast_in_dim3A_9 {strides = array<i32>} : memref<2x2x96x96xf32, #tpu.memory_space<vmem>>, vector<16xf32>,
      %swap3A_3688 = arith.constant 1 : i32
      %swap3A_3689 = arith.constant 1 : i32
      %swap3A_3690 = arith.index_cast %swap3A_3688 : i32 to index
      %swap3A_3691 = arith.index_cast %swap3A_3689 : i32 to index
      %swap3A_3692 = arith.index_cast %scan3A_3561 : i32 to index
      %swap3A_3693 = arith.constant 0 : index
      %swap3A_3694 = tpu.vector_load %arg15[%swap3A_3690, %swap3A_3691, %swap3A_3692, %swap3A_3693] {strides = array<i32>} : memref<2x2x96x96xf32, #tpu.memory_space<vmem>>, vector<16xf32>,
      tpu.vector_store %arg15[%swap3A_3690, %swap3A_3691, %swap3A_3692, %swap3A_3693], %broadcast_in_dim3A_9 {strides = array<i32>} : memref<2x2x96x96xf32, #tpu.memory_space<vmem>>, vector<16xf32>,
      %swap3A_3695 = arith.constant 1 : i32
      %swap3A_3696 = arith.constant 1 : i32
      %swap3A_3697 = arith.index_cast %swap3A_3695 : i32 to index
      %swap3A_3698 = arith.index_cast %swap3A_3696 : i32 to index
      %swap3A_3699 = arith.index_cast %scan3A_3561 : i32 to index
      %swap3A_3700 = arith.constant 16 : index
      %swap3A_3701 = tpu.vector_load %arg15[%swap3A_3697, %swap3A_3698, %swap3A_3699, %swap3A_3700] {strides = array<i32>} : memref<2x2x96x96xf32, #tpu.memory_space<vmem>>, vector<16xf32>,
      tpu.vector_store %arg15[%swap3A_3697, %swap3A_3698, %swap3A_3699, %swap3A_3700], %broadcast_in_dim3A_9 {strides = array<i32>} : memref<2x2x96x96xf32, #tpu.memory_space<vmem>>, vector<16xf32>,
      %swap3A_3702 = arith.constant 1 : i32
      %swap3A_3703 = arith.constant 1 : i32
      %swap3A_3704 = arith.index_cast %swap3A_3702 : i32 to index
      %swap3A_3705 = arith.index_cast %swap3A_3703 : i32 to index
      %swap3A_3706 = arith.index_cast %scan3A_3561 : i32 to index
      %swap3A_3707 = arith.constant 32 : index
      %swap3A_3708 = tpu.vector_load %arg15[%swap3A_3704, %swap3A_3705, %swap3A_3706, %swap3A_3707] {strides = array<i32>} : memref<2x2x96x96xf32, #tpu.memory_space<vmem>>, vector<16xf32>,
      tpu.vector_store %arg15[%swap3A_3704, %swap3A_3705, %swap3A_3706, %swap3A_3707], %broadcast_in_dim3A_9 {strides = array<i32>} : memref<2x2x96x96xf32, #tpu.memory_space<vmem>>, vector<16xf32>,
      %swap3A_3709 = arith.constant 1 : i32
      %swap3A_3710 = arith.constant 1 : i32
      %swap3A_3711 = arith.index_cast %swap3A_3709 : i32 to index
      %swap3A_3712 = arith.index_cast %swap3A_3710 : i32 to index
      %swap3A_3713 = arith.index_cast %scan3A_3561 : i32 to index
      %swap3A_3714 = arith.constant 48 : index
      %swap3A_3715 = tpu.vector_load %arg15[%swap3A_3711, %swap3A_3712, %swap3A_3713, %swap3A_3714] {strides = array<i32>} : memref<2x2x96x96xf32, #tpu.memory_space<vmem>>, vector<16xf32>,
      tpu.vector_store %arg15[%swap3A_3711, %swap3A_3712, %swap3A_3713, %swap3A_3714], %broadcast_in_dim3A_9 {strides = array<i32>} : memref<2x2x96x96xf32, #tpu.memory_space<vmem>>, vector<16xf32>,
      %swap3A_3716 = arith.constant 1 : i32
      %swap3A_3717 = arith.constant 1 : i32
      %swap3A_3718 = arith.index_cast %swap3A_3716 : i32 to index
      %swap3A_3719 = arith.index_cast %swap3A_3717 : i32 to index
      %swap3A_3720 = arith.index_cast %scan3A_3561 : i32 to index
      %swap3A_3721 = arith.constant 64 : index
      %swap3A_3722 = tpu.vector_load %arg15[%swap3A_3718, %swap3A_3719, %swap3A_3720, %swap3A_3721] {strides = array<i32>} : memref<2x2x96x96xf32, #tpu.memory_space<vmem>>, vector<16xf32>,
      tpu.vector_store %arg15[%swap3A_3718, %swap3A_3719, %swap3A_3720, %swap3A_3721], %broadcast_in_dim3A_9 {strides = array<i32>} : memref<2x2x96x96xf32, #tpu.memory_space<vmem>>, vector<16xf32>,
      %swap3A_3723 = arith.constant 1 : i32
      %swap3A_3724 = arith.constant 1 : i32
      %swap3A_3725 = arith.index_cast %swap3A_3723 : i32 to index
      %swap3A_3726 = arith.index_cast %swap3A_3724 : i32 to index
      %swap3A_3727 = arith.index_cast %scan3A_3561 : i32 to index
      %swap3A_3728 = arith.constant 80 : index
      %swap3A_3729 = tpu.vector_load %arg15[%swap3A_3725, %swap3A_3726, %swap3A_3727, %swap3A_3728] {strides = array<i32>} : memref<2x2x96x96xf32, #tpu.memory_space<vmem>>, vector<16xf32>,
      tpu.vector_store %arg15[%swap3A_3725, %swap3A_3726, %swap3A_3727, %swap3A_3728], %broadcast_in_dim3A_9 {strides = array<i32>} : memref<2x2x96x96xf32, #tpu.memory_space<vmem>>, vector<16xf32>,
    }
    %scan3A_14 = arith.constant 96 : i32
    %get3A = arith.constant 0 : index
    %get3A_15 = tpu.vector_load %arg10[%get3A] {strides = array<i32>} : memref<16xi32, #tpu.memory_space<vmem>>, vector<16xi32>,
    %slice3A = vector.extract_strided_slice %get3A_15 {offsets = [0], sizes = [1], strides = [1]} : vector<16xi32> to vector<1xi32>
    %squeeze3A = vector.extract %slice3A[0] : i32 from vector<1xi32>
    %iota3A = tpu.iota {dimensions = array<i32: 0>} : vector<16xi32>
    %add3A_16 = arith.constant 0 : i32
    %add3A_17 = vector.broadcast %add3A_16 : i32 to vector<16xi32>
    %add3A_18 = arith.addi %add3A_17, %iota3A : vector<16xi32>
    %mul3A_19 = arith.constant 4 : i32
    %mul3A_20 = vector.broadcast %mul3A_19 : i32 to vector<16xi32>
    %mul3A_21 = arith.muli %mul3A_20, %add3A_18 : vector<16xi32>
    %add3A_22 = arith.constant 0 : i32
    %add3A_23 = vector.broadcast %add3A_22 : i32 to vector<16xi32>
    %add3A_24 = arith.addi %add3A_23, %mul3A_21 : vector<16xi32>
    %add3A_25 = arith.constant 0 : i32
    %add3A_26 = vector.broadcast %add3A_25 : i32 to vector<16xi32>
    %add3A_27 = arith.addi %add3A_26, %iota3A : vector<16xi32>
    %lt3A = arith.constant 50 : i32
    %lt3A_28 = vector.broadcast %lt3A : i32 to vector<16xi32>
    %lt3A_29 = arith.cmpi slt, %add3A_27, %lt3A_28 : vector<16xi32>
    %jit3A = arith.constant 0 : i32
    %broadcast_in_dim3A_30 = vector.broadcast %jit3A : i32 to vector<16xi32>
    %select_n3A = arith.select %lt3A_29, %add3A_24, %broadcast_in_dim3A_30 : vector<16xi1>, vector<16xi32>
    %gather3A = tpu.vector_load_idx %arg7[%select_n3A] : memref<816xf32, #tpu.memory_space<vmem>>[vector<16xi32>], vector<16xf32>,
    %convert_element_type3A = arith.fptosi %gather3A : vector<16xf32> to vector<16xi32>
    %add3A_31 = arith.constant 1 : i32
    %add3A_32 = vector.broadcast %add3A_31 : i32 to vector<16xi32>
    %add3A_33 = arith.addi %select_n3A, %add3A_32 : vector<16xi32>
    %gather3A_34 = tpu.vector_load_idx %arg7[%add3A_33] : memref<816xf32, #tpu.memory_space<vmem>>[vector<16xi32>], vector<16xf32>,
    %convert_element_type3A_35 = arith.fptosi %gather3A_34 : vector<16xf32> to vector<16xi32>
    %add3A_36 = arith.constant 2 : i32
    %add3A_37 = vector.broadcast %add3A_36 : i32 to vector<16xi32>
    %add3A_38 = arith.addi %select_n3A, %add3A_37 : vector<16xi32>
    %gather3A_39 = tpu.vector_load_idx %arg7[%add3A_38] : memref<816xf32, #tpu.memory_space<vmem>>[vector<16xi32>], vector<16xf32>,
    %convert_element_type3A_40 = arith.fptosi %gather3A_39 : vector<16xf32> to vector<16xi32>
    %mul3A_41 = arith.constant 128 : i32
    %mul3A_42 = vector.broadcast %mul3A_41 : i32 to vector<16xi32>
    %mul3A_43 = arith.muli %convert_element_type3A_40, %mul3A_42 : vector<16xi32>
    %add3A_44 = arith.addi %mul3A_43, %convert_element_type3A : vector<16xi32>
    %mul3A_45 = arith.constant 128 : i32
    %mul3A_46 = vector.broadcast %mul3A_45 : i32 to vector<16xi32>
    %mul3A_47 = arith.muli %add3A_44, %mul3A_46 : vector<16xi32>
    %add3A_48 = arith.addi %mul3A_47, %convert_element_type3A_35 : vector<16xi32>
    %jit3A_49 = arith.constant -1 : i32
    %broadcast_in_dim3A_50 = vector.broadcast %jit3A_49 : i32 to vector<16xi32>
    %select_n3A_51 = arith.select %lt3A_29, %add3A_48, %broadcast_in_dim3A_50 : vector<16xi1>, vector<16xi32>
    %swap3A = arith.constant 0 : index
    %swap3A_52 = tpu.vector_load %arg11[%swap3A] {strides = array<i32>} : memref<80xi32, #tpu.memory_space<vmem>>, vector<16xi32>,
    tpu.vector_store %arg11[%swap3A], %select_n3A_51 {strides = array<i32>} : memref<80xi32, #tpu.memory_space<vmem>>, vector<16xi32>,
    %sub3A = vector.broadcast %squeeze3A : i32 to vector<16xi32>
    %sub3A_53 = arith.subi %convert_element_type3A, %sub3A : vector<16xi32>
    %sub3A_54 = vector.broadcast %squeeze3A : i32 to vector<16xi32>
    %sub3A_55 = arith.subi %convert_element_type3A_35, %sub3A_54 : vector<16xi32>
    %ge3A = arith.constant 0 : i32
    %ge3A_56 = vector.broadcast %ge3A : i32 to vector<16xi32>
    %ge3A_57 = arith.cmpi sge, %sub3A_53, %ge3A_56 : vector<16xi32>
    %and3A = arith.andi %lt3A_29, %ge3A_57 : vector<16xi1>
    %lt3A_58 = arith.constant 96 : i32
    %lt3A_59 = vector.broadcast %lt3A_58 : i32 to vector<16xi32>
    %lt3A_60 = arith.cmpi slt, %sub3A_53, %lt3A_59 : vector<16xi32>
    %and3A_61 = arith.andi %and3A, %lt3A_60 : vector<16xi1>
    %ge3A_62 = arith.constant 0 : i32
    %ge3A_63 = vector.broadcast %ge3A_62 : i32 to vector<16xi32>
    %ge3A_64 = arith.cmpi sge, %sub3A_55, %ge3A_63 : vector<16xi32>
    %and3A_65 = arith.andi %and3A_61, %ge3A_64 : vector<16xi1>
    %lt3A_66 = arith.constant 96 : i32
    %lt3A_67 = vector.broadcast %lt3A_66 : i32 to vector<16xi32>
    %lt3A_68 = arith.cmpi slt, %sub3A_55, %lt3A_67 : vector<16xi32>
    %and3A_69 = arith.andi %and3A_65, %lt3A_68 : vector<16xi1>
    %jit3A_70 = arith.constant 0 : i32
    %jit3A_71 = arith.constant 95 : i32
    %max3A = vector.broadcast %jit3A_70 : i32 to vector<16xi32>
    %max3A_72 = arith.maxsi %max3A, %sub3A_53 : vector<16xi32>
    %min3A = vector.broadcast %jit3A_71 : i32 to vector<16xi32>
    %min3A_73 = arith.minsi %min3A, %max3A_72 : vector<16xi32>
    %jit3A_74 = arith.constant 0 : i32
    %jit3A_75 = arith.constant 95 : i32
    %max3A_76 = vector.broadcast %jit3A_74 : i32 to vector<16xi32>
    %max3A_77 = arith.maxsi %max3A_76, %sub3A_55 : vector<16xi32>
    %min3A_78 = vector.broadcast %jit3A_75 : i32 to vector<16xi32>
    %min3A_79 = arith.minsi %min3A_78, %max3A_77 : vector<16xi32>
    %add3A_80 = arith.constant 3 : i32
    %add3A_81 = vector.broadcast %add3A_80 : i32 to vector<16xi32>
    %add3A_82 = arith.addi %select_n3A, %add3A_81 : vector<16xi32>
    %gather3A_83 = tpu.vector_load_idx %arg7[%add3A_82] : memref<816xf32, #tpu.memory_space<vmem>>[vector<16xi32>], vector<16xf32>,
    %sub3A_84 = arith.constant 4 : i32
    %sub3A_85 = vector.broadcast %sub3A_84 : i32 to vector<16xi32>
    %sub3A_86 = arith.subi %select_n3A, %sub3A_85 : vector<16xi32>
    %max3A_87 = arith.constant 0 : i32
    %max3A_88 = vector.broadcast %max3A_87 : i32 to vector<16xi32>
    %max3A_89 = arith.maxsi %sub3A_86, %max3A_88 : vector<16xi32>
    %add3A_90 = arith.constant 3 : i32
    %add3A_91 = vector.broadcast %add3A_90 : i32 to vector<16xi32>
    %add3A_92 = arith.addi %max3A_89, %add3A_91 : vector<16xi32>
    %gather3A_93 = tpu.vector_load_idx %arg7[%add3A_92] : memref<816xf32, #tpu.memory_space<vmem>>[vector<16xi32>], vector<16xf32>,
    %sub3A_94 = arith.subf %gather3A_93, %gather3A_83 : vector<16xf32>
    %div3A = arith.constant 5.000000e+01 : f32
    %div3A_95 = vector.broadcast %div3A : f32 to vector<16xf32>
    %div3A_96 = arith.divf %sub3A_94, %div3A_95 : vector<16xf32>
    %exp3A = math.exp %div3A_96 : vector<16xf32>
    %swap3A_97 = arith.constant 0 : index
    %swap3A_98 = tpu.vector_load %arg12[%swap3A_97] {strides = array<i32>} : memref<80xf32, #tpu.memory_space<vmem>>, vector<16xf32>,
    tpu.vector_store %arg12[%swap3A_97], %exp3A {strides = array<i32>} : memref<80xf32, #tpu.memory_space<vmem>>, vector<16xf32>,
    %add3A_99 = arith.constant 16 : i32
    %add3A_100 = vector.broadcast %add3A_99 : i32 to vector<16xi32>
    %add3A_101 = arith.addi %add3A_100, %iota3A : vector<16xi32>
    %mul3A_102 = arith.constant 4 : i32
    %mul3A_103 = vector.broadcast %mul3A_102 : i32 to vector<16xi32>
    %mul3A_104 = arith.muli %mul3A_103, %add3A_101 : vector<16xi32>
    %add3A_105 = arith.constant 0 : i32
    %add3A_106 = vector.broadcast %add3A_105 : i32 to vector<16xi32>
    %add3A_107 = arith.addi %add3A_106, %mul3A_104 : vector<16xi32>
    %add3A_108 = arith.constant 16 : i32
    %add3A_109 = vector.broadcast %add3A_108 : i32 to vector<16xi32>
    %add3A_110 = arith.addi %add3A_109, %iota3A : vector<16xi32>
    %lt3A_111 = arith.constant 50 : i32
    %lt3A_112 = vector.broadcast %lt3A_111 : i32 to vector<16xi32>
    %lt3A_113 = arith.cmpi slt, %add3A_110, %lt3A_112 : vector<16xi32>
    %jit3A_114 = arith.constant 0 : i32
    %broadcast_in_dim3A_115 = vector.broadcast %jit3A_114 : i32 to vector<16xi32>
    %select_n3A_116 = arith.select %lt3A_113, %add3A_107, %broadcast_in_dim3A_115 : vector<16xi1>, vector<16xi32>
    %gather3A_117 = tpu.vector_load_idx %arg7[%select_n3A_116] : memref<816xf32, #tpu.memory_space<vmem>>[vector<16xi32>], vector<16xf32>,
    %convert_element_type3A_118 = arith.fptosi %gather3A_117 : vector<16xf32> to vector<16xi32>
    %add3A_119 = arith.constant 1 : i32
    %add3A_120 = vector.broadcast %add3A_119 : i32 to vector<16xi32>
    %add3A_121 = arith.addi %select_n3A_116, %add3A_120 : vector<16xi32>
    %gather3A_122 = tpu.vector_load_idx %arg7[%add3A_121] : memref<816xf32, #tpu.memory_space<vmem>>[vector<16xi32>], vector<16xf32>,
    %convert_element_type3A_123 = arith.fptosi %gather3A_122 : vector<16xf32> to vector<16xi32>
    %add3A_124 = arith.constant 2 : i32
    %add3A_125 = vector.broadcast %add3A_124 : i32 to vector<16xi32>
    %add3A_126 = arith.addi %select_n3A_116, %add3A_125 : vector<16xi32>
    %gather3A_127 = tpu.vector_load_idx %arg7[%add3A_126] : memref<816xf32, #tpu.memory_space<vmem>>[vector<16xi32>], vector<16xf32>,
    %convert_element_type3A_128 = arith.fptosi %gather3A_127 : vector<16xf32> to vector<16xi32>
    %mul3A_129 = arith.constant 128 : i32
    %mul3A_130 = vector.broadcast %mul3A_129 : i32 to vector<16xi32>
    %mul3A_131 = arith.muli %convert_element_type3A_128, %mul3A_130 : vector<16xi32>
    %add3A_132 = arith.addi %mul3A_131, %convert_element_type3A_118 : vector<16xi32>
    %mul3A_133 = arith.constant 128 : i32
    %mul3A_134 = vector.broadcast %mul3A_133 : i32 to vector<16xi32>
    %mul3A_135 = arith.muli %add3A_132, %mul3A_134 : vector<16xi32>
    %add3A_136 = arith.addi %mul3A_135, %convert_element_type3A_123 : vector<16xi32>
    %jit3A_137 = arith.constant -1 : i32
    %broadcast_in_dim3A_138 = vector.broadcast %jit3A_137 : i32 to vector<16xi32>
    %select_n3A_139 = arith.select %lt3A_113, %add3A_136, %broadcast_in_dim3A_138 : vector<16xi1>, vector<16xi32>
    %swap3A_140 = arith.constant 16 : index
    %swap3A_141 = tpu.vector_load %arg11[%swap3A_140] {strides = array<i32>} : memref<80xi32, #tpu.memory_space<vmem>>, vector<16xi32>,
    tpu.vector_store %arg11[%swap3A_140], %select_n3A_139 {strides = array<i32>} : memref<80xi32, #tpu.memory_space<vmem>>, vector<16xi32>,
    %sub3A_142 = vector.broadcast %squeeze3A : i32 to vector<16xi32>
    %sub3A_143 = arith.subi %convert_element_type3A_118, %sub3A_142 : vector<16xi32>
    %sub3A_144 = vector.broadcast %squeeze3A : i32 to vector<16xi32>
    %sub3A_145 = arith.subi %convert_element_type3A_123, %sub3A_144 : vector<16xi32>
    %ge3A_146 = arith.constant 0 : i32
    %ge3A_147 = vector.broadcast %ge3A_146 : i32 to vector<16xi32>
    %ge3A_148 = arith.cmpi sge, %sub3A_143, %ge3A_147 : vector<16xi32>
    %and3A_149 = arith.andi %lt3A_113, %ge3A_148 : vector<16xi1>
    %lt3A_150 = arith.constant 96 : i32
    %lt3A_151 = vector.broadcast %lt3A_150 : i32 to vector<16xi32>
    %lt3A_152 = arith.cmpi slt, %sub3A_143, %lt3A_151 : vector<16xi32>
    %and3A_153 = arith.andi %and3A_149, %lt3A_152 : vector<16xi1>
    %ge3A_154 = arith.constant 0 : i32
    %ge3A_155 = vector.broadcast %ge3A_154 : i32 to vector<16xi32>
    %ge3A_156 = arith.cmpi sge, %sub3A_145, %ge3A_155 : vector<16xi32>
    %and3A_157 = arith.andi %and3A_153, %ge3A_156 : vector<16xi1>
    %lt3A_158 = arith.constant 96 : i32
    %lt3A_159 = vector.broadcast %lt3A_158 : i32 to vector<16xi32>
    %lt3A_160 = arith.cmpi slt, %sub3A_145, %lt3A_159 : vector<16xi32>
    %and3A_161 = arith.andi %and3A_157, %lt3A_160 : vector<16xi1>
    %jit3A_162 = arith.constant 0 : i32
    %jit3A_163 = arith.constant 95 : i32
    %max3A_164 = vector.broadcast %jit3A_162 : i32 to vector<16xi32>
    %max3A_165 = arith.maxsi %max3A_164, %sub3A_143 : vector<16xi32>
    %min3A_166 = vector.broadcast %jit3A_163 : i32 to vector<16xi32>
    %min3A_167 = arith.minsi %min3A_166, %max3A_165 : vector<16xi32>
    %jit3A_168 = arith.constant 0 : i32
    %jit3A_169 = arith.constant 95 : i32
    %max3A_170 = vector.broadcast %jit3A_168 : i32 to vector<16xi32>
    %max3A_171 = arith.maxsi %max3A_170, %sub3A_145 : vector<16xi32>
    %min3A_172 = vector.broadcast %jit3A_169 : i32 to vector<16xi32>
    %min3A_173 = arith.minsi %min3A_172, %max3A_171 : vector<16xi32>
    %add3A_174 = arith.constant 3 : i32
    %add3A_175 = vector.broadcast %add3A_174 : i32 to vector<16xi32>
    %add3A_176 = arith.addi %select_n3A_116, %add3A_175 : vector<16xi32>
    %gather3A_177 = tpu.vector_load_idx %arg7[%add3A_176] : memref<816xf32, #tpu.memory_space<vmem>>[vector<16xi32>], vector<16xf32>,
    %sub3A_178 = arith.constant 4 : i32
    %sub3A_179 = vector.broadcast %sub3A_178 : i32 to vector<16xi32>
    %sub3A_180 = arith.subi %select_n3A_116, %sub3A_179 : vector<16xi32>
    %max3A_181 = arith.constant 0 : i32
    %max3A_182 = vector.broadcast %max3A_181 : i32 to vector<16xi32>
    %max3A_183 = arith.maxsi %sub3A_180, %max3A_182 : vector<16xi32>
    %add3A_184 = arith.constant 3 : i32
    %add3A_185 = vector.broadcast %add3A_184 : i32 to vector<16xi32>
    %add3A_186 = arith.addi %max3A_183, %add3A_185 : vector<16xi32>
    %gather3A_187 = tpu.vector_load_idx %arg7[%add3A_186] : memref<816xf32, #tpu.memory_space<vmem>>[vector<16xi32>], vector<16xf32>,
    %sub3A_188 = arith.subf %gather3A_187, %gather3A_177 : vector<16xf32>
    %div3A_189 = arith.constant 5.000000e+01 : f32
    %div3A_190 = vector.broadcast %div3A_189 : f32 to vector<16xf32>
    %div3A_191 = arith.divf %sub3A_188, %div3A_190 : vector<16xf32>
    %exp3A_192 = math.exp %div3A_191 : vector<16xf32>
    %swap3A_193 = arith.constant 16 : index
    %swap3A_194 = tpu.vector_load %arg12[%swap3A_193] {strides = array<i32>} : memref<80xf32, #tpu.memory_space<vmem>>, vector<16xf32>,
    tpu.vector_store %arg12[%swap3A_193], %exp3A_192 {strides = array<i32>} : memref<80xf32, #tpu.memory_space<vmem>>, vector<16xf32>,
    %add3A_195 = arith.constant 32 : i32
    %add3A_196 = vector.broadcast %add3A_195 : i32 to vector<16xi32>
    %add3A_197 = arith.addi %add3A_196, %iota3A : vector<16xi32>
    %mul3A_198 = arith.constant 4 : i32
    %mul3A_199 = vector.broadcast %mul3A_198 : i32 to vector<16xi32>
    %mul3A_200 = arith.muli %mul3A_199, %add3A_197 : vector<16xi32>
    %add3A_201 = arith.constant 0 : i32
    %add3A_202 = vector.broadcast %add3A_201 : i32 to vector<16xi32>
    %add3A_203 = arith.addi %add3A_202, %mul3A_200 : vector<16xi32>
    %add3A_204 = arith.constant 32 : i32
    %add3A_205 = vector.broadcast %add3A_204 : i32 to vector<16xi32>
    %add3A_206 = arith.addi %add3A_205, %iota3A : vector<16xi32>
    %lt3A_207 = arith.constant 50 : i32
    %lt3A_208 = vector.broadcast %lt3A_207 : i32 to vector<16xi32>
    %lt3A_209 = arith.cmpi slt, %add3A_206, %lt3A_208 : vector<16xi32>
    %jit3A_210 = arith.constant 0 : i32
    %broadcast_in_dim3A_211 = vector.broadcast %jit3A_210 : i32 to vector<16xi32>
    %select_n3A_212 = arith.select %lt3A_209, %add3A_203, %broadcast_in_dim3A_211 : vector<16xi1>, vector<16xi32>
    %gather3A_213 = tpu.vector_load_idx %arg7[%select_n3A_212] : memref<816xf32, #tpu.memory_space<vmem>>[vector<16xi32>], vector<16xf32>,
    %convert_element_type3A_214 = arith.fptosi %gather3A_213 : vector<16xf32> to vector<16xi32>
    %add3A_215 = arith.constant 1 : i32
    %add3A_216 = vector.broadcast %add3A_215 : i32 to vector<16xi32>
    %add3A_217 = arith.addi %select_n3A_212, %add3A_216 : vector<16xi32>
    %gather3A_218 = tpu.vector_load_idx %arg7[%add3A_217] : memref<816xf32, #tpu.memory_space<vmem>>[vector<16xi32>], vector<16xf32>,
    %convert_element_type3A_219 = arith.fptosi %gather3A_218 : vector<16xf32> to vector<16xi32>
    %add3A_220 = arith.constant 2 : i32
    %add3A_221 = vector.broadcast %add3A_220 : i32 to vector<16xi32>
    %add3A_222 = arith.addi %select_n3A_212, %add3A_221 : vector<16xi32>
    %gather3A_223 = tpu.vector_load_idx %arg7[%add3A_222] : memref<816xf32, #tpu.memory_space<vmem>>[vector<16xi32>], vector<16xf32>,
    %convert_element_type3A_224 = arith.fptosi %gather3A_223 : vector<16xf32> to vector<16xi32>
    %mul3A_225 = arith.constant 128 : i32
    %mul3A_226 = vector.broadcast %mul3A_225 : i32 to vector<16xi32>
    %mul3A_227 = arith.muli %convert_element_type3A_224, %mul3A_226 : vector<16xi32>
    %add3A_228 = arith.addi %mul3A_227, %convert_element_type3A_214 : vector<16xi32>
    %mul3A_229 = arith.constant 128 : i32
    %mul3A_230 = vector.broadcast %mul3A_229 : i32 to vector<16xi32>
    %mul3A_231 = arith.muli %add3A_228, %mul3A_230 : vector<16xi32>
    %add3A_232 = arith.addi %mul3A_231, %convert_element_type3A_219 : vector<16xi32>
    %jit3A_233 = arith.constant -1 : i32
    %broadcast_in_dim3A_234 = vector.broadcast %jit3A_233 : i32 to vector<16xi32>
    %select_n3A_235 = arith.select %lt3A_209, %add3A_232, %broadcast_in_dim3A_234 : vector<16xi1>, vector<16xi32>
    %swap3A_236 = arith.constant 32 : index
    %swap3A_237 = tpu.vector_load %arg11[%swap3A_236] {strides = array<i32>} : memref<80xi32, #tpu.memory_space<vmem>>, vector<16xi32>,
    tpu.vector_store %arg11[%swap3A_236], %select_n3A_235 {strides = array<i32>} : memref<80xi32, #tpu.memory_space<vmem>>, vector<16xi32>,
    %sub3A_238 = vector.broadcast %squeeze3A : i32 to vector<16xi32>
    %sub3A_239 = arith.subi %convert_element_type3A_214, %sub3A_238 : vector<16xi32>
    %sub3A_240 = vector.broadcast %squeeze3A : i32 to vector<16xi32>
    %sub3A_241 = arith.subi %convert_element_type3A_219, %sub3A_240 : vector<16xi32>
    %ge3A_242 = arith.constant 0 : i32
    %ge3A_243 = vector.broadcast %ge3A_242 : i32 to vector<16xi32>
    %ge3A_244 = arith.cmpi sge, %sub3A_239, %ge3A_243 : vector<16xi32>
    %and3A_245 = arith.andi %lt3A_209, %ge3A_244 : vector<16xi1>
    %lt3A_246 = arith.constant 96 : i32
    %lt3A_247 = vector.broadcast %lt3A_246 : i32 to vector<16xi32>
    %lt3A_248 = arith.cmpi slt, %sub3A_239, %lt3A_247 : vector<16xi32>
    %and3A_249 = arith.andi %and3A_245, %lt3A_248 : vector<16xi1>
    %ge3A_250 = arith.constant 0 : i32
    %ge3A_251 = vector.broadcast %ge3A_250 : i32 to vector<16xi32>
    %ge3A_252 = arith.cmpi sge, %sub3A_241, %ge3A_251 : vector<16xi32>
    %and3A_253 = arith.andi %and3A_249, %ge3A_252 : vector<16xi1>
    %lt3A_254 = arith.constant 96 : i32
    %lt3A_255 = vector.broadcast %lt3A_254 : i32 to vector<16xi32>
    %lt3A_256 = arith.cmpi slt, %sub3A_241, %lt3A_255 : vector<16xi32>
    %and3A_257 = arith.andi %and3A_253, %lt3A_256 : vector<16xi1>
    %jit3A_258 = arith.constant 0 : i32
    %jit3A_259 = arith.constant 95 : i32
    %max3A_260 = vector.broadcast %jit3A_258 : i32 to vector<16xi32>
    %max3A_261 = arith.maxsi %max3A_260, %sub3A_239 : vector<16xi32>
    %min3A_262 = vector.broadcast %jit3A_259 : i32 to vector<16xi32>
    %min3A_263 = arith.minsi %min3A_262, %max3A_261 : vector<16xi32>
    %jit3A_264 = arith.constant 0 : i32
    %jit3A_265 = arith.constant 95 : i32
    %max3A_266 = vector.broadcast %jit3A_264 : i32 to vector<16xi32>
    %max3A_267 = arith.maxsi %max3A_266, %sub3A_241 : vector<16xi32>
    %min3A_268 = vector.broadcast %jit3A_265 : i32 to vector<16xi32>
    %min3A_269 = arith.minsi %min3A_268, %max3A_267 : vector<16xi32>
    %add3A_270 = arith.constant 3 : i32
    %add3A_271 = vector.broadcast %add3A_270 : i32 to vector<16xi32>
    %add3A_272 = arith.addi %select_n3A_212, %add3A_271 : vector<16xi32>
    %gather3A_273 = tpu.vector_load_idx %arg7[%add3A_272] : memref<816xf32, #tpu.memory_space<vmem>>[vector<16xi32>], vector<16xf32>,
    %sub3A_274 = arith.constant 4 : i32
    %sub3A_275 = vector.broadcast %sub3A_274 : i32 to vector<16xi32>
    %sub3A_276 = arith.subi %select_n3A_212, %sub3A_275 : vector<16xi32>
    %max3A_277 = arith.constant 0 : i32
    %max3A_278 = vector.broadcast %max3A_277 : i32 to vector<16xi32>
    %max3A_279 = arith.maxsi %sub3A_276, %max3A_278 : vector<16xi32>
    %add3A_280 = arith.constant 3 : i32
    %add3A_281 = vector.broadcast %add3A_280 : i32 to vector<16xi32>
    %add3A_282 = arith.addi %max3A_279, %add3A_281 : vector<16xi32>
    %gather3A_283 = tpu.vector_load_idx %arg7[%add3A_282] : memref<816xf32, #tpu.memory_space<vmem>>[vector<16xi32>], vector<16xf32>,
    %sub3A_284 = arith.subf %gather3A_283, %gather3A_273 : vector<16xf32>
    %div3A_285 = arith.constant 5.000000e+01 : f32
    %div3A_286 = vector.broadcast %div3A_285 : f32 to vector<16xf32>
    %div3A_287 = arith.divf %sub3A_284, %div3A_286 : vector<16xf32>
    %exp3A_288 = math.exp %div3A_287 : vector<16xf32>
    %swap3A_289 = arith.constant 32 : index
    %swap3A_290 = tpu.vector_load %arg12[%swap3A_289] {strides = array<i32>} : memref<80xf32, #tpu.memory_space<vmem>>, vector<16xf32>,
    tpu.vector_store %arg12[%swap3A_289], %exp3A_288 {strides = array<i32>} : memref<80xf32, #tpu.memory_space<vmem>>, vector<16xf32>,
    %add3A_291 = arith.constant 48 : i32
    %add3A_292 = vector.broadcast %add3A_291 : i32 to vector<16xi32>
    %add3A_293 = arith.addi %add3A_292, %iota3A : vector<16xi32>
    %mul3A_294 = arith.constant 4 : i32
    %mul3A_295 = vector.broadcast %mul3A_294 : i32 to vector<16xi32>
    %mul3A_296 = arith.muli %mul3A_295, %add3A_293 : vector<16xi32>
    %add3A_297 = arith.constant 0 : i32
    %add3A_298 = vector.broadcast %add3A_297 : i32 to vector<16xi32>
    %add3A_299 = arith.addi %add3A_298, %mul3A_296 : vector<16xi32>
    %add3A_300 = arith.constant 48 : i32
    %add3A_301 = vector.broadcast %add3A_300 : i32 to vector<16xi32>
    %add3A_302 = arith.addi %add3A_301, %iota3A : vector<16xi32>
    %lt3A_303 = arith.constant 50 : i32
    %lt3A_304 = vector.broadcast %lt3A_303 : i32 to vector<16xi32>
    %lt3A_305 = arith.cmpi slt, %add3A_302, %lt3A_304 : vector<16xi32>
    %jit3A_306 = arith.constant 0 : i32
    %broadcast_in_dim3A_307 = vector.broadcast %jit3A_306 : i32 to vector<16xi32>
    %select_n3A_308 = arith.select %lt3A_305, %add3A_299, %broadcast_in_dim3A_307 : vector<16xi1>, vector<16xi32>
    %gather3A_309 = tpu.vector_load_idx %arg7[%select_n3A_308] : memref<816xf32, #tpu.memory_space<vmem>>[vector<16xi32>], vector<16xf32>,
    %convert_element_type3A_310 = arith.fptosi %gather3A_309 : vector<16xf32> to vector<16xi32>
    %add3A_311 = arith.constant 1 : i32
    %add3A_312 = vector.broadcast %add3A_311 : i32 to vector<16xi32>
    %add3A_313 = arith.addi %select_n3A_308, %add3A_312 : vector<16xi32>
    %gather3A_314 = tpu.vector_load_idx %arg7[%add3A_313] : memref<816xf32, #tpu.memory_space<vmem>>[vector<16xi32>], vector<16xf32>,
    %convert_element_type3A_315 = arith.fptosi %gather3A_314 : vector<16xf32> to vector<16xi32>
    %add3A_316 = arith.constant 2 : i32
    %add3A_317 = vector.broadcast %add3A_316 : i32 to vector<16xi32>
    %add3A_318 = arith.addi %select_n3A_308, %add3A_317 : vector<16xi32>
    %gather3A_319 = tpu.vector_load_idx %arg7[%add3A_318] : memref<816xf32, #tpu.memory_space<vmem>>[vector<16xi32>], vector<16xf32>,
    %convert_element_type3A_320 = arith.fptosi %gather3A_319 : vector<16xf32> to vector<16xi32>
    %mul3A_321 = arith.constant 128 : i32
    %mul3A_322 = vector.broadcast %mul3A_321 : i32 to vector<16xi32>
    %mul3A_323 = arith.muli %convert_element_type3A_320, %mul3A_322 : vector<16xi32>
    %add3A_324 = arith.addi %mul3A_323, %convert_element_type3A_310 : vector<16xi32>
    %mul3A_325 = arith.constant 128 : i32
    %mul3A_326 = vector.broadcast %mul3A_325 : i32 to vector<16xi32>
    %mul3A_327 = arith.muli %add3A_324, %mul3A_326 : vector<16xi32>
    %add3A_328 = arith.addi %mul3A_327, %convert_element_type3A_315 : vector<16xi32>
    %jit3A_329 = arith.constant -1 : i32
    %broadcast_in_dim3A_330 = vector.broadcast %jit3A_329 : i32 to vector<16xi32>
    %select_n3A_331 = arith.select %lt3A_305, %add3A_328, %broadcast_in_dim3A_330 : vector<16xi1>, vector<16xi32>
    %swap3A_332 = arith.constant 48 : index
    %swap3A_333 = tpu.vector_load %arg11[%swap3A_332] {strides = array<i32>} : memref<80xi32, #tpu.memory_space<vmem>>, vector<16xi32>,
    tpu.vector_store %arg11[%swap3A_332], %select_n3A_331 {strides = array<i32>} : memref<80xi32, #tpu.memory_space<vmem>>, vector<16xi32>,
    %sub3A_334 = vector.broadcast %squeeze3A : i32 to vector<16xi32>
    %sub3A_335 = arith.subi %convert_element_type3A_310, %sub3A_334 : vector<16xi32>
    %sub3A_336 = vector.broadcast %squeeze3A : i32 to vector<16xi32>
    %sub3A_337 = arith.subi %convert_element_type3A_315, %sub3A_336 : vector<16xi32>
    %ge3A_338 = arith.constant 0 : i32
    %ge3A_339 = vector.broadcast %ge3A_338 : i32 to vector<16xi32>
    %ge3A_340 = arith.cmpi sge, %sub3A_335, %ge3A_339 : vector<16xi32>
    %and3A_341 = arith.andi %lt3A_305, %ge3A_340 : vector<16xi1>
    %lt3A_342 = arith.constant 96 : i32
    %lt3A_343 = vector.broadcast %lt3A_342 : i32 to vector<16xi32>
    %lt3A_344 = arith.cmpi slt, %sub3A_335, %lt3A_343 : vector<16xi32>
    %and3A_345 = arith.andi %and3A_341, %lt3A_344 : vector<16xi1>
    %ge3A_346 = arith.constant 0 : i32
    %ge3A_347 = vector.broadcast %ge3A_346 : i32 to vector<16xi32>
    %ge3A_348 = arith.cmpi sge, %sub3A_337, %ge3A_347 : vector<16xi32>
    %and3A_349 = arith.andi %and3A_345, %ge3A_348 : vector<16xi1>
    %lt3A_350 = arith.constant 96 : i32
    %lt3A_351 = vector.broadcast %lt3A_350 : i32 to vector<16xi32>
    %lt3A_352 = arith.cmpi slt, %sub3A_337, %lt3A_351 : vector<16xi32>
    %and3A_353 = arith.andi %and3A_349, %lt3A_352 : vector<16xi1>
    %jit3A_354 = arith.constant 0 : i32
    %jit3A_355 = arith.constant 95 : i32
    %max3A_356 = vector.broadcast %jit3A_354 : i32 to vector<16xi32>
    %max3A_357 = arith.maxsi %max3A_356, %sub3A_335 : vector<16xi32>
    %min3A_358 = vector.broadcast %jit3A_355 : i32 to vector<16xi32>
    %min3A_359 = arith.minsi %min3A_358, %max3A_357 : vector<16xi32>
    %jit3A_360 = arith.constant 0 : i32
    %jit3A_361 = arith.constant 95 : i32
    %max3A_362 = vector.broadcast %jit3A_360 : i32 to vector<16xi32>
    %max3A_363 = arith.maxsi %max3A_362, %sub3A_337 : vector<16xi32>
    %min3A_364 = vector.broadcast %jit3A_361 : i32 to vector<16xi32>
    %min3A_365 = arith.minsi %min3A_364, %max3A_363 : vector<16xi32>
    %add3A_366 = arith.constant 3 : i32
    %add3A_367 = vector.broadcast %add3A_366 : i32 to vector<16xi32>
    %add3A_368 = arith.addi %select_n3A_308, %add3A_367 : vector<16xi32>
    %gather3A_369 = tpu.vector_load_idx %arg7[%add3A_368] : memref<816xf32, #tpu.memory_space<vmem>>[vector<16xi32>], vector<16xf32>,
    %sub3A_370 = arith.constant 4 : i32
    %sub3A_371 = vector.broadcast %sub3A_370 : i32 to vector<16xi32>
    %sub3A_372 = arith.subi %select_n3A_308, %sub3A_371 : vector<16xi32>
    %max3A_373 = arith.constant 0 : i32
    %max3A_374 = vector.broadcast %max3A_373 : i32 to vector<16xi32>
    %max3A_375 = arith.maxsi %sub3A_372, %max3A_374 : vector<16xi32>
    %add3A_376 = arith.constant 3 : i32
    %add3A_377 = vector.broadcast %add3A_376 : i32 to vector<16xi32>
    %add3A_378 = arith.addi %max3A_375, %add3A_377 : vector<16xi32>
    %gather3A_379 = tpu.vector_load_idx %arg7[%add3A_378] : memref<816xf32, #tpu.memory_space<vmem>>[vector<16xi32>], vector<16xf32>,
    %sub3A_380 = arith.subf %gather3A_379, %gather3A_369 : vector<16xf32>
    %div3A_381 = arith.constant 5.000000e+01 : f32
    %div3A_382 = vector.broadcast %div3A_381 : f32 to vector<16xf32>
    %div3A_383 = arith.divf %sub3A_380, %div3A_382 : vector<16xf32>
    %exp3A_384 = math.exp %div3A_383 : vector<16xf32>
    %swap3A_385 = arith.constant 48 : index
    %swap3A_386 = tpu.vector_load %arg12[%swap3A_385] {strides = array<i32>} : memref<80xf32, #tpu.memory_space<vmem>>, vector<16xf32>,
    tpu.vector_store %arg12[%swap3A_385], %exp3A_384 {strides = array<i32>} : memref<80xf32, #tpu.memory_space<vmem>>, vector<16xf32>,
    %get3A_387 = arith.constant 0 : index
    %get3A_388 = tpu.vector_load %arg11[%get3A_387] {strides = array<i32>} : memref<80xi32, #tpu.memory_space<vmem>>, vector<16xi32>,
    %slice3A_389 = vector.extract_strided_slice %get3A_388 {offsets = [0], sizes = [1], strides = [1]} : vector<16xi32> to vector<1xi32>
    %squeeze3A_390 = vector.extract %slice3A_389[0] : i32 from vector<1xi32>
    %get3A_391 = arith.constant 0 : index
    %get3A_392 = tpu.vector_load %arg8[%get3A_391] {strides = array<i32>} : memref<216xi32, #tpu.memory_space<vmem>>, vector<16xi32>,
    %slice3A_393 = vector.extract_strided_slice %get3A_392 {offsets = [0], sizes = [1], strides = [1]} : vector<16xi32> to vector<1xi32>
    %squeeze3A_394 = vector.extract %slice3A_393[0] : i32 from vector<1xi32>
    %eq3A = arith.constant 0 : i32
    %eq3A_395 = arith.cmpi eq, %squeeze3A_394, %eq3A : i32
    %jit3A_396 = arith.constant 3.000000e-01 : f32
    %jit3A_397 = arith.constant 0.000000e+00 : f32
    %select_n3A_398 = arith.select %eq3A_395, %jit3A_396, %jit3A_397 : f32
    %eq3A_399 = vector.broadcast %squeeze3A_390 : i32 to vector<16xi32>
    %eq3A_400 = arith.cmpi eq, %select_n3A_51, %eq3A_399 : vector<16xi32>
    %jit3A_401 = arith.constant 0.000000e+00 : f32
    %broadcast_in_dim3A_402 = vector.broadcast %select_n3A_398 : f32 to vector<16xf32>
    %broadcast_in_dim3A_403 = vector.broadcast %jit3A_401 : f32 to vector<16xf32>
    %select_n3A_404 = arith.select %eq3A_400, %broadcast_in_dim3A_402, %broadcast_in_dim3A_403 : vector<16xi1>, vector<16xf32>
    %swap3A_405 = arith.constant 0 : index
    %swap3A_406 = tpu.vector_load %arg13[%swap3A_405] {strides = array<i32>} : memref<80xf32, #tpu.memory_space<vmem>>, vector<16xf32>,
    tpu.vector_store %arg13[%swap3A_405], %select_n3A_404 {strides = array<i32>} : memref<80xf32, #tpu.memory_space<vmem>>, vector<16xf32>,
    %jit3A_407 = arith.constant 3.000000e-01 : f32
    %jit3A_408 = arith.constant 0.000000e+00 : f32
    %broadcast_in_dim3A_409 = vector.broadcast %jit3A_407 : f32 to vector<16xf32>
    %broadcast_in_dim3A_410 = vector.broadcast %jit3A_408 : f32 to vector<16xf32>
    %select_n3A_411 = arith.select %eq3A_400, %broadcast_in_dim3A_409, %broadcast_in_dim3A_410 : vector<16xi1>, vector<16xf32>
    %swap3A_412 = arith.constant 0 : index
    %swap3A_413 = tpu.vector_load %arg14[%swap3A_412] {strides = array<i32>} : memref<256xf32, #tpu.memory_space<vmem>>, vector<16xf32>,
    tpu.vector_store %arg14[%swap3A_412], %select_n3A_411 {strides = array<i32>} : memref<256xf32, #tpu.memory_space<vmem>>, vector<16xf32>,
    %swap3A_414 = arith.constant 64 : index
    %swap3A_415 = tpu.vector_load %arg14[%swap3A_414] {strides = array<i32>} : memref<256xf32, #tpu.memory_space<vmem>>, vector<16xf32>,
    tpu.vector_store %arg14[%swap3A_414], %broadcast_in_dim3A_9 {strides = array<i32>} : memref<256xf32, #tpu.memory_space<vmem>>, vector<16xf32>,
    %swap3A_416 = arith.constant 128 : index
    %swap3A_417 = tpu.vector_load %arg14[%swap3A_416] {strides = array<i32>} : memref<256xf32, #tpu.memory_space<vmem>>, vector<16xf32>,
    tpu.vector_store %arg14[%swap3A_416], %broadcast_in_dim3A_9 {strides = array<i32>} : memref<256xf32, #tpu.memory_space<vmem>>, vector<16xf32>,
    %swap3A_418 = arith.constant 192 : index
    %swap3A_419 = tpu.vector_load %arg14[%swap3A_418] {strides = array<i32>} : memref<256xf32, #tpu.memory_space<vmem>>, vector<16xf32>,
    tpu.vector_store %arg14[%swap3A_418], %broadcast_in_dim3A_9 {strides = array<i32>} : memref<256xf32, #tpu.memory_space<vmem>>, vector<16xf32>,
    %eq3A_420 = vector.broadcast %squeeze3A_390 : i32 to vector<16xi32>
    %eq3A_421 = arith.cmpi eq, %select_n3A_139, %eq3A_420 : vector<16xi32>
    %jit3A_422 = arith.constant 0.000000e+00 : f32
    %broadcast_in_dim3A_423 = vector.broadcast %select_n3A_398 : f32 to vector<16xf32>
    %broadcast_in_dim3A_424 = vector.broadcast %jit3A_422 : f32 to vector<16xf32>
    %select_n3A_425 = arith.select %eq3A_421, %broadcast_in_dim3A_423, %broadcast_in_dim3A_424 : vector<16xi1>, vector<16xf32>
    %swap3A_426 = arith.constant 16 : index
    %swap3A_427 = tpu.vector_load %arg13[%swap3A_426] {strides = array<i32>} : memref<80xf32, #tpu.memory_space<vmem>>, vector<16xf32>,
    tpu.vector_store %arg13[%swap3A_426], %select_n3A_425 {strides = array<i32>} : memref<80xf32, #tpu.memory_space<vmem>>, vector<16xf32>,
    %jit3A_428 = arith.constant 3.000000e-01 : f32
    %jit3A_429 = arith.constant 0.000000e+00 : f32
    %broadcast_in_dim3A_430 = vector.broadcast %jit3A_428 : f32 to vector<16xf32>
    %broadcast_in_dim3A_431 = vector.broadcast %jit3A_429 : f32 to vector<16xf32>
    %select_n3A_432 = arith.select %eq3A_421, %broadcast_in_dim3A_430, %broadcast_in_dim3A_431 : vector<16xi1>, vector<16xf32>
    %swap3A_433 = arith.constant 16 : index
    %swap3A_434 = tpu.vector_load %arg14[%swap3A_433] {strides = array<i32>} : memref<256xf32, #tpu.memory_space<vmem>>, vector<16xf32>,
    tpu.vector_store %arg14[%swap3A_433], %select_n3A_432 {strides = array<i32>} : memref<256xf32, #tpu.memory_space<vmem>>, vector<16xf32>,
    %swap3A_435 = arith.constant 80 : index
    %swap3A_436 = tpu.vector_load %arg14[%swap3A_435] {strides = array<i32>} : memref<256xf32, #tpu.memory_space<vmem>>, vector<16xf32>,
    tpu.vector_store %arg14[%swap3A_435], %broadcast_in_dim3A_9 {strides = array<i32>} : memref<256xf32, #tpu.memory_space<vmem>>, vector<16xf32>,
    %swap3A_437 = arith.constant 144 : index
    %swap3A_438 = tpu.vector_load %arg14[%swap3A_437] {strides = array<i32>} : memref<256xf32, #tpu.memory_space<vmem>>, vector<16xf32>,
    tpu.vector_store %arg14[%swap3A_437], %broadcast_in_dim3A_9 {strides = array<i32>} : memref<256xf32, #tpu.memory_space<vmem>>, vector<16xf32>,
    %swap3A_439 = arith.constant 208 : index
    %swap3A_440 = tpu.vector_load %arg14[%swap3A_439] {strides = array<i32>} : memref<256xf32, #tpu.memory_space<vmem>>, vector<16xf32>,
    tpu.vector_store %arg14[%swap3A_439], %broadcast_in_dim3A_9 {strides = array<i32>} : memref<256xf32, #tpu.memory_space<vmem>>, vector<16xf32>,
    %eq3A_441 = vector.broadcast %squeeze3A_390 : i32 to vector<16xi32>
    %eq3A_442 = arith.cmpi eq, %select_n3A_235, %eq3A_441 : vector<16xi32>
    %jit3A_443 = arith.constant 0.000000e+00 : f32
    %broadcast_in_dim3A_444 = vector.broadcast %select_n3A_398 : f32 to vector<16xf32>
    %broadcast_in_dim3A_445 = vector.broadcast %jit3A_443 : f32 to vector<16xf32>
    %select_n3A_446 = arith.select %eq3A_442, %broadcast_in_dim3A_444, %broadcast_in_dim3A_445 : vector<16xi1>, vector<16xf32>
    %swap3A_447 = arith.constant 32 : index
    %swap3A_448 = tpu.vector_load %arg13[%swap3A_447] {strides = array<i32>} : memref<80xf32, #tpu.memory_space<vmem>>, vector<16xf32>,
    tpu.vector_store %arg13[%swap3A_447], %select_n3A_446 {strides = array<i32>} : memref<80xf32, #tpu.memory_space<vmem>>, vector<16xf32>,
    %jit3A_449 = arith.constant 3.000000e-01 : f32
    %jit3A_450 = arith.constant 0.000000e+00 : f32
    %broadcast_in_dim3A_451 = vector.broadcast %jit3A_449 : f32 to vector<16xf32>
    %broadcast_in_dim3A_452 = vector.broadcast %jit3A_450 : f32 to vector<16xf32>
    %select_n3A_453 = arith.select %eq3A_442, %broadcast_in_dim3A_451, %broadcast_in_dim3A_452 : vector<16xi1>, vector<16xf32>
    %swap3A_454 = arith.constant 32 : index
    %swap3A_455 = tpu.vector_load %arg14[%swap3A_454] {strides = array<i32>} : memref<256xf32, #tpu.memory_space<vmem>>, vector<16xf32>,
    tpu.vector_store %arg14[%swap3A_454], %select_n3A_453 {strides = array<i32>} : memref<256xf32, #tpu.memory_space<vmem>>, vector<16xf32>,
    %swap3A_456 = arith.constant 96 : index
    %swap3A_457 = tpu.vector_load %arg14[%swap3A_456] {strides = array<i32>} : memref<256xf32, #tpu.memory_space<vmem>>, vector<16xf32>,
    tpu.vector_store %arg14[%swap3A_456], %broadcast_in_dim3A_9 {strides = array<i32>} : memref<256xf32, #tpu.memory_space<vmem>>, vector<16xf32>,
    %swap3A_458 = arith.constant 160 : index
    %swap3A_459 = tpu.vector_load %arg14[%swap3A_458] {strides = array<i32>} : memref<256xf32, #tpu.memory_space<vmem>>, vector<16xf32>,
    tpu.vector_store %arg14[%swap3A_458], %broadcast_in_dim3A_9 {strides = array<i32>} : memref<256xf32, #tpu.memory_space<vmem>>, vector<16xf32>,
    %swap3A_460 = arith.constant 224 : index
    %swap3A_461 = tpu.vector_load %arg14[%swap3A_460] {strides = array<i32>} : memref<256xf32, #tpu.memory_space<vmem>>, vector<16xf32>,
    tpu.vector_store %arg14[%swap3A_460], %broadcast_in_dim3A_9 {strides = array<i32>} : memref<256xf32, #tpu.memory_space<vmem>>, vector<16xf32>,
    %eq3A_462 = vector.broadcast %squeeze3A_390 : i32 to vector<16xi32>
    %eq3A_463 = arith.cmpi eq, %select_n3A_331, %eq3A_462 : vector<16xi32>
    %jit3A_464 = arith.constant 0.000000e+00 : f32
    %broadcast_in_dim3A_465 = vector.broadcast %select_n3A_398 : f32 to vector<16xf32>
    %broadcast_in_dim3A_466 = vector.broadcast %jit3A_464 : f32 to vector<16xf32>
    %select_n3A_467 = arith.select %eq3A_463, %broadcast_in_dim3A_465, %broadcast_in_dim3A_466 : vector<16xi1>, vector<16xf32>
    %swap3A_468 = arith.constant 48 : index
    %swap3A_469 = tpu.vector_load %arg13[%swap3A_468] {strides = array<i32>} : memref<80xf32, #tpu.memory_space<vmem>>, vector<16xf32>,
    tpu.vector_store %arg13[%swap3A_468], %select_n3A_467 {strides = array<i32>} : memref<80xf32, #tpu.memory_space<vmem>>, vector<16xf32>,
    %jit3A_470 = arith.constant 3.000000e-01 : f32
    %jit3A_471 = arith.constant 0.000000e+00 : f32
    %broadcast_in_dim3A_472 = vector.broadcast %jit3A_470 : f32 to vector<16xf32>
    %broadcast_in_dim3A_473 = vector.broadcast %jit3A_471 : f32 to vector<16xf32>
    %select_n3A_474 = arith.select %eq3A_463, %broadcast_in_dim3A_472, %broadcast_in_dim3A_473 : vector<16xi1>, vector<16xf32>
    %swap3A_475 = arith.constant 48 : index
    %swap3A_476 = tpu.vector_load %arg14[%swap3A_475] {strides = array<i32>} : memref<256xf32, #tpu.memory_space<vmem>>, vector<16xf32>,
    tpu.vector_store %arg14[%swap3A_475], %select_n3A_474 {strides = array<i32>} : memref<256xf32, #tpu.memory_space<vmem>>, vector<16xf32>,
    %swap3A_477 = arith.constant 112 : index
    %swap3A_478 = tpu.vector_load %arg14[%swap3A_477] {strides = array<i32>} : memref<256xf32, #tpu.memory_space<vmem>>, vector<16xf32>,
    tpu.vector_store %arg14[%swap3A_477], %broadcast_in_dim3A_9 {strides = array<i32>} : memref<256xf32, #tpu.memory_space<vmem>>, vector<16xf32>,
    %swap3A_479 = arith.constant 176 : index
    %swap3A_480 = tpu.vector_load %arg14[%swap3A_479] {strides = array<i32>} : memref<256xf32, #tpu.memory_space<vmem>>, vector<16xf32>,
    tpu.vector_store %arg14[%swap3A_479], %broadcast_in_dim3A_9 {strides = array<i32>} : memref<256xf32, #tpu.memory_space<vmem>>, vector<16xf32>,
    %swap3A_481 = arith.constant 240 : index
    %swap3A_482 = tpu.vector_load %arg14[%swap3A_481] {strides = array<i32>} : memref<256xf32, #tpu.memory_space<vmem>>, vector<16xf32>,
    tpu.vector_store %arg14[%swap3A_481], %broadcast_in_dim3A_9 {strides = array<i32>} : memref<256xf32, #tpu.memory_space<vmem>>, vector<16xf32>,
    %add3A_483 = arith.constant 0 : i32
    %add3A_484 = arith.addi %mul3A_2, %add3A_483 : i32
    %get3A_485 = arith.index_cast %add3A_484 : i32 to index
    %get3A_486 = tpu.vector_load %arg9[%get3A_485] {strides = array<i32>} : memref<144xi32, #tpu.memory_space<vmem>>, vector<16xi32>,
    %slice3A_487 = vector.extract_strided_slice %get3A_486 {offsets = [0], sizes = [1], strides = [1]} : vector<16xi32> to vector<1xi32>
    %squeeze3A_488 = vector.extract %slice3A_487[0] : i32 from vector<1xi32>
    %scan3A_489 = arith.constant 0 : i32
    %scan3A_490 = arith.constant 1 : i32
    %scan3A_491 = arith.constant 49 : i32
    %scan3A_492 = arith.addi %scan3A_490, %scan3A_491 : i32
    %scan3A_493 = arith.constant 1 : i32
    scf.for %scan3A_3561 = %scan3A_490 to %scan3A_492 step %scan3A_493  : i32 {
      %get3A_3562 = arith.index_cast %scan3A_3561 : i32 to index
      %get3A_3563 = tpu.vector_load %arg12[%get3A_3562] {strides = array<i32>} : memref<80xf32, #tpu.memory_space<vmem>>, vector<16xf32>,
      %slice3A_3564 = vector.extract_strided_slice %get3A_3563 {offsets = [0], sizes = [1], strides = [1]} : vector<16xf32> to vector<1xf32>
      %squeeze3A_3565 = vector.extract %slice3A_3564[0] : f32 from vector<1xf32>
      %get3A_3566 = arith.index_cast %scan3A_3561 : i32 to index
      %get3A_3567 = tpu.vector_load %arg11[%get3A_3566] {strides = array<i32>} : memref<80xi32, #tpu.memory_space<vmem>>, vector<16xi32>,
      %slice3A_3568 = vector.extract_strided_slice %get3A_3567 {offsets = [0], sizes = [1], strides = [1]} : vector<16xi32> to vector<1xi32>
      %squeeze3A_3569 = vector.extract %slice3A_3568[0] : i32 from vector<1xi32>
      %add3A_3570 = arith.constant 0 : i32
      %add3A_3571 = arith.addi %add3A_3570, %scan3A_3561 : i32
      %get3A_3572 = arith.index_cast %add3A_3571 : i32 to index
      %get3A_3573 = tpu.vector_load %arg8[%get3A_3572] {strides = array<i32>} : memref<216xi32, #tpu.memory_space<vmem>>, vector<16xi32>,
      %slice3A_3574 = vector.extract_strided_slice %get3A_3573 {offsets = [0], sizes = [1], strides = [1]} : vector<16xi32> to vector<1xi32>
      %squeeze3A_3575 = vector.extract %slice3A_3574[0] : i32 from vector<1xi32>
      %ge3A_3576 = arith.cmpi sge, %squeeze3A_488, %scan3A_3561 : i32
      %jit3A_3577 = arith.constant 3.000000e-01 : f32
      %jit3A_3578 = arith.constant 0.000000e+00 : f32
      %select_n3A_3579 = arith.select %ge3A_3576, %jit3A_3577, %jit3A_3578 : f32
      %get3A_3580 = arith.index_cast %scan3A_3561 : i32 to index
      %get3A_3581 = tpu.vector_load %arg13[%get3A_3580] {strides = array<i32>} : memref<80xf32, #tpu.memory_space<vmem>>, vector<16xf32>,
      %slice3A_3582 = vector.extract_strided_slice %get3A_3581 {offsets = [0], sizes = [1], strides = [1]} : vector<16xf32> to vector<1xf32>
      %squeeze3A_3583 = vector.extract %slice3A_3582[0] : f32 from vector<1xf32>
      %mul3A_3584 = arith.mulf %squeeze3A_3583, %squeeze3A_3565 : f32
      %sub3A_3585 = arith.constant 1.000000e+00 : f32
      %sub3A_3586 = arith.subf %sub3A_3585, %mul3A_3584 : f32
      %mul3A_3587 = arith.mulf %select_n3A_3579, %sub3A_3586 : f32
      %mul3A_3588 = arith.constant 64 : i32
      %mul3A_3589 = arith.muli %squeeze3A_3575, %mul3A_3588 : i32
      %get3A_3590 = arith.constant 0 : index
      %get3A_3591 = tpu.vector_load %arg13[%get3A_3590] {strides = array<i32>} : memref<80xf32, #tpu.memory_space<vmem>>, vector<16xf32>,
      %mul3A_3592 = vector.broadcast %squeeze3A_3565 : f32 to vector<16xf32>
      %mul3A_3593 = arith.mulf %get3A_3591, %mul3A_3592 : vector<16xf32>
      %get3A_3594 = arith.constant 0 : index
      %get3A_3595 = tpu.vector_load %arg11[%get3A_3594] {strides = array<i32>} : memref<80xi32, #tpu.memory_space<vmem>>, vector<16xi32>,
      %eq3A_3596 = vector.broadcast %squeeze3A_3569 : i32 to vector<16xi32>
      %eq3A_3597 = arith.cmpi eq, %get3A_3595, %eq3A_3596 : vector<16xi32>
      %jit3A_3598 = arith.constant 0.000000e+00 : f32
      %broadcast_in_dim3A_3599 = vector.broadcast %mul3A_3587 : f32 to vector<16xf32>
      %broadcast_in_dim3A_3600 = vector.broadcast %jit3A_3598 : f32 to vector<16xf32>
      %select_n3A_3601 = arith.select %eq3A_3597, %broadcast_in_dim3A_3599, %broadcast_in_dim3A_3600 : vector<16xi1>, vector<16xf32>
      %add3A_3602 = arith.addf %mul3A_3593, %select_n3A_3601 : vector<16xf32>
      %swap3A_3603 = arith.constant 0 : index
      %swap3A_3604 = tpu.vector_load %arg13[%swap3A_3603] {strides = array<i32>} : memref<80xf32, #tpu.memory_space<vmem>>, vector<16xf32>,
      tpu.vector_store %arg13[%swap3A_3603], %add3A_3602 {strides = array<i32>} : memref<80xf32, #tpu.memory_space<vmem>>, vector<16xf32>,
      %add3A_3605 = arith.constant 0 : i32
      %add3A_3606 = arith.addi %mul3A_3589, %add3A_3605 : i32
      %swap3A_3607 = arith.index_cast %add3A_3606 : i32 to index
      %swap3A_3608 = tpu.vector_load %arg14[%swap3A_3607] {strides = array<i32>} : memref<256xf32, #tpu.memory_space<vmem>>, vector<16xf32>,
      tpu.vector_store %arg14[%swap3A_3607], %add3A_3602 {strides = array<i32>} : memref<256xf32, #tpu.memory_space<vmem>>, vector<16xf32>,
      %get3A_3609 = arith.constant 16 : index
      %get3A_3610 = tpu.vector_load %arg13[%get3A_3609] {strides = array<i32>} : memref<80xf32, #tpu.memory_space<vmem>>, vector<16xf32>,
      %mul3A_3611 = vector.broadcast %squeeze3A_3565 : f32 to vector<16xf32>
      %mul3A_3612 = arith.mulf %get3A_3610, %mul3A_3611 : vector<16xf32>
      %get3A_3613 = arith.constant 16 : index
      %get3A_3614 = tpu.vector_load %arg11[%get3A_3613] {strides = array<i32>} : memref<80xi32, #tpu.memory_space<vmem>>, vector<16xi32>,
      %eq3A_3615 = vector.broadcast %squeeze3A_3569 : i32 to vector<16xi32>
      %eq3A_3616 = arith.cmpi eq, %get3A_3614, %eq3A_3615 : vector<16xi32>
      %jit3A_3617 = arith.constant 0.000000e+00 : f32
      %broadcast_in_dim3A_3618 = vector.broadcast %mul3A_3587 : f32 to vector<16xf32>
      %broadcast_in_dim3A_3619 = vector.broadcast %jit3A_3617 : f32 to vector<16xf32>
      %select_n3A_3620 = arith.select %eq3A_3616, %broadcast_in_dim3A_3618, %broadcast_in_dim3A_3619 : vector<16xi1>, vector<16xf32>
      %add3A_3621 = arith.addf %mul3A_3612, %select_n3A_3620 : vector<16xf32>
      %swap3A_3622 = arith.constant 16 : index
      %swap3A_3623 = tpu.vector_load %arg13[%swap3A_3622] {strides = array<i32>} : memref<80xf32, #tpu.memory_space<vmem>>, vector<16xf32>,
      tpu.vector_store %arg13[%swap3A_3622], %add3A_3621 {strides = array<i32>} : memref<80xf32, #tpu.memory_space<vmem>>, vector<16xf32>,
      %add3A_3624 = arith.constant 16 : i32
      %add3A_3625 = arith.addi %mul3A_3589, %add3A_3624 : i32
      %swap3A_3626 = arith.index_cast %add3A_3625 : i32 to index
      %swap3A_3627 = tpu.vector_load %arg14[%swap3A_3626] {strides = array<i32>} : memref<256xf32, #tpu.memory_space<vmem>>, vector<16xf32>,
      tpu.vector_store %arg14[%swap3A_3626], %add3A_3621 {strides = array<i32>} : memref<256xf32, #tpu.memory_space<vmem>>, vector<16xf32>,
      %get3A_3628 = arith.constant 32 : index
      %get3A_3629 = tpu.vector_load %arg13[%get3A_3628] {strides = array<i32>} : memref<80xf32, #tpu.memory_space<vmem>>, vector<16xf32>,
      %mul3A_3630 = vector.broadcast %squeeze3A_3565 : f32 to vector<16xf32>
      %mul3A_3631 = arith.mulf %get3A_3629, %mul3A_3630 : vector<16xf32>
      %get3A_3632 = arith.constant 32 : index
      %get3A_3633 = tpu.vector_load %arg11[%get3A_3632] {strides = array<i32>} : memref<80xi32, #tpu.memory_space<vmem>>, vector<16xi32>,
      %eq3A_3634 = vector.broadcast %squeeze3A_3569 : i32 to vector<16xi32>
      %eq3A_3635 = arith.cmpi eq, %get3A_3633, %eq3A_3634 : vector<16xi32>
      %jit3A_3636 = arith.constant 0.000000e+00 : f32
      %broadcast_in_dim3A_3637 = vector.broadcast %mul3A_3587 : f32 to vector<16xf32>
      %broadcast_in_dim3A_3638 = vector.broadcast %jit3A_3636 : f32 to vector<16xf32>
      %select_n3A_3639 = arith.select %eq3A_3635, %broadcast_in_dim3A_3637, %broadcast_in_dim3A_3638 : vector<16xi1>, vector<16xf32>
      %add3A_3640 = arith.addf %mul3A_3631, %select_n3A_3639 : vector<16xf32>
      %swap3A_3641 = arith.constant 32 : index
      %swap3A_3642 = tpu.vector_load %arg13[%swap3A_3641] {strides = array<i32>} : memref<80xf32, #tpu.memory_space<vmem>>, vector<16xf32>,
      tpu.vector_store %arg13[%swap3A_3641], %add3A_3640 {strides = array<i32>} : memref<80xf32, #tpu.memory_space<vmem>>, vector<16xf32>,
      %add3A_3643 = arith.constant 32 : i32
      %add3A_3644 = arith.addi %mul3A_3589, %add3A_3643 : i32
      %swap3A_3645 = arith.index_cast %add3A_3644 : i32 to index
      %swap3A_3646 = tpu.vector_load %arg14[%swap3A_3645] {strides = array<i32>} : memref<256xf32, #tpu.memory_space<vmem>>, vector<16xf32>,
      tpu.vector_store %arg14[%swap3A_3645], %add3A_3640 {strides = array<i32>} : memref<256xf32, #tpu.memory_space<vmem>>, vector<16xf32>,
      %get3A_3647 = arith.constant 48 : index
      %get3A_3648 = tpu.vector_load %arg13[%get3A_3647] {strides = array<i32>} : memref<80xf32, #tpu.memory_space<vmem>>, vector<16xf32>,
      %mul3A_3649 = vector.broadcast %squeeze3A_3565 : f32 to vector<16xf32>
      %mul3A_3650 = arith.mulf %get3A_3648, %mul3A_3649 : vector<16xf32>
      %get3A_3651 = arith.constant 48 : index
      %get3A_3652 = tpu.vector_load %arg11[%get3A_3651] {strides = array<i32>} : memref<80xi32, #tpu.memory_space<vmem>>, vector<16xi32>,
      %eq3A_3653 = vector.broadcast %squeeze3A_3569 : i32 to vector<16xi32>
      %eq3A_3654 = arith.cmpi eq, %get3A_3652, %eq3A_3653 : vector<16xi32>
      %jit3A_3655 = arith.constant 0.000000e+00 : f32
      %broadcast_in_dim3A_3656 = vector.broadcast %mul3A_3587 : f32 to vector<16xf32>
      %broadcast_in_dim3A_3657 = vector.broadcast %jit3A_3655 : f32 to vector<16xf32>
      %select_n3A_3658 = arith.select %eq3A_3654, %broadcast_in_dim3A_3656, %broadcast_in_dim3A_3657 : vector<16xi1>, vector<16xf32>
      %add3A_3659 = arith.addf %mul3A_3650, %select_n3A_3658 : vector<16xf32>
      %swap3A_3660 = arith.constant 48 : index
      %swap3A_3661 = tpu.vector_load %arg13[%swap3A_3660] {strides = array<i32>} : memref<80xf32, #tpu.memory_space<vmem>>, vector<16xf32>,
      tpu.vector_store %arg13[%swap3A_3660], %add3A_3659 {strides = array<i32>} : memref<80xf32, #tpu.memory_space<vmem>>, vector<16xf32>,
      %add3A_3662 = arith.constant 48 : i32
      %add3A_3663 = arith.addi %mul3A_3589, %add3A_3662 : i32
      %swap3A_3664 = arith.index_cast %add3A_3663 : i32 to index
      %swap3A_3665 = tpu.vector_load %arg14[%swap3A_3664] {strides = array<i32>} : memref<256xf32, #tpu.memory_space<vmem>>, vector<16xf32>,
      tpu.vector_store %arg14[%swap3A_3664], %add3A_3659 {strides = array<i32>} : memref<256xf32, #tpu.memory_space<vmem>>, vector<16xf32>,
    }
    %scan3A_494 = arith.constant 49 : i32
    %add3A_495 = arith.constant 0 : i32
    %add3A_496 = arith.addi %mul3A_2, %add3A_495 : i32
    %get3A_497 = arith.constant 0 : index
    %get3A_498 = tpu.vector_load %arg14[%get3A_497] {strides = array<i32>} : memref<256xf32, #tpu.memory_space<vmem>>, vector<16xf32>,
    %scatter3A = arith.constant 0 : i32
    %scatter3A_499 = arith.constant 0 : i32
    %scatter3A_500 = arith.constant 0 : i32
    %scatter3A_501 = arith.constant 0 : i32
    %scatter3A_502 = tpu.memref_slice %arg15[%scatter3A, %scatter3A_499, %scatter3A_500, %scatter3A_501] : memref<2x2x96x96xf32, #tpu.memory_space<vmem>> -> memref<1x2x96x96xf32, #tpu.memory_space<vmem>>
    %scatter3A_503 = tpu.memref_squeeze %scatter3A_502 : memref<1x2x96x96xf32, #tpu.memory_space<vmem>> -> memref<2x96x96xf32, #tpu.memory_space<vmem>>
    tpu.vector_store_idx %scatter3A_503[%convert_element_type3A_40, %min3A_73, %min3A_79], %get3A_498 masked %and3A_69 : memref<2x96x96xf32, #tpu.memory_space<vmem>>[vector<16xi32>, vector<16xi32>, vector<16xi32>], vector<16xf32>, vector<16xi1>
    %get3A_504 = arith.constant 16 : index
    %get3A_505 = tpu.vector_load %arg14[%get3A_504] {strides = array<i32>} : memref<256xf32, #tpu.memory_space<vmem>>, vector<16xf32>,
    %scatter3A_506 = arith.constant 0 : i32
    %scatter3A_507 = arith.constant 0 : i32
    %scatter3A_508 = arith.constant 0 : i32
    %scatter3A_509 = arith.constant 0 : i32
    %scatter3A_510 = tpu.memref_slice %arg15[%scatter3A_506, %scatter3A_507, %scatter3A_508, %scatter3A_509] : memref<2x2x96x96xf32, #tpu.memory_space<vmem>> -> memref<1x2x96x96xf32, #tpu.memory_space<vmem>>
    %scatter3A_511 = tpu.memref_squeeze %scatter3A_510 : memref<1x2x96x96xf32, #tpu.memory_space<vmem>> -> memref<2x96x96xf32, #tpu.memory_space<vmem>>
    tpu.vector_store_idx %scatter3A_511[%convert_element_type3A_128, %min3A_167, %min3A_173], %get3A_505 masked %and3A_161 : memref<2x96x96xf32, #tpu.memory_space<vmem>>[vector<16xi32>, vector<16xi32>, vector<16xi32>], vector<16xf32>, vector<16xi1>
    %get3A_512 = arith.constant 32 : index
    %get3A_513 = tpu.vector_load %arg14[%get3A_512] {strides = array<i32>} : memref<256xf32, #tpu.memory_space<vmem>>, vector<16xf32>,
    %scatter3A_514 = arith.constant 0 : i32
    %scatter3A_515 = arith.constant 0 : i32
    %scatter3A_516 = arith.constant 0 : i32
    %scatter3A_517 = arith.constant 0 : i32
    %scatter3A_518 = tpu.memref_slice %arg15[%scatter3A_514, %scatter3A_515, %scatter3A_516, %scatter3A_517] : memref<2x2x96x96xf32, #tpu.memory_space<vmem>> -> memref<1x2x96x96xf32, #tpu.memory_space<vmem>>
    %scatter3A_519 = tpu.memref_squeeze %scatter3A_518 : memref<1x2x96x96xf32, #tpu.memory_space<vmem>> -> memref<2x96x96xf32, #tpu.memory_space<vmem>>
    tpu.vector_store_idx %scatter3A_519[%convert_element_type3A_224, %min3A_263, %min3A_269], %get3A_513 masked %and3A_257 : memref<2x96x96xf32, #tpu.memory_space<vmem>>[vector<16xi32>, vector<16xi32>, vector<16xi32>], vector<16xf32>, vector<16xi1>
    %get3A_520 = arith.constant 48 : index
    %get3A_521 = tpu.vector_load %arg14[%get3A_520] {strides = array<i32>} : memref<256xf32, #tpu.memory_space<vmem>>, vector<16xf32>,
    %scatter3A_522 = arith.constant 0 : i32
    %scatter3A_523 = arith.constant 0 : i32
    %scatter3A_524 = arith.constant 0 : i32
    %scatter3A_525 = arith.constant 0 : i32
    %scatter3A_526 = tpu.memref_slice %arg15[%scatter3A_522, %scatter3A_523, %scatter3A_524, %scatter3A_525] : memref<2x2x96x96xf32, #tpu.memory_space<vmem>> -> memref<1x2x96x96xf32, #tpu.memory_space<vmem>>
    %scatter3A_527 = tpu.memref_squeeze %scatter3A_526 : memref<1x2x96x96xf32, #tpu.memory_space<vmem>> -> memref<2x96x96xf32, #tpu.memory_space<vmem>>
    tpu.vector_store_idx %scatter3A_527[%convert_element_type3A_320, %min3A_359, %min3A_365], %get3A_521 masked %and3A_353 : memref<2x96x96xf32, #tpu.memory_space<vmem>>[vector<16xi32>, vector<16xi32>, vector<16xi32>], vector<16xf32>, vector<16xi1>
    %barrier3A = arith.constant 0 : index
    tpu.barrier barrier_id(%barrier3A)
    %dma_start3A = arith.constant 0 : i32
    %dma_start3A_528 = arith.constant 0 : i32
    %dma_start3A_529 = arith.constant 0 : i32
    %dma_start3A_530 = arith.constant 0 : i32
    %dma_start3A_531 = arith.constant 0 : i32
    %dma_start3A_532 = tpu.memref_slice %arg15[%dma_start3A, %dma_start3A_529, %dma_start3A_530, %dma_start3A_531] : memref<2x2x96x96xf32, #tpu.memory_space<vmem>> -> memref<1x2x96x96xf32, #tpu.memory_space<vmem>>
    %dma_start3A_533 = tpu.memref_squeeze %dma_start3A_532 : memref<1x2x96x96xf32, #tpu.memory_space<vmem>> -> memref<2x96x96xf32, #tpu.memory_space<vmem>>
    %dma_start3A_534 = arith.constant 0 : i32
    %dma_start3A_535 = arith.constant 0 : i32
    %dma_start3A_536 = arith.constant 0 : i32
    %dma_start3A_537 = tpu.memref_slice %arg6[%add3A_496, %dma_start3A_528, %dma_start3A_534, %dma_start3A_535, %dma_start3A_536] : memref<128x4x2x96x96xf32, #tpu.memory_space<hbm>> -> memref<1x1x2x96x96xf32, #tpu.memory_space<hbm>>
    %dma_start3A_538 = tpu.memref_squeeze %dma_start3A_537 : memref<1x1x2x96x96xf32, #tpu.memory_space<hbm>> -> memref<2x96x96xf32, #tpu.memory_space<hbm>>
    %dma_start3A_539 = arith.constant 0 : i32
    %dma_start3A_540 = arith.constant 0 : i32
    %dma_start3A_541 = arith.constant 0 : i32
    %dma_start3A_542 = tpu.memref_slice %arg6[%add3A_496, %dma_start3A_528, %dma_start3A_539, %dma_start3A_540, %dma_start3A_541] : memref<128x4x2x96x96xf32, #tpu.memory_space<hbm>> -> memref<1x1x2x96x96xf32, #tpu.memory_space<hbm>>
    %dma_start3A_543 = tpu.memref_squeeze %dma_start3A_542 : memref<1x1x2x96x96xf32, #tpu.memory_space<hbm>> -> memref<2x96x96xf32, #tpu.memory_space<hbm>>
    %dma_start3A_544 = arith.constant 0 : i32
    %dma_start3A_545 = arith.constant 0 : i32
    %dma_start3A_546 = arith.constant 0 : i32
    %dma_start3A_547 = tpu.memref_slice %arg15[%dma_start3A, %dma_start3A_544, %dma_start3A_545, %dma_start3A_546] : memref<2x2x96x96xf32, #tpu.memory_space<vmem>> -> memref<1x2x96x96xf32, #tpu.memory_space<vmem>>
    %dma_start3A_548 = tpu.memref_squeeze %dma_start3A_547 : memref<1x2x96x96xf32, #tpu.memory_space<vmem>> -> memref<2x96x96xf32, #tpu.memory_space<vmem>>
    tpu.enqueue_dma source(%dma_start3A_548 : memref<2x96x96xf32, #tpu.memory_space<vmem>>) target(%dma_start3A_543 : memref<2x96x96xf32, #tpu.memory_space<hbm>>) target_semaphore(%arg16 : memref<!tpu.dma_semaphore, #tpu.memory_space<semaphore_mem>>)
    %get3A_549 = arith.constant 64 : index
    %get3A_550 = tpu.vector_load %arg14[%get3A_549] {strides = array<i32>} : memref<256xf32, #tpu.memory_space<vmem>>, vector<16xf32>,
    %scatter3A_551 = arith.constant 1 : i32
    %scatter3A_552 = arith.constant 0 : i32
    %scatter3A_553 = arith.constant 0 : i32
    %scatter3A_554 = arith.constant 0 : i32
    %scatter3A_555 = tpu.memref_slice %arg15[%scatter3A_551, %scatter3A_552, %scatter3A_553, %scatter3A_554] : memref<2x2x96x96xf32, #tpu.memory_space<vmem>> -> memref<1x2x96x96xf32, #tpu.memory_space<vmem>>
    %scatter3A_556 = tpu.memref_squeeze %scatter3A_555 : memref<1x2x96x96xf32, #tpu.memory_space<vmem>> -> memref<2x96x96xf32, #tpu.memory_space<vmem>>
    tpu.vector_store_idx %scatter3A_556[%convert_element_type3A_40, %min3A_73, %min3A_79], %get3A_550 masked %and3A_69 : memref<2x96x96xf32, #tpu.memory_space<vmem>>[vector<16xi32>, vector<16xi32>, vector<16xi32>], vector<16xf32>, vector<16xi1>
    %get3A_557 = arith.constant 80 : index
    %get3A_558 = tpu.vector_load %arg14[%get3A_557] {strides = array<i32>} : memref<256xf32, #tpu.memory_space<vmem>>, vector<16xf32>,
    %scatter3A_559 = arith.constant 1 : i32
    %scatter3A_560 = arith.constant 0 : i32
    %scatter3A_561 = arith.constant 0 : i32
    %scatter3A_562 = arith.constant 0 : i32
    %scatter3A_563 = tpu.memref_slice %arg15[%scatter3A_559, %scatter3A_560, %scatter3A_561, %scatter3A_562] : memref<2x2x96x96xf32, #tpu.memory_space<vmem>> -> memref<1x2x96x96xf32, #tpu.memory_space<vmem>>
    %scatter3A_564 = tpu.memref_squeeze %scatter3A_563 : memref<1x2x96x96xf32, #tpu.memory_space<vmem>> -> memref<2x96x96xf32, #tpu.memory_space<vmem>>
    tpu.vector_store_idx %scatter3A_564[%convert_element_type3A_128, %min3A_167, %min3A_173], %get3A_558 masked %and3A_161 : memref<2x96x96xf32, #tpu.memory_space<vmem>>[vector<16xi32>, vector<16xi32>, vector<16xi32>], vector<16xf32>, vector<16xi1>
    %get3A_565 = arith.constant 96 : index
    %get3A_566 = tpu.vector_load %arg14[%get3A_565] {strides = array<i32>} : memref<256xf32, #tpu.memory_space<vmem>>, vector<16xf32>,
    %scatter3A_567 = arith.constant 1 : i32
    %scatter3A_568 = arith.constant 0 : i32
    %scatter3A_569 = arith.constant 0 : i32
    %scatter3A_570 = arith.constant 0 : i32
    %scatter3A_571 = tpu.memref_slice %arg15[%scatter3A_567, %scatter3A_568, %scatter3A_569, %scatter3A_570] : memref<2x2x96x96xf32, #tpu.memory_space<vmem>> -> memref<1x2x96x96xf32, #tpu.memory_space<vmem>>
    %scatter3A_572 = tpu.memref_squeeze %scatter3A_571 : memref<1x2x96x96xf32, #tpu.memory_space<vmem>> -> memref<2x96x96xf32, #tpu.memory_space<vmem>>
    tpu.vector_store_idx %scatter3A_572[%convert_element_type3A_224, %min3A_263, %min3A_269], %get3A_566 masked %and3A_257 : memref<2x96x96xf32, #tpu.memory_space<vmem>>[vector<16xi32>, vector<16xi32>, vector<16xi32>], vector<16xf32>, vector<16xi1>
    %get3A_573 = arith.constant 112 : index
    %get3A_574 = tpu.vector_load %arg14[%get3A_573] {strides = array<i32>} : memref<256xf32, #tpu.memory_space<vmem>>, vector<16xf32>,
    %scatter3A_575 = arith.constant 1 : i32
    %scatter3A_576 = arith.constant 0 : i32
    %scatter3A_577 = arith.constant 0 : i32
    %scatter3A_578 = arith.constant 0 : i32
    %scatter3A_579 = tpu.memref_slice %arg15[%scatter3A_575, %scatter3A_576, %scatter3A_577, %scatter3A_578] : memref<2x2x96x96xf32, #tpu.memory_space<vmem>> -> memref<1x2x96x96xf32, #tpu.memory_space<vmem>>
    %scatter3A_580 = tpu.memref_squeeze %scatter3A_579 : memref<1x2x96x96xf32, #tpu.memory_space<vmem>> -> memref<2x96x96xf32, #tpu.memory_space<vmem>>
    tpu.vector_store_idx %scatter3A_580[%convert_element_type3A_320, %min3A_359, %min3A_365], %get3A_574 masked %and3A_353 : memref<2x96x96xf32, #tpu.memory_space<vmem>>[vector<16xi32>, vector<16xi32>, vector<16xi32>], vector<16xf32>, vector<16xi1>
    %barrier3A_581 = arith.constant 0 : index
    tpu.barrier barrier_id(%barrier3A_581)
    %dma_start3A_582 = arith.constant 1 : i32
    %dma_start3A_583 = arith.constant 1 : i32
    %dma_start3A_584 = arith.constant 0 : i32
    %dma_start3A_585 = arith.constant 0 : i32
    %dma_start3A_586 = arith.constant 0 : i32
    %dma_start3A_587 = tpu.memref_slice %arg15[%dma_start3A_582, %dma_start3A_584, %dma_start3A_585, %dma_start3A_586] : memref<2x2x96x96xf32, #tpu.memory_space<vmem>> -> memref<1x2x96x96xf32, #tpu.memory_space<vmem>>
    %dma_start3A_588 = tpu.memref_squeeze %dma_start3A_587 : memref<1x2x96x96xf32, #tpu.memory_space<vmem>> -> memref<2x96x96xf32, #tpu.memory_space<vmem>>
    %dma_start3A_589 = arith.constant 0 : i32
    %dma_start3A_590 = arith.constant 0 : i32
    %dma_start3A_591 = arith.constant 0 : i32
    %dma_start3A_592 = tpu.memref_slice %arg6[%add3A_496, %dma_start3A_583, %dma_start3A_589, %dma_start3A_590, %dma_start3A_591] : memref<128x4x2x96x96xf32, #tpu.memory_space<hbm>> -> memref<1x1x2x96x96xf32, #tpu.memory_space<hbm>>
    %dma_start3A_593 = tpu.memref_squeeze %dma_start3A_592 : memref<1x1x2x96x96xf32, #tpu.memory_space<hbm>> -> memref<2x96x96xf32, #tpu.memory_space<hbm>>
    %dma_start3A_594 = arith.constant 0 : i32
    %dma_start3A_595 = arith.constant 0 : i32
    %dma_start3A_596 = arith.constant 0 : i32
    %dma_start3A_597 = tpu.memref_slice %arg6[%add3A_496, %dma_start3A_583, %dma_start3A_594, %dma_start3A_595, %dma_start3A_596] : memref<128x4x2x96x96xf32, #tpu.memory_space<hbm>> -> memref<1x1x2x96x96xf32, #tpu.memory_space<hbm>>
    %dma_start3A_598 = tpu.memref_squeeze %dma_start3A_597 : memref<1x1x2x96x96xf32, #tpu.memory_space<hbm>> -> memref<2x96x96xf32, #tpu.memory_space<hbm>>
    %dma_start3A_599 = arith.constant 0 : i32
    %dma_start3A_600 = arith.constant 0 : i32
    %dma_start3A_601 = arith.constant 0 : i32
    %dma_start3A_602 = tpu.memref_slice %arg15[%dma_start3A_582, %dma_start3A_599, %dma_start3A_600, %dma_start3A_601] : memref<2x2x96x96xf32, #tpu.memory_space<vmem>> -> memref<1x2x96x96xf32, #tpu.memory_space<vmem>>
    %dma_start3A_603 = tpu.memref_squeeze %dma_start3A_602 : memref<1x2x96x96xf32, #tpu.memory_space<vmem>> -> memref<2x96x96xf32, #tpu.memory_space<vmem>>
    tpu.enqueue_dma source(%dma_start3A_603 : memref<2x96x96xf32, #tpu.memory_space<vmem>>) target(%dma_start3A_598 : memref<2x96x96xf32, #tpu.memory_space<hbm>>) target_semaphore(%arg17 : memref<!tpu.dma_semaphore, #tpu.memory_space<semaphore_mem>>)
    %dma_wait3A = arith.constant 0 : i32
    %dma_wait3A_604 = arith.constant 0 : i32
    %dma_wait3A_605 = arith.constant 0 : i32
    %dma_wait3A_606 = arith.constant 0 : i32
    %dma_wait3A_607 = arith.constant 0 : i32
    %dma_wait3A_608 = tpu.memref_slice %arg15[%dma_wait3A, %dma_wait3A_605, %dma_wait3A_606, %dma_wait3A_607] : memref<2x2x96x96xf32, #tpu.memory_space<vmem>> -> memref<1x2x96x96xf32, #tpu.memory_space<vmem>>
    %dma_wait3A_609 = tpu.memref_squeeze %dma_wait3A_608 : memref<1x2x96x96xf32, #tpu.memory_space<vmem>> -> memref<2x96x96xf32, #tpu.memory_space<vmem>>
    %dma_wait3A_610 = arith.constant 0 : i32
    %dma_wait3A_611 = arith.constant 0 : i32
    %dma_wait3A_612 = arith.constant 0 : i32
    %dma_wait3A_613 = tpu.memref_slice %arg6[%add3A_496, %dma_wait3A_604, %dma_wait3A_610, %dma_wait3A_611, %dma_wait3A_612] : memref<128x4x2x96x96xf32, #tpu.memory_space<hbm>> -> memref<1x1x2x96x96xf32, #tpu.memory_space<hbm>>
    %dma_wait3A_614 = tpu.memref_squeeze %dma_wait3A_613 : memref<1x1x2x96x96xf32, #tpu.memory_space<hbm>> -> memref<2x96x96xf32, #tpu.memory_space<hbm>>
    %dma_wait3A_615 = arith.constant 0 : i32
    %dma_wait3A_616 = arith.constant 0 : i32
    %dma_wait3A_617 = arith.constant 0 : i32
    %dma_wait3A_618 = tpu.memref_slice %arg6[%add3A_496, %dma_wait3A_604, %dma_wait3A_615, %dma_wait3A_616, %dma_wait3A_617] : memref<128x4x2x96x96xf32, #tpu.memory_space<hbm>> -> memref<1x1x2x96x96xf32, #tpu.memory_space<hbm>>
    %dma_wait3A_619 = tpu.memref_squeeze %dma_wait3A_618 : memref<1x1x2x96x96xf32, #tpu.memory_space<hbm>> -> memref<2x96x96xf32, #tpu.memory_space<hbm>>
    %dma_wait3A_620 = arith.constant 0 : i32
    %dma_wait3A_621 = arith.constant 0 : i32
    %dma_wait3A_622 = arith.constant 0 : i32
    %dma_wait3A_623 = tpu.memref_slice %arg15[%dma_wait3A, %dma_wait3A_620, %dma_wait3A_621, %dma_wait3A_622] : memref<2x2x96x96xf32, #tpu.memory_space<vmem>> -> memref<1x2x96x96xf32, #tpu.memory_space<vmem>>
    %dma_wait3A_624 = tpu.memref_squeeze %dma_wait3A_623 : memref<1x2x96x96xf32, #tpu.memory_space<vmem>> -> memref<2x96x96xf32, #tpu.memory_space<vmem>>
    tpu.wait_dma2 semaphore(%arg16 : memref<!tpu.dma_semaphore, #tpu.memory_space<semaphore_mem>>) src(%dma_wait3A_624 : memref<2x96x96xf32, #tpu.memory_space<vmem>>) dst(%dma_wait3A_619 : memref<2x96x96xf32, #tpu.memory_space<hbm>>)
    %barrier3A_625 = arith.constant 0 : index
    tpu.barrier barrier_id(%barrier3A_625)
    %scatter3A_626 = arith.constant 0 : i32
    %scatter3A_627 = arith.constant 0 : i32
    %scatter3A_628 = arith.constant 0 : i32
    %scatter3A_629 = arith.constant 0 : i32
    %scatter3A_630 = tpu.memref_slice %arg15[%scatter3A_626, %scatter3A_627, %scatter3A_628, %scatter3A_629] : memref<2x2x96x96xf32, #tpu.memory_space<vmem>> -> memref<1x2x96x96xf32, #tpu.memory_space<vmem>>
    %scatter3A_631 = tpu.memref_squeeze %scatter3A_630 : memref<1x2x96x96xf32, #tpu.memory_space<vmem>> -> memref<2x96x96xf32, #tpu.memory_space<vmem>>
    tpu.vector_store_idx %scatter3A_631[%convert_element_type3A_40, %min3A_73, %min3A_79], %broadcast_in_dim3A_9 masked %and3A_69 : memref<2x96x96xf32, #tpu.memory_space<vmem>>[vector<16xi32>, vector<16xi32>, vector<16xi32>], vector<16xf32>, vector<16xi1>
    %scatter3A_632 = arith.constant 0 : i32
    %scatter3A_633 = arith.constant 0 : i32
    %scatter3A_634 = arith.constant 0 : i32
    %scatter3A_635 = arith.constant 0 : i32
    %scatter3A_636 = tpu.memref_slice %arg15[%scatter3A_632, %scatter3A_633, %scatter3A_634, %scatter3A_635] : memref<2x2x96x96xf32, #tpu.memory_space<vmem>> -> memref<1x2x96x96xf32, #tpu.memory_space<vmem>>
    %scatter3A_637 = tpu.memref_squeeze %scatter3A_636 : memref<1x2x96x96xf32, #tpu.memory_space<vmem>> -> memref<2x96x96xf32, #tpu.memory_space<vmem>>
    tpu.vector_store_idx %scatter3A_637[%convert_element_type3A_128, %min3A_167, %min3A_173], %broadcast_in_dim3A_9 masked %and3A_161 : memref<2x96x96xf32, #tpu.memory_space<vmem>>[vector<16xi32>, vector<16xi32>, vector<16xi32>], vector<16xf32>, vector<16xi1>
    %scatter3A_638 = arith.constant 0 : i32
    %scatter3A_639 = arith.constant 0 : i32
    %scatter3A_640 = arith.constant 0 : i32
    %scatter3A_641 = arith.constant 0 : i32
    %scatter3A_642 = tpu.memref_slice %arg15[%scatter3A_638, %scatter3A_639, %scatter3A_640, %scatter3A_641] : memref<2x2x96x96xf32, #tpu.memory_space<vmem>> -> memref<1x2x96x96xf32, #tpu.memory_space<vmem>>
    %scatter3A_643 = tpu.memref_squeeze %scatter3A_642 : memref<1x2x96x96xf32, #tpu.memory_space<vmem>> -> memref<2x96x96xf32, #tpu.memory_space<vmem>>
    tpu.vector_store_idx %scatter3A_643[%convert_element_type3A_224, %min3A_263, %min3A_269], %broadcast_in_dim3A_9 masked %and3A_257 : memref<2x96x96xf32, #tpu.memory_space<vmem>>[vector<16xi32>, vector<16xi32>, vector<16xi32>], vector<16xf32>, vector<16xi1>
    %scatter3A_644 = arith.constant 0 : i32
    %scatter3A_645 = arith.constant 0 : i32
    %scatter3A_646 = arith.constant 0 : i32
    %scatter3A_647 = arith.constant 0 : i32
    %scatter3A_648 = tpu.memref_slice %arg15[%scatter3A_644, %scatter3A_645, %scatter3A_646, %scatter3A_647] : memref<2x2x96x96xf32, #tpu.memory_space<vmem>> -> memref<1x2x96x96xf32, #tpu.memory_space<vmem>>
    %scatter3A_649 = tpu.memref_squeeze %scatter3A_648 : memref<1x2x96x96xf32, #tpu.memory_space<vmem>> -> memref<2x96x96xf32, #tpu.memory_space<vmem>>
    tpu.vector_store_idx %scatter3A_649[%convert_element_type3A_320, %min3A_359, %min3A_365], %broadcast_in_dim3A_9 masked %and3A_353 : memref<2x96x96xf32, #tpu.memory_space<vmem>>[vector<16xi32>, vector<16xi32>, vector<16xi32>], vector<16xf32>, vector<16xi1>
    %get3A_650 = arith.constant 128 : index
    %get3A_651 = tpu.vector_load %arg14[%get3A_650] {strides = array<i32>} : memref<256xf32, #tpu.memory_space<vmem>>, vector<16xf32>,
    %scatter3A_652 = arith.constant 0 : i32
    %scatter3A_653 = arith.constant 0 : i32
    %scatter3A_654 = arith.constant 0 : i32
    %scatter3A_655 = arith.constant 0 : i32
    %scatter3A_656 = tpu.memref_slice %arg15[%scatter3A_652, %scatter3A_653, %scatter3A_654, %scatter3A_655] : memref<2x2x96x96xf32, #tpu.memory_space<vmem>> -> memref<1x2x96x96xf32, #tpu.memory_space<vmem>>
    %scatter3A_657 = tpu.memref_squeeze %scatter3A_656 : memref<1x2x96x96xf32, #tpu.memory_space<vmem>> -> memref<2x96x96xf32, #tpu.memory_space<vmem>>
    tpu.vector_store_idx %scatter3A_657[%convert_element_type3A_40, %min3A_73, %min3A_79], %get3A_651 masked %and3A_69 : memref<2x96x96xf32, #tpu.memory_space<vmem>>[vector<16xi32>, vector<16xi32>, vector<16xi32>], vector<16xf32>, vector<16xi1>
    %get3A_658 = arith.constant 144 : index
    %get3A_659 = tpu.vector_load %arg14[%get3A_658] {strides = array<i32>} : memref<256xf32, #tpu.memory_space<vmem>>, vector<16xf32>,
    %scatter3A_660 = arith.constant 0 : i32
    %scatter3A_661 = arith.constant 0 : i32
    %scatter3A_662 = arith.constant 0 : i32
    %scatter3A_663 = arith.constant 0 : i32
    %scatter3A_664 = tpu.memref_slice %arg15[%scatter3A_660, %scatter3A_661, %scatter3A_662, %scatter3A_663] : memref<2x2x96x96xf32, #tpu.memory_space<vmem>> -> memref<1x2x96x96xf32, #tpu.memory_space<vmem>>
    %scatter3A_665 = tpu.memref_squeeze %scatter3A_664 : memref<1x2x96x96xf32, #tpu.memory_space<vmem>> -> memref<2x96x96xf32, #tpu.memory_space<vmem>>
    tpu.vector_store_idx %scatter3A_665[%convert_element_type3A_128, %min3A_167, %min3A_173], %get3A_659 masked %and3A_161 : memref<2x96x96xf32, #tpu.memory_space<vmem>>[vector<16xi32>, vector<16xi32>, vector<16xi32>], vector<16xf32>, vector<16xi1>
    %get3A_666 = arith.constant 160 : index
    %get3A_667 = tpu.vector_load %arg14[%get3A_666] {strides = array<i32>} : memref<256xf32, #tpu.memory_space<vmem>>, vector<16xf32>,
    %scatter3A_668 = arith.constant 0 : i32
    %scatter3A_669 = arith.constant 0 : i32
    %scatter3A_670 = arith.constant 0 : i32
    %scatter3A_671 = arith.constant 0 : i32
    %scatter3A_672 = tpu.memref_slice %arg15[%scatter3A_668, %scatter3A_669, %scatter3A_670, %scatter3A_671] : memref<2x2x96x96xf32, #tpu.memory_space<vmem>> -> memref<1x2x96x96xf32, #tpu.memory_space<vmem>>
    %scatter3A_673 = tpu.memref_squeeze %scatter3A_672 : memref<1x2x96x96xf32, #tpu.memory_space<vmem>> -> memref<2x96x96xf32, #tpu.memory_space<vmem>>
    tpu.vector_store_idx %scatter3A_673[%convert_element_type3A_224, %min3A_263, %min3A_269], %get3A_667 masked %and3A_257 : memref<2x96x96xf32, #tpu.memory_space<vmem>>[vector<16xi32>, vector<16xi32>, vector<16xi32>], vector<16xf32>, vector<16xi1>
    %get3A_674 = arith.constant 176 : index
    %get3A_675 = tpu.vector_load %arg14[%get3A_674] {strides = array<i32>} : memref<256xf32, #tpu.memory_space<vmem>>, vector<16xf32>,
    %scatter3A_676 = arith.constant 0 : i32
    %scatter3A_677 = arith.constant 0 : i32
    %scatter3A_678 = arith.constant 0 : i32
    %scatter3A_679 = arith.constant 0 : i32
    %scatter3A_680 = tpu.memref_slice %arg15[%scatter3A_676, %scatter3A_677, %scatter3A_678, %scatter3A_679] : memref<2x2x96x96xf32, #tpu.memory_space<vmem>> -> memref<1x2x96x96xf32, #tpu.memory_space<vmem>>
    %scatter3A_681 = tpu.memref_squeeze %scatter3A_680 : memref<1x2x96x96xf32, #tpu.memory_space<vmem>> -> memref<2x96x96xf32, #tpu.memory_space<vmem>>
    tpu.vector_store_idx %scatter3A_681[%convert_element_type3A_320, %min3A_359, %min3A_365], %get3A_675 masked %and3A_353 : memref<2x96x96xf32, #tpu.memory_space<vmem>>[vector<16xi32>, vector<16xi32>, vector<16xi32>], vector<16xf32>, vector<16xi1>
    %barrier3A_682 = arith.constant 0 : index
    tpu.barrier barrier_id(%barrier3A_682)
    %dma_start3A_683 = arith.constant 0 : i32
    %dma_start3A_684 = arith.constant 2 : i32
    %dma_start3A_685 = arith.constant 0 : i32
    %dma_start3A_686 = arith.constant 0 : i32
    %dma_start3A_687 = arith.constant 0 : i32
    %dma_start3A_688 = tpu.memref_slice %arg15[%dma_start3A_683, %dma_start3A_685, %dma_start3A_686, %dma_start3A_687] : memref<2x2x96x96xf32, #tpu.memory_space<vmem>> -> memref<1x2x96x96xf32, #tpu.memory_space<vmem>>
    %dma_start3A_689 = tpu.memref_squeeze %dma_start3A_688 : memref<1x2x96x96xf32, #tpu.memory_space<vmem>> -> memref<2x96x96xf32, #tpu.memory_space<vmem>>
    %dma_start3A_690 = arith.constant 0 : i32
    %dma_start3A_691 = arith.constant 0 : i32
    %dma_start3A_692 = arith.constant 0 : i32
    %dma_start3A_693 = tpu.memref_slice %arg6[%add3A_496, %dma_start3A_684, %dma_start3A_690, %dma_start3A_691, %dma_start3A_692] : memref<128x4x2x96x96xf32, #tpu.memory_space<hbm>> -> memref<1x1x2x96x96xf32, #tpu.memory_space<hbm>>
    %dma_start3A_694 = tpu.memref_squeeze %dma_start3A_693 : memref<1x1x2x96x96xf32, #tpu.memory_space<hbm>> -> memref<2x96x96xf32, #tpu.memory_space<hbm>>
    %dma_start3A_695 = arith.constant 0 : i32
    %dma_start3A_696 = arith.constant 0 : i32
    %dma_start3A_697 = arith.constant 0 : i32
    %dma_start3A_698 = tpu.memref_slice %arg6[%add3A_496, %dma_start3A_684, %dma_start3A_695, %dma_start3A_696, %dma_start3A_697] : memref<128x4x2x96x96xf32, #tpu.memory_space<hbm>> -> memref<1x1x2x96x96xf32, #tpu.memory_space<hbm>>
    %dma_start3A_699 = tpu.memref_squeeze %dma_start3A_698 : memref<1x1x2x96x96xf32, #tpu.memory_space<hbm>> -> memref<2x96x96xf32, #tpu.memory_space<hbm>>
    %dma_start3A_700 = arith.constant 0 : i32
    %dma_start3A_701 = arith.constant 0 : i32
    %dma_start3A_702 = arith.constant 0 : i32
    %dma_start3A_703 = tpu.memref_slice %arg15[%dma_start3A_683, %dma_start3A_700, %dma_start3A_701, %dma_start3A_702] : memref<2x2x96x96xf32, #tpu.memory_space<vmem>> -> memref<1x2x96x96xf32, #tpu.memory_space<vmem>>
    %dma_start3A_704 = tpu.memref_squeeze %dma_start3A_703 : memref<1x2x96x96xf32, #tpu.memory_space<vmem>> -> memref<2x96x96xf32, #tpu.memory_space<vmem>>
    tpu.enqueue_dma source(%dma_start3A_704 : memref<2x96x96xf32, #tpu.memory_space<vmem>>) target(%dma_start3A_699 : memref<2x96x96xf32, #tpu.memory_space<hbm>>) target_semaphore(%arg16 : memref<!tpu.dma_semaphore, #tpu.memory_space<semaphore_mem>>)
    %dma_wait3A_705 = arith.constant 1 : i32
    %dma_wait3A_706 = arith.constant 1 : i32
    %dma_wait3A_707 = arith.constant 0 : i32
    %dma_wait3A_708 = arith.constant 0 : i32
    %dma_wait3A_709 = arith.constant 0 : i32
    %dma_wait3A_710 = tpu.memref_slice %arg15[%dma_wait3A_705, %dma_wait3A_707, %dma_wait3A_708, %dma_wait3A_709] : memref<2x2x96x96xf32, #tpu.memory_space<vmem>> -> memref<1x2x96x96xf32, #tpu.memory_space<vmem>>
    %dma_wait3A_711 = tpu.memref_squeeze %dma_wait3A_710 : memref<1x2x96x96xf32, #tpu.memory_space<vmem>> -> memref<2x96x96xf32, #tpu.memory_space<vmem>>
    %dma_wait3A_712 = arith.constant 0 : i32
    %dma_wait3A_713 = arith.constant 0 : i32
    %dma_wait3A_714 = arith.constant 0 : i32
    %dma_wait3A_715 = tpu.memref_slice %arg6[%add3A_496, %dma_wait3A_706, %dma_wait3A_712, %dma_wait3A_713, %dma_wait3A_714] : memref<128x4x2x96x96xf32, #tpu.memory_space<hbm>> -> memref<1x1x2x96x96xf32, #tpu.memory_space<hbm>>
    %dma_wait3A_716 = tpu.memref_squeeze %dma_wait3A_715 : memref<1x1x2x96x96xf32, #tpu.memory_space<hbm>> -> memref<2x96x96xf32, #tpu.memory_space<hbm>>
    %dma_wait3A_717 = arith.constant 0 : i32
    %dma_wait3A_718 = arith.constant 0 : i32
    %dma_wait3A_719 = arith.constant 0 : i32
    %dma_wait3A_720 = tpu.memref_slice %arg6[%add3A_496, %dma_wait3A_706, %dma_wait3A_717, %dma_wait3A_718, %dma_wait3A_719] : memref<128x4x2x96x96xf32, #tpu.memory_space<hbm>> -> memref<1x1x2x96x96xf32, #tpu.memory_space<hbm>>
    %dma_wait3A_721 = tpu.memref_squeeze %dma_wait3A_720 : memref<1x1x2x96x96xf32, #tpu.memory_space<hbm>> -> memref<2x96x96xf32, #tpu.memory_space<hbm>>
    %dma_wait3A_722 = arith.constant 0 : i32
    %dma_wait3A_723 = arith.constant 0 : i32
    %dma_wait3A_724 = arith.constant 0 : i32
    %dma_wait3A_725 = tpu.memref_slice %arg15[%dma_wait3A_705, %dma_wait3A_722, %dma_wait3A_723, %dma_wait3A_724] : memref<2x2x96x96xf32, #tpu.memory_space<vmem>> -> memref<1x2x96x96xf32, #tpu.memory_space<vmem>>
    %dma_wait3A_726 = tpu.memref_squeeze %dma_wait3A_725 : memref<1x2x96x96xf32, #tpu.memory_space<vmem>> -> memref<2x96x96xf32, #tpu.memory_space<vmem>>
    tpu.wait_dma2 semaphore(%arg17 : memref<!tpu.dma_semaphore, #tpu.memory_space<semaphore_mem>>) src(%dma_wait3A_726 : memref<2x96x96xf32, #tpu.memory_space<vmem>>) dst(%dma_wait3A_721 : memref<2x96x96xf32, #tpu.memory_space<hbm>>)
    %barrier3A_727 = arith.constant 0 : index
    tpu.barrier barrier_id(%barrier3A_727)
    %scatter3A_728 = arith.constant 1 : i32
    %scatter3A_729 = arith.constant 0 : i32
    %scatter3A_730 = arith.constant 0 : i32
    %scatter3A_731 = arith.constant 0 : i32
    %scatter3A_732 = tpu.memref_slice %arg15[%scatter3A_728, %scatter3A_729, %scatter3A_730, %scatter3A_731] : memref<2x2x96x96xf32, #tpu.memory_space<vmem>> -> memref<1x2x96x96xf32, #tpu.memory_space<vmem>>
    %scatter3A_733 = tpu.memref_squeeze %scatter3A_732 : memref<1x2x96x96xf32, #tpu.memory_space<vmem>> -> memref<2x96x96xf32, #tpu.memory_space<vmem>>
    tpu.vector_store_idx %scatter3A_733[%convert_element_type3A_40, %min3A_73, %min3A_79], %broadcast_in_dim3A_9 masked %and3A_69 : memref<2x96x96xf32, #tpu.memory_space<vmem>>[vector<16xi32>, vector<16xi32>, vector<16xi32>], vector<16xf32>, vector<16xi1>
    %scatter3A_734 = arith.constant 1 : i32
    %scatter3A_735 = arith.constant 0 : i32
    %scatter3A_736 = arith.constant 0 : i32
    %scatter3A_737 = arith.constant 0 : i32
    %scatter3A_738 = tpu.memref_slice %arg15[%scatter3A_734, %scatter3A_735, %scatter3A_736, %scatter3A_737] : memref<2x2x96x96xf32, #tpu.memory_space<vmem>> -> memref<1x2x96x96xf32, #tpu.memory_space<vmem>>
    %scatter3A_739 = tpu.memref_squeeze %scatter3A_738 : memref<1x2x96x96xf32, #tpu.memory_space<vmem>> -> memref<2x96x96xf32, #tpu.memory_space<vmem>>
    tpu.vector_store_idx %scatter3A_739[%convert_element_type3A_128, %min3A_167, %min3A_173], %broadcast_in_dim3A_9 masked %and3A_161 : memref<2x96x96xf32, #tpu.memory_space<vmem>>[vector<16xi32>, vector<16xi32>, vector<16xi32>], vector<16xf32>, vector<16xi1>
    %scatter3A_740 = arith.constant 1 : i32
    %scatter3A_741 = arith.constant 0 : i32
    %scatter3A_742 = arith.constant 0 : i32
    %scatter3A_743 = arith.constant 0 : i32
    %scatter3A_744 = tpu.memref_slice %arg15[%scatter3A_740, %scatter3A_741, %scatter3A_742, %scatter3A_743] : memref<2x2x96x96xf32, #tpu.memory_space<vmem>> -> memref<1x2x96x96xf32, #tpu.memory_space<vmem>>
    %scatter3A_745 = tpu.memref_squeeze %scatter3A_744 : memref<1x2x96x96xf32, #tpu.memory_space<vmem>> -> memref<2x96x96xf32, #tpu.memory_space<vmem>>
    tpu.vector_store_idx %scatter3A_745[%convert_element_type3A_224, %min3A_263, %min3A_269], %broadcast_in_dim3A_9 masked %and3A_257 : memref<2x96x96xf32, #tpu.memory_space<vmem>>[vector<16xi32>, vector<16xi32>, vector<16xi32>], vector<16xf32>, vector<16xi1>
    %scatter3A_746 = arith.constant 1 : i32
    %scatter3A_747 = arith.constant 0 : i32
    %scatter3A_748 = arith.constant 0 : i32
    %scatter3A_749 = arith.constant 0 : i32
    %scatter3A_750 = tpu.memref_slice %arg15[%scatter3A_746, %scatter3A_747, %scatter3A_748, %scatter3A_749] : memref<2x2x96x96xf32, #tpu.memory_space<vmem>> -> memref<1x2x96x96xf32, #tpu.memory_space<vmem>>
    %scatter3A_751 = tpu.memref_squeeze %scatter3A_750 : memref<1x2x96x96xf32, #tpu.memory_space<vmem>> -> memref<2x96x96xf32, #tpu.memory_space<vmem>>
    tpu.vector_store_idx %scatter3A_751[%convert_element_type3A_320, %min3A_359, %min3A_365], %broadcast_in_dim3A_9 masked %and3A_353 : memref<2x96x96xf32, #tpu.memory_space<vmem>>[vector<16xi32>, vector<16xi32>, vector<16xi32>], vector<16xf32>, vector<16xi1>
    %get3A_752 = arith.constant 192 : index
    %get3A_753 = tpu.vector_load %arg14[%get3A_752] {strides = array<i32>} : memref<256xf32, #tpu.memory_space<vmem>>, vector<16xf32>,
    %scatter3A_754 = arith.constant 1 : i32
    %scatter3A_755 = arith.constant 0 : i32
    %scatter3A_756 = arith.constant 0 : i32
    %scatter3A_757 = arith.constant 0 : i32
    %scatter3A_758 = tpu.memref_slice %arg15[%scatter3A_754, %scatter3A_755, %scatter3A_756, %scatter3A_757] : memref<2x2x96x96xf32, #tpu.memory_space<vmem>> -> memref<1x2x96x96xf32, #tpu.memory_space<vmem>>
    %scatter3A_759 = tpu.memref_squeeze %scatter3A_758 : memref<1x2x96x96xf32, #tpu.memory_space<vmem>> -> memref<2x96x96xf32, #tpu.memory_space<vmem>>
    tpu.vector_store_idx %scatter3A_759[%convert_element_type3A_40, %min3A_73, %min3A_79], %get3A_753 masked %and3A_69 : memref<2x96x96xf32, #tpu.memory_space<vmem>>[vector<16xi32>, vector<16xi32>, vector<16xi32>], vector<16xf32>, vector<16xi1>
    %get3A_760 = arith.constant 208 : index
    %get3A_761 = tpu.vector_load %arg14[%get3A_760] {strides = array<i32>} : memref<256xf32, #tpu.memory_space<vmem>>, vector<16xf32>,
    %scatter3A_762 = arith.constant 1 : i32
    %scatter3A_763 = arith.constant 0 : i32
    %scatter3A_764 = arith.constant 0 : i32
    %scatter3A_765 = arith.constant 0 : i32
    %scatter3A_766 = tpu.memref_slice %arg15[%scatter3A_762, %scatter3A_763, %scatter3A_764, %scatter3A_765] : memref<2x2x96x96xf32, #tpu.memory_space<vmem>> -> memref<1x2x96x96xf32, #tpu.memory_space<vmem>>
    %scatter3A_767 = tpu.memref_squeeze %scatter3A_766 : memref<1x2x96x96xf32, #tpu.memory_space<vmem>> -> memref<2x96x96xf32, #tpu.memory_space<vmem>>
    tpu.vector_store_idx %scatter3A_767[%convert_element_type3A_128, %min3A_167, %min3A_173], %get3A_761 masked %and3A_161 : memref<2x96x96xf32, #tpu.memory_space<vmem>>[vector<16xi32>, vector<16xi32>, vector<16xi32>], vector<16xf32>, vector<16xi1>
    %get3A_768 = arith.constant 224 : index
    %get3A_769 = tpu.vector_load %arg14[%get3A_768] {strides = array<i32>} : memref<256xf32, #tpu.memory_space<vmem>>, vector<16xf32>,
    %scatter3A_770 = arith.constant 1 : i32
    %scatter3A_771 = arith.constant 0 : i32
    %scatter3A_772 = arith.constant 0 : i32
    %scatter3A_773 = arith.constant 0 : i32
    %scatter3A_774 = tpu.memref_slice %arg15[%scatter3A_770, %scatter3A_771, %scatter3A_772, %scatter3A_773] : memref<2x2x96x96xf32, #tpu.memory_space<vmem>> -> memref<1x2x96x96xf32, #tpu.memory_space<vmem>>
    %scatter3A_775 = tpu.memref_squeeze %scatter3A_774 : memref<1x2x96x96xf32, #tpu.memory_space<vmem>> -> memref<2x96x96xf32, #tpu.memory_space<vmem>>
    tpu.vector_store_idx %scatter3A_775[%convert_element_type3A_224, %min3A_263, %min3A_269], %get3A_769 masked %and3A_257 : memref<2x96x96xf32, #tpu.memory_space<vmem>>[vector<16xi32>, vector<16xi32>, vector<16xi32>], vector<16xf32>, vector<16xi1>
    %get3A_776 = arith.constant 240 : index
    %get3A_777 = tpu.vector_load %arg14[%get3A_776] {strides = array<i32>} : memref<256xf32, #tpu.memory_space<vmem>>, vector<16xf32>,
    %scatter3A_778 = arith.constant 1 : i32
    %scatter3A_779 = arith.constant 0 : i32
    %scatter3A_780 = arith.constant 0 : i32
    %scatter3A_781 = arith.constant 0 : i32
    %scatter3A_782 = tpu.memref_slice %arg15[%scatter3A_778, %scatter3A_779, %scatter3A_780, %scatter3A_781] : memref<2x2x96x96xf32, #tpu.memory_space<vmem>> -> memref<1x2x96x96xf32, #tpu.memory_space<vmem>>
    %scatter3A_783 = tpu.memref_squeeze %scatter3A_782 : memref<1x2x96x96xf32, #tpu.memory_space<vmem>> -> memref<2x96x96xf32, #tpu.memory_space<vmem>>
    tpu.vector_store_idx %scatter3A_783[%convert_element_type3A_320, %min3A_359, %min3A_365], %get3A_777 masked %and3A_353 : memref<2x96x96xf32, #tpu.memory_space<vmem>>[vector<16xi32>, vector<16xi32>, vector<16xi32>], vector<16xf32>, vector<16xi1>
    %barrier3A_784 = arith.constant 0 : index
    tpu.barrier barrier_id(%barrier3A_784)
    %dma_start3A_785 = arith.constant 1 : i32
    %dma_start3A_786 = arith.constant 3 : i32
    %dma_start3A_787 = arith.constant 0 : i32
    %dma_start3A_788 = arith.constant 0 : i32
    %dma_start3A_789 = arith.constant 0 : i32
    %dma_start3A_790 = tpu.memref_slice %arg15[%dma_start3A_785, %dma_start3A_787, %dma_start3A_788, %dma_start3A_789] : memref<2x2x96x96xf32, #tpu.memory_space<vmem>> -> memref<1x2x96x96xf32, #tpu.memory_space<vmem>>
    %dma_start3A_791 = tpu.memref_squeeze %dma_start3A_790 : memref<1x2x96x96xf32, #tpu.memory_space<vmem>> -> memref<2x96x96xf32, #tpu.memory_space<vmem>>
    %dma_start3A_792 = arith.constant 0 : i32
    %dma_start3A_793 = arith.constant 0 : i32
    %dma_start3A_794 = arith.constant 0 : i32
    %dma_start3A_795 = tpu.memref_slice %arg6[%add3A_496, %dma_start3A_786, %dma_start3A_792, %dma_start3A_793, %dma_start3A_794] : memref<128x4x2x96x96xf32, #tpu.memory_space<hbm>> -> memref<1x1x2x96x96xf32, #tpu.memory_space<hbm>>
    %dma_start3A_796 = tpu.memref_squeeze %dma_start3A_795 : memref<1x1x2x96x96xf32, #tpu.memory_space<hbm>> -> memref<2x96x96xf32, #tpu.memory_space<hbm>>
    %dma_start3A_797 = arith.constant 0 : i32
    %dma_start3A_798 = arith.constant 0 : i32
    %dma_start3A_799 = arith.constant 0 : i32
    %dma_start3A_800 = tpu.memref_slice %arg6[%add3A_496, %dma_start3A_786, %dma_start3A_797, %dma_start3A_798, %dma_start3A_799] : memref<128x4x2x96x96xf32, #tpu.memory_space<hbm>> -> memref<1x1x2x96x96xf32, #tpu.memory_space<hbm>>
    %dma_start3A_801 = tpu.memref_squeeze %dma_start3A_800 : memref<1x1x2x96x96xf32, #tpu.memory_space<hbm>> -> memref<2x96x96xf32, #tpu.memory_space<hbm>>
    %dma_start3A_802 = arith.constant 0 : i32
    %dma_start3A_803 = arith.constant 0 : i32
    %dma_start3A_804 = arith.constant 0 : i32
    %dma_start3A_805 = tpu.memref_slice %arg15[%dma_start3A_785, %dma_start3A_802, %dma_start3A_803, %dma_start3A_804] : memref<2x2x96x96xf32, #tpu.memory_space<vmem>> -> memref<1x2x96x96xf32, #tpu.memory_space<vmem>>
    %dma_start3A_806 = tpu.memref_squeeze %dma_start3A_805 : memref<1x2x96x96xf32, #tpu.memory_space<vmem>> -> memref<2x96x96xf32, #tpu.memory_space<vmem>>
    tpu.enqueue_dma source(%dma_start3A_806 : memref<2x96x96xf32, #tpu.memory_space<vmem>>) target(%dma_start3A_801 : memref<2x96x96xf32, #tpu.memory_space<hbm>>) target_semaphore(%arg17 : memref<!tpu.dma_semaphore, #tpu.memory_space<semaphore_mem>>)
    %add3A_807 = arith.constant 0 : i32
    %add3A_808 = vector.broadcast %add3A_807 : i32 to vector<16xi32>
    %add3A_809 = arith.addi %add3A_808, %iota3A : vector<16xi32>
    %mul3A_810 = arith.constant 4 : i32
    %mul3A_811 = vector.broadcast %mul3A_810 : i32 to vector<16xi32>
    %mul3A_812 = arith.muli %mul3A_811, %add3A_809 : vector<16xi32>
    %add3A_813 = arith.constant 200 : i32
    %add3A_814 = vector.broadcast %add3A_813 : i32 to vector<16xi32>
    %add3A_815 = arith.addi %add3A_814, %mul3A_812 : vector<16xi32>
    %add3A_816 = arith.constant 0 : i32
    %add3A_817 = vector.broadcast %add3A_816 : i32 to vector<16xi32>
    %add3A_818 = arith.addi %add3A_817, %iota3A : vector<16xi32>
    %lt3A_819 = arith.constant 50 : i32
    %lt3A_820 = vector.broadcast %lt3A_819 : i32 to vector<16xi32>
    %lt3A_821 = arith.cmpi slt, %add3A_818, %lt3A_820 : vector<16xi32>
    %jit3A_822 = arith.constant 200 : i32
    %broadcast_in_dim3A_823 = vector.broadcast %jit3A_822 : i32 to vector<16xi32>
    %select_n3A_824 = arith.select %lt3A_821, %add3A_815, %broadcast_in_dim3A_823 : vector<16xi1>, vector<16xi32>
    %gather3A_825 = tpu.vector_load_idx %arg7[%select_n3A_824] : memref<816xf32, #tpu.memory_space<vmem>>[vector<16xi32>], vector<16xf32>,
    %convert_element_type3A_826 = arith.fptosi %gather3A_825 : vector<16xf32> to vector<16xi32>
    %add3A_827 = arith.constant 1 : i32
    %add3A_828 = vector.broadcast %add3A_827 : i32 to vector<16xi32>
    %add3A_829 = arith.addi %select_n3A_824, %add3A_828 : vector<16xi32>
    %gather3A_830 = tpu.vector_load_idx %arg7[%add3A_829] : memref<816xf32, #tpu.memory_space<vmem>>[vector<16xi32>], vector<16xf32>,
    %convert_element_type3A_831 = arith.fptosi %gather3A_830 : vector<16xf32> to vector<16xi32>
    %add3A_832 = arith.constant 2 : i32
    %add3A_833 = vector.broadcast %add3A_832 : i32 to vector<16xi32>
    %add3A_834 = arith.addi %select_n3A_824, %add3A_833 : vector<16xi32>
    %gather3A_835 = tpu.vector_load_idx %arg7[%add3A_834] : memref<816xf32, #tpu.memory_space<vmem>>[vector<16xi32>], vector<16xf32>,
    %convert_element_type3A_836 = arith.fptosi %gather3A_835 : vector<16xf32> to vector<16xi32>
    %mul3A_837 = arith.constant 128 : i32
    %mul3A_838 = vector.broadcast %mul3A_837 : i32 to vector<16xi32>
    %mul3A_839 = arith.muli %convert_element_type3A_836, %mul3A_838 : vector<16xi32>
    %add3A_840 = arith.addi %mul3A_839, %convert_element_type3A_826 : vector<16xi32>
    %mul3A_841 = arith.constant 128 : i32
    %mul3A_842 = vector.broadcast %mul3A_841 : i32 to vector<16xi32>
    %mul3A_843 = arith.muli %add3A_840, %mul3A_842 : vector<16xi32>
    %add3A_844 = arith.addi %mul3A_843, %convert_element_type3A_831 : vector<16xi32>
    %jit3A_845 = arith.constant -1 : i32
    %broadcast_in_dim3A_846 = vector.broadcast %jit3A_845 : i32 to vector<16xi32>
    %select_n3A_847 = arith.select %lt3A_821, %add3A_844, %broadcast_in_dim3A_846 : vector<16xi1>, vector<16xi32>
    %swap3A_848 = arith.constant 0 : index
    %swap3A_849 = tpu.vector_load %arg11[%swap3A_848] {strides = array<i32>} : memref<80xi32, #tpu.memory_space<vmem>>, vector<16xi32>,
    tpu.vector_store %arg11[%swap3A_848], %select_n3A_847 {strides = array<i32>} : memref<80xi32, #tpu.memory_space<vmem>>, vector<16xi32>,
    %sub3A_850 = vector.broadcast %squeeze3A : i32 to vector<16xi32>
    %sub3A_851 = arith.subi %convert_element_type3A_826, %sub3A_850 : vector<16xi32>
    %sub3A_852 = vector.broadcast %squeeze3A : i32 to vector<16xi32>
    %sub3A_853 = arith.subi %convert_element_type3A_831, %sub3A_852 : vector<16xi32>
    %ge3A_854 = arith.constant 0 : i32
    %ge3A_855 = vector.broadcast %ge3A_854 : i32 to vector<16xi32>
    %ge3A_856 = arith.cmpi sge, %sub3A_851, %ge3A_855 : vector<16xi32>
    %and3A_857 = arith.andi %lt3A_821, %ge3A_856 : vector<16xi1>
    %lt3A_858 = arith.constant 96 : i32
    %lt3A_859 = vector.broadcast %lt3A_858 : i32 to vector<16xi32>
    %lt3A_860 = arith.cmpi slt, %sub3A_851, %lt3A_859 : vector<16xi32>
    %and3A_861 = arith.andi %and3A_857, %lt3A_860 : vector<16xi1>
    %ge3A_862 = arith.constant 0 : i32
    %ge3A_863 = vector.broadcast %ge3A_862 : i32 to vector<16xi32>
    %ge3A_864 = arith.cmpi sge, %sub3A_853, %ge3A_863 : vector<16xi32>
    %and3A_865 = arith.andi %and3A_861, %ge3A_864 : vector<16xi1>
    %lt3A_866 = arith.constant 96 : i32
    %lt3A_867 = vector.broadcast %lt3A_866 : i32 to vector<16xi32>
    %lt3A_868 = arith.cmpi slt, %sub3A_853, %lt3A_867 : vector<16xi32>
    %and3A_869 = arith.andi %and3A_865, %lt3A_868 : vector<16xi1>
    %jit3A_870 = arith.constant 0 : i32
    %jit3A_871 = arith.constant 95 : i32
    %max3A_872 = vector.broadcast %jit3A_870 : i32 to vector<16xi32>
    %max3A_873 = arith.maxsi %max3A_872, %sub3A_851 : vector<16xi32>
    %min3A_874 = vector.broadcast %jit3A_871 : i32 to vector<16xi32>
    %min3A_875 = arith.minsi %min3A_874, %max3A_873 : vector<16xi32>
    %jit3A_876 = arith.constant 0 : i32
    %jit3A_877 = arith.constant 95 : i32
    %max3A_878 = vector.broadcast %jit3A_876 : i32 to vector<16xi32>
    %max3A_879 = arith.maxsi %max3A_878, %sub3A_853 : vector<16xi32>
    %min3A_880 = vector.broadcast %jit3A_877 : i32 to vector<16xi32>
    %min3A_881 = arith.minsi %min3A_880, %max3A_879 : vector<16xi32>
    %add3A_882 = arith.constant 3 : i32
    %add3A_883 = vector.broadcast %add3A_882 : i32 to vector<16xi32>
    %add3A_884 = arith.addi %select_n3A_824, %add3A_883 : vector<16xi32>
    %gather3A_885 = tpu.vector_load_idx %arg7[%add3A_884] : memref<816xf32, #tpu.memory_space<vmem>>[vector<16xi32>], vector<16xf32>,
    %sub3A_886 = arith.constant 4 : i32
    %sub3A_887 = vector.broadcast %sub3A_886 : i32 to vector<16xi32>
    %sub3A_888 = arith.subi %select_n3A_824, %sub3A_887 : vector<16xi32>
    %max3A_889 = arith.constant 200 : i32
    %max3A_890 = vector.broadcast %max3A_889 : i32 to vector<16xi32>
    %max3A_891 = arith.maxsi %sub3A_888, %max3A_890 : vector<16xi32>
    %add3A_892 = arith.constant 3 : i32
    %add3A_893 = vector.broadcast %add3A_892 : i32 to vector<16xi32>
    %add3A_894 = arith.addi %max3A_891, %add3A_893 : vector<16xi32>
    %gather3A_895 = tpu.vector_load_idx %arg7[%add3A_894] : memref<816xf32, #tpu.memory_space<vmem>>[vector<16xi32>], vector<16xf32>,
    %sub3A_896 = arith.subf %gather3A_895, %gather3A_885 : vector<16xf32>
    %div3A_897 = arith.constant 5.000000e+01 : f32
    %div3A_898 = vector.broadcast %div3A_897 : f32 to vector<16xf32>
    %div3A_899 = arith.divf %sub3A_896, %div3A_898 : vector<16xf32>
    %exp3A_900 = math.exp %div3A_899 : vector<16xf32>
    %swap3A_901 = arith.constant 0 : index
    %swap3A_902 = tpu.vector_load %arg12[%swap3A_901] {strides = array<i32>} : memref<80xf32, #tpu.memory_space<vmem>>, vector<16xf32>,
    tpu.vector_store %arg12[%swap3A_901], %exp3A_900 {strides = array<i32>} : memref<80xf32, #tpu.memory_space<vmem>>, vector<16xf32>,
    %add3A_903 = arith.constant 16 : i32
    %add3A_904 = vector.broadcast %add3A_903 : i32 to vector<16xi32>
    %add3A_905 = arith.addi %add3A_904, %iota3A : vector<16xi32>
    %mul3A_906 = arith.constant 4 : i32
    %mul3A_907 = vector.broadcast %mul3A_906 : i32 to vector<16xi32>
    %mul3A_908 = arith.muli %mul3A_907, %add3A_905 : vector<16xi32>
    %add3A_909 = arith.constant 200 : i32
    %add3A_910 = vector.broadcast %add3A_909 : i32 to vector<16xi32>
    %add3A_911 = arith.addi %add3A_910, %mul3A_908 : vector<16xi32>
    %add3A_912 = arith.constant 16 : i32
    %add3A_913 = vector.broadcast %add3A_912 : i32 to vector<16xi32>
    %add3A_914 = arith.addi %add3A_913, %iota3A : vector<16xi32>
    %lt3A_915 = arith.constant 50 : i32
    %lt3A_916 = vector.broadcast %lt3A_915 : i32 to vector<16xi32>
    %lt3A_917 = arith.cmpi slt, %add3A_914, %lt3A_916 : vector<16xi32>
    %jit3A_918 = arith.constant 200 : i32
    %broadcast_in_dim3A_919 = vector.broadcast %jit3A_918 : i32 to vector<16xi32>
    %select_n3A_920 = arith.select %lt3A_917, %add3A_911, %broadcast_in_dim3A_919 : vector<16xi1>, vector<16xi32>
    %gather3A_921 = tpu.vector_load_idx %arg7[%select_n3A_920] : memref<816xf32, #tpu.memory_space<vmem>>[vector<16xi32>], vector<16xf32>,
    %convert_element_type3A_922 = arith.fptosi %gather3A_921 : vector<16xf32> to vector<16xi32>
    %add3A_923 = arith.constant 1 : i32
    %add3A_924 = vector.broadcast %add3A_923 : i32 to vector<16xi32>
    %add3A_925 = arith.addi %select_n3A_920, %add3A_924 : vector<16xi32>
    %gather3A_926 = tpu.vector_load_idx %arg7[%add3A_925] : memref<816xf32, #tpu.memory_space<vmem>>[vector<16xi32>], vector<16xf32>,
    %convert_element_type3A_927 = arith.fptosi %gather3A_926 : vector<16xf32> to vector<16xi32>
    %add3A_928 = arith.constant 2 : i32
    %add3A_929 = vector.broadcast %add3A_928 : i32 to vector<16xi32>
    %add3A_930 = arith.addi %select_n3A_920, %add3A_929 : vector<16xi32>
    %gather3A_931 = tpu.vector_load_idx %arg7[%add3A_930] : memref<816xf32, #tpu.memory_space<vmem>>[vector<16xi32>], vector<16xf32>,
    %convert_element_type3A_932 = arith.fptosi %gather3A_931 : vector<16xf32> to vector<16xi32>
    %mul3A_933 = arith.constant 128 : i32
    %mul3A_934 = vector.broadcast %mul3A_933 : i32 to vector<16xi32>
    %mul3A_935 = arith.muli %convert_element_type3A_932, %mul3A_934 : vector<16xi32>
    %add3A_936 = arith.addi %mul3A_935, %convert_element_type3A_922 : vector<16xi32>
    %mul3A_937 = arith.constant 128 : i32
    %mul3A_938 = vector.broadcast %mul3A_937 : i32 to vector<16xi32>
    %mul3A_939 = arith.muli %add3A_936, %mul3A_938 : vector<16xi32>
    %add3A_940 = arith.addi %mul3A_939, %convert_element_type3A_927 : vector<16xi32>
    %jit3A_941 = arith.constant -1 : i32
    %broadcast_in_dim3A_942 = vector.broadcast %jit3A_941 : i32 to vector<16xi32>
    %select_n3A_943 = arith.select %lt3A_917, %add3A_940, %broadcast_in_dim3A_942 : vector<16xi1>, vector<16xi32>
    %swap3A_944 = arith.constant 16 : index
    %swap3A_945 = tpu.vector_load %arg11[%swap3A_944] {strides = array<i32>} : memref<80xi32, #tpu.memory_space<vmem>>, vector<16xi32>,
    tpu.vector_store %arg11[%swap3A_944], %select_n3A_943 {strides = array<i32>} : memref<80xi32, #tpu.memory_space<vmem>>, vector<16xi32>,
    %sub3A_946 = vector.broadcast %squeeze3A : i32 to vector<16xi32>
    %sub3A_947 = arith.subi %convert_element_type3A_922, %sub3A_946 : vector<16xi32>
    %sub3A_948 = vector.broadcast %squeeze3A : i32 to vector<16xi32>
    %sub3A_949 = arith.subi %convert_element_type3A_927, %sub3A_948 : vector<16xi32>
    %ge3A_950 = arith.constant 0 : i32
    %ge3A_951 = vector.broadcast %ge3A_950 : i32 to vector<16xi32>
    %ge3A_952 = arith.cmpi sge, %sub3A_947, %ge3A_951 : vector<16xi32>
    %and3A_953 = arith.andi %lt3A_917, %ge3A_952 : vector<16xi1>
    %lt3A_954 = arith.constant 96 : i32
    %lt3A_955 = vector.broadcast %lt3A_954 : i32 to vector<16xi32>
    %lt3A_956 = arith.cmpi slt, %sub3A_947, %lt3A_955 : vector<16xi32>
    %and3A_957 = arith.andi %and3A_953, %lt3A_956 : vector<16xi1>
    %ge3A_958 = arith.constant 0 : i32
    %ge3A_959 = vector.broadcast %ge3A_958 : i32 to vector<16xi32>
    %ge3A_960 = arith.cmpi sge, %sub3A_949, %ge3A_959 : vector<16xi32>
    %and3A_961 = arith.andi %and3A_957, %ge3A_960 : vector<16xi1>
    %lt3A_962 = arith.constant 96 : i32
    %lt3A_963 = vector.broadcast %lt3A_962 : i32 to vector<16xi32>
    %lt3A_964 = arith.cmpi slt, %sub3A_949, %lt3A_963 : vector<16xi32>
    %and3A_965 = arith.andi %and3A_961, %lt3A_964 : vector<16xi1>
    %jit3A_966 = arith.constant 0 : i32
    %jit3A_967 = arith.constant 95 : i32
    %max3A_968 = vector.broadcast %jit3A_966 : i32 to vector<16xi32>
    %max3A_969 = arith.maxsi %max3A_968, %sub3A_947 : vector<16xi32>
    %min3A_970 = vector.broadcast %jit3A_967 : i32 to vector<16xi32>
    %min3A_971 = arith.minsi %min3A_970, %max3A_969 : vector<16xi32>
    %jit3A_972 = arith.constant 0 : i32
    %jit3A_973 = arith.constant 95 : i32
    %max3A_974 = vector.broadcast %jit3A_972 : i32 to vector<16xi32>
    %max3A_975 = arith.maxsi %max3A_974, %sub3A_949 : vector<16xi32>
    %min3A_976 = vector.broadcast %jit3A_973 : i32 to vector<16xi32>
    %min3A_977 = arith.minsi %min3A_976, %max3A_975 : vector<16xi32>
    %add3A_978 = arith.constant 3 : i32
    %add3A_979 = vector.broadcast %add3A_978 : i32 to vector<16xi32>
    %add3A_980 = arith.addi %select_n3A_920, %add3A_979 : vector<16xi32>
    %gather3A_981 = tpu.vector_load_idx %arg7[%add3A_980] : memref<816xf32, #tpu.memory_space<vmem>>[vector<16xi32>], vector<16xf32>,
    %sub3A_982 = arith.constant 4 : i32
    %sub3A_983 = vector.broadcast %sub3A_982 : i32 to vector<16xi32>
    %sub3A_984 = arith.subi %select_n3A_920, %sub3A_983 : vector<16xi32>
    %max3A_985 = arith.constant 200 : i32
    %max3A_986 = vector.broadcast %max3A_985 : i32 to vector<16xi32>
    %max3A_987 = arith.maxsi %sub3A_984, %max3A_986 : vector<16xi32>
    %add3A_988 = arith.constant 3 : i32
    %add3A_989 = vector.broadcast %add3A_988 : i32 to vector<16xi32>
    %add3A_990 = arith.addi %max3A_987, %add3A_989 : vector<16xi32>
    %gather3A_991 = tpu.vector_load_idx %arg7[%add3A_990] : memref<816xf32, #tpu.memory_space<vmem>>[vector<16xi32>], vector<16xf32>,
    %sub3A_992 = arith.subf %gather3A_991, %gather3A_981 : vector<16xf32>
    %div3A_993 = arith.constant 5.000000e+01 : f32
    %div3A_994 = vector.broadcast %div3A_993 : f32 to vector<16xf32>
    %div3A_995 = arith.divf %sub3A_992, %div3A_994 : vector<16xf32>
    %exp3A_996 = math.exp %div3A_995 : vector<16xf32>
    %swap3A_997 = arith.constant 16 : index
    %swap3A_998 = tpu.vector_load %arg12[%swap3A_997] {strides = array<i32>} : memref<80xf32, #tpu.memory_space<vmem>>, vector<16xf32>,
    tpu.vector_store %arg12[%swap3A_997], %exp3A_996 {strides = array<i32>} : memref<80xf32, #tpu.memory_space<vmem>>, vector<16xf32>,
    %add3A_999 = arith.constant 32 : i32
    %add3A_1000 = vector.broadcast %add3A_999 : i32 to vector<16xi32>
    %add3A_1001 = arith.addi %add3A_1000, %iota3A : vector<16xi32>
    %mul3A_1002 = arith.constant 4 : i32
    %mul3A_1003 = vector.broadcast %mul3A_1002 : i32 to vector<16xi32>
    %mul3A_1004 = arith.muli %mul3A_1003, %add3A_1001 : vector<16xi32>
    %add3A_1005 = arith.constant 200 : i32
    %add3A_1006 = vector.broadcast %add3A_1005 : i32 to vector<16xi32>
    %add3A_1007 = arith.addi %add3A_1006, %mul3A_1004 : vector<16xi32>
    %add3A_1008 = arith.constant 32 : i32
    %add3A_1009 = vector.broadcast %add3A_1008 : i32 to vector<16xi32>
    %add3A_1010 = arith.addi %add3A_1009, %iota3A : vector<16xi32>
    %lt3A_1011 = arith.constant 50 : i32
    %lt3A_1012 = vector.broadcast %lt3A_1011 : i32 to vector<16xi32>
    %lt3A_1013 = arith.cmpi slt, %add3A_1010, %lt3A_1012 : vector<16xi32>
    %jit3A_1014 = arith.constant 200 : i32
    %broadcast_in_dim3A_1015 = vector.broadcast %jit3A_1014 : i32 to vector<16xi32>
    %select_n3A_1016 = arith.select %lt3A_1013, %add3A_1007, %broadcast_in_dim3A_1015 : vector<16xi1>, vector<16xi32>
    %gather3A_1017 = tpu.vector_load_idx %arg7[%select_n3A_1016] : memref<816xf32, #tpu.memory_space<vmem>>[vector<16xi32>], vector<16xf32>,
    %convert_element_type3A_1018 = arith.fptosi %gather3A_1017 : vector<16xf32> to vector<16xi32>
    %add3A_1019 = arith.constant 1 : i32
    %add3A_1020 = vector.broadcast %add3A_1019 : i32 to vector<16xi32>
    %add3A_1021 = arith.addi %select_n3A_1016, %add3A_1020 : vector<16xi32>
    %gather3A_1022 = tpu.vector_load_idx %arg7[%add3A_1021] : memref<816xf32, #tpu.memory_space<vmem>>[vector<16xi32>], vector<16xf32>,
    %convert_element_type3A_1023 = arith.fptosi %gather3A_1022 : vector<16xf32> to vector<16xi32>
    %add3A_1024 = arith.constant 2 : i32
    %add3A_1025 = vector.broadcast %add3A_1024 : i32 to vector<16xi32>
    %add3A_1026 = arith.addi %select_n3A_1016, %add3A_1025 : vector<16xi32>
    %gather3A_1027 = tpu.vector_load_idx %arg7[%add3A_1026] : memref<816xf32, #tpu.memory_space<vmem>>[vector<16xi32>], vector<16xf32>,
    %convert_element_type3A_1028 = arith.fptosi %gather3A_1027 : vector<16xf32> to vector<16xi32>
    %mul3A_1029 = arith.constant 128 : i32
    %mul3A_1030 = vector.broadcast %mul3A_1029 : i32 to vector<16xi32>
    %mul3A_1031 = arith.muli %convert_element_type3A_1028, %mul3A_1030 : vector<16xi32>
    %add3A_1032 = arith.addi %mul3A_1031, %convert_element_type3A_1018 : vector<16xi32>
    %mul3A_1033 = arith.constant 128 : i32
    %mul3A_1034 = vector.broadcast %mul3A_1033 : i32 to vector<16xi32>
    %mul3A_1035 = arith.muli %add3A_1032, %mul3A_1034 : vector<16xi32>
    %add3A_1036 = arith.addi %mul3A_1035, %convert_element_type3A_1023 : vector<16xi32>
    %jit3A_1037 = arith.constant -1 : i32
    %broadcast_in_dim3A_1038 = vector.broadcast %jit3A_1037 : i32 to vector<16xi32>
    %select_n3A_1039 = arith.select %lt3A_1013, %add3A_1036, %broadcast_in_dim3A_1038 : vector<16xi1>, vector<16xi32>
    %swap3A_1040 = arith.constant 32 : index
    %swap3A_1041 = tpu.vector_load %arg11[%swap3A_1040] {strides = array<i32>} : memref<80xi32, #tpu.memory_space<vmem>>, vector<16xi32>,
    tpu.vector_store %arg11[%swap3A_1040], %select_n3A_1039 {strides = array<i32>} : memref<80xi32, #tpu.memory_space<vmem>>, vector<16xi32>,
    %sub3A_1042 = vector.broadcast %squeeze3A : i32 to vector<16xi32>
    %sub3A_1043 = arith.subi %convert_element_type3A_1018, %sub3A_1042 : vector<16xi32>
    %sub3A_1044 = vector.broadcast %squeeze3A : i32 to vector<16xi32>
    %sub3A_1045 = arith.subi %convert_element_type3A_1023, %sub3A_1044 : vector<16xi32>
    %ge3A_1046 = arith.constant 0 : i32
    %ge3A_1047 = vector.broadcast %ge3A_1046 : i32 to vector<16xi32>
    %ge3A_1048 = arith.cmpi sge, %sub3A_1043, %ge3A_1047 : vector<16xi32>
    %and3A_1049 = arith.andi %lt3A_1013, %ge3A_1048 : vector<16xi1>
    %lt3A_1050 = arith.constant 96 : i32
    %lt3A_1051 = vector.broadcast %lt3A_1050 : i32 to vector<16xi32>
    %lt3A_1052 = arith.cmpi slt, %sub3A_1043, %lt3A_1051 : vector<16xi32>
    %and3A_1053 = arith.andi %and3A_1049, %lt3A_1052 : vector<16xi1>
    %ge3A_1054 = arith.constant 0 : i32
    %ge3A_1055 = vector.broadcast %ge3A_1054 : i32 to vector<16xi32>
    %ge3A_1056 = arith.cmpi sge, %sub3A_1045, %ge3A_1055 : vector<16xi32>
    %and3A_1057 = arith.andi %and3A_1053, %ge3A_1056 : vector<16xi1>
    %lt3A_1058 = arith.constant 96 : i32
    %lt3A_1059 = vector.broadcast %lt3A_1058 : i32 to vector<16xi32>
    %lt3A_1060 = arith.cmpi slt, %sub3A_1045, %lt3A_1059 : vector<16xi32>
    %and3A_1061 = arith.andi %and3A_1057, %lt3A_1060 : vector<16xi1>
    %jit3A_1062 = arith.constant 0 : i32
    %jit3A_1063 = arith.constant 95 : i32
    %max3A_1064 = vector.broadcast %jit3A_1062 : i32 to vector<16xi32>
    %max3A_1065 = arith.maxsi %max3A_1064, %sub3A_1043 : vector<16xi32>
    %min3A_1066 = vector.broadcast %jit3A_1063 : i32 to vector<16xi32>
    %min3A_1067 = arith.minsi %min3A_1066, %max3A_1065 : vector<16xi32>
    %jit3A_1068 = arith.constant 0 : i32
    %jit3A_1069 = arith.constant 95 : i32
    %max3A_1070 = vector.broadcast %jit3A_1068 : i32 to vector<16xi32>
    %max3A_1071 = arith.maxsi %max3A_1070, %sub3A_1045 : vector<16xi32>
    %min3A_1072 = vector.broadcast %jit3A_1069 : i32 to vector<16xi32>
    %min3A_1073 = arith.minsi %min3A_1072, %max3A_1071 : vector<16xi32>
    %add3A_1074 = arith.constant 3 : i32
    %add3A_1075 = vector.broadcast %add3A_1074 : i32 to vector<16xi32>
    %add3A_1076 = arith.addi %select_n3A_1016, %add3A_1075 : vector<16xi32>
    %gather3A_1077 = tpu.vector_load_idx %arg7[%add3A_1076] : memref<816xf32, #tpu.memory_space<vmem>>[vector<16xi32>], vector<16xf32>,
    %sub3A_1078 = arith.constant 4 : i32
    %sub3A_1079 = vector.broadcast %sub3A_1078 : i32 to vector<16xi32>
    %sub3A_1080 = arith.subi %select_n3A_1016, %sub3A_1079 : vector<16xi32>
    %max3A_1081 = arith.constant 200 : i32
    %max3A_1082 = vector.broadcast %max3A_1081 : i32 to vector<16xi32>
    %max3A_1083 = arith.maxsi %sub3A_1080, %max3A_1082 : vector<16xi32>
    %add3A_1084 = arith.constant 3 : i32
    %add3A_1085 = vector.broadcast %add3A_1084 : i32 to vector<16xi32>
    %add3A_1086 = arith.addi %max3A_1083, %add3A_1085 : vector<16xi32>
    %gather3A_1087 = tpu.vector_load_idx %arg7[%add3A_1086] : memref<816xf32, #tpu.memory_space<vmem>>[vector<16xi32>], vector<16xf32>,
    %sub3A_1088 = arith.subf %gather3A_1087, %gather3A_1077 : vector<16xf32>
    %div3A_1089 = arith.constant 5.000000e+01 : f32
    %div3A_1090 = vector.broadcast %div3A_1089 : f32 to vector<16xf32>
    %div3A_1091 = arith.divf %sub3A_1088, %div3A_1090 : vector<16xf32>
    %exp3A_1092 = math.exp %div3A_1091 : vector<16xf32>
    %swap3A_1093 = arith.constant 32 : index
    %swap3A_1094 = tpu.vector_load %arg12[%swap3A_1093] {strides = array<i32>} : memref<80xf32, #tpu.memory_space<vmem>>, vector<16xf32>,
    tpu.vector_store %arg12[%swap3A_1093], %exp3A_1092 {strides = array<i32>} : memref<80xf32, #tpu.memory_space<vmem>>, vector<16xf32>,
    %add3A_1095 = arith.constant 48 : i32
    %add3A_1096 = vector.broadcast %add3A_1095 : i32 to vector<16xi32>
    %add3A_1097 = arith.addi %add3A_1096, %iota3A : vector<16xi32>
    %mul3A_1098 = arith.constant 4 : i32
    %mul3A_1099 = vector.broadcast %mul3A_1098 : i32 to vector<16xi32>
    %mul3A_1100 = arith.muli %mul3A_1099, %add3A_1097 : vector<16xi32>
    %add3A_1101 = arith.constant 200 : i32
    %add3A_1102 = vector.broadcast %add3A_1101 : i32 to vector<16xi32>
    %add3A_1103 = arith.addi %add3A_1102, %mul3A_1100 : vector<16xi32>
    %add3A_1104 = arith.constant 48 : i32
    %add3A_1105 = vector.broadcast %add3A_1104 : i32 to vector<16xi32>
    %add3A_1106 = arith.addi %add3A_1105, %iota3A : vector<16xi32>
    %lt3A_1107 = arith.constant 50 : i32
    %lt3A_1108 = vector.broadcast %lt3A_1107 : i32 to vector<16xi32>
    %lt3A_1109 = arith.cmpi slt, %add3A_1106, %lt3A_1108 : vector<16xi32>
    %jit3A_1110 = arith.constant 200 : i32
    %broadcast_in_dim3A_1111 = vector.broadcast %jit3A_1110 : i32 to vector<16xi32>
    %select_n3A_1112 = arith.select %lt3A_1109, %add3A_1103, %broadcast_in_dim3A_1111 : vector<16xi1>, vector<16xi32>
    %gather3A_1113 = tpu.vector_load_idx %arg7[%select_n3A_1112] : memref<816xf32, #tpu.memory_space<vmem>>[vector<16xi32>], vector<16xf32>,
    %convert_element_type3A_1114 = arith.fptosi %gather3A_1113 : vector<16xf32> to vector<16xi32>
    %add3A_1115 = arith.constant 1 : i32
    %add3A_1116 = vector.broadcast %add3A_1115 : i32 to vector<16xi32>
    %add3A_1117 = arith.addi %select_n3A_1112, %add3A_1116 : vector<16xi32>
    %gather3A_1118 = tpu.vector_load_idx %arg7[%add3A_1117] : memref<816xf32, #tpu.memory_space<vmem>>[vector<16xi32>], vector<16xf32>,
    %convert_element_type3A_1119 = arith.fptosi %gather3A_1118 : vector<16xf32> to vector<16xi32>
    %add3A_1120 = arith.constant 2 : i32
    %add3A_1121 = vector.broadcast %add3A_1120 : i32 to vector<16xi32>
    %add3A_1122 = arith.addi %select_n3A_1112, %add3A_1121 : vector<16xi32>
    %gather3A_1123 = tpu.vector_load_idx %arg7[%add3A_1122] : memref<816xf32, #tpu.memory_space<vmem>>[vector<16xi32>], vector<16xf32>,
    %convert_element_type3A_1124 = arith.fptosi %gather3A_1123 : vector<16xf32> to vector<16xi32>
    %mul3A_1125 = arith.constant 128 : i32
    %mul3A_1126 = vector.broadcast %mul3A_1125 : i32 to vector<16xi32>
    %mul3A_1127 = arith.muli %convert_element_type3A_1124, %mul3A_1126 : vector<16xi32>
    %add3A_1128 = arith.addi %mul3A_1127, %convert_element_type3A_1114 : vector<16xi32>
    %mul3A_1129 = arith.constant 128 : i32
    %mul3A_1130 = vector.broadcast %mul3A_1129 : i32 to vector<16xi32>
    %mul3A_1131 = arith.muli %add3A_1128, %mul3A_1130 : vector<16xi32>
    %add3A_1132 = arith.addi %mul3A_1131, %convert_element_type3A_1119 : vector<16xi32>
    %jit3A_1133 = arith.constant -1 : i32
    %broadcast_in_dim3A_1134 = vector.broadcast %jit3A_1133 : i32 to vector<16xi32>
    %select_n3A_1135 = arith.select %lt3A_1109, %add3A_1132, %broadcast_in_dim3A_1134 : vector<16xi1>, vector<16xi32>
    %swap3A_1136 = arith.constant 48 : index
    %swap3A_1137 = tpu.vector_load %arg11[%swap3A_1136] {strides = array<i32>} : memref<80xi32, #tpu.memory_space<vmem>>, vector<16xi32>,
    tpu.vector_store %arg11[%swap3A_1136], %select_n3A_1135 {strides = array<i32>} : memref<80xi32, #tpu.memory_space<vmem>>, vector<16xi32>,
    %sub3A_1138 = vector.broadcast %squeeze3A : i32 to vector<16xi32>
    %sub3A_1139 = arith.subi %convert_element_type3A_1114, %sub3A_1138 : vector<16xi32>
    %sub3A_1140 = vector.broadcast %squeeze3A : i32 to vector<16xi32>
    %sub3A_1141 = arith.subi %convert_element_type3A_1119, %sub3A_1140 : vector<16xi32>
    %ge3A_1142 = arith.constant 0 : i32
    %ge3A_1143 = vector.broadcast %ge3A_1142 : i32 to vector<16xi32>
    %ge3A_1144 = arith.cmpi sge, %sub3A_1139, %ge3A_1143 : vector<16xi32>
    %and3A_1145 = arith.andi %lt3A_1109, %ge3A_1144 : vector<16xi1>
    %lt3A_1146 = arith.constant 96 : i32
    %lt3A_1147 = vector.broadcast %lt3A_1146 : i32 to vector<16xi32>
    %lt3A_1148 = arith.cmpi slt, %sub3A_1139, %lt3A_1147 : vector<16xi32>
    %and3A_1149 = arith.andi %and3A_1145, %lt3A_1148 : vector<16xi1>
    %ge3A_1150 = arith.constant 0 : i32
    %ge3A_1151 = vector.broadcast %ge3A_1150 : i32 to vector<16xi32>
    %ge3A_1152 = arith.cmpi sge, %sub3A_1141, %ge3A_1151 : vector<16xi32>
    %and3A_1153 = arith.andi %and3A_1149, %ge3A_1152 : vector<16xi1>
    %lt3A_1154 = arith.constant 96 : i32
    %lt3A_1155 = vector.broadcast %lt3A_1154 : i32 to vector<16xi32>
    %lt3A_1156 = arith.cmpi slt, %sub3A_1141, %lt3A_1155 : vector<16xi32>
    %and3A_1157 = arith.andi %and3A_1153, %lt3A_1156 : vector<16xi1>
    %jit3A_1158 = arith.constant 0 : i32
    %jit3A_1159 = arith.constant 95 : i32
    %max3A_1160 = vector.broadcast %jit3A_1158 : i32 to vector<16xi32>
    %max3A_1161 = arith.maxsi %max3A_1160, %sub3A_1139 : vector<16xi32>
    %min3A_1162 = vector.broadcast %jit3A_1159 : i32 to vector<16xi32>
    %min3A_1163 = arith.minsi %min3A_1162, %max3A_1161 : vector<16xi32>
    %jit3A_1164 = arith.constant 0 : i32
    %jit3A_1165 = arith.constant 95 : i32
    %max3A_1166 = vector.broadcast %jit3A_1164 : i32 to vector<16xi32>
    %max3A_1167 = arith.maxsi %max3A_1166, %sub3A_1141 : vector<16xi32>
    %min3A_1168 = vector.broadcast %jit3A_1165 : i32 to vector<16xi32>
    %min3A_1169 = arith.minsi %min3A_1168, %max3A_1167 : vector<16xi32>
    %add3A_1170 = arith.constant 3 : i32
    %add3A_1171 = vector.broadcast %add3A_1170 : i32 to vector<16xi32>
    %add3A_1172 = arith.addi %select_n3A_1112, %add3A_1171 : vector<16xi32>
    %gather3A_1173 = tpu.vector_load_idx %arg7[%add3A_1172] : memref<816xf32, #tpu.memory_space<vmem>>[vector<16xi32>], vector<16xf32>,
    %sub3A_1174 = arith.constant 4 : i32
    %sub3A_1175 = vector.broadcast %sub3A_1174 : i32 to vector<16xi32>
    %sub3A_1176 = arith.subi %select_n3A_1112, %sub3A_1175 : vector<16xi32>
    %max3A_1177 = arith.constant 200 : i32
    %max3A_1178 = vector.broadcast %max3A_1177 : i32 to vector<16xi32>
    %max3A_1179 = arith.maxsi %sub3A_1176, %max3A_1178 : vector<16xi32>
    %add3A_1180 = arith.constant 3 : i32
    %add3A_1181 = vector.broadcast %add3A_1180 : i32 to vector<16xi32>
    %add3A_1182 = arith.addi %max3A_1179, %add3A_1181 : vector<16xi32>
    %gather3A_1183 = tpu.vector_load_idx %arg7[%add3A_1182] : memref<816xf32, #tpu.memory_space<vmem>>[vector<16xi32>], vector<16xf32>,
    %sub3A_1184 = arith.subf %gather3A_1183, %gather3A_1173 : vector<16xf32>
    %div3A_1185 = arith.constant 5.000000e+01 : f32
    %div3A_1186 = vector.broadcast %div3A_1185 : f32 to vector<16xf32>
    %div3A_1187 = arith.divf %sub3A_1184, %div3A_1186 : vector<16xf32>
    %exp3A_1188 = math.exp %div3A_1187 : vector<16xf32>
    %swap3A_1189 = arith.constant 48 : index
    %swap3A_1190 = tpu.vector_load %arg12[%swap3A_1189] {strides = array<i32>} : memref<80xf32, #tpu.memory_space<vmem>>, vector<16xf32>,
    tpu.vector_store %arg12[%swap3A_1189], %exp3A_1188 {strides = array<i32>} : memref<80xf32, #tpu.memory_space<vmem>>, vector<16xf32>,
    %get3A_1191 = arith.constant 0 : index
    %get3A_1192 = tpu.vector_load %arg11[%get3A_1191] {strides = array<i32>} : memref<80xi32, #tpu.memory_space<vmem>>, vector<16xi32>,
    %slice3A_1193 = vector.extract_strided_slice %get3A_1192 {offsets = [0], sizes = [1], strides = [1]} : vector<16xi32> to vector<1xi32>
    %squeeze3A_1194 = vector.extract %slice3A_1193[0] : i32 from vector<1xi32>
    %get3A_1195 = arith.constant 50 : index
    %get3A_1196 = tpu.vector_load %arg8[%get3A_1195] {strides = array<i32>} : memref<216xi32, #tpu.memory_space<vmem>>, vector<16xi32>,
    %slice3A_1197 = vector.extract_strided_slice %get3A_1196 {offsets = [0], sizes = [1], strides = [1]} : vector<16xi32> to vector<1xi32>
    %squeeze3A_1198 = vector.extract %slice3A_1197[0] : i32 from vector<1xi32>
    %eq3A_1199 = arith.constant 0 : i32
    %eq3A_1200 = arith.cmpi eq, %squeeze3A_1198, %eq3A_1199 : i32
    %jit3A_1201 = arith.constant 3.000000e-01 : f32
    %jit3A_1202 = arith.constant 0.000000e+00 : f32
    %select_n3A_1203 = arith.select %eq3A_1200, %jit3A_1201, %jit3A_1202 : f32
    %eq3A_1204 = vector.broadcast %squeeze3A_1194 : i32 to vector<16xi32>
    %eq3A_1205 = arith.cmpi eq, %select_n3A_847, %eq3A_1204 : vector<16xi32>
    %jit3A_1206 = arith.constant 0.000000e+00 : f32
    %broadcast_in_dim3A_1207 = vector.broadcast %select_n3A_1203 : f32 to vector<16xf32>
    %broadcast_in_dim3A_1208 = vector.broadcast %jit3A_1206 : f32 to vector<16xf32>
    %select_n3A_1209 = arith.select %eq3A_1205, %broadcast_in_dim3A_1207, %broadcast_in_dim3A_1208 : vector<16xi1>, vector<16xf32>
    %swap3A_1210 = arith.constant 0 : index
    %swap3A_1211 = tpu.vector_load %arg13[%swap3A_1210] {strides = array<i32>} : memref<80xf32, #tpu.memory_space<vmem>>, vector<16xf32>,
    tpu.vector_store %arg13[%swap3A_1210], %select_n3A_1209 {strides = array<i32>} : memref<80xf32, #tpu.memory_space<vmem>>, vector<16xf32>,
    %jit3A_1212 = arith.constant 3.000000e-01 : f32
    %jit3A_1213 = arith.constant 0.000000e+00 : f32
    %broadcast_in_dim3A_1214 = vector.broadcast %jit3A_1212 : f32 to vector<16xf32>
    %broadcast_in_dim3A_1215 = vector.broadcast %jit3A_1213 : f32 to vector<16xf32>
    %select_n3A_1216 = arith.select %eq3A_1205, %broadcast_in_dim3A_1214, %broadcast_in_dim3A_1215 : vector<16xi1>, vector<16xf32>
    %swap3A_1217 = arith.constant 0 : index
    %swap3A_1218 = tpu.vector_load %arg14[%swap3A_1217] {strides = array<i32>} : memref<256xf32, #tpu.memory_space<vmem>>, vector<16xf32>,
    tpu.vector_store %arg14[%swap3A_1217], %select_n3A_1216 {strides = array<i32>} : memref<256xf32, #tpu.memory_space<vmem>>, vector<16xf32>,
    %swap3A_1219 = arith.constant 64 : index
    %swap3A_1220 = tpu.vector_load %arg14[%swap3A_1219] {strides = array<i32>} : memref<256xf32, #tpu.memory_space<vmem>>, vector<16xf32>,
    tpu.vector_store %arg14[%swap3A_1219], %broadcast_in_dim3A_9 {strides = array<i32>} : memref<256xf32, #tpu.memory_space<vmem>>, vector<16xf32>,
    %swap3A_1221 = arith.constant 128 : index
    %swap3A_1222 = tpu.vector_load %arg14[%swap3A_1221] {strides = array<i32>} : memref<256xf32, #tpu.memory_space<vmem>>, vector<16xf32>,
    tpu.vector_store %arg14[%swap3A_1221], %broadcast_in_dim3A_9 {strides = array<i32>} : memref<256xf32, #tpu.memory_space<vmem>>, vector<16xf32>,
    %swap3A_1223 = arith.constant 192 : index
    %swap3A_1224 = tpu.vector_load %arg14[%swap3A_1223] {strides = array<i32>} : memref<256xf32, #tpu.memory_space<vmem>>, vector<16xf32>,
    tpu.vector_store %arg14[%swap3A_1223], %broadcast_in_dim3A_9 {strides = array<i32>} : memref<256xf32, #tpu.memory_space<vmem>>, vector<16xf32>,
    %eq3A_1225 = vector.broadcast %squeeze3A_1194 : i32 to vector<16xi32>
    %eq3A_1226 = arith.cmpi eq, %select_n3A_943, %eq3A_1225 : vector<16xi32>
    %jit3A_1227 = arith.constant 0.000000e+00 : f32
    %broadcast_in_dim3A_1228 = vector.broadcast %select_n3A_1203 : f32 to vector<16xf32>
    %broadcast_in_dim3A_1229 = vector.broadcast %jit3A_1227 : f32 to vector<16xf32>
    %select_n3A_1230 = arith.select %eq3A_1226, %broadcast_in_dim3A_1228, %broadcast_in_dim3A_1229 : vector<16xi1>, vector<16xf32>
    %swap3A_1231 = arith.constant 16 : index
    %swap3A_1232 = tpu.vector_load %arg13[%swap3A_1231] {strides = array<i32>} : memref<80xf32, #tpu.memory_space<vmem>>, vector<16xf32>,
    tpu.vector_store %arg13[%swap3A_1231], %select_n3A_1230 {strides = array<i32>} : memref<80xf32, #tpu.memory_space<vmem>>, vector<16xf32>,
    %jit3A_1233 = arith.constant 3.000000e-01 : f32
    %jit3A_1234 = arith.constant 0.000000e+00 : f32
    %broadcast_in_dim3A_1235 = vector.broadcast %jit3A_1233 : f32 to vector<16xf32>
    %broadcast_in_dim3A_1236 = vector.broadcast %jit3A_1234 : f32 to vector<16xf32>
    %select_n3A_1237 = arith.select %eq3A_1226, %broadcast_in_dim3A_1235, %broadcast_in_dim3A_1236 : vector<16xi1>, vector<16xf32>
    %swap3A_1238 = arith.constant 16 : index
    %swap3A_1239 = tpu.vector_load %arg14[%swap3A_1238] {strides = array<i32>} : memref<256xf32, #tpu.memory_space<vmem>>, vector<16xf32>,
    tpu.vector_store %arg14[%swap3A_1238], %select_n3A_1237 {strides = array<i32>} : memref<256xf32, #tpu.memory_space<vmem>>, vector<16xf32>,
    %swap3A_1240 = arith.constant 80 : index
    %swap3A_1241 = tpu.vector_load %arg14[%swap3A_1240] {strides = array<i32>} : memref<256xf32, #tpu.memory_space<vmem>>, vector<16xf32>,
    tpu.vector_store %arg14[%swap3A_1240], %broadcast_in_dim3A_9 {strides = array<i32>} : memref<256xf32, #tpu.memory_space<vmem>>, vector<16xf32>,
    %swap3A_1242 = arith.constant 144 : index
    %swap3A_1243 = tpu.vector_load %arg14[%swap3A_1242] {strides = array<i32>} : memref<256xf32, #tpu.memory_space<vmem>>, vector<16xf32>,
    tpu.vector_store %arg14[%swap3A_1242], %broadcast_in_dim3A_9 {strides = array<i32>} : memref<256xf32, #tpu.memory_space<vmem>>, vector<16xf32>,
    %swap3A_1244 = arith.constant 208 : index
    %swap3A_1245 = tpu.vector_load %arg14[%swap3A_1244] {strides = array<i32>} : memref<256xf32, #tpu.memory_space<vmem>>, vector<16xf32>,
    tpu.vector_store %arg14[%swap3A_1244], %broadcast_in_dim3A_9 {strides = array<i32>} : memref<256xf32, #tpu.memory_space<vmem>>, vector<16xf32>,
    %eq3A_1246 = vector.broadcast %squeeze3A_1194 : i32 to vector<16xi32>
    %eq3A_1247 = arith.cmpi eq, %select_n3A_1039, %eq3A_1246 : vector<16xi32>
    %jit3A_1248 = arith.constant 0.000000e+00 : f32
    %broadcast_in_dim3A_1249 = vector.broadcast %select_n3A_1203 : f32 to vector<16xf32>
    %broadcast_in_dim3A_1250 = vector.broadcast %jit3A_1248 : f32 to vector<16xf32>
    %select_n3A_1251 = arith.select %eq3A_1247, %broadcast_in_dim3A_1249, %broadcast_in_dim3A_1250 : vector<16xi1>, vector<16xf32>
    %swap3A_1252 = arith.constant 32 : index
    %swap3A_1253 = tpu.vector_load %arg13[%swap3A_1252] {strides = array<i32>} : memref<80xf32, #tpu.memory_space<vmem>>, vector<16xf32>,
    tpu.vector_store %arg13[%swap3A_1252], %select_n3A_1251 {strides = array<i32>} : memref<80xf32, #tpu.memory_space<vmem>>, vector<16xf32>,
    %jit3A_1254 = arith.constant 3.000000e-01 : f32
    %jit3A_1255 = arith.constant 0.000000e+00 : f32
    %broadcast_in_dim3A_1256 = vector.broadcast %jit3A_1254 : f32 to vector<16xf32>
    %broadcast_in_dim3A_1257 = vector.broadcast %jit3A_1255 : f32 to vector<16xf32>
    %select_n3A_1258 = arith.select %eq3A_1247, %broadcast_in_dim3A_1256, %broadcast_in_dim3A_1257 : vector<16xi1>, vector<16xf32>
    %swap3A_1259 = arith.constant 32 : index
    %swap3A_1260 = tpu.vector_load %arg14[%swap3A_1259] {strides = array<i32>} : memref<256xf32, #tpu.memory_space<vmem>>, vector<16xf32>,
    tpu.vector_store %arg14[%swap3A_1259], %select_n3A_1258 {strides = array<i32>} : memref<256xf32, #tpu.memory_space<vmem>>, vector<16xf32>,
    %swap3A_1261 = arith.constant 96 : index
    %swap3A_1262 = tpu.vector_load %arg14[%swap3A_1261] {strides = array<i32>} : memref<256xf32, #tpu.memory_space<vmem>>, vector<16xf32>,
    tpu.vector_store %arg14[%swap3A_1261], %broadcast_in_dim3A_9 {strides = array<i32>} : memref<256xf32, #tpu.memory_space<vmem>>, vector<16xf32>,
    %swap3A_1263 = arith.constant 160 : index
    %swap3A_1264 = tpu.vector_load %arg14[%swap3A_1263] {strides = array<i32>} : memref<256xf32, #tpu.memory_space<vmem>>, vector<16xf32>,
    tpu.vector_store %arg14[%swap3A_1263], %broadcast_in_dim3A_9 {strides = array<i32>} : memref<256xf32, #tpu.memory_space<vmem>>, vector<16xf32>,
    %swap3A_1265 = arith.constant 224 : index
    %swap3A_1266 = tpu.vector_load %arg14[%swap3A_1265] {strides = array<i32>} : memref<256xf32, #tpu.memory_space<vmem>>, vector<16xf32>,
    tpu.vector_store %arg14[%swap3A_1265], %broadcast_in_dim3A_9 {strides = array<i32>} : memref<256xf32, #tpu.memory_space<vmem>>, vector<16xf32>,
    %eq3A_1267 = vector.broadcast %squeeze3A_1194 : i32 to vector<16xi32>
    %eq3A_1268 = arith.cmpi eq, %select_n3A_1135, %eq3A_1267 : vector<16xi32>
    %jit3A_1269 = arith.constant 0.000000e+00 : f32
    %broadcast_in_dim3A_1270 = vector.broadcast %select_n3A_1203 : f32 to vector<16xf32>
    %broadcast_in_dim3A_1271 = vector.broadcast %jit3A_1269 : f32 to vector<16xf32>
    %select_n3A_1272 = arith.select %eq3A_1268, %broadcast_in_dim3A_1270, %broadcast_in_dim3A_1271 : vector<16xi1>, vector<16xf32>
    %swap3A_1273 = arith.constant 48 : index
    %swap3A_1274 = tpu.vector_load %arg13[%swap3A_1273] {strides = array<i32>} : memref<80xf32, #tpu.memory_space<vmem>>, vector<16xf32>,
    tpu.vector_store %arg13[%swap3A_1273], %select_n3A_1272 {strides = array<i32>} : memref<80xf32, #tpu.memory_space<vmem>>, vector<16xf32>,
    %jit3A_1275 = arith.constant 3.000000e-01 : f32
    %jit3A_1276 = arith.constant 0.000000e+00 : f32
    %broadcast_in_dim3A_1277 = vector.broadcast %jit3A_1275 : f32 to vector<16xf32>
    %broadcast_in_dim3A_1278 = vector.broadcast %jit3A_1276 : f32 to vector<16xf32>
    %select_n3A_1279 = arith.select %eq3A_1268, %broadcast_in_dim3A_1277, %broadcast_in_dim3A_1278 : vector<16xi1>, vector<16xf32>
    %swap3A_1280 = arith.constant 48 : index
    %swap3A_1281 = tpu.vector_load %arg14[%swap3A_1280] {strides = array<i32>} : memref<256xf32, #tpu.memory_space<vmem>>, vector<16xf32>,
    tpu.vector_store %arg14[%swap3A_1280], %select_n3A_1279 {strides = array<i32>} : memref<256xf32, #tpu.memory_space<vmem>>, vector<16xf32>,
    %swap3A_1282 = arith.constant 112 : index
    %swap3A_1283 = tpu.vector_load %arg14[%swap3A_1282] {strides = array<i32>} : memref<256xf32, #tpu.memory_space<vmem>>, vector<16xf32>,
    tpu.vector_store %arg14[%swap3A_1282], %broadcast_in_dim3A_9 {strides = array<i32>} : memref<256xf32, #tpu.memory_space<vmem>>, vector<16xf32>,
    %swap3A_1284 = arith.constant 176 : index
    %swap3A_1285 = tpu.vector_load %arg14[%swap3A_1284] {strides = array<i32>} : memref<256xf32, #tpu.memory_space<vmem>>, vector<16xf32>,
    tpu.vector_store %arg14[%swap3A_1284], %broadcast_in_dim3A_9 {strides = array<i32>} : memref<256xf32, #tpu.memory_space<vmem>>, vector<16xf32>,
    %swap3A_1286 = arith.constant 240 : index
    %swap3A_1287 = tpu.vector_load %arg14[%swap3A_1286] {strides = array<i32>} : memref<256xf32, #tpu.memory_space<vmem>>, vector<16xf32>,
    tpu.vector_store %arg14[%swap3A_1286], %broadcast_in_dim3A_9 {strides = array<i32>} : memref<256xf32, #tpu.memory_space<vmem>>, vector<16xf32>,
    %add3A_1288 = arith.constant 1 : i32
    %add3A_1289 = arith.addi %mul3A_2, %add3A_1288 : i32
    %get3A_1290 = arith.index_cast %add3A_1289 : i32 to index
    %get3A_1291 = tpu.vector_load %arg9[%get3A_1290] {strides = array<i32>} : memref<144xi32, #tpu.memory_space<vmem>>, vector<16xi32>,
    %slice3A_1292 = vector.extract_strided_slice %get3A_1291 {offsets = [0], sizes = [1], strides = [1]} : vector<16xi32> to vector<1xi32>
    %squeeze3A_1293 = vector.extract %slice3A_1292[0] : i32 from vector<1xi32>
    %scan3A_1294 = arith.constant 0 : i32
    %scan3A_1295 = arith.constant 1 : i32
    %scan3A_1296 = arith.constant 49 : i32
    %scan3A_1297 = arith.addi %scan3A_1295, %scan3A_1296 : i32
    %scan3A_1298 = arith.constant 1 : i32
    scf.for %scan3A_3561 = %scan3A_1295 to %scan3A_1297 step %scan3A_1298  : i32 {
      %get3A_3562 = arith.index_cast %scan3A_3561 : i32 to index
      %get3A_3563 = tpu.vector_load %arg12[%get3A_3562] {strides = array<i32>} : memref<80xf32, #tpu.memory_space<vmem>>, vector<16xf32>,
      %slice3A_3564 = vector.extract_strided_slice %get3A_3563 {offsets = [0], sizes = [1], strides = [1]} : vector<16xf32> to vector<1xf32>
      %squeeze3A_3565 = vector.extract %slice3A_3564[0] : f32 from vector<1xf32>
      %get3A_3566 = arith.index_cast %scan3A_3561 : i32 to index
      %get3A_3567 = tpu.vector_load %arg11[%get3A_3566] {strides = array<i32>} : memref<80xi32, #tpu.memory_space<vmem>>, vector<16xi32>,
      %slice3A_3568 = vector.extract_strided_slice %get3A_3567 {offsets = [0], sizes = [1], strides = [1]} : vector<16xi32> to vector<1xi32>
      %squeeze3A_3569 = vector.extract %slice3A_3568[0] : i32 from vector<1xi32>
      %add3A_3570 = arith.constant 50 : i32
      %add3A_3571 = arith.addi %add3A_3570, %scan3A_3561 : i32
      %get3A_3572 = arith.index_cast %add3A_3571 : i32 to index
      %get3A_3573 = tpu.vector_load %arg8[%get3A_3572] {strides = array<i32>} : memref<216xi32, #tpu.memory_space<vmem>>, vector<16xi32>,
      %slice3A_3574 = vector.extract_strided_slice %get3A_3573 {offsets = [0], sizes = [1], strides = [1]} : vector<16xi32> to vector<1xi32>
      %squeeze3A_3575 = vector.extract %slice3A_3574[0] : i32 from vector<1xi32>
      %ge3A_3576 = arith.cmpi sge, %squeeze3A_1293, %scan3A_3561 : i32
      %jit3A_3577 = arith.constant 3.000000e-01 : f32
      %jit3A_3578 = arith.constant 0.000000e+00 : f32
      %select_n3A_3579 = arith.select %ge3A_3576, %jit3A_3577, %jit3A_3578 : f32
      %get3A_3580 = arith.index_cast %scan3A_3561 : i32 to index
      %get3A_3581 = tpu.vector_load %arg13[%get3A_3580] {strides = array<i32>} : memref<80xf32, #tpu.memory_space<vmem>>, vector<16xf32>,
      %slice3A_3582 = vector.extract_strided_slice %get3A_3581 {offsets = [0], sizes = [1], strides = [1]} : vector<16xf32> to vector<1xf32>
      %squeeze3A_3583 = vector.extract %slice3A_3582[0] : f32 from vector<1xf32>
      %mul3A_3584 = arith.mulf %squeeze3A_3583, %squeeze3A_3565 : f32
      %sub3A_3585 = arith.constant 1.000000e+00 : f32
      %sub3A_3586 = arith.subf %sub3A_3585, %mul3A_3584 : f32
      %mul3A_3587 = arith.mulf %select_n3A_3579, %sub3A_3586 : f32
      %mul3A_3588 = arith.constant 64 : i32
      %mul3A_3589 = arith.muli %squeeze3A_3575, %mul3A_3588 : i32
      %get3A_3590 = arith.constant 0 : index
      %get3A_3591 = tpu.vector_load %arg13[%get3A_3590] {strides = array<i32>} : memref<80xf32, #tpu.memory_space<vmem>>, vector<16xf32>,
      %mul3A_3592 = vector.broadcast %squeeze3A_3565 : f32 to vector<16xf32>
      %mul3A_3593 = arith.mulf %get3A_3591, %mul3A_3592 : vector<16xf32>
      %get3A_3594 = arith.constant 0 : index
      %get3A_3595 = tpu.vector_load %arg11[%get3A_3594] {strides = array<i32>} : memref<80xi32, #tpu.memory_space<vmem>>, vector<16xi32>,
      %eq3A_3596 = vector.broadcast %squeeze3A_3569 : i32 to vector<16xi32>
      %eq3A_3597 = arith.cmpi eq, %get3A_3595, %eq3A_3596 : vector<16xi32>
      %jit3A_3598 = arith.constant 0.000000e+00 : f32
      %broadcast_in_dim3A_3599 = vector.broadcast %mul3A_3587 : f32 to vector<16xf32>
      %broadcast_in_dim3A_3600 = vector.broadcast %jit3A_3598 : f32 to vector<16xf32>
      %select_n3A_3601 = arith.select %eq3A_3597, %broadcast_in_dim3A_3599, %broadcast_in_dim3A_3600 : vector<16xi1>, vector<16xf32>
      %add3A_3602 = arith.addf %mul3A_3593, %select_n3A_3601 : vector<16xf32>
      %swap3A_3603 = arith.constant 0 : index
      %swap3A_3604 = tpu.vector_load %arg13[%swap3A_3603] {strides = array<i32>} : memref<80xf32, #tpu.memory_space<vmem>>, vector<16xf32>,
      tpu.vector_store %arg13[%swap3A_3603], %add3A_3602 {strides = array<i32>} : memref<80xf32, #tpu.memory_space<vmem>>, vector<16xf32>,
      %add3A_3605 = arith.constant 0 : i32
      %add3A_3606 = arith.addi %mul3A_3589, %add3A_3605 : i32
      %swap3A_3607 = arith.index_cast %add3A_3606 : i32 to index
      %swap3A_3608 = tpu.vector_load %arg14[%swap3A_3607] {strides = array<i32>} : memref<256xf32, #tpu.memory_space<vmem>>, vector<16xf32>,
      tpu.vector_store %arg14[%swap3A_3607], %add3A_3602 {strides = array<i32>} : memref<256xf32, #tpu.memory_space<vmem>>, vector<16xf32>,
      %get3A_3609 = arith.constant 16 : index
      %get3A_3610 = tpu.vector_load %arg13[%get3A_3609] {strides = array<i32>} : memref<80xf32, #tpu.memory_space<vmem>>, vector<16xf32>,
      %mul3A_3611 = vector.broadcast %squeeze3A_3565 : f32 to vector<16xf32>
      %mul3A_3612 = arith.mulf %get3A_3610, %mul3A_3611 : vector<16xf32>
      %get3A_3613 = arith.constant 16 : index
      %get3A_3614 = tpu.vector_load %arg11[%get3A_3613] {strides = array<i32>} : memref<80xi32, #tpu.memory_space<vmem>>, vector<16xi32>,
      %eq3A_3615 = vector.broadcast %squeeze3A_3569 : i32 to vector<16xi32>
      %eq3A_3616 = arith.cmpi eq, %get3A_3614, %eq3A_3615 : vector<16xi32>
      %jit3A_3617 = arith.constant 0.000000e+00 : f32
      %broadcast_in_dim3A_3618 = vector.broadcast %mul3A_3587 : f32 to vector<16xf32>
      %broadcast_in_dim3A_3619 = vector.broadcast %jit3A_3617 : f32 to vector<16xf32>
      %select_n3A_3620 = arith.select %eq3A_3616, %broadcast_in_dim3A_3618, %broadcast_in_dim3A_3619 : vector<16xi1>, vector<16xf32>
      %add3A_3621 = arith.addf %mul3A_3612, %select_n3A_3620 : vector<16xf32>
      %swap3A_3622 = arith.constant 16 : index
      %swap3A_3623 = tpu.vector_load %arg13[%swap3A_3622] {strides = array<i32>} : memref<80xf32, #tpu.memory_space<vmem>>, vector<16xf32>,
      tpu.vector_store %arg13[%swap3A_3622], %add3A_3621 {strides = array<i32>} : memref<80xf32, #tpu.memory_space<vmem>>, vector<16xf32>,
      %add3A_3624 = arith.constant 16 : i32
      %add3A_3625 = arith.addi %mul3A_3589, %add3A_3624 : i32
      %swap3A_3626 = arith.index_cast %add3A_3625 : i32 to index
      %swap3A_3627 = tpu.vector_load %arg14[%swap3A_3626] {strides = array<i32>} : memref<256xf32, #tpu.memory_space<vmem>>, vector<16xf32>,
      tpu.vector_store %arg14[%swap3A_3626], %add3A_3621 {strides = array<i32>} : memref<256xf32, #tpu.memory_space<vmem>>, vector<16xf32>,
      %get3A_3628 = arith.constant 32 : index
      %get3A_3629 = tpu.vector_load %arg13[%get3A_3628] {strides = array<i32>} : memref<80xf32, #tpu.memory_space<vmem>>, vector<16xf32>,
      %mul3A_3630 = vector.broadcast %squeeze3A_3565 : f32 to vector<16xf32>
      %mul3A_3631 = arith.mulf %get3A_3629, %mul3A_3630 : vector<16xf32>
      %get3A_3632 = arith.constant 32 : index
      %get3A_3633 = tpu.vector_load %arg11[%get3A_3632] {strides = array<i32>} : memref<80xi32, #tpu.memory_space<vmem>>, vector<16xi32>,
      %eq3A_3634 = vector.broadcast %squeeze3A_3569 : i32 to vector<16xi32>
      %eq3A_3635 = arith.cmpi eq, %get3A_3633, %eq3A_3634 : vector<16xi32>
      %jit3A_3636 = arith.constant 0.000000e+00 : f32
      %broadcast_in_dim3A_3637 = vector.broadcast %mul3A_3587 : f32 to vector<16xf32>
      %broadcast_in_dim3A_3638 = vector.broadcast %jit3A_3636 : f32 to vector<16xf32>
      %select_n3A_3639 = arith.select %eq3A_3635, %broadcast_in_dim3A_3637, %broadcast_in_dim3A_3638 : vector<16xi1>, vector<16xf32>
      %add3A_3640 = arith.addf %mul3A_3631, %select_n3A_3639 : vector<16xf32>
      %swap3A_3641 = arith.constant 32 : index
      %swap3A_3642 = tpu.vector_load %arg13[%swap3A_3641] {strides = array<i32>} : memref<80xf32, #tpu.memory_space<vmem>>, vector<16xf32>,
      tpu.vector_store %arg13[%swap3A_3641], %add3A_3640 {strides = array<i32>} : memref<80xf32, #tpu.memory_space<vmem>>, vector<16xf32>,
      %add3A_3643 = arith.constant 32 : i32
      %add3A_3644 = arith.addi %mul3A_3589, %add3A_3643 : i32
      %swap3A_3645 = arith.index_cast %add3A_3644 : i32 to index
      %swap3A_3646 = tpu.vector_load %arg14[%swap3A_3645] {strides = array<i32>} : memref<256xf32, #tpu.memory_space<vmem>>, vector<16xf32>,
      tpu.vector_store %arg14[%swap3A_3645], %add3A_3640 {strides = array<i32>} : memref<256xf32, #tpu.memory_space<vmem>>, vector<16xf32>,
      %get3A_3647 = arith.constant 48 : index
      %get3A_3648 = tpu.vector_load %arg13[%get3A_3647] {strides = array<i32>} : memref<80xf32, #tpu.memory_space<vmem>>, vector<16xf32>,
      %mul3A_3649 = vector.broadcast %squeeze3A_3565 : f32 to vector<16xf32>
      %mul3A_3650 = arith.mulf %get3A_3648, %mul3A_3649 : vector<16xf32>
      %get3A_3651 = arith.constant 48 : index
      %get3A_3652 = tpu.vector_load %arg11[%get3A_3651] {strides = array<i32>} : memref<80xi32, #tpu.memory_space<vmem>>, vector<16xi32>,
      %eq3A_3653 = vector.broadcast %squeeze3A_3569 : i32 to vector<16xi32>
      %eq3A_3654 = arith.cmpi eq, %get3A_3652, %eq3A_3653 : vector<16xi32>
      %jit3A_3655 = arith.constant 0.000000e+00 : f32
      %broadcast_in_dim3A_3656 = vector.broadcast %mul3A_3587 : f32 to vector<16xf32>
      %broadcast_in_dim3A_3657 = vector.broadcast %jit3A_3655 : f32 to vector<16xf32>
      %select_n3A_3658 = arith.select %eq3A_3654, %broadcast_in_dim3A_3656, %broadcast_in_dim3A_3657 : vector<16xi1>, vector<16xf32>
      %add3A_3659 = arith.addf %mul3A_3650, %select_n3A_3658 : vector<16xf32>
      %swap3A_3660 = arith.constant 48 : index
      %swap3A_3661 = tpu.vector_load %arg13[%swap3A_3660] {strides = array<i32>} : memref<80xf32, #tpu.memory_space<vmem>>, vector<16xf32>,
      tpu.vector_store %arg13[%swap3A_3660], %add3A_3659 {strides = array<i32>} : memref<80xf32, #tpu.memory_space<vmem>>, vector<16xf32>,
      %add3A_3662 = arith.constant 48 : i32
      %add3A_3663 = arith.addi %mul3A_3589, %add3A_3662 : i32
      %swap3A_3664 = arith.index_cast %add3A_3663 : i32 to index
      %swap3A_3665 = tpu.vector_load %arg14[%swap3A_3664] {strides = array<i32>} : memref<256xf32, #tpu.memory_space<vmem>>, vector<16xf32>,
      tpu.vector_store %arg14[%swap3A_3664], %add3A_3659 {strides = array<i32>} : memref<256xf32, #tpu.memory_space<vmem>>, vector<16xf32>,
    }
    %scan3A_1299 = arith.constant 49 : i32
    %add3A_1300 = arith.constant 1 : i32
    %add3A_1301 = arith.addi %mul3A_2, %add3A_1300 : i32
    %dma_wait3A_1302 = arith.constant 0 : i32
    %dma_wait3A_1303 = arith.constant 2 : i32
    %dma_wait3A_1304 = arith.constant 0 : i32
    %dma_wait3A_1305 = arith.constant 0 : i32
    %dma_wait3A_1306 = arith.constant 0 : i32
    %dma_wait3A_1307 = tpu.memref_slice %arg15[%dma_wait3A_1302, %dma_wait3A_1304, %dma_wait3A_1305, %dma_wait3A_1306] : memref<2x2x96x96xf32, #tpu.memory_space<vmem>> -> memref<1x2x96x96xf32, #tpu.memory_space<vmem>>
    %dma_wait3A_1308 = tpu.memref_squeeze %dma_wait3A_1307 : memref<1x2x96x96xf32, #tpu.memory_space<vmem>> -> memref<2x96x96xf32, #tpu.memory_space<vmem>>
    %dma_wait3A_1309 = arith.constant 0 : i32
    %dma_wait3A_1310 = arith.constant 0 : i32
    %dma_wait3A_1311 = arith.constant 0 : i32
    %dma_wait3A_1312 = tpu.memref_slice %arg6[%add3A_496, %dma_wait3A_1303, %dma_wait3A_1309, %dma_wait3A_1310, %dma_wait3A_1311] : memref<128x4x2x96x96xf32, #tpu.memory_space<hbm>> -> memref<1x1x2x96x96xf32, #tpu.memory_space<hbm>>
    %dma_wait3A_1313 = tpu.memref_squeeze %dma_wait3A_1312 : memref<1x1x2x96x96xf32, #tpu.memory_space<hbm>> -> memref<2x96x96xf32, #tpu.memory_space<hbm>>
    %dma_wait3A_1314 = arith.constant 0 : i32
    %dma_wait3A_1315 = arith.constant 0 : i32
    %dma_wait3A_1316 = arith.constant 0 : i32
    %dma_wait3A_1317 = tpu.memref_slice %arg6[%add3A_496, %dma_wait3A_1303, %dma_wait3A_1314, %dma_wait3A_1315, %dma_wait3A_1316] : memref<128x4x2x96x96xf32, #tpu.memory_space<hbm>> -> memref<1x1x2x96x96xf32, #tpu.memory_space<hbm>>
    %dma_wait3A_1318 = tpu.memref_squeeze %dma_wait3A_1317 : memref<1x1x2x96x96xf32, #tpu.memory_space<hbm>> -> memref<2x96x96xf32, #tpu.memory_space<hbm>>
    %dma_wait3A_1319 = arith.constant 0 : i32
    %dma_wait3A_1320 = arith.constant 0 : i32
    %dma_wait3A_1321 = arith.constant 0 : i32
    %dma_wait3A_1322 = tpu.memref_slice %arg15[%dma_wait3A_1302, %dma_wait3A_1319, %dma_wait3A_1320, %dma_wait3A_1321] : memref<2x2x96x96xf32, #tpu.memory_space<vmem>> -> memref<1x2x96x96xf32, #tpu.memory_space<vmem>>
    %dma_wait3A_1323 = tpu.memref_squeeze %dma_wait3A_1322 : memref<1x2x96x96xf32, #tpu.memory_space<vmem>> -> memref<2x96x96xf32, #tpu.memory_space<vmem>>
    tpu.wait_dma2 semaphore(%arg16 : memref<!tpu.dma_semaphore, #tpu.memory_space<semaphore_mem>>) src(%dma_wait3A_1323 : memref<2x96x96xf32, #tpu.memory_space<vmem>>) dst(%dma_wait3A_1318 : memref<2x96x96xf32, #tpu.memory_space<hbm>>)
    %barrier3A_1324 = arith.constant 0 : index
    tpu.barrier barrier_id(%barrier3A_1324)
    %scatter3A_1325 = arith.constant 0 : i32
    %scatter3A_1326 = arith.constant 0 : i32
    %scatter3A_1327 = arith.constant 0 : i32
    %scatter3A_1328 = arith.constant 0 : i32
    %scatter3A_1329 = tpu.memref_slice %arg15[%scatter3A_1325, %scatter3A_1326, %scatter3A_1327, %scatter3A_1328] : memref<2x2x96x96xf32, #tpu.memory_space<vmem>> -> memref<1x2x96x96xf32, #tpu.memory_space<vmem>>
    %scatter3A_1330 = tpu.memref_squeeze %scatter3A_1329 : memref<1x2x96x96xf32, #tpu.memory_space<vmem>> -> memref<2x96x96xf32, #tpu.memory_space<vmem>>
    tpu.vector_store_idx %scatter3A_1330[%convert_element_type3A_40, %min3A_73, %min3A_79], %broadcast_in_dim3A_9 masked %and3A_69 : memref<2x96x96xf32, #tpu.memory_space<vmem>>[vector<16xi32>, vector<16xi32>, vector<16xi32>], vector<16xf32>, vector<16xi1>
    %scatter3A_1331 = arith.constant 0 : i32
    %scatter3A_1332 = arith.constant 0 : i32
    %scatter3A_1333 = arith.constant 0 : i32
    %scatter3A_1334 = arith.constant 0 : i32
    %scatter3A_1335 = tpu.memref_slice %arg15[%scatter3A_1331, %scatter3A_1332, %scatter3A_1333, %scatter3A_1334] : memref<2x2x96x96xf32, #tpu.memory_space<vmem>> -> memref<1x2x96x96xf32, #tpu.memory_space<vmem>>
    %scatter3A_1336 = tpu.memref_squeeze %scatter3A_1335 : memref<1x2x96x96xf32, #tpu.memory_space<vmem>> -> memref<2x96x96xf32, #tpu.memory_space<vmem>>
    tpu.vector_store_idx %scatter3A_1336[%convert_element_type3A_128, %min3A_167, %min3A_173], %broadcast_in_dim3A_9 masked %and3A_161 : memref<2x96x96xf32, #tpu.memory_space<vmem>>[vector<16xi32>, vector<16xi32>, vector<16xi32>], vector<16xf32>, vector<16xi1>
    %scatter3A_1337 = arith.constant 0 : i32
    %scatter3A_1338 = arith.constant 0 : i32
    %scatter3A_1339 = arith.constant 0 : i32
    %scatter3A_1340 = arith.constant 0 : i32
    %scatter3A_1341 = tpu.memref_slice %arg15[%scatter3A_1337, %scatter3A_1338, %scatter3A_1339, %scatter3A_1340] : memref<2x2x96x96xf32, #tpu.memory_space<vmem>> -> memref<1x2x96x96xf32, #tpu.memory_space<vmem>>
    %scatter3A_1342 = tpu.memref_squeeze %scatter3A_1341 : memref<1x2x96x96xf32, #tpu.memory_space<vmem>> -> memref<2x96x96xf32, #tpu.memory_space<vmem>>
    tpu.vector_store_idx %scatter3A_1342[%convert_element_type3A_224, %min3A_263, %min3A_269], %broadcast_in_dim3A_9 masked %and3A_257 : memref<2x96x96xf32, #tpu.memory_space<vmem>>[vector<16xi32>, vector<16xi32>, vector<16xi32>], vector<16xf32>, vector<16xi1>
    %scatter3A_1343 = arith.constant 0 : i32
    %scatter3A_1344 = arith.constant 0 : i32
    %scatter3A_1345 = arith.constant 0 : i32
    %scatter3A_1346 = arith.constant 0 : i32
    %scatter3A_1347 = tpu.memref_slice %arg15[%scatter3A_1343, %scatter3A_1344, %scatter3A_1345, %scatter3A_1346] : memref<2x2x96x96xf32, #tpu.memory_space<vmem>> -> memref<1x2x96x96xf32, #tpu.memory_space<vmem>>
    %scatter3A_1348 = tpu.memref_squeeze %scatter3A_1347 : memref<1x2x96x96xf32, #tpu.memory_space<vmem>> -> memref<2x96x96xf32, #tpu.memory_space<vmem>>
    tpu.vector_store_idx %scatter3A_1348[%convert_element_type3A_320, %min3A_359, %min3A_365], %broadcast_in_dim3A_9 masked %and3A_353 : memref<2x96x96xf32, #tpu.memory_space<vmem>>[vector<16xi32>, vector<16xi32>, vector<16xi32>], vector<16xf32>, vector<16xi1>
    %get3A_1349 = arith.constant 0 : index
    %get3A_1350 = tpu.vector_load %arg14[%get3A_1349] {strides = array<i32>} : memref<256xf32, #tpu.memory_space<vmem>>, vector<16xf32>,
    %scatter3A_1351 = arith.constant 0 : i32
    %scatter3A_1352 = arith.constant 0 : i32
    %scatter3A_1353 = arith.constant 0 : i32
    %scatter3A_1354 = arith.constant 0 : i32
    %scatter3A_1355 = tpu.memref_slice %arg15[%scatter3A_1351, %scatter3A_1352, %scatter3A_1353, %scatter3A_1354] : memref<2x2x96x96xf32, #tpu.memory_space<vmem>> -> memref<1x2x96x96xf32, #tpu.memory_space<vmem>>
    %scatter3A_1356 = tpu.memref_squeeze %scatter3A_1355 : memref<1x2x96x96xf32, #tpu.memory_space<vmem>> -> memref<2x96x96xf32, #tpu.memory_space<vmem>>
    tpu.vector_store_idx %scatter3A_1356[%convert_element_type3A_836, %min3A_875, %min3A_881], %get3A_1350 masked %and3A_869 : memref<2x96x96xf32, #tpu.memory_space<vmem>>[vector<16xi32>, vector<16xi32>, vector<16xi32>], vector<16xf32>, vector<16xi1>
    %get3A_1357 = arith.constant 16 : index
    %get3A_1358 = tpu.vector_load %arg14[%get3A_1357] {strides = array<i32>} : memref<256xf32, #tpu.memory_space<vmem>>, vector<16xf32>,
    %scatter3A_1359 = arith.constant 0 : i32
    %scatter3A_1360 = arith.constant 0 : i32
    %scatter3A_1361 = arith.constant 0 : i32
    %scatter3A_1362 = arith.constant 0 : i32
    %scatter3A_1363 = tpu.memref_slice %arg15[%scatter3A_1359, %scatter3A_1360, %scatter3A_1361, %scatter3A_1362] : memref<2x2x96x96xf32, #tpu.memory_space<vmem>> -> memref<1x2x96x96xf32, #tpu.memory_space<vmem>>
    %scatter3A_1364 = tpu.memref_squeeze %scatter3A_1363 : memref<1x2x96x96xf32, #tpu.memory_space<vmem>> -> memref<2x96x96xf32, #tpu.memory_space<vmem>>
    tpu.vector_store_idx %scatter3A_1364[%convert_element_type3A_932, %min3A_971, %min3A_977], %get3A_1358 masked %and3A_965 : memref<2x96x96xf32, #tpu.memory_space<vmem>>[vector<16xi32>, vector<16xi32>, vector<16xi32>], vector<16xf32>, vector<16xi1>
    %get3A_1365 = arith.constant 32 : index
    %get3A_1366 = tpu.vector_load %arg14[%get3A_1365] {strides = array<i32>} : memref<256xf32, #tpu.memory_space<vmem>>, vector<16xf32>,
    %scatter3A_1367 = arith.constant 0 : i32
    %scatter3A_1368 = arith.constant 0 : i32
    %scatter3A_1369 = arith.constant 0 : i32
    %scatter3A_1370 = arith.constant 0 : i32
    %scatter3A_1371 = tpu.memref_slice %arg15[%scatter3A_1367, %scatter3A_1368, %scatter3A_1369, %scatter3A_1370] : memref<2x2x96x96xf32, #tpu.memory_space<vmem>> -> memref<1x2x96x96xf32, #tpu.memory_space<vmem>>
    %scatter3A_1372 = tpu.memref_squeeze %scatter3A_1371 : memref<1x2x96x96xf32, #tpu.memory_space<vmem>> -> memref<2x96x96xf32, #tpu.memory_space<vmem>>
    tpu.vector_store_idx %scatter3A_1372[%convert_element_type3A_1028, %min3A_1067, %min3A_1073], %get3A_1366 masked %and3A_1061 : memref<2x96x96xf32, #tpu.memory_space<vmem>>[vector<16xi32>, vector<16xi32>, vector<16xi32>], vector<16xf32>, vector<16xi1>
    %get3A_1373 = arith.constant 48 : index
    %get3A_1374 = tpu.vector_load %arg14[%get3A_1373] {strides = array<i32>} : memref<256xf32, #tpu.memory_space<vmem>>, vector<16xf32>,
    %scatter3A_1375 = arith.constant 0 : i32
    %scatter3A_1376 = arith.constant 0 : i32
    %scatter3A_1377 = arith.constant 0 : i32
    %scatter3A_1378 = arith.constant 0 : i32
    %scatter3A_1379 = tpu.memref_slice %arg15[%scatter3A_1375, %scatter3A_1376, %scatter3A_1377, %scatter3A_1378] : memref<2x2x96x96xf32, #tpu.memory_space<vmem>> -> memref<1x2x96x96xf32, #tpu.memory_space<vmem>>
    %scatter3A_1380 = tpu.memref_squeeze %scatter3A_1379 : memref<1x2x96x96xf32, #tpu.memory_space<vmem>> -> memref<2x96x96xf32, #tpu.memory_space<vmem>>
    tpu.vector_store_idx %scatter3A_1380[%convert_element_type3A_1124, %min3A_1163, %min3A_1169], %get3A_1374 masked %and3A_1157 : memref<2x96x96xf32, #tpu.memory_space<vmem>>[vector<16xi32>, vector<16xi32>, vector<16xi32>], vector<16xf32>, vector<16xi1>
    %barrier3A_1381 = arith.constant 0 : index
    tpu.barrier barrier_id(%barrier3A_1381)
    %dma_start3A_1382 = arith.constant 0 : i32
    %dma_start3A_1383 = arith.constant 0 : i32
    %dma_start3A_1384 = arith.constant 0 : i32
    %dma_start3A_1385 = arith.constant 0 : i32
    %dma_start3A_1386 = arith.constant 0 : i32
    %dma_start3A_1387 = tpu.memref_slice %arg15[%dma_start3A_1382, %dma_start3A_1384, %dma_start3A_1385, %dma_start3A_1386] : memref<2x2x96x96xf32, #tpu.memory_space<vmem>> -> memref<1x2x96x96xf32, #tpu.memory_space<vmem>>
    %dma_start3A_1388 = tpu.memref_squeeze %dma_start3A_1387 : memref<1x2x96x96xf32, #tpu.memory_space<vmem>> -> memref<2x96x96xf32, #tpu.memory_space<vmem>>
    %dma_start3A_1389 = arith.constant 0 : i32
    %dma_start3A_1390 = arith.constant 0 : i32
    %dma_start3A_1391 = arith.constant 0 : i32
    %dma_start3A_1392 = tpu.memref_slice %arg6[%add3A_1301, %dma_start3A_1383, %dma_start3A_1389, %dma_start3A_1390, %dma_start3A_1391] : memref<128x4x2x96x96xf32, #tpu.memory_space<hbm>> -> memref<1x1x2x96x96xf32, #tpu.memory_space<hbm>>
    %dma_start3A_1393 = tpu.memref_squeeze %dma_start3A_1392 : memref<1x1x2x96x96xf32, #tpu.memory_space<hbm>> -> memref<2x96x96xf32, #tpu.memory_space<hbm>>
    %dma_start3A_1394 = arith.constant 0 : i32
    %dma_start3A_1395 = arith.constant 0 : i32
    %dma_start3A_1396 = arith.constant 0 : i32
    %dma_start3A_1397 = tpu.memref_slice %arg6[%add3A_1301, %dma_start3A_1383, %dma_start3A_1394, %dma_start3A_1395, %dma_start3A_1396] : memref<128x4x2x96x96xf32, #tpu.memory_space<hbm>> -> memref<1x1x2x96x96xf32, #tpu.memory_space<hbm>>
    %dma_start3A_1398 = tpu.memref_squeeze %dma_start3A_1397 : memref<1x1x2x96x96xf32, #tpu.memory_space<hbm>> -> memref<2x96x96xf32, #tpu.memory_space<hbm>>
    %dma_start3A_1399 = arith.constant 0 : i32
    %dma_start3A_1400 = arith.constant 0 : i32
    %dma_start3A_1401 = arith.constant 0 : i32
    %dma_start3A_1402 = tpu.memref_slice %arg15[%dma_start3A_1382, %dma_start3A_1399, %dma_start3A_1400, %dma_start3A_1401] : memref<2x2x96x96xf32, #tpu.memory_space<vmem>> -> memref<1x2x96x96xf32, #tpu.memory_space<vmem>>
    %dma_start3A_1403 = tpu.memref_squeeze %dma_start3A_1402 : memref<1x2x96x96xf32, #tpu.memory_space<vmem>> -> memref<2x96x96xf32, #tpu.memory_space<vmem>>
    tpu.enqueue_dma source(%dma_start3A_1403 : memref<2x96x96xf32, #tpu.memory_space<vmem>>) target(%dma_start3A_1398 : memref<2x96x96xf32, #tpu.memory_space<hbm>>) target_semaphore(%arg16 : memref<!tpu.dma_semaphore, #tpu.memory_space<semaphore_mem>>)
    %dma_wait3A_1404 = arith.constant 1 : i32
    %dma_wait3A_1405 = arith.constant 3 : i32
    %dma_wait3A_1406 = arith.constant 0 : i32
    %dma_wait3A_1407 = arith.constant 0 : i32
    %dma_wait3A_1408 = arith.constant 0 : i32
    %dma_wait3A_1409 = tpu.memref_slice %arg15[%dma_wait3A_1404, %dma_wait3A_1406, %dma_wait3A_1407, %dma_wait3A_1408] : memref<2x2x96x96xf32, #tpu.memory_space<vmem>> -> memref<1x2x96x96xf32, #tpu.memory_space<vmem>>
    %dma_wait3A_1410 = tpu.memref_squeeze %dma_wait3A_1409 : memref<1x2x96x96xf32, #tpu.memory_space<vmem>> -> memref<2x96x96xf32, #tpu.memory_space<vmem>>
    %dma_wait3A_1411 = arith.constant 0 : i32
    %dma_wait3A_1412 = arith.constant 0 : i32
    %dma_wait3A_1413 = arith.constant 0 : i32
    %dma_wait3A_1414 = tpu.memref_slice %arg6[%add3A_496, %dma_wait3A_1405, %dma_wait3A_1411, %dma_wait3A_1412, %dma_wait3A_1413] : memref<128x4x2x96x96xf32, #tpu.memory_space<hbm>> -> memref<1x1x2x96x96xf32, #tpu.memory_space<hbm>>
    %dma_wait3A_1415 = tpu.memref_squeeze %dma_wait3A_1414 : memref<1x1x2x96x96xf32, #tpu.memory_space<hbm>> -> memref<2x96x96xf32, #tpu.memory_space<hbm>>
    %dma_wait3A_1416 = arith.constant 0 : i32
    %dma_wait3A_1417 = arith.constant 0 : i32
    %dma_wait3A_1418 = arith.constant 0 : i32
    %dma_wait3A_1419 = tpu.memref_slice %arg6[%add3A_496, %dma_wait3A_1405, %dma_wait3A_1416, %dma_wait3A_1417, %dma_wait3A_1418] : memref<128x4x2x96x96xf32, #tpu.memory_space<hbm>> -> memref<1x1x2x96x96xf32, #tpu.memory_space<hbm>>
    %dma_wait3A_1420 = tpu.memref_squeeze %dma_wait3A_1419 : memref<1x1x2x96x96xf32, #tpu.memory_space<hbm>> -> memref<2x96x96xf32, #tpu.memory_space<hbm>>
    %dma_wait3A_1421 = arith.constant 0 : i32
    %dma_wait3A_1422 = arith.constant 0 : i32
    %dma_wait3A_1423 = arith.constant 0 : i32
    %dma_wait3A_1424 = tpu.memref_slice %arg15[%dma_wait3A_1404, %dma_wait3A_1421, %dma_wait3A_1422, %dma_wait3A_1423] : memref<2x2x96x96xf32, #tpu.memory_space<vmem>> -> memref<1x2x96x96xf32, #tpu.memory_space<vmem>>
    %dma_wait3A_1425 = tpu.memref_squeeze %dma_wait3A_1424 : memref<1x2x96x96xf32, #tpu.memory_space<vmem>> -> memref<2x96x96xf32, #tpu.memory_space<vmem>>
    tpu.wait_dma2 semaphore(%arg17 : memref<!tpu.dma_semaphore, #tpu.memory_space<semaphore_mem>>) src(%dma_wait3A_1425 : memref<2x96x96xf32, #tpu.memory_space<vmem>>) dst(%dma_wait3A_1420 : memref<2x96x96xf32, #tpu.memory_space<hbm>>)
    %barrier3A_1426 = arith.constant 0 : index
    tpu.barrier barrier_id(%barrier3A_1426)
    %scatter3A_1427 = arith.constant 1 : i32
    %scatter3A_1428 = arith.constant 0 : i32
    %scatter3A_1429 = arith.constant 0 : i32
    %scatter3A_1430 = arith.constant 0 : i32
    %scatter3A_1431 = tpu.memref_slice %arg15[%scatter3A_1427, %scatter3A_1428, %scatter3A_1429, %scatter3A_1430] : memref<2x2x96x96xf32, #tpu.memory_space<vmem>> -> memref<1x2x96x96xf32, #tpu.memory_space<vmem>>
    %scatter3A_1432 = tpu.memref_squeeze %scatter3A_1431 : memref<1x2x96x96xf32, #tpu.memory_space<vmem>> -> memref<2x96x96xf32, #tpu.memory_space<vmem>>
    tpu.vector_store_idx %scatter3A_1432[%convert_element_type3A_40, %min3A_73, %min3A_79], %broadcast_in_dim3A_9 masked %and3A_69 : memref<2x96x96xf32, #tpu.memory_space<vmem>>[vector<16xi32>, vector<16xi32>, vector<16xi32>], vector<16xf32>, vector<16xi1>
    %scatter3A_1433 = arith.constant 1 : i32
    %scatter3A_1434 = arith.constant 0 : i32
    %scatter3A_1435 = arith.constant 0 : i32
    %scatter3A_1436 = arith.constant 0 : i32
    %scatter3A_1437 = tpu.memref_slice %arg15[%scatter3A_1433, %scatter3A_1434, %scatter3A_1435, %scatter3A_1436] : memref<2x2x96x96xf32, #tpu.memory_space<vmem>> -> memref<1x2x96x96xf32, #tpu.memory_space<vmem>>
    %scatter3A_1438 = tpu.memref_squeeze %scatter3A_1437 : memref<1x2x96x96xf32, #tpu.memory_space<vmem>> -> memref<2x96x96xf32, #tpu.memory_space<vmem>>
    tpu.vector_store_idx %scatter3A_1438[%convert_element_type3A_128, %min3A_167, %min3A_173], %broadcast_in_dim3A_9 masked %and3A_161 : memref<2x96x96xf32, #tpu.memory_space<vmem>>[vector<16xi32>, vector<16xi32>, vector<16xi32>], vector<16xf32>, vector<16xi1>
    %scatter3A_1439 = arith.constant 1 : i32
    %scatter3A_1440 = arith.constant 0 : i32
    %scatter3A_1441 = arith.constant 0 : i32
    %scatter3A_1442 = arith.constant 0 : i32
    %scatter3A_1443 = tpu.memref_slice %arg15[%scatter3A_1439, %scatter3A_1440, %scatter3A_1441, %scatter3A_1442] : memref<2x2x96x96xf32, #tpu.memory_space<vmem>> -> memref<1x2x96x96xf32, #tpu.memory_space<vmem>>
    %scatter3A_1444 = tpu.memref_squeeze %scatter3A_1443 : memref<1x2x96x96xf32, #tpu.memory_space<vmem>> -> memref<2x96x96xf32, #tpu.memory_space<vmem>>
    tpu.vector_store_idx %scatter3A_1444[%convert_element_type3A_224, %min3A_263, %min3A_269], %broadcast_in_dim3A_9 masked %and3A_257 : memref<2x96x96xf32, #tpu.memory_space<vmem>>[vector<16xi32>, vector<16xi32>, vector<16xi32>], vector<16xf32>, vector<16xi1>
    %scatter3A_1445 = arith.constant 1 : i32
    %scatter3A_1446 = arith.constant 0 : i32
    %scatter3A_1447 = arith.constant 0 : i32
    %scatter3A_1448 = arith.constant 0 : i32
    %scatter3A_1449 = tpu.memref_slice %arg15[%scatter3A_1445, %scatter3A_1446, %scatter3A_1447, %scatter3A_1448] : memref<2x2x96x96xf32, #tpu.memory_space<vmem>> -> memref<1x2x96x96xf32, #tpu.memory_space<vmem>>
    %scatter3A_1450 = tpu.memref_squeeze %scatter3A_1449 : memref<1x2x96x96xf32, #tpu.memory_space<vmem>> -> memref<2x96x96xf32, #tpu.memory_space<vmem>>
    tpu.vector_store_idx %scatter3A_1450[%convert_element_type3A_320, %min3A_359, %min3A_365], %broadcast_in_dim3A_9 masked %and3A_353 : memref<2x96x96xf32, #tpu.memory_space<vmem>>[vector<16xi32>, vector<16xi32>, vector<16xi32>], vector<16xf32>, vector<16xi1>
    %get3A_1451 = arith.constant 64 : index
    %get3A_1452 = tpu.vector_load %arg14[%get3A_1451] {strides = array<i32>} : memref<256xf32, #tpu.memory_space<vmem>>, vector<16xf32>,
    %scatter3A_1453 = arith.constant 1 : i32
    %scatter3A_1454 = arith.constant 0 : i32
    %scatter3A_1455 = arith.constant 0 : i32
    %scatter3A_1456 = arith.constant 0 : i32
    %scatter3A_1457 = tpu.memref_slice %arg15[%scatter3A_1453, %scatter3A_1454, %scatter3A_1455, %scatter3A_1456] : memref<2x2x96x96xf32, #tpu.memory_space<vmem>> -> memref<1x2x96x96xf32, #tpu.memory_space<vmem>>
    %scatter3A_1458 = tpu.memref_squeeze %scatter3A_1457 : memref<1x2x96x96xf32, #tpu.memory_space<vmem>> -> memref<2x96x96xf32, #tpu.memory_space<vmem>>
    tpu.vector_store_idx %scatter3A_1458[%convert_element_type3A_836, %min3A_875, %min3A_881], %get3A_1452 masked %and3A_869 : memref<2x96x96xf32, #tpu.memory_space<vmem>>[vector<16xi32>, vector<16xi32>, vector<16xi32>], vector<16xf32>, vector<16xi1>
    %get3A_1459 = arith.constant 80 : index
    %get3A_1460 = tpu.vector_load %arg14[%get3A_1459] {strides = array<i32>} : memref<256xf32, #tpu.memory_space<vmem>>, vector<16xf32>,
    %scatter3A_1461 = arith.constant 1 : i32
    %scatter3A_1462 = arith.constant 0 : i32
    %scatter3A_1463 = arith.constant 0 : i32
    %scatter3A_1464 = arith.constant 0 : i32
    %scatter3A_1465 = tpu.memref_slice %arg15[%scatter3A_1461, %scatter3A_1462, %scatter3A_1463, %scatter3A_1464] : memref<2x2x96x96xf32, #tpu.memory_space<vmem>> -> memref<1x2x96x96xf32, #tpu.memory_space<vmem>>
    %scatter3A_1466 = tpu.memref_squeeze %scatter3A_1465 : memref<1x2x96x96xf32, #tpu.memory_space<vmem>> -> memref<2x96x96xf32, #tpu.memory_space<vmem>>
    tpu.vector_store_idx %scatter3A_1466[%convert_element_type3A_932, %min3A_971, %min3A_977], %get3A_1460 masked %and3A_965 : memref<2x96x96xf32, #tpu.memory_space<vmem>>[vector<16xi32>, vector<16xi32>, vector<16xi32>], vector<16xf32>, vector<16xi1>
    %get3A_1467 = arith.constant 96 : index
    %get3A_1468 = tpu.vector_load %arg14[%get3A_1467] {strides = array<i32>} : memref<256xf32, #tpu.memory_space<vmem>>, vector<16xf32>,
    %scatter3A_1469 = arith.constant 1 : i32
    %scatter3A_1470 = arith.constant 0 : i32
    %scatter3A_1471 = arith.constant 0 : i32
    %scatter3A_1472 = arith.constant 0 : i32
    %scatter3A_1473 = tpu.memref_slice %arg15[%scatter3A_1469, %scatter3A_1470, %scatter3A_1471, %scatter3A_1472] : memref<2x2x96x96xf32, #tpu.memory_space<vmem>> -> memref<1x2x96x96xf32, #tpu.memory_space<vmem>>
    %scatter3A_1474 = tpu.memref_squeeze %scatter3A_1473 : memref<1x2x96x96xf32, #tpu.memory_space<vmem>> -> memref<2x96x96xf32, #tpu.memory_space<vmem>>
    tpu.vector_store_idx %scatter3A_1474[%convert_element_type3A_1028, %min3A_1067, %min3A_1073], %get3A_1468 masked %and3A_1061 : memref<2x96x96xf32, #tpu.memory_space<vmem>>[vector<16xi32>, vector<16xi32>, vector<16xi32>], vector<16xf32>, vector<16xi1>
    %get3A_1475 = arith.constant 112 : index
    %get3A_1476 = tpu.vector_load %arg14[%get3A_1475] {strides = array<i32>} : memref<256xf32, #tpu.memory_space<vmem>>, vector<16xf32>,
    %scatter3A_1477 = arith.constant 1 : i32
    %scatter3A_1478 = arith.constant 0 : i32
    %scatter3A_1479 = arith.constant 0 : i32
    %scatter3A_1480 = arith.constant 0 : i32
    %scatter3A_1481 = tpu.memref_slice %arg15[%scatter3A_1477, %scatter3A_1478, %scatter3A_1479, %scatter3A_1480] : memref<2x2x96x96xf32, #tpu.memory_space<vmem>> -> memref<1x2x96x96xf32, #tpu.memory_space<vmem>>
    %scatter3A_1482 = tpu.memref_squeeze %scatter3A_1481 : memref<1x2x96x96xf32, #tpu.memory_space<vmem>> -> memref<2x96x96xf32, #tpu.memory_space<vmem>>
    tpu.vector_store_idx %scatter3A_1482[%convert_element_type3A_1124, %min3A_1163, %min3A_1169], %get3A_1476 masked %and3A_1157 : memref<2x96x96xf32, #tpu.memory_space<vmem>>[vector<16xi32>, vector<16xi32>, vector<16xi32>], vector<16xf32>, vector<16xi1>
    %barrier3A_1483 = arith.constant 0 : index
    tpu.barrier barrier_id(%barrier3A_1483)
    %dma_start3A_1484 = arith.constant 1 : i32
    %dma_start3A_1485 = arith.constant 1 : i32
    %dma_start3A_1486 = arith.constant 0 : i32
    %dma_start3A_1487 = arith.constant 0 : i32
    %dma_start3A_1488 = arith.constant 0 : i32
    %dma_start3A_1489 = tpu.memref_slice %arg15[%dma_start3A_1484, %dma_start3A_1486, %dma_start3A_1487, %dma_start3A_1488] : memref<2x2x96x96xf32, #tpu.memory_space<vmem>> -> memref<1x2x96x96xf32, #tpu.memory_space<vmem>>
    %dma_start3A_1490 = tpu.memref_squeeze %dma_start3A_1489 : memref<1x2x96x96xf32, #tpu.memory_space<vmem>> -> memref<2x96x96xf32, #tpu.memory_space<vmem>>
    %dma_start3A_1491 = arith.constant 0 : i32
    %dma_start3A_1492 = arith.constant 0 : i32
    %dma_start3A_1493 = arith.constant 0 : i32
    %dma_start3A_1494 = tpu.memref_slice %arg6[%add3A_1301, %dma_start3A_1485, %dma_start3A_1491, %dma_start3A_1492, %dma_start3A_1493] : memref<128x4x2x96x96xf32, #tpu.memory_space<hbm>> -> memref<1x1x2x96x96xf32, #tpu.memory_space<hbm>>
    %dma_start3A_1495 = tpu.memref_squeeze %dma_start3A_1494 : memref<1x1x2x96x96xf32, #tpu.memory_space<hbm>> -> memref<2x96x96xf32, #tpu.memory_space<hbm>>
    %dma_start3A_1496 = arith.constant 0 : i32
    %dma_start3A_1497 = arith.constant 0 : i32
    %dma_start3A_1498 = arith.constant 0 : i32
    %dma_start3A_1499 = tpu.memref_slice %arg6[%add3A_1301, %dma_start3A_1485, %dma_start3A_1496, %dma_start3A_1497, %dma_start3A_1498] : memref<128x4x2x96x96xf32, #tpu.memory_space<hbm>> -> memref<1x1x2x96x96xf32, #tpu.memory_space<hbm>>
    %dma_start3A_1500 = tpu.memref_squeeze %dma_start3A_1499 : memref<1x1x2x96x96xf32, #tpu.memory_space<hbm>> -> memref<2x96x96xf32, #tpu.memory_space<hbm>>
    %dma_start3A_1501 = arith.constant 0 : i32
    %dma_start3A_1502 = arith.constant 0 : i32
    %dma_start3A_1503 = arith.constant 0 : i32
    %dma_start3A_1504 = tpu.memref_slice %arg15[%dma_start3A_1484, %dma_start3A_1501, %dma_start3A_1502, %dma_start3A_1503] : memref<2x2x96x96xf32, #tpu.memory_space<vmem>> -> memref<1x2x96x96xf32, #tpu.memory_space<vmem>>
    %dma_start3A_1505 = tpu.memref_squeeze %dma_start3A_1504 : memref<1x2x96x96xf32, #tpu.memory_space<vmem>> -> memref<2x96x96xf32, #tpu.memory_space<vmem>>
    tpu.enqueue_dma source(%dma_start3A_1505 : memref<2x96x96xf32, #tpu.memory_space<vmem>>) target(%dma_start3A_1500 : memref<2x96x96xf32, #tpu.memory_space<hbm>>) target_semaphore(%arg17 : memref<!tpu.dma_semaphore, #tpu.memory_space<semaphore_mem>>)
    %dma_wait3A_1506 = arith.constant 0 : i32
    %dma_wait3A_1507 = arith.constant 0 : i32
    %dma_wait3A_1508 = arith.constant 0 : i32
    %dma_wait3A_1509 = arith.constant 0 : i32
    %dma_wait3A_1510 = arith.constant 0 : i32
    %dma_wait3A_1511 = tpu.memref_slice %arg15[%dma_wait3A_1506, %dma_wait3A_1508, %dma_wait3A_1509, %dma_wait3A_1510] : memref<2x2x96x96xf32, #tpu.memory_space<vmem>> -> memref<1x2x96x96xf32, #tpu.memory_space<vmem>>
    %dma_wait3A_1512 = tpu.memref_squeeze %dma_wait3A_1511 : memref<1x2x96x96xf32, #tpu.memory_space<vmem>> -> memref<2x96x96xf32, #tpu.memory_space<vmem>>
    %dma_wait3A_1513 = arith.constant 0 : i32
    %dma_wait3A_1514 = arith.constant 0 : i32
    %dma_wait3A_1515 = arith.constant 0 : i32
    %dma_wait3A_1516 = tpu.memref_slice %arg6[%add3A_1301, %dma_wait3A_1507, %dma_wait3A_1513, %dma_wait3A_1514, %dma_wait3A_1515] : memref<128x4x2x96x96xf32, #tpu.memory_space<hbm>> -> memref<1x1x2x96x96xf32, #tpu.memory_space<hbm>>
    %dma_wait3A_1517 = tpu.memref_squeeze %dma_wait3A_1516 : memref<1x1x2x96x96xf32, #tpu.memory_space<hbm>> -> memref<2x96x96xf32, #tpu.memory_space<hbm>>
    %dma_wait3A_1518 = arith.constant 0 : i32
    %dma_wait3A_1519 = arith.constant 0 : i32
    %dma_wait3A_1520 = arith.constant 0 : i32
    %dma_wait3A_1521 = tpu.memref_slice %arg6[%add3A_1301, %dma_wait3A_1507, %dma_wait3A_1518, %dma_wait3A_1519, %dma_wait3A_1520] : memref<128x4x2x96x96xf32, #tpu.memory_space<hbm>> -> memref<1x1x2x96x96xf32, #tpu.memory_space<hbm>>
    %dma_wait3A_1522 = tpu.memref_squeeze %dma_wait3A_1521 : memref<1x1x2x96x96xf32, #tpu.memory_space<hbm>> -> memref<2x96x96xf32, #tpu.memory_space<hbm>>
    %dma_wait3A_1523 = arith.constant 0 : i32
    %dma_wait3A_1524 = arith.constant 0 : i32
    %dma_wait3A_1525 = arith.constant 0 : i32
    %dma_wait3A_1526 = tpu.memref_slice %arg15[%dma_wait3A_1506, %dma_wait3A_1523, %dma_wait3A_1524, %dma_wait3A_1525] : memref<2x2x96x96xf32, #tpu.memory_space<vmem>> -> memref<1x2x96x96xf32, #tpu.memory_space<vmem>>
    %dma_wait3A_1527 = tpu.memref_squeeze %dma_wait3A_1526 : memref<1x2x96x96xf32, #tpu.memory_space<vmem>> -> memref<2x96x96xf32, #tpu.memory_space<vmem>>
    tpu.wait_dma2 semaphore(%arg16 : memref<!tpu.dma_semaphore, #tpu.memory_space<semaphore_mem>>) src(%dma_wait3A_1527 : memref<2x96x96xf32, #tpu.memory_space<vmem>>) dst(%dma_wait3A_1522 : memref<2x96x96xf32, #tpu.memory_space<hbm>>)
    %barrier3A_1528 = arith.constant 0 : index
    tpu.barrier barrier_id(%barrier3A_1528)
    %scatter3A_1529 = arith.constant 0 : i32
    %scatter3A_1530 = arith.constant 0 : i32
    %scatter3A_1531 = arith.constant 0 : i32
    %scatter3A_1532 = arith.constant 0 : i32
    %scatter3A_1533 = tpu.memref_slice %arg15[%scatter3A_1529, %scatter3A_1530, %scatter3A_1531, %scatter3A_1532] : memref<2x2x96x96xf32, #tpu.memory_space<vmem>> -> memref<1x2x96x96xf32, #tpu.memory_space<vmem>>
    %scatter3A_1534 = tpu.memref_squeeze %scatter3A_1533 : memref<1x2x96x96xf32, #tpu.memory_space<vmem>> -> memref<2x96x96xf32, #tpu.memory_space<vmem>>
    tpu.vector_store_idx %scatter3A_1534[%convert_element_type3A_836, %min3A_875, %min3A_881], %broadcast_in_dim3A_9 masked %and3A_869 : memref<2x96x96xf32, #tpu.memory_space<vmem>>[vector<16xi32>, vector<16xi32>, vector<16xi32>], vector<16xf32>, vector<16xi1>
    %scatter3A_1535 = arith.constant 0 : i32
    %scatter3A_1536 = arith.constant 0 : i32
    %scatter3A_1537 = arith.constant 0 : i32
    %scatter3A_1538 = arith.constant 0 : i32
    %scatter3A_1539 = tpu.memref_slice %arg15[%scatter3A_1535, %scatter3A_1536, %scatter3A_1537, %scatter3A_1538] : memref<2x2x96x96xf32, #tpu.memory_space<vmem>> -> memref<1x2x96x96xf32, #tpu.memory_space<vmem>>
    %scatter3A_1540 = tpu.memref_squeeze %scatter3A_1539 : memref<1x2x96x96xf32, #tpu.memory_space<vmem>> -> memref<2x96x96xf32, #tpu.memory_space<vmem>>
    tpu.vector_store_idx %scatter3A_1540[%convert_element_type3A_932, %min3A_971, %min3A_977], %broadcast_in_dim3A_9 masked %and3A_965 : memref<2x96x96xf32, #tpu.memory_space<vmem>>[vector<16xi32>, vector<16xi32>, vector<16xi32>], vector<16xf32>, vector<16xi1>
    %scatter3A_1541 = arith.constant 0 : i32
    %scatter3A_1542 = arith.constant 0 : i32
    %scatter3A_1543 = arith.constant 0 : i32
    %scatter3A_1544 = arith.constant 0 : i32
    %scatter3A_1545 = tpu.memref_slice %arg15[%scatter3A_1541, %scatter3A_1542, %scatter3A_1543, %scatter3A_1544] : memref<2x2x96x96xf32, #tpu.memory_space<vmem>> -> memref<1x2x96x96xf32, #tpu.memory_space<vmem>>
    %scatter3A_1546 = tpu.memref_squeeze %scatter3A_1545 : memref<1x2x96x96xf32, #tpu.memory_space<vmem>> -> memref<2x96x96xf32, #tpu.memory_space<vmem>>
    tpu.vector_store_idx %scatter3A_1546[%convert_element_type3A_1028, %min3A_1067, %min3A_1073], %broadcast_in_dim3A_9 masked %and3A_1061 : memref<2x96x96xf32, #tpu.memory_space<vmem>>[vector<16xi32>, vector<16xi32>, vector<16xi32>], vector<16xf32>, vector<16xi1>
    %scatter3A_1547 = arith.constant 0 : i32
    %scatter3A_1548 = arith.constant 0 : i32
    %scatter3A_1549 = arith.constant 0 : i32
    %scatter3A_1550 = arith.constant 0 : i32
    %scatter3A_1551 = tpu.memref_slice %arg15[%scatter3A_1547, %scatter3A_1548, %scatter3A_1549, %scatter3A_1550] : memref<2x2x96x96xf32, #tpu.memory_space<vmem>> -> memref<1x2x96x96xf32, #tpu.memory_space<vmem>>
    %scatter3A_1552 = tpu.memref_squeeze %scatter3A_1551 : memref<1x2x96x96xf32, #tpu.memory_space<vmem>> -> memref<2x96x96xf32, #tpu.memory_space<vmem>>
    tpu.vector_store_idx %scatter3A_1552[%convert_element_type3A_1124, %min3A_1163, %min3A_1169], %broadcast_in_dim3A_9 masked %and3A_1157 : memref<2x96x96xf32, #tpu.memory_space<vmem>>[vector<16xi32>, vector<16xi32>, vector<16xi32>], vector<16xf32>, vector<16xi1>
    %get3A_1553 = arith.constant 128 : index
    %get3A_1554 = tpu.vector_load %arg14[%get3A_1553] {strides = array<i32>} : memref<256xf32, #tpu.memory_space<vmem>>, vector<16xf32>,
    %scatter3A_1555 = arith.constant 0 : i32
    %scatter3A_1556 = arith.constant 0 : i32
    %scatter3A_1557 = arith.constant 0 : i32
    %scatter3A_1558 = arith.constant 0 : i32
    %scatter3A_1559 = tpu.memref_slice %arg15[%scatter3A_1555, %scatter3A_1556, %scatter3A_1557, %scatter3A_1558] : memref<2x2x96x96xf32, #tpu.memory_space<vmem>> -> memref<1x2x96x96xf32, #tpu.memory_space<vmem>>
    %scatter3A_1560 = tpu.memref_squeeze %scatter3A_1559 : memref<1x2x96x96xf32, #tpu.memory_space<vmem>> -> memref<2x96x96xf32, #tpu.memory_space<vmem>>
    tpu.vector_store_idx %scatter3A_1560[%convert_element_type3A_836, %min3A_875, %min3A_881], %get3A_1554 masked %and3A_869 : memref<2x96x96xf32, #tpu.memory_space<vmem>>[vector<16xi32>, vector<16xi32>, vector<16xi32>], vector<16xf32>, vector<16xi1>
    %get3A_1561 = arith.constant 144 : index
    %get3A_1562 = tpu.vector_load %arg14[%get3A_1561] {strides = array<i32>} : memref<256xf32, #tpu.memory_space<vmem>>, vector<16xf32>,
    %scatter3A_1563 = arith.constant 0 : i32
    %scatter3A_1564 = arith.constant 0 : i32
    %scatter3A_1565 = arith.constant 0 : i32
    %scatter3A_1566 = arith.constant 0 : i32
    %scatter3A_1567 = tpu.memref_slice %arg15[%scatter3A_1563, %scatter3A_1564, %scatter3A_1565, %scatter3A_1566] : memref<2x2x96x96xf32, #tpu.memory_space<vmem>> -> memref<1x2x96x96xf32, #tpu.memory_space<vmem>>
    %scatter3A_1568 = tpu.memref_squeeze %scatter3A_1567 : memref<1x2x96x96xf32, #tpu.memory_space<vmem>> -> memref<2x96x96xf32, #tpu.memory_space<vmem>>
    tpu.vector_store_idx %scatter3A_1568[%convert_element_type3A_932, %min3A_971, %min3A_977], %get3A_1562 masked %and3A_965 : memref<2x96x96xf32, #tpu.memory_space<vmem>>[vector<16xi32>, vector<16xi32>, vector<16xi32>], vector<16xf32>, vector<16xi1>
    %get3A_1569 = arith.constant 160 : index
    %get3A_1570 = tpu.vector_load %arg14[%get3A_1569] {strides = array<i32>} : memref<256xf32, #tpu.memory_space<vmem>>, vector<16xf32>,
    %scatter3A_1571 = arith.constant 0 : i32
    %scatter3A_1572 = arith.constant 0 : i32
    %scatter3A_1573 = arith.constant 0 : i32
    %scatter3A_1574 = arith.constant 0 : i32
    %scatter3A_1575 = tpu.memref_slice %arg15[%scatter3A_1571, %scatter3A_1572, %scatter3A_1573, %scatter3A_1574] : memref<2x2x96x96xf32, #tpu.memory_space<vmem>> -> memref<1x2x96x96xf32, #tpu.memory_space<vmem>>
    %scatter3A_1576 = tpu.memref_squeeze %scatter3A_1575 : memref<1x2x96x96xf32, #tpu.memory_space<vmem>> -> memref<2x96x96xf32, #tpu.memory_space<vmem>>
    tpu.vector_store_idx %scatter3A_1576[%convert_element_type3A_1028, %min3A_1067, %min3A_1073], %get3A_1570 masked %and3A_1061 : memref<2x96x96xf32, #tpu.memory_space<vmem>>[vector<16xi32>, vector<16xi32>, vector<16xi32>], vector<16xf32>, vector<16xi1>
    %get3A_1577 = arith.constant 176 : index
    %get3A_1578 = tpu.vector_load %arg14[%get3A_1577] {strides = array<i32>} : memref<256xf32, #tpu.memory_space<vmem>>, vector<16xf32>,
    %scatter3A_1579 = arith.constant 0 : i32
    %scatter3A_1580 = arith.constant 0 : i32
    %scatter3A_1581 = arith.constant 0 : i32
    %scatter3A_1582 = arith.constant 0 : i32
    %scatter3A_1583 = tpu.memref_slice %arg15[%scatter3A_1579, %scatter3A_1580, %scatter3A_1581, %scatter3A_1582] : memref<2x2x96x96xf32, #tpu.memory_space<vmem>> -> memref<1x2x96x96xf32, #tpu.memory_space<vmem>>
    %scatter3A_1584 = tpu.memref_squeeze %scatter3A_1583 : memref<1x2x96x96xf32, #tpu.memory_space<vmem>> -> memref<2x96x96xf32, #tpu.memory_space<vmem>>
    tpu.vector_store_idx %scatter3A_1584[%convert_element_type3A_1124, %min3A_1163, %min3A_1169], %get3A_1578 masked %and3A_1157 : memref<2x96x96xf32, #tpu.memory_space<vmem>>[vector<16xi32>, vector<16xi32>, vector<16xi32>], vector<16xf32>, vector<16xi1>
    %barrier3A_1585 = arith.constant 0 : index
    tpu.barrier barrier_id(%barrier3A_1585)
    %dma_start3A_1586 = arith.constant 0 : i32
    %dma_start3A_1587 = arith.constant 2 : i32
    %dma_start3A_1588 = arith.constant 0 : i32
    %dma_start3A_1589 = arith.constant 0 : i32
    %dma_start3A_1590 = arith.constant 0 : i32
    %dma_start3A_1591 = tpu.memref_slice %arg15[%dma_start3A_1586, %dma_start3A_1588, %dma_start3A_1589, %dma_start3A_1590] : memref<2x2x96x96xf32, #tpu.memory_space<vmem>> -> memref<1x2x96x96xf32, #tpu.memory_space<vmem>>
    %dma_start3A_1592 = tpu.memref_squeeze %dma_start3A_1591 : memref<1x2x96x96xf32, #tpu.memory_space<vmem>> -> memref<2x96x96xf32, #tpu.memory_space<vmem>>
    %dma_start3A_1593 = arith.constant 0 : i32
    %dma_start3A_1594 = arith.constant 0 : i32
    %dma_start3A_1595 = arith.constant 0 : i32
    %dma_start3A_1596 = tpu.memref_slice %arg6[%add3A_1301, %dma_start3A_1587, %dma_start3A_1593, %dma_start3A_1594, %dma_start3A_1595] : memref<128x4x2x96x96xf32, #tpu.memory_space<hbm>> -> memref<1x1x2x96x96xf32, #tpu.memory_space<hbm>>
    %dma_start3A_1597 = tpu.memref_squeeze %dma_start3A_1596 : memref<1x1x2x96x96xf32, #tpu.memory_space<hbm>> -> memref<2x96x96xf32, #tpu.memory_space<hbm>>
    %dma_start3A_1598 = arith.constant 0 : i32
    %dma_start3A_1599 = arith.constant 0 : i32
    %dma_start3A_1600 = arith.constant 0 : i32
    %dma_start3A_1601 = tpu.memref_slice %arg6[%add3A_1301, %dma_start3A_1587, %dma_start3A_1598, %dma_start3A_1599, %dma_start3A_1600] : memref<128x4x2x96x96xf32, #tpu.memory_space<hbm>> -> memref<1x1x2x96x96xf32, #tpu.memory_space<hbm>>
    %dma_start3A_1602 = tpu.memref_squeeze %dma_start3A_1601 : memref<1x1x2x96x96xf32, #tpu.memory_space<hbm>> -> memref<2x96x96xf32, #tpu.memory_space<hbm>>
    %dma_start3A_1603 = arith.constant 0 : i32
    %dma_start3A_1604 = arith.constant 0 : i32
    %dma_start3A_1605 = arith.constant 0 : i32
    %dma_start3A_1606 = tpu.memref_slice %arg15[%dma_start3A_1586, %dma_start3A_1603, %dma_start3A_1604, %dma_start3A_1605] : memref<2x2x96x96xf32, #tpu.memory_space<vmem>> -> memref<1x2x96x96xf32, #tpu.memory_space<vmem>>
    %dma_start3A_1607 = tpu.memref_squeeze %dma_start3A_1606 : memref<1x2x96x96xf32, #tpu.memory_space<vmem>> -> memref<2x96x96xf32, #tpu.memory_space<vmem>>
    tpu.enqueue_dma source(%dma_start3A_1607 : memref<2x96x96xf32, #tpu.memory_space<vmem>>) target(%dma_start3A_1602 : memref<2x96x96xf32, #tpu.memory_space<hbm>>) target_semaphore(%arg16 : memref<!tpu.dma_semaphore, #tpu.memory_space<semaphore_mem>>)
    %dma_wait3A_1608 = arith.constant 1 : i32
    %dma_wait3A_1609 = arith.constant 1 : i32
    %dma_wait3A_1610 = arith.constant 0 : i32
    %dma_wait3A_1611 = arith.constant 0 : i32
    %dma_wait3A_1612 = arith.constant 0 : i32
    %dma_wait3A_1613 = tpu.memref_slice %arg15[%dma_wait3A_1608, %dma_wait3A_1610, %dma_wait3A_1611, %dma_wait3A_1612] : memref<2x2x96x96xf32, #tpu.memory_space<vmem>> -> memref<1x2x96x96xf32, #tpu.memory_space<vmem>>
    %dma_wait3A_1614 = tpu.memref_squeeze %dma_wait3A_1613 : memref<1x2x96x96xf32, #tpu.memory_space<vmem>> -> memref<2x96x96xf32, #tpu.memory_space<vmem>>
    %dma_wait3A_1615 = arith.constant 0 : i32
    %dma_wait3A_1616 = arith.constant 0 : i32
    %dma_wait3A_1617 = arith.constant 0 : i32
    %dma_wait3A_1618 = tpu.memref_slice %arg6[%add3A_1301, %dma_wait3A_1609, %dma_wait3A_1615, %dma_wait3A_1616, %dma_wait3A_1617] : memref<128x4x2x96x96xf32, #tpu.memory_space<hbm>> -> memref<1x1x2x96x96xf32, #tpu.memory_space<hbm>>
    %dma_wait3A_1619 = tpu.memref_squeeze %dma_wait3A_1618 : memref<1x1x2x96x96xf32, #tpu.memory_space<hbm>> -> memref<2x96x96xf32, #tpu.memory_space<hbm>>
    %dma_wait3A_1620 = arith.constant 0 : i32
    %dma_wait3A_1621 = arith.constant 0 : i32
    %dma_wait3A_1622 = arith.constant 0 : i32
    %dma_wait3A_1623 = tpu.memref_slice %arg6[%add3A_1301, %dma_wait3A_1609, %dma_wait3A_1620, %dma_wait3A_1621, %dma_wait3A_1622] : memref<128x4x2x96x96xf32, #tpu.memory_space<hbm>> -> memref<1x1x2x96x96xf32, #tpu.memory_space<hbm>>
    %dma_wait3A_1624 = tpu.memref_squeeze %dma_wait3A_1623 : memref<1x1x2x96x96xf32, #tpu.memory_space<hbm>> -> memref<2x96x96xf32, #tpu.memory_space<hbm>>
    %dma_wait3A_1625 = arith.constant 0 : i32
    %dma_wait3A_1626 = arith.constant 0 : i32
    %dma_wait3A_1627 = arith.constant 0 : i32
    %dma_wait3A_1628 = tpu.memref_slice %arg15[%dma_wait3A_1608, %dma_wait3A_1625, %dma_wait3A_1626, %dma_wait3A_1627] : memref<2x2x96x96xf32, #tpu.memory_space<vmem>> -> memref<1x2x96x96xf32, #tpu.memory_space<vmem>>
    %dma_wait3A_1629 = tpu.memref_squeeze %dma_wait3A_1628 : memref<1x2x96x96xf32, #tpu.memory_space<vmem>> -> memref<2x96x96xf32, #tpu.memory_space<vmem>>
    tpu.wait_dma2 semaphore(%arg17 : memref<!tpu.dma_semaphore, #tpu.memory_space<semaphore_mem>>) src(%dma_wait3A_1629 : memref<2x96x96xf32, #tpu.memory_space<vmem>>) dst(%dma_wait3A_1624 : memref<2x96x96xf32, #tpu.memory_space<hbm>>)
    %barrier3A_1630 = arith.constant 0 : index
    tpu.barrier barrier_id(%barrier3A_1630)
    %scatter3A_1631 = arith.constant 1 : i32
    %scatter3A_1632 = arith.constant 0 : i32
    %scatter3A_1633 = arith.constant 0 : i32
    %scatter3A_1634 = arith.constant 0 : i32
    %scatter3A_1635 = tpu.memref_slice %arg15[%scatter3A_1631, %scatter3A_1632, %scatter3A_1633, %scatter3A_1634] : memref<2x2x96x96xf32, #tpu.memory_space<vmem>> -> memref<1x2x96x96xf32, #tpu.memory_space<vmem>>
    %scatter3A_1636 = tpu.memref_squeeze %scatter3A_1635 : memref<1x2x96x96xf32, #tpu.memory_space<vmem>> -> memref<2x96x96xf32, #tpu.memory_space<vmem>>
    tpu.vector_store_idx %scatter3A_1636[%convert_element_type3A_836, %min3A_875, %min3A_881], %broadcast_in_dim3A_9 masked %and3A_869 : memref<2x96x96xf32, #tpu.memory_space<vmem>>[vector<16xi32>, vector<16xi32>, vector<16xi32>], vector<16xf32>, vector<16xi1>
    %scatter3A_1637 = arith.constant 1 : i32
    %scatter3A_1638 = arith.constant 0 : i32
    %scatter3A_1639 = arith.constant 0 : i32
    %scatter3A_1640 = arith.constant 0 : i32
    %scatter3A_1641 = tpu.memref_slice %arg15[%scatter3A_1637, %scatter3A_1638, %scatter3A_1639, %scatter3A_1640] : memref<2x2x96x96xf32, #tpu.memory_space<vmem>> -> memref<1x2x96x96xf32, #tpu.memory_space<vmem>>
    %scatter3A_1642 = tpu.memref_squeeze %scatter3A_1641 : memref<1x2x96x96xf32, #tpu.memory_space<vmem>> -> memref<2x96x96xf32, #tpu.memory_space<vmem>>
    tpu.vector_store_idx %scatter3A_1642[%convert_element_type3A_932, %min3A_971, %min3A_977], %broadcast_in_dim3A_9 masked %and3A_965 : memref<2x96x96xf32, #tpu.memory_space<vmem>>[vector<16xi32>, vector<16xi32>, vector<16xi32>], vector<16xf32>, vector<16xi1>
    %scatter3A_1643 = arith.constant 1 : i32
    %scatter3A_1644 = arith.constant 0 : i32
    %scatter3A_1645 = arith.constant 0 : i32
    %scatter3A_1646 = arith.constant 0 : i32
    %scatter3A_1647 = tpu.memref_slice %arg15[%scatter3A_1643, %scatter3A_1644, %scatter3A_1645, %scatter3A_1646] : memref<2x2x96x96xf32, #tpu.memory_space<vmem>> -> memref<1x2x96x96xf32, #tpu.memory_space<vmem>>
    %scatter3A_1648 = tpu.memref_squeeze %scatter3A_1647 : memref<1x2x96x96xf32, #tpu.memory_space<vmem>> -> memref<2x96x96xf32, #tpu.memory_space<vmem>>
    tpu.vector_store_idx %scatter3A_1648[%convert_element_type3A_1028, %min3A_1067, %min3A_1073], %broadcast_in_dim3A_9 masked %and3A_1061 : memref<2x96x96xf32, #tpu.memory_space<vmem>>[vector<16xi32>, vector<16xi32>, vector<16xi32>], vector<16xf32>, vector<16xi1>
    %scatter3A_1649 = arith.constant 1 : i32
    %scatter3A_1650 = arith.constant 0 : i32
    %scatter3A_1651 = arith.constant 0 : i32
    %scatter3A_1652 = arith.constant 0 : i32
    %scatter3A_1653 = tpu.memref_slice %arg15[%scatter3A_1649, %scatter3A_1650, %scatter3A_1651, %scatter3A_1652] : memref<2x2x96x96xf32, #tpu.memory_space<vmem>> -> memref<1x2x96x96xf32, #tpu.memory_space<vmem>>
    %scatter3A_1654 = tpu.memref_squeeze %scatter3A_1653 : memref<1x2x96x96xf32, #tpu.memory_space<vmem>> -> memref<2x96x96xf32, #tpu.memory_space<vmem>>
    tpu.vector_store_idx %scatter3A_1654[%convert_element_type3A_1124, %min3A_1163, %min3A_1169], %broadcast_in_dim3A_9 masked %and3A_1157 : memref<2x96x96xf32, #tpu.memory_space<vmem>>[vector<16xi32>, vector<16xi32>, vector<16xi32>], vector<16xf32>, vector<16xi1>
    %get3A_1655 = arith.constant 192 : index
    %get3A_1656 = tpu.vector_load %arg14[%get3A_1655] {strides = array<i32>} : memref<256xf32, #tpu.memory_space<vmem>>, vector<16xf32>,
    %scatter3A_1657 = arith.constant 1 : i32
    %scatter3A_1658 = arith.constant 0 : i32
    %scatter3A_1659 = arith.constant 0 : i32
    %scatter3A_1660 = arith.constant 0 : i32
    %scatter3A_1661 = tpu.memref_slice %arg15[%scatter3A_1657, %scatter3A_1658, %scatter3A_1659, %scatter3A_1660] : memref<2x2x96x96xf32, #tpu.memory_space<vmem>> -> memref<1x2x96x96xf32, #tpu.memory_space<vmem>>
    %scatter3A_1662 = tpu.memref_squeeze %scatter3A_1661 : memref<1x2x96x96xf32, #tpu.memory_space<vmem>> -> memref<2x96x96xf32, #tpu.memory_space<vmem>>
    tpu.vector_store_idx %scatter3A_1662[%convert_element_type3A_836, %min3A_875, %min3A_881], %get3A_1656 masked %and3A_869 : memref<2x96x96xf32, #tpu.memory_space<vmem>>[vector<16xi32>, vector<16xi32>, vector<16xi32>], vector<16xf32>, vector<16xi1>
    %get3A_1663 = arith.constant 208 : index
    %get3A_1664 = tpu.vector_load %arg14[%get3A_1663] {strides = array<i32>} : memref<256xf32, #tpu.memory_space<vmem>>, vector<16xf32>,
    %scatter3A_1665 = arith.constant 1 : i32
    %scatter3A_1666 = arith.constant 0 : i32
    %scatter3A_1667 = arith.constant 0 : i32
    %scatter3A_1668 = arith.constant 0 : i32
    %scatter3A_1669 = tpu.memref_slice %arg15[%scatter3A_1665, %scatter3A_1666, %scatter3A_1667, %scatter3A_1668] : memref<2x2x96x96xf32, #tpu.memory_space<vmem>> -> memref<1x2x96x96xf32, #tpu.memory_space<vmem>>
    %scatter3A_1670 = tpu.memref_squeeze %scatter3A_1669 : memref<1x2x96x96xf32, #tpu.memory_space<vmem>> -> memref<2x96x96xf32, #tpu.memory_space<vmem>>
    tpu.vector_store_idx %scatter3A_1670[%convert_element_type3A_932, %min3A_971, %min3A_977], %get3A_1664 masked %and3A_965 : memref<2x96x96xf32, #tpu.memory_space<vmem>>[vector<16xi32>, vector<16xi32>, vector<16xi32>], vector<16xf32>, vector<16xi1>
    %get3A_1671 = arith.constant 224 : index
    %get3A_1672 = tpu.vector_load %arg14[%get3A_1671] {strides = array<i32>} : memref<256xf32, #tpu.memory_space<vmem>>, vector<16xf32>,
    %scatter3A_1673 = arith.constant 1 : i32
    %scatter3A_1674 = arith.constant 0 : i32
    %scatter3A_1675 = arith.constant 0 : i32
    %scatter3A_1676 = arith.constant 0 : i32
    %scatter3A_1677 = tpu.memref_slice %arg15[%scatter3A_1673, %scatter3A_1674, %scatter3A_1675, %scatter3A_1676] : memref<2x2x96x96xf32, #tpu.memory_space<vmem>> -> memref<1x2x96x96xf32, #tpu.memory_space<vmem>>
    %scatter3A_1678 = tpu.memref_squeeze %scatter3A_1677 : memref<1x2x96x96xf32, #tpu.memory_space<vmem>> -> memref<2x96x96xf32, #tpu.memory_space<vmem>>
    tpu.vector_store_idx %scatter3A_1678[%convert_element_type3A_1028, %min3A_1067, %min3A_1073], %get3A_1672 masked %and3A_1061 : memref<2x96x96xf32, #tpu.memory_space<vmem>>[vector<16xi32>, vector<16xi32>, vector<16xi32>], vector<16xf32>, vector<16xi1>
    %get3A_1679 = arith.constant 240 : index
    %get3A_1680 = tpu.vector_load %arg14[%get3A_1679] {strides = array<i32>} : memref<256xf32, #tpu.memory_space<vmem>>, vector<16xf32>,
    %scatter3A_1681 = arith.constant 1 : i32
    %scatter3A_1682 = arith.constant 0 : i32
    %scatter3A_1683 = arith.constant 0 : i32
    %scatter3A_1684 = arith.constant 0 : i32
    %scatter3A_1685 = tpu.memref_slice %arg15[%scatter3A_1681, %scatter3A_1682, %scatter3A_1683, %scatter3A_1684] : memref<2x2x96x96xf32, #tpu.memory_space<vmem>> -> memref<1x2x96x96xf32, #tpu.memory_space<vmem>>
    %scatter3A_1686 = tpu.memref_squeeze %scatter3A_1685 : memref<1x2x96x96xf32, #tpu.memory_space<vmem>> -> memref<2x96x96xf32, #tpu.memory_space<vmem>>
    tpu.vector_store_idx %scatter3A_1686[%convert_element_type3A_1124, %min3A_1163, %min3A_1169], %get3A_1680 masked %and3A_1157 : memref<2x96x96xf32, #tpu.memory_space<vmem>>[vector<16xi32>, vector<16xi32>, vector<16xi32>], vector<16xf32>, vector<16xi1>
    %barrier3A_1687 = arith.constant 0 : index
    tpu.barrier barrier_id(%barrier3A_1687)
    %dma_start3A_1688 = arith.constant 1 : i32
    %dma_start3A_1689 = arith.constant 3 : i32
    %dma_start3A_1690 = arith.constant 0 : i32
    %dma_start3A_1691 = arith.constant 0 : i32
    %dma_start3A_1692 = arith.constant 0 : i32
    %dma_start3A_1693 = tpu.memref_slice %arg15[%dma_start3A_1688, %dma_start3A_1690, %dma_start3A_1691, %dma_start3A_1692] : memref<2x2x96x96xf32, #tpu.memory_space<vmem>> -> memref<1x2x96x96xf32, #tpu.memory_space<vmem>>
    %dma_start3A_1694 = tpu.memref_squeeze %dma_start3A_1693 : memref<1x2x96x96xf32, #tpu.memory_space<vmem>> -> memref<2x96x96xf32, #tpu.memory_space<vmem>>
    %dma_start3A_1695 = arith.constant 0 : i32
    %dma_start3A_1696 = arith.constant 0 : i32
    %dma_start3A_1697 = arith.constant 0 : i32
    %dma_start3A_1698 = tpu.memref_slice %arg6[%add3A_1301, %dma_start3A_1689, %dma_start3A_1695, %dma_start3A_1696, %dma_start3A_1697] : memref<128x4x2x96x96xf32, #tpu.memory_space<hbm>> -> memref<1x1x2x96x96xf32, #tpu.memory_space<hbm>>
    %dma_start3A_1699 = tpu.memref_squeeze %dma_start3A_1698 : memref<1x1x2x96x96xf32, #tpu.memory_space<hbm>> -> memref<2x96x96xf32, #tpu.memory_space<hbm>>
    %dma_start3A_1700 = arith.constant 0 : i32
    %dma_start3A_1701 = arith.constant 0 : i32
    %dma_start3A_1702 = arith.constant 0 : i32
    %dma_start3A_1703 = tpu.memref_slice %arg6[%add3A_1301, %dma_start3A_1689, %dma_start3A_1700, %dma_start3A_1701, %dma_start3A_1702] : memref<128x4x2x96x96xf32, #tpu.memory_space<hbm>> -> memref<1x1x2x96x96xf32, #tpu.memory_space<hbm>>
    %dma_start3A_1704 = tpu.memref_squeeze %dma_start3A_1703 : memref<1x1x2x96x96xf32, #tpu.memory_space<hbm>> -> memref<2x96x96xf32, #tpu.memory_space<hbm>>
    %dma_start3A_1705 = arith.constant 0 : i32
    %dma_start3A_1706 = arith.constant 0 : i32
    %dma_start3A_1707 = arith.constant 0 : i32
    %dma_start3A_1708 = tpu.memref_slice %arg15[%dma_start3A_1688, %dma_start3A_1705, %dma_start3A_1706, %dma_start3A_1707] : memref<2x2x96x96xf32, #tpu.memory_space<vmem>> -> memref<1x2x96x96xf32, #tpu.memory_space<vmem>>
    %dma_start3A_1709 = tpu.memref_squeeze %dma_start3A_1708 : memref<1x2x96x96xf32, #tpu.memory_space<vmem>> -> memref<2x96x96xf32, #tpu.memory_space<vmem>>
    tpu.enqueue_dma source(%dma_start3A_1709 : memref<2x96x96xf32, #tpu.memory_space<vmem>>) target(%dma_start3A_1704 : memref<2x96x96xf32, #tpu.memory_space<hbm>>) target_semaphore(%arg17 : memref<!tpu.dma_semaphore, #tpu.memory_space<semaphore_mem>>)
    %add3A_1710 = arith.constant 0 : i32
    %add3A_1711 = vector.broadcast %add3A_1710 : i32 to vector<16xi32>
    %add3A_1712 = arith.addi %add3A_1711, %iota3A : vector<16xi32>
    %mul3A_1713 = arith.constant 4 : i32
    %mul3A_1714 = vector.broadcast %mul3A_1713 : i32 to vector<16xi32>
    %mul3A_1715 = arith.muli %mul3A_1714, %add3A_1712 : vector<16xi32>
    %add3A_1716 = arith.constant 400 : i32
    %add3A_1717 = vector.broadcast %add3A_1716 : i32 to vector<16xi32>
    %add3A_1718 = arith.addi %add3A_1717, %mul3A_1715 : vector<16xi32>
    %add3A_1719 = arith.constant 0 : i32
    %add3A_1720 = vector.broadcast %add3A_1719 : i32 to vector<16xi32>
    %add3A_1721 = arith.addi %add3A_1720, %iota3A : vector<16xi32>
    %lt3A_1722 = arith.constant 50 : i32
    %lt3A_1723 = vector.broadcast %lt3A_1722 : i32 to vector<16xi32>
    %lt3A_1724 = arith.cmpi slt, %add3A_1721, %lt3A_1723 : vector<16xi32>
    %jit3A_1725 = arith.constant 400 : i32
    %broadcast_in_dim3A_1726 = vector.broadcast %jit3A_1725 : i32 to vector<16xi32>
    %select_n3A_1727 = arith.select %lt3A_1724, %add3A_1718, %broadcast_in_dim3A_1726 : vector<16xi1>, vector<16xi32>
    %gather3A_1728 = tpu.vector_load_idx %arg7[%select_n3A_1727] : memref<816xf32, #tpu.memory_space<vmem>>[vector<16xi32>], vector<16xf32>,
    %convert_element_type3A_1729 = arith.fptosi %gather3A_1728 : vector<16xf32> to vector<16xi32>
    %add3A_1730 = arith.constant 1 : i32
    %add3A_1731 = vector.broadcast %add3A_1730 : i32 to vector<16xi32>
    %add3A_1732 = arith.addi %select_n3A_1727, %add3A_1731 : vector<16xi32>
    %gather3A_1733 = tpu.vector_load_idx %arg7[%add3A_1732] : memref<816xf32, #tpu.memory_space<vmem>>[vector<16xi32>], vector<16xf32>,
    %convert_element_type3A_1734 = arith.fptosi %gather3A_1733 : vector<16xf32> to vector<16xi32>
    %add3A_1735 = arith.constant 2 : i32
    %add3A_1736 = vector.broadcast %add3A_1735 : i32 to vector<16xi32>
    %add3A_1737 = arith.addi %select_n3A_1727, %add3A_1736 : vector<16xi32>
    %gather3A_1738 = tpu.vector_load_idx %arg7[%add3A_1737] : memref<816xf32, #tpu.memory_space<vmem>>[vector<16xi32>], vector<16xf32>,
    %convert_element_type3A_1739 = arith.fptosi %gather3A_1738 : vector<16xf32> to vector<16xi32>
    %mul3A_1740 = arith.constant 128 : i32
    %mul3A_1741 = vector.broadcast %mul3A_1740 : i32 to vector<16xi32>
    %mul3A_1742 = arith.muli %convert_element_type3A_1739, %mul3A_1741 : vector<16xi32>
    %add3A_1743 = arith.addi %mul3A_1742, %convert_element_type3A_1729 : vector<16xi32>
    %mul3A_1744 = arith.constant 128 : i32
    %mul3A_1745 = vector.broadcast %mul3A_1744 : i32 to vector<16xi32>
    %mul3A_1746 = arith.muli %add3A_1743, %mul3A_1745 : vector<16xi32>
    %add3A_1747 = arith.addi %mul3A_1746, %convert_element_type3A_1734 : vector<16xi32>
    %jit3A_1748 = arith.constant -1 : i32
    %broadcast_in_dim3A_1749 = vector.broadcast %jit3A_1748 : i32 to vector<16xi32>
    %select_n3A_1750 = arith.select %lt3A_1724, %add3A_1747, %broadcast_in_dim3A_1749 : vector<16xi1>, vector<16xi32>
    %swap3A_1751 = arith.constant 0 : index
    %swap3A_1752 = tpu.vector_load %arg11[%swap3A_1751] {strides = array<i32>} : memref<80xi32, #tpu.memory_space<vmem>>, vector<16xi32>,
    tpu.vector_store %arg11[%swap3A_1751], %select_n3A_1750 {strides = array<i32>} : memref<80xi32, #tpu.memory_space<vmem>>, vector<16xi32>,
    %sub3A_1753 = vector.broadcast %squeeze3A : i32 to vector<16xi32>
    %sub3A_1754 = arith.subi %convert_element_type3A_1729, %sub3A_1753 : vector<16xi32>
    %sub3A_1755 = vector.broadcast %squeeze3A : i32 to vector<16xi32>
    %sub3A_1756 = arith.subi %convert_element_type3A_1734, %sub3A_1755 : vector<16xi32>
    %ge3A_1757 = arith.constant 0 : i32
    %ge3A_1758 = vector.broadcast %ge3A_1757 : i32 to vector<16xi32>
    %ge3A_1759 = arith.cmpi sge, %sub3A_1754, %ge3A_1758 : vector<16xi32>
    %and3A_1760 = arith.andi %lt3A_1724, %ge3A_1759 : vector<16xi1>
    %lt3A_1761 = arith.constant 96 : i32
    %lt3A_1762 = vector.broadcast %lt3A_1761 : i32 to vector<16xi32>
    %lt3A_1763 = arith.cmpi slt, %sub3A_1754, %lt3A_1762 : vector<16xi32>
    %and3A_1764 = arith.andi %and3A_1760, %lt3A_1763 : vector<16xi1>
    %ge3A_1765 = arith.constant 0 : i32
    %ge3A_1766 = vector.broadcast %ge3A_1765 : i32 to vector<16xi32>
    %ge3A_1767 = arith.cmpi sge, %sub3A_1756, %ge3A_1766 : vector<16xi32>
    %and3A_1768 = arith.andi %and3A_1764, %ge3A_1767 : vector<16xi1>
    %lt3A_1769 = arith.constant 96 : i32
    %lt3A_1770 = vector.broadcast %lt3A_1769 : i32 to vector<16xi32>
    %lt3A_1771 = arith.cmpi slt, %sub3A_1756, %lt3A_1770 : vector<16xi32>
    %and3A_1772 = arith.andi %and3A_1768, %lt3A_1771 : vector<16xi1>
    %jit3A_1773 = arith.constant 0 : i32
    %jit3A_1774 = arith.constant 95 : i32
    %max3A_1775 = vector.broadcast %jit3A_1773 : i32 to vector<16xi32>
    %max3A_1776 = arith.maxsi %max3A_1775, %sub3A_1754 : vector<16xi32>
    %min3A_1777 = vector.broadcast %jit3A_1774 : i32 to vector<16xi32>
    %min3A_1778 = arith.minsi %min3A_1777, %max3A_1776 : vector<16xi32>
    %jit3A_1779 = arith.constant 0 : i32
    %jit3A_1780 = arith.constant 95 : i32
    %max3A_1781 = vector.broadcast %jit3A_1779 : i32 to vector<16xi32>
    %max3A_1782 = arith.maxsi %max3A_1781, %sub3A_1756 : vector<16xi32>
    %min3A_1783 = vector.broadcast %jit3A_1780 : i32 to vector<16xi32>
    %min3A_1784 = arith.minsi %min3A_1783, %max3A_1782 : vector<16xi32>
    %add3A_1785 = arith.constant 3 : i32
    %add3A_1786 = vector.broadcast %add3A_1785 : i32 to vector<16xi32>
    %add3A_1787 = arith.addi %select_n3A_1727, %add3A_1786 : vector<16xi32>
    %gather3A_1788 = tpu.vector_load_idx %arg7[%add3A_1787] : memref<816xf32, #tpu.memory_space<vmem>>[vector<16xi32>], vector<16xf32>,
    %sub3A_1789 = arith.constant 4 : i32
    %sub3A_1790 = vector.broadcast %sub3A_1789 : i32 to vector<16xi32>
    %sub3A_1791 = arith.subi %select_n3A_1727, %sub3A_1790 : vector<16xi32>
    %max3A_1792 = arith.constant 400 : i32
    %max3A_1793 = vector.broadcast %max3A_1792 : i32 to vector<16xi32>
    %max3A_1794 = arith.maxsi %sub3A_1791, %max3A_1793 : vector<16xi32>
    %add3A_1795 = arith.constant 3 : i32
    %add3A_1796 = vector.broadcast %add3A_1795 : i32 to vector<16xi32>
    %add3A_1797 = arith.addi %max3A_1794, %add3A_1796 : vector<16xi32>
    %gather3A_1798 = tpu.vector_load_idx %arg7[%add3A_1797] : memref<816xf32, #tpu.memory_space<vmem>>[vector<16xi32>], vector<16xf32>,
    %sub3A_1799 = arith.subf %gather3A_1798, %gather3A_1788 : vector<16xf32>
    %div3A_1800 = arith.constant 5.000000e+01 : f32
    %div3A_1801 = vector.broadcast %div3A_1800 : f32 to vector<16xf32>
    %div3A_1802 = arith.divf %sub3A_1799, %div3A_1801 : vector<16xf32>
    %exp3A_1803 = math.exp %div3A_1802 : vector<16xf32>
    %swap3A_1804 = arith.constant 0 : index
    %swap3A_1805 = tpu.vector_load %arg12[%swap3A_1804] {strides = array<i32>} : memref<80xf32, #tpu.memory_space<vmem>>, vector<16xf32>,
    tpu.vector_store %arg12[%swap3A_1804], %exp3A_1803 {strides = array<i32>} : memref<80xf32, #tpu.memory_space<vmem>>, vector<16xf32>,
    %add3A_1806 = arith.constant 16 : i32
    %add3A_1807 = vector.broadcast %add3A_1806 : i32 to vector<16xi32>
    %add3A_1808 = arith.addi %add3A_1807, %iota3A : vector<16xi32>
    %mul3A_1809 = arith.constant 4 : i32
    %mul3A_1810 = vector.broadcast %mul3A_1809 : i32 to vector<16xi32>
    %mul3A_1811 = arith.muli %mul3A_1810, %add3A_1808 : vector<16xi32>
    %add3A_1812 = arith.constant 400 : i32
    %add3A_1813 = vector.broadcast %add3A_1812 : i32 to vector<16xi32>
    %add3A_1814 = arith.addi %add3A_1813, %mul3A_1811 : vector<16xi32>
    %add3A_1815 = arith.constant 16 : i32
    %add3A_1816 = vector.broadcast %add3A_1815 : i32 to vector<16xi32>
    %add3A_1817 = arith.addi %add3A_1816, %iota3A : vector<16xi32>
    %lt3A_1818 = arith.constant 50 : i32
    %lt3A_1819 = vector.broadcast %lt3A_1818 : i32 to vector<16xi32>
    %lt3A_1820 = arith.cmpi slt, %add3A_1817, %lt3A_1819 : vector<16xi32>
    %jit3A_1821 = arith.constant 400 : i32
    %broadcast_in_dim3A_1822 = vector.broadcast %jit3A_1821 : i32 to vector<16xi32>
    %select_n3A_1823 = arith.select %lt3A_1820, %add3A_1814, %broadcast_in_dim3A_1822 : vector<16xi1>, vector<16xi32>
    %gather3A_1824 = tpu.vector_load_idx %arg7[%select_n3A_1823] : memref<816xf32, #tpu.memory_space<vmem>>[vector<16xi32>], vector<16xf32>,
    %convert_element_type3A_1825 = arith.fptosi %gather3A_1824 : vector<16xf32> to vector<16xi32>
    %add3A_1826 = arith.constant 1 : i32
    %add3A_1827 = vector.broadcast %add3A_1826 : i32 to vector<16xi32>
    %add3A_1828 = arith.addi %select_n3A_1823, %add3A_1827 : vector<16xi32>
    %gather3A_1829 = tpu.vector_load_idx %arg7[%add3A_1828] : memref<816xf32, #tpu.memory_space<vmem>>[vector<16xi32>], vector<16xf32>,
    %convert_element_type3A_1830 = arith.fptosi %gather3A_1829 : vector<16xf32> to vector<16xi32>
    %add3A_1831 = arith.constant 2 : i32
    %add3A_1832 = vector.broadcast %add3A_1831 : i32 to vector<16xi32>
    %add3A_1833 = arith.addi %select_n3A_1823, %add3A_1832 : vector<16xi32>
    %gather3A_1834 = tpu.vector_load_idx %arg7[%add3A_1833] : memref<816xf32, #tpu.memory_space<vmem>>[vector<16xi32>], vector<16xf32>,
    %convert_element_type3A_1835 = arith.fptosi %gather3A_1834 : vector<16xf32> to vector<16xi32>
    %mul3A_1836 = arith.constant 128 : i32
    %mul3A_1837 = vector.broadcast %mul3A_1836 : i32 to vector<16xi32>
    %mul3A_1838 = arith.muli %convert_element_type3A_1835, %mul3A_1837 : vector<16xi32>
    %add3A_1839 = arith.addi %mul3A_1838, %convert_element_type3A_1825 : vector<16xi32>
    %mul3A_1840 = arith.constant 128 : i32
    %mul3A_1841 = vector.broadcast %mul3A_1840 : i32 to vector<16xi32>
    %mul3A_1842 = arith.muli %add3A_1839, %mul3A_1841 : vector<16xi32>
    %add3A_1843 = arith.addi %mul3A_1842, %convert_element_type3A_1830 : vector<16xi32>
    %jit3A_1844 = arith.constant -1 : i32
    %broadcast_in_dim3A_1845 = vector.broadcast %jit3A_1844 : i32 to vector<16xi32>
    %select_n3A_1846 = arith.select %lt3A_1820, %add3A_1843, %broadcast_in_dim3A_1845 : vector<16xi1>, vector<16xi32>
    %swap3A_1847 = arith.constant 16 : index
    %swap3A_1848 = tpu.vector_load %arg11[%swap3A_1847] {strides = array<i32>} : memref<80xi32, #tpu.memory_space<vmem>>, vector<16xi32>,
    tpu.vector_store %arg11[%swap3A_1847], %select_n3A_1846 {strides = array<i32>} : memref<80xi32, #tpu.memory_space<vmem>>, vector<16xi32>,
    %sub3A_1849 = vector.broadcast %squeeze3A : i32 to vector<16xi32>
    %sub3A_1850 = arith.subi %convert_element_type3A_1825, %sub3A_1849 : vector<16xi32>
    %sub3A_1851 = vector.broadcast %squeeze3A : i32 to vector<16xi32>
    %sub3A_1852 = arith.subi %convert_element_type3A_1830, %sub3A_1851 : vector<16xi32>
    %ge3A_1853 = arith.constant 0 : i32
    %ge3A_1854 = vector.broadcast %ge3A_1853 : i32 to vector<16xi32>
    %ge3A_1855 = arith.cmpi sge, %sub3A_1850, %ge3A_1854 : vector<16xi32>
    %and3A_1856 = arith.andi %lt3A_1820, %ge3A_1855 : vector<16xi1>
    %lt3A_1857 = arith.constant 96 : i32
    %lt3A_1858 = vector.broadcast %lt3A_1857 : i32 to vector<16xi32>
    %lt3A_1859 = arith.cmpi slt, %sub3A_1850, %lt3A_1858 : vector<16xi32>
    %and3A_1860 = arith.andi %and3A_1856, %lt3A_1859 : vector<16xi1>
    %ge3A_1861 = arith.constant 0 : i32
    %ge3A_1862 = vector.broadcast %ge3A_1861 : i32 to vector<16xi32>
    %ge3A_1863 = arith.cmpi sge, %sub3A_1852, %ge3A_1862 : vector<16xi32>
    %and3A_1864 = arith.andi %and3A_1860, %ge3A_1863 : vector<16xi1>
    %lt3A_1865 = arith.constant 96 : i32
    %lt3A_1866 = vector.broadcast %lt3A_1865 : i32 to vector<16xi32>
    %lt3A_1867 = arith.cmpi slt, %sub3A_1852, %lt3A_1866 : vector<16xi32>
    %and3A_1868 = arith.andi %and3A_1864, %lt3A_1867 : vector<16xi1>
    %jit3A_1869 = arith.constant 0 : i32
    %jit3A_1870 = arith.constant 95 : i32
    %max3A_1871 = vector.broadcast %jit3A_1869 : i32 to vector<16xi32>
    %max3A_1872 = arith.maxsi %max3A_1871, %sub3A_1850 : vector<16xi32>
    %min3A_1873 = vector.broadcast %jit3A_1870 : i32 to vector<16xi32>
    %min3A_1874 = arith.minsi %min3A_1873, %max3A_1872 : vector<16xi32>
    %jit3A_1875 = arith.constant 0 : i32
    %jit3A_1876 = arith.constant 95 : i32
    %max3A_1877 = vector.broadcast %jit3A_1875 : i32 to vector<16xi32>
    %max3A_1878 = arith.maxsi %max3A_1877, %sub3A_1852 : vector<16xi32>
    %min3A_1879 = vector.broadcast %jit3A_1876 : i32 to vector<16xi32>
    %min3A_1880 = arith.minsi %min3A_1879, %max3A_1878 : vector<16xi32>
    %add3A_1881 = arith.constant 3 : i32
    %add3A_1882 = vector.broadcast %add3A_1881 : i32 to vector<16xi32>
    %add3A_1883 = arith.addi %select_n3A_1823, %add3A_1882 : vector<16xi32>
    %gather3A_1884 = tpu.vector_load_idx %arg7[%add3A_1883] : memref<816xf32, #tpu.memory_space<vmem>>[vector<16xi32>], vector<16xf32>,
    %sub3A_1885 = arith.constant 4 : i32
    %sub3A_1886 = vector.broadcast %sub3A_1885 : i32 to vector<16xi32>
    %sub3A_1887 = arith.subi %select_n3A_1823, %sub3A_1886 : vector<16xi32>
    %max3A_1888 = arith.constant 400 : i32
    %max3A_1889 = vector.broadcast %max3A_1888 : i32 to vector<16xi32>
    %max3A_1890 = arith.maxsi %sub3A_1887, %max3A_1889 : vector<16xi32>
    %add3A_1891 = arith.constant 3 : i32
    %add3A_1892 = vector.broadcast %add3A_1891 : i32 to vector<16xi32>
    %add3A_1893 = arith.addi %max3A_1890, %add3A_1892 : vector<16xi32>
    %gather3A_1894 = tpu.vector_load_idx %arg7[%add3A_1893] : memref<816xf32, #tpu.memory_space<vmem>>[vector<16xi32>], vector<16xf32>,
    %sub3A_1895 = arith.subf %gather3A_1894, %gather3A_1884 : vector<16xf32>
    %div3A_1896 = arith.constant 5.000000e+01 : f32
    %div3A_1897 = vector.broadcast %div3A_1896 : f32 to vector<16xf32>
    %div3A_1898 = arith.divf %sub3A_1895, %div3A_1897 : vector<16xf32>
    %exp3A_1899 = math.exp %div3A_1898 : vector<16xf32>
    %swap3A_1900 = arith.constant 16 : index
    %swap3A_1901 = tpu.vector_load %arg12[%swap3A_1900] {strides = array<i32>} : memref<80xf32, #tpu.memory_space<vmem>>, vector<16xf32>,
    tpu.vector_store %arg12[%swap3A_1900], %exp3A_1899 {strides = array<i32>} : memref<80xf32, #tpu.memory_space<vmem>>, vector<16xf32>,
    %add3A_1902 = arith.constant 32 : i32
    %add3A_1903 = vector.broadcast %add3A_1902 : i32 to vector<16xi32>
    %add3A_1904 = arith.addi %add3A_1903, %iota3A : vector<16xi32>
    %mul3A_1905 = arith.constant 4 : i32
    %mul3A_1906 = vector.broadcast %mul3A_1905 : i32 to vector<16xi32>
    %mul3A_1907 = arith.muli %mul3A_1906, %add3A_1904 : vector<16xi32>
    %add3A_1908 = arith.constant 400 : i32
    %add3A_1909 = vector.broadcast %add3A_1908 : i32 to vector<16xi32>
    %add3A_1910 = arith.addi %add3A_1909, %mul3A_1907 : vector<16xi32>
    %add3A_1911 = arith.constant 32 : i32
    %add3A_1912 = vector.broadcast %add3A_1911 : i32 to vector<16xi32>
    %add3A_1913 = arith.addi %add3A_1912, %iota3A : vector<16xi32>
    %lt3A_1914 = arith.constant 50 : i32
    %lt3A_1915 = vector.broadcast %lt3A_1914 : i32 to vector<16xi32>
    %lt3A_1916 = arith.cmpi slt, %add3A_1913, %lt3A_1915 : vector<16xi32>
    %jit3A_1917 = arith.constant 400 : i32
    %broadcast_in_dim3A_1918 = vector.broadcast %jit3A_1917 : i32 to vector<16xi32>
    %select_n3A_1919 = arith.select %lt3A_1916, %add3A_1910, %broadcast_in_dim3A_1918 : vector<16xi1>, vector<16xi32>
    %gather3A_1920 = tpu.vector_load_idx %arg7[%select_n3A_1919] : memref<816xf32, #tpu.memory_space<vmem>>[vector<16xi32>], vector<16xf32>,
    %convert_element_type3A_1921 = arith.fptosi %gather3A_1920 : vector<16xf32> to vector<16xi32>
    %add3A_1922 = arith.constant 1 : i32
    %add3A_1923 = vector.broadcast %add3A_1922 : i32 to vector<16xi32>
    %add3A_1924 = arith.addi %select_n3A_1919, %add3A_1923 : vector<16xi32>
    %gather3A_1925 = tpu.vector_load_idx %arg7[%add3A_1924] : memref<816xf32, #tpu.memory_space<vmem>>[vector<16xi32>], vector<16xf32>,
    %convert_element_type3A_1926 = arith.fptosi %gather3A_1925 : vector<16xf32> to vector<16xi32>
    %add3A_1927 = arith.constant 2 : i32
    %add3A_1928 = vector.broadcast %add3A_1927 : i32 to vector<16xi32>
    %add3A_1929 = arith.addi %select_n3A_1919, %add3A_1928 : vector<16xi32>
    %gather3A_1930 = tpu.vector_load_idx %arg7[%add3A_1929] : memref<816xf32, #tpu.memory_space<vmem>>[vector<16xi32>], vector<16xf32>,
    %convert_element_type3A_1931 = arith.fptosi %gather3A_1930 : vector<16xf32> to vector<16xi32>
    %mul3A_1932 = arith.constant 128 : i32
    %mul3A_1933 = vector.broadcast %mul3A_1932 : i32 to vector<16xi32>
    %mul3A_1934 = arith.muli %convert_element_type3A_1931, %mul3A_1933 : vector<16xi32>
    %add3A_1935 = arith.addi %mul3A_1934, %convert_element_type3A_1921 : vector<16xi32>
    %mul3A_1936 = arith.constant 128 : i32
    %mul3A_1937 = vector.broadcast %mul3A_1936 : i32 to vector<16xi32>
    %mul3A_1938 = arith.muli %add3A_1935, %mul3A_1937 : vector<16xi32>
    %add3A_1939 = arith.addi %mul3A_1938, %convert_element_type3A_1926 : vector<16xi32>
    %jit3A_1940 = arith.constant -1 : i32
    %broadcast_in_dim3A_1941 = vector.broadcast %jit3A_1940 : i32 to vector<16xi32>
    %select_n3A_1942 = arith.select %lt3A_1916, %add3A_1939, %broadcast_in_dim3A_1941 : vector<16xi1>, vector<16xi32>
    %swap3A_1943 = arith.constant 32 : index
    %swap3A_1944 = tpu.vector_load %arg11[%swap3A_1943] {strides = array<i32>} : memref<80xi32, #tpu.memory_space<vmem>>, vector<16xi32>,
    tpu.vector_store %arg11[%swap3A_1943], %select_n3A_1942 {strides = array<i32>} : memref<80xi32, #tpu.memory_space<vmem>>, vector<16xi32>,
    %sub3A_1945 = vector.broadcast %squeeze3A : i32 to vector<16xi32>
    %sub3A_1946 = arith.subi %convert_element_type3A_1921, %sub3A_1945 : vector<16xi32>
    %sub3A_1947 = vector.broadcast %squeeze3A : i32 to vector<16xi32>
    %sub3A_1948 = arith.subi %convert_element_type3A_1926, %sub3A_1947 : vector<16xi32>
    %ge3A_1949 = arith.constant 0 : i32
    %ge3A_1950 = vector.broadcast %ge3A_1949 : i32 to vector<16xi32>
    %ge3A_1951 = arith.cmpi sge, %sub3A_1946, %ge3A_1950 : vector<16xi32>
    %and3A_1952 = arith.andi %lt3A_1916, %ge3A_1951 : vector<16xi1>
    %lt3A_1953 = arith.constant 96 : i32
    %lt3A_1954 = vector.broadcast %lt3A_1953 : i32 to vector<16xi32>
    %lt3A_1955 = arith.cmpi slt, %sub3A_1946, %lt3A_1954 : vector<16xi32>
    %and3A_1956 = arith.andi %and3A_1952, %lt3A_1955 : vector<16xi1>
    %ge3A_1957 = arith.constant 0 : i32
    %ge3A_1958 = vector.broadcast %ge3A_1957 : i32 to vector<16xi32>
    %ge3A_1959 = arith.cmpi sge, %sub3A_1948, %ge3A_1958 : vector<16xi32>
    %and3A_1960 = arith.andi %and3A_1956, %ge3A_1959 : vector<16xi1>
    %lt3A_1961 = arith.constant 96 : i32
    %lt3A_1962 = vector.broadcast %lt3A_1961 : i32 to vector<16xi32>
    %lt3A_1963 = arith.cmpi slt, %sub3A_1948, %lt3A_1962 : vector<16xi32>
    %and3A_1964 = arith.andi %and3A_1960, %lt3A_1963 : vector<16xi1>
    %jit3A_1965 = arith.constant 0 : i32
    %jit3A_1966 = arith.constant 95 : i32
    %max3A_1967 = vector.broadcast %jit3A_1965 : i32 to vector<16xi32>
    %max3A_1968 = arith.maxsi %max3A_1967, %sub3A_1946 : vector<16xi32>
    %min3A_1969 = vector.broadcast %jit3A_1966 : i32 to vector<16xi32>
    %min3A_1970 = arith.minsi %min3A_1969, %max3A_1968 : vector<16xi32>
    %jit3A_1971 = arith.constant 0 : i32
    %jit3A_1972 = arith.constant 95 : i32
    %max3A_1973 = vector.broadcast %jit3A_1971 : i32 to vector<16xi32>
    %max3A_1974 = arith.maxsi %max3A_1973, %sub3A_1948 : vector<16xi32>
    %min3A_1975 = vector.broadcast %jit3A_1972 : i32 to vector<16xi32>
    %min3A_1976 = arith.minsi %min3A_1975, %max3A_1974 : vector<16xi32>
    %add3A_1977 = arith.constant 3 : i32
    %add3A_1978 = vector.broadcast %add3A_1977 : i32 to vector<16xi32>
    %add3A_1979 = arith.addi %select_n3A_1919, %add3A_1978 : vector<16xi32>
    %gather3A_1980 = tpu.vector_load_idx %arg7[%add3A_1979] : memref<816xf32, #tpu.memory_space<vmem>>[vector<16xi32>], vector<16xf32>,
    %sub3A_1981 = arith.constant 4 : i32
    %sub3A_1982 = vector.broadcast %sub3A_1981 : i32 to vector<16xi32>
    %sub3A_1983 = arith.subi %select_n3A_1919, %sub3A_1982 : vector<16xi32>
    %max3A_1984 = arith.constant 400 : i32
    %max3A_1985 = vector.broadcast %max3A_1984 : i32 to vector<16xi32>
    %max3A_1986 = arith.maxsi %sub3A_1983, %max3A_1985 : vector<16xi32>
    %add3A_1987 = arith.constant 3 : i32
    %add3A_1988 = vector.broadcast %add3A_1987 : i32 to vector<16xi32>
    %add3A_1989 = arith.addi %max3A_1986, %add3A_1988 : vector<16xi32>
    %gather3A_1990 = tpu.vector_load_idx %arg7[%add3A_1989] : memref<816xf32, #tpu.memory_space<vmem>>[vector<16xi32>], vector<16xf32>,
    %sub3A_1991 = arith.subf %gather3A_1990, %gather3A_1980 : vector<16xf32>
    %div3A_1992 = arith.constant 5.000000e+01 : f32
    %div3A_1993 = vector.broadcast %div3A_1992 : f32 to vector<16xf32>
    %div3A_1994 = arith.divf %sub3A_1991, %div3A_1993 : vector<16xf32>
    %exp3A_1995 = math.exp %div3A_1994 : vector<16xf32>
    %swap3A_1996 = arith.constant 32 : index
    %swap3A_1997 = tpu.vector_load %arg12[%swap3A_1996] {strides = array<i32>} : memref<80xf32, #tpu.memory_space<vmem>>, vector<16xf32>,
    tpu.vector_store %arg12[%swap3A_1996], %exp3A_1995 {strides = array<i32>} : memref<80xf32, #tpu.memory_space<vmem>>, vector<16xf32>,
    %add3A_1998 = arith.constant 48 : i32
    %add3A_1999 = vector.broadcast %add3A_1998 : i32 to vector<16xi32>
    %add3A_2000 = arith.addi %add3A_1999, %iota3A : vector<16xi32>
    %mul3A_2001 = arith.constant 4 : i32
    %mul3A_2002 = vector.broadcast %mul3A_2001 : i32 to vector<16xi32>
    %mul3A_2003 = arith.muli %mul3A_2002, %add3A_2000 : vector<16xi32>
    %add3A_2004 = arith.constant 400 : i32
    %add3A_2005 = vector.broadcast %add3A_2004 : i32 to vector<16xi32>
    %add3A_2006 = arith.addi %add3A_2005, %mul3A_2003 : vector<16xi32>
    %add3A_2007 = arith.constant 48 : i32
    %add3A_2008 = vector.broadcast %add3A_2007 : i32 to vector<16xi32>
    %add3A_2009 = arith.addi %add3A_2008, %iota3A : vector<16xi32>
    %lt3A_2010 = arith.constant 50 : i32
    %lt3A_2011 = vector.broadcast %lt3A_2010 : i32 to vector<16xi32>
    %lt3A_2012 = arith.cmpi slt, %add3A_2009, %lt3A_2011 : vector<16xi32>
    %jit3A_2013 = arith.constant 400 : i32
    %broadcast_in_dim3A_2014 = vector.broadcast %jit3A_2013 : i32 to vector<16xi32>
    %select_n3A_2015 = arith.select %lt3A_2012, %add3A_2006, %broadcast_in_dim3A_2014 : vector<16xi1>, vector<16xi32>
    %gather3A_2016 = tpu.vector_load_idx %arg7[%select_n3A_2015] : memref<816xf32, #tpu.memory_space<vmem>>[vector<16xi32>], vector<16xf32>,
    %convert_element_type3A_2017 = arith.fptosi %gather3A_2016 : vector<16xf32> to vector<16xi32>
    %add3A_2018 = arith.constant 1 : i32
    %add3A_2019 = vector.broadcast %add3A_2018 : i32 to vector<16xi32>
    %add3A_2020 = arith.addi %select_n3A_2015, %add3A_2019 : vector<16xi32>
    %gather3A_2021 = tpu.vector_load_idx %arg7[%add3A_2020] : memref<816xf32, #tpu.memory_space<vmem>>[vector<16xi32>], vector<16xf32>,
    %convert_element_type3A_2022 = arith.fptosi %gather3A_2021 : vector<16xf32> to vector<16xi32>
    %add3A_2023 = arith.constant 2 : i32
    %add3A_2024 = vector.broadcast %add3A_2023 : i32 to vector<16xi32>
    %add3A_2025 = arith.addi %select_n3A_2015, %add3A_2024 : vector<16xi32>
    %gather3A_2026 = tpu.vector_load_idx %arg7[%add3A_2025] : memref<816xf32, #tpu.memory_space<vmem>>[vector<16xi32>], vector<16xf32>,
    %convert_element_type3A_2027 = arith.fptosi %gather3A_2026 : vector<16xf32> to vector<16xi32>
    %mul3A_2028 = arith.constant 128 : i32
    %mul3A_2029 = vector.broadcast %mul3A_2028 : i32 to vector<16xi32>
    %mul3A_2030 = arith.muli %convert_element_type3A_2027, %mul3A_2029 : vector<16xi32>
    %add3A_2031 = arith.addi %mul3A_2030, %convert_element_type3A_2017 : vector<16xi32>
    %mul3A_2032 = arith.constant 128 : i32
    %mul3A_2033 = vector.broadcast %mul3A_2032 : i32 to vector<16xi32>
    %mul3A_2034 = arith.muli %add3A_2031, %mul3A_2033 : vector<16xi32>
    %add3A_2035 = arith.addi %mul3A_2034, %convert_element_type3A_2022 : vector<16xi32>
    %jit3A_2036 = arith.constant -1 : i32
    %broadcast_in_dim3A_2037 = vector.broadcast %jit3A_2036 : i32 to vector<16xi32>
    %select_n3A_2038 = arith.select %lt3A_2012, %add3A_2035, %broadcast_in_dim3A_2037 : vector<16xi1>, vector<16xi32>
    %swap3A_2039 = arith.constant 48 : index
    %swap3A_2040 = tpu.vector_load %arg11[%swap3A_2039] {strides = array<i32>} : memref<80xi32, #tpu.memory_space<vmem>>, vector<16xi32>,
    tpu.vector_store %arg11[%swap3A_2039], %select_n3A_2038 {strides = array<i32>} : memref<80xi32, #tpu.memory_space<vmem>>, vector<16xi32>,
    %sub3A_2041 = vector.broadcast %squeeze3A : i32 to vector<16xi32>
    %sub3A_2042 = arith.subi %convert_element_type3A_2017, %sub3A_2041 : vector<16xi32>
    %sub3A_2043 = vector.broadcast %squeeze3A : i32 to vector<16xi32>
    %sub3A_2044 = arith.subi %convert_element_type3A_2022, %sub3A_2043 : vector<16xi32>
    %ge3A_2045 = arith.constant 0 : i32
    %ge3A_2046 = vector.broadcast %ge3A_2045 : i32 to vector<16xi32>
    %ge3A_2047 = arith.cmpi sge, %sub3A_2042, %ge3A_2046 : vector<16xi32>
    %and3A_2048 = arith.andi %lt3A_2012, %ge3A_2047 : vector<16xi1>
    %lt3A_2049 = arith.constant 96 : i32
    %lt3A_2050 = vector.broadcast %lt3A_2049 : i32 to vector<16xi32>
    %lt3A_2051 = arith.cmpi slt, %sub3A_2042, %lt3A_2050 : vector<16xi32>
    %and3A_2052 = arith.andi %and3A_2048, %lt3A_2051 : vector<16xi1>
    %ge3A_2053 = arith.constant 0 : i32
    %ge3A_2054 = vector.broadcast %ge3A_2053 : i32 to vector<16xi32>
    %ge3A_2055 = arith.cmpi sge, %sub3A_2044, %ge3A_2054 : vector<16xi32>
    %and3A_2056 = arith.andi %and3A_2052, %ge3A_2055 : vector<16xi1>
    %lt3A_2057 = arith.constant 96 : i32
    %lt3A_2058 = vector.broadcast %lt3A_2057 : i32 to vector<16xi32>
    %lt3A_2059 = arith.cmpi slt, %sub3A_2044, %lt3A_2058 : vector<16xi32>
    %and3A_2060 = arith.andi %and3A_2056, %lt3A_2059 : vector<16xi1>
    %jit3A_2061 = arith.constant 0 : i32
    %jit3A_2062 = arith.constant 95 : i32
    %max3A_2063 = vector.broadcast %jit3A_2061 : i32 to vector<16xi32>
    %max3A_2064 = arith.maxsi %max3A_2063, %sub3A_2042 : vector<16xi32>
    %min3A_2065 = vector.broadcast %jit3A_2062 : i32 to vector<16xi32>
    %min3A_2066 = arith.minsi %min3A_2065, %max3A_2064 : vector<16xi32>
    %jit3A_2067 = arith.constant 0 : i32
    %jit3A_2068 = arith.constant 95 : i32
    %max3A_2069 = vector.broadcast %jit3A_2067 : i32 to vector<16xi32>
    %max3A_2070 = arith.maxsi %max3A_2069, %sub3A_2044 : vector<16xi32>
    %min3A_2071 = vector.broadcast %jit3A_2068 : i32 to vector<16xi32>
    %min3A_2072 = arith.minsi %min3A_2071, %max3A_2070 : vector<16xi32>
    %add3A_2073 = arith.constant 3 : i32
    %add3A_2074 = vector.broadcast %add3A_2073 : i32 to vector<16xi32>
    %add3A_2075 = arith.addi %select_n3A_2015, %add3A_2074 : vector<16xi32>
    %gather3A_2076 = tpu.vector_load_idx %arg7[%add3A_2075] : memref<816xf32, #tpu.memory_space<vmem>>[vector<16xi32>], vector<16xf32>,
    %sub3A_2077 = arith.constant 4 : i32
    %sub3A_2078 = vector.broadcast %sub3A_2077 : i32 to vector<16xi32>
    %sub3A_2079 = arith.subi %select_n3A_2015, %sub3A_2078 : vector<16xi32>
    %max3A_2080 = arith.constant 400 : i32
    %max3A_2081 = vector.broadcast %max3A_2080 : i32 to vector<16xi32>
    %max3A_2082 = arith.maxsi %sub3A_2079, %max3A_2081 : vector<16xi32>
    %add3A_2083 = arith.constant 3 : i32
    %add3A_2084 = vector.broadcast %add3A_2083 : i32 to vector<16xi32>
    %add3A_2085 = arith.addi %max3A_2082, %add3A_2084 : vector<16xi32>
    %gather3A_2086 = tpu.vector_load_idx %arg7[%add3A_2085] : memref<816xf32, #tpu.memory_space<vmem>>[vector<16xi32>], vector<16xf32>,
    %sub3A_2087 = arith.subf %gather3A_2086, %gather3A_2076 : vector<16xf32>
    %div3A_2088 = arith.constant 5.000000e+01 : f32
    %div3A_2089 = vector.broadcast %div3A_2088 : f32 to vector<16xf32>
    %div3A_2090 = arith.divf %sub3A_2087, %div3A_2089 : vector<16xf32>
    %exp3A_2091 = math.exp %div3A_2090 : vector<16xf32>
    %swap3A_2092 = arith.constant 48 : index
    %swap3A_2093 = tpu.vector_load %arg12[%swap3A_2092] {strides = array<i32>} : memref<80xf32, #tpu.memory_space<vmem>>, vector<16xf32>,
    tpu.vector_store %arg12[%swap3A_2092], %exp3A_2091 {strides = array<i32>} : memref<80xf32, #tpu.memory_space<vmem>>, vector<16xf32>,
    %get3A_2094 = arith.constant 0 : index
    %get3A_2095 = tpu.vector_load %arg11[%get3A_2094] {strides = array<i32>} : memref<80xi32, #tpu.memory_space<vmem>>, vector<16xi32>,
    %slice3A_2096 = vector.extract_strided_slice %get3A_2095 {offsets = [0], sizes = [1], strides = [1]} : vector<16xi32> to vector<1xi32>
    %squeeze3A_2097 = vector.extract %slice3A_2096[0] : i32 from vector<1xi32>
    %get3A_2098 = arith.constant 100 : index
    %get3A_2099 = tpu.vector_load %arg8[%get3A_2098] {strides = array<i32>} : memref<216xi32, #tpu.memory_space<vmem>>, vector<16xi32>,
    %slice3A_2100 = vector.extract_strided_slice %get3A_2099 {offsets = [0], sizes = [1], strides = [1]} : vector<16xi32> to vector<1xi32>
    %squeeze3A_2101 = vector.extract %slice3A_2100[0] : i32 from vector<1xi32>
    %eq3A_2102 = arith.constant 0 : i32
    %eq3A_2103 = arith.cmpi eq, %squeeze3A_2101, %eq3A_2102 : i32
    %jit3A_2104 = arith.constant 3.000000e-01 : f32
    %jit3A_2105 = arith.constant 0.000000e+00 : f32
    %select_n3A_2106 = arith.select %eq3A_2103, %jit3A_2104, %jit3A_2105 : f32
    %eq3A_2107 = vector.broadcast %squeeze3A_2097 : i32 to vector<16xi32>
    %eq3A_2108 = arith.cmpi eq, %select_n3A_1750, %eq3A_2107 : vector<16xi32>
    %jit3A_2109 = arith.constant 0.000000e+00 : f32
    %broadcast_in_dim3A_2110 = vector.broadcast %select_n3A_2106 : f32 to vector<16xf32>
    %broadcast_in_dim3A_2111 = vector.broadcast %jit3A_2109 : f32 to vector<16xf32>
    %select_n3A_2112 = arith.select %eq3A_2108, %broadcast_in_dim3A_2110, %broadcast_in_dim3A_2111 : vector<16xi1>, vector<16xf32>
    %swap3A_2113 = arith.constant 0 : index
    %swap3A_2114 = tpu.vector_load %arg13[%swap3A_2113] {strides = array<i32>} : memref<80xf32, #tpu.memory_space<vmem>>, vector<16xf32>,
    tpu.vector_store %arg13[%swap3A_2113], %select_n3A_2112 {strides = array<i32>} : memref<80xf32, #tpu.memory_space<vmem>>, vector<16xf32>,
    %jit3A_2115 = arith.constant 3.000000e-01 : f32
    %jit3A_2116 = arith.constant 0.000000e+00 : f32
    %broadcast_in_dim3A_2117 = vector.broadcast %jit3A_2115 : f32 to vector<16xf32>
    %broadcast_in_dim3A_2118 = vector.broadcast %jit3A_2116 : f32 to vector<16xf32>
    %select_n3A_2119 = arith.select %eq3A_2108, %broadcast_in_dim3A_2117, %broadcast_in_dim3A_2118 : vector<16xi1>, vector<16xf32>
    %swap3A_2120 = arith.constant 0 : index
    %swap3A_2121 = tpu.vector_load %arg14[%swap3A_2120] {strides = array<i32>} : memref<256xf32, #tpu.memory_space<vmem>>, vector<16xf32>,
    tpu.vector_store %arg14[%swap3A_2120], %select_n3A_2119 {strides = array<i32>} : memref<256xf32, #tpu.memory_space<vmem>>, vector<16xf32>,
    %swap3A_2122 = arith.constant 64 : index
    %swap3A_2123 = tpu.vector_load %arg14[%swap3A_2122] {strides = array<i32>} : memref<256xf32, #tpu.memory_space<vmem>>, vector<16xf32>,
    tpu.vector_store %arg14[%swap3A_2122], %broadcast_in_dim3A_9 {strides = array<i32>} : memref<256xf32, #tpu.memory_space<vmem>>, vector<16xf32>,
    %swap3A_2124 = arith.constant 128 : index
    %swap3A_2125 = tpu.vector_load %arg14[%swap3A_2124] {strides = array<i32>} : memref<256xf32, #tpu.memory_space<vmem>>, vector<16xf32>,
    tpu.vector_store %arg14[%swap3A_2124], %broadcast_in_dim3A_9 {strides = array<i32>} : memref<256xf32, #tpu.memory_space<vmem>>, vector<16xf32>,
    %swap3A_2126 = arith.constant 192 : index
    %swap3A_2127 = tpu.vector_load %arg14[%swap3A_2126] {strides = array<i32>} : memref<256xf32, #tpu.memory_space<vmem>>, vector<16xf32>,
    tpu.vector_store %arg14[%swap3A_2126], %broadcast_in_dim3A_9 {strides = array<i32>} : memref<256xf32, #tpu.memory_space<vmem>>, vector<16xf32>,
    %eq3A_2128 = vector.broadcast %squeeze3A_2097 : i32 to vector<16xi32>
    %eq3A_2129 = arith.cmpi eq, %select_n3A_1846, %eq3A_2128 : vector<16xi32>
    %jit3A_2130 = arith.constant 0.000000e+00 : f32
    %broadcast_in_dim3A_2131 = vector.broadcast %select_n3A_2106 : f32 to vector<16xf32>
    %broadcast_in_dim3A_2132 = vector.broadcast %jit3A_2130 : f32 to vector<16xf32>
    %select_n3A_2133 = arith.select %eq3A_2129, %broadcast_in_dim3A_2131, %broadcast_in_dim3A_2132 : vector<16xi1>, vector<16xf32>
    %swap3A_2134 = arith.constant 16 : index
    %swap3A_2135 = tpu.vector_load %arg13[%swap3A_2134] {strides = array<i32>} : memref<80xf32, #tpu.memory_space<vmem>>, vector<16xf32>,
    tpu.vector_store %arg13[%swap3A_2134], %select_n3A_2133 {strides = array<i32>} : memref<80xf32, #tpu.memory_space<vmem>>, vector<16xf32>,
    %jit3A_2136 = arith.constant 3.000000e-01 : f32
    %jit3A_2137 = arith.constant 0.000000e+00 : f32
    %broadcast_in_dim3A_2138 = vector.broadcast %jit3A_2136 : f32 to vector<16xf32>
    %broadcast_in_dim3A_2139 = vector.broadcast %jit3A_2137 : f32 to vector<16xf32>
    %select_n3A_2140 = arith.select %eq3A_2129, %broadcast_in_dim3A_2138, %broadcast_in_dim3A_2139 : vector<16xi1>, vector<16xf32>
    %swap3A_2141 = arith.constant 16 : index
    %swap3A_2142 = tpu.vector_load %arg14[%swap3A_2141] {strides = array<i32>} : memref<256xf32, #tpu.memory_space<vmem>>, vector<16xf32>,
    tpu.vector_store %arg14[%swap3A_2141], %select_n3A_2140 {strides = array<i32>} : memref<256xf32, #tpu.memory_space<vmem>>, vector<16xf32>,
    %swap3A_2143 = arith.constant 80 : index
    %swap3A_2144 = tpu.vector_load %arg14[%swap3A_2143] {strides = array<i32>} : memref<256xf32, #tpu.memory_space<vmem>>, vector<16xf32>,
    tpu.vector_store %arg14[%swap3A_2143], %broadcast_in_dim3A_9 {strides = array<i32>} : memref<256xf32, #tpu.memory_space<vmem>>, vector<16xf32>,
    %swap3A_2145 = arith.constant 144 : index
    %swap3A_2146 = tpu.vector_load %arg14[%swap3A_2145] {strides = array<i32>} : memref<256xf32, #tpu.memory_space<vmem>>, vector<16xf32>,
    tpu.vector_store %arg14[%swap3A_2145], %broadcast_in_dim3A_9 {strides = array<i32>} : memref<256xf32, #tpu.memory_space<vmem>>, vector<16xf32>,
    %swap3A_2147 = arith.constant 208 : index
    %swap3A_2148 = tpu.vector_load %arg14[%swap3A_2147] {strides = array<i32>} : memref<256xf32, #tpu.memory_space<vmem>>, vector<16xf32>,
    tpu.vector_store %arg14[%swap3A_2147], %broadcast_in_dim3A_9 {strides = array<i32>} : memref<256xf32, #tpu.memory_space<vmem>>, vector<16xf32>,
    %eq3A_2149 = vector.broadcast %squeeze3A_2097 : i32 to vector<16xi32>
    %eq3A_2150 = arith.cmpi eq, %select_n3A_1942, %eq3A_2149 : vector<16xi32>
    %jit3A_2151 = arith.constant 0.000000e+00 : f32
    %broadcast_in_dim3A_2152 = vector.broadcast %select_n3A_2106 : f32 to vector<16xf32>
    %broadcast_in_dim3A_2153 = vector.broadcast %jit3A_2151 : f32 to vector<16xf32>
    %select_n3A_2154 = arith.select %eq3A_2150, %broadcast_in_dim3A_2152, %broadcast_in_dim3A_2153 : vector<16xi1>, vector<16xf32>
    %swap3A_2155 = arith.constant 32 : index
    %swap3A_2156 = tpu.vector_load %arg13[%swap3A_2155] {strides = array<i32>} : memref<80xf32, #tpu.memory_space<vmem>>, vector<16xf32>,
    tpu.vector_store %arg13[%swap3A_2155], %select_n3A_2154 {strides = array<i32>} : memref<80xf32, #tpu.memory_space<vmem>>, vector<16xf32>,
    %jit3A_2157 = arith.constant 3.000000e-01 : f32
    %jit3A_2158 = arith.constant 0.000000e+00 : f32
    %broadcast_in_dim3A_2159 = vector.broadcast %jit3A_2157 : f32 to vector<16xf32>
    %broadcast_in_dim3A_2160 = vector.broadcast %jit3A_2158 : f32 to vector<16xf32>
    %select_n3A_2161 = arith.select %eq3A_2150, %broadcast_in_dim3A_2159, %broadcast_in_dim3A_2160 : vector<16xi1>, vector<16xf32>
    %swap3A_2162 = arith.constant 32 : index
    %swap3A_2163 = tpu.vector_load %arg14[%swap3A_2162] {strides = array<i32>} : memref<256xf32, #tpu.memory_space<vmem>>, vector<16xf32>,
    tpu.vector_store %arg14[%swap3A_2162], %select_n3A_2161 {strides = array<i32>} : memref<256xf32, #tpu.memory_space<vmem>>, vector<16xf32>,
    %swap3A_2164 = arith.constant 96 : index
    %swap3A_2165 = tpu.vector_load %arg14[%swap3A_2164] {strides = array<i32>} : memref<256xf32, #tpu.memory_space<vmem>>, vector<16xf32>,
    tpu.vector_store %arg14[%swap3A_2164], %broadcast_in_dim3A_9 {strides = array<i32>} : memref<256xf32, #tpu.memory_space<vmem>>, vector<16xf32>,
    %swap3A_2166 = arith.constant 160 : index
    %swap3A_2167 = tpu.vector_load %arg14[%swap3A_2166] {strides = array<i32>} : memref<256xf32, #tpu.memory_space<vmem>>, vector<16xf32>,
    tpu.vector_store %arg14[%swap3A_2166], %broadcast_in_dim3A_9 {strides = array<i32>} : memref<256xf32, #tpu.memory_space<vmem>>, vector<16xf32>,
    %swap3A_2168 = arith.constant 224 : index
    %swap3A_2169 = tpu.vector_load %arg14[%swap3A_2168] {strides = array<i32>} : memref<256xf32, #tpu.memory_space<vmem>>, vector<16xf32>,
    tpu.vector_store %arg14[%swap3A_2168], %broadcast_in_dim3A_9 {strides = array<i32>} : memref<256xf32, #tpu.memory_space<vmem>>, vector<16xf32>,
    %eq3A_2170 = vector.broadcast %squeeze3A_2097 : i32 to vector<16xi32>
    %eq3A_2171 = arith.cmpi eq, %select_n3A_2038, %eq3A_2170 : vector<16xi32>
    %jit3A_2172 = arith.constant 0.000000e+00 : f32
    %broadcast_in_dim3A_2173 = vector.broadcast %select_n3A_2106 : f32 to vector<16xf32>
    %broadcast_in_dim3A_2174 = vector.broadcast %jit3A_2172 : f32 to vector<16xf32>
    %select_n3A_2175 = arith.select %eq3A_2171, %broadcast_in_dim3A_2173, %broadcast_in_dim3A_2174 : vector<16xi1>, vector<16xf32>
    %swap3A_2176 = arith.constant 48 : index
    %swap3A_2177 = tpu.vector_load %arg13[%swap3A_2176] {strides = array<i32>} : memref<80xf32, #tpu.memory_space<vmem>>, vector<16xf32>,
    tpu.vector_store %arg13[%swap3A_2176], %select_n3A_2175 {strides = array<i32>} : memref<80xf32, #tpu.memory_space<vmem>>, vector<16xf32>,
    %jit3A_2178 = arith.constant 3.000000e-01 : f32
    %jit3A_2179 = arith.constant 0.000000e+00 : f32
    %broadcast_in_dim3A_2180 = vector.broadcast %jit3A_2178 : f32 to vector<16xf32>
    %broadcast_in_dim3A_2181 = vector.broadcast %jit3A_2179 : f32 to vector<16xf32>
    %select_n3A_2182 = arith.select %eq3A_2171, %broadcast_in_dim3A_2180, %broadcast_in_dim3A_2181 : vector<16xi1>, vector<16xf32>
    %swap3A_2183 = arith.constant 48 : index
    %swap3A_2184 = tpu.vector_load %arg14[%swap3A_2183] {strides = array<i32>} : memref<256xf32, #tpu.memory_space<vmem>>, vector<16xf32>,
    tpu.vector_store %arg14[%swap3A_2183], %select_n3A_2182 {strides = array<i32>} : memref<256xf32, #tpu.memory_space<vmem>>, vector<16xf32>,
    %swap3A_2185 = arith.constant 112 : index
    %swap3A_2186 = tpu.vector_load %arg14[%swap3A_2185] {strides = array<i32>} : memref<256xf32, #tpu.memory_space<vmem>>, vector<16xf32>,
    tpu.vector_store %arg14[%swap3A_2185], %broadcast_in_dim3A_9 {strides = array<i32>} : memref<256xf32, #tpu.memory_space<vmem>>, vector<16xf32>,
    %swap3A_2187 = arith.constant 176 : index
    %swap3A_2188 = tpu.vector_load %arg14[%swap3A_2187] {strides = array<i32>} : memref<256xf32, #tpu.memory_space<vmem>>, vector<16xf32>,
    tpu.vector_store %arg14[%swap3A_2187], %broadcast_in_dim3A_9 {strides = array<i32>} : memref<256xf32, #tpu.memory_space<vmem>>, vector<16xf32>,
    %swap3A_2189 = arith.constant 240 : index
    %swap3A_2190 = tpu.vector_load %arg14[%swap3A_2189] {strides = array<i32>} : memref<256xf32, #tpu.memory_space<vmem>>, vector<16xf32>,
    tpu.vector_store %arg14[%swap3A_2189], %broadcast_in_dim3A_9 {strides = array<i32>} : memref<256xf32, #tpu.memory_space<vmem>>, vector<16xf32>,
    %add3A_2191 = arith.constant 2 : i32
    %add3A_2192 = arith.addi %mul3A_2, %add3A_2191 : i32
    %get3A_2193 = arith.index_cast %add3A_2192 : i32 to index
    %get3A_2194 = tpu.vector_load %arg9[%get3A_2193] {strides = array<i32>} : memref<144xi32, #tpu.memory_space<vmem>>, vector<16xi32>,
    %slice3A_2195 = vector.extract_strided_slice %get3A_2194 {offsets = [0], sizes = [1], strides = [1]} : vector<16xi32> to vector<1xi32>
    %squeeze3A_2196 = vector.extract %slice3A_2195[0] : i32 from vector<1xi32>
    %scan3A_2197 = arith.constant 0 : i32
    %scan3A_2198 = arith.constant 1 : i32
    %scan3A_2199 = arith.constant 49 : i32
    %scan3A_2200 = arith.addi %scan3A_2198, %scan3A_2199 : i32
    %scan3A_2201 = arith.constant 1 : i32
    scf.for %scan3A_3561 = %scan3A_2198 to %scan3A_2200 step %scan3A_2201  : i32 {
      %get3A_3562 = arith.index_cast %scan3A_3561 : i32 to index
      %get3A_3563 = tpu.vector_load %arg12[%get3A_3562] {strides = array<i32>} : memref<80xf32, #tpu.memory_space<vmem>>, vector<16xf32>,
      %slice3A_3564 = vector.extract_strided_slice %get3A_3563 {offsets = [0], sizes = [1], strides = [1]} : vector<16xf32> to vector<1xf32>
      %squeeze3A_3565 = vector.extract %slice3A_3564[0] : f32 from vector<1xf32>
      %get3A_3566 = arith.index_cast %scan3A_3561 : i32 to index
      %get3A_3567 = tpu.vector_load %arg11[%get3A_3566] {strides = array<i32>} : memref<80xi32, #tpu.memory_space<vmem>>, vector<16xi32>,
      %slice3A_3568 = vector.extract_strided_slice %get3A_3567 {offsets = [0], sizes = [1], strides = [1]} : vector<16xi32> to vector<1xi32>
      %squeeze3A_3569 = vector.extract %slice3A_3568[0] : i32 from vector<1xi32>
      %add3A_3570 = arith.constant 100 : i32
      %add3A_3571 = arith.addi %add3A_3570, %scan3A_3561 : i32
      %get3A_3572 = arith.index_cast %add3A_3571 : i32 to index
      %get3A_3573 = tpu.vector_load %arg8[%get3A_3572] {strides = array<i32>} : memref<216xi32, #tpu.memory_space<vmem>>, vector<16xi32>,
      %slice3A_3574 = vector.extract_strided_slice %get3A_3573 {offsets = [0], sizes = [1], strides = [1]} : vector<16xi32> to vector<1xi32>
      %squeeze3A_3575 = vector.extract %slice3A_3574[0] : i32 from vector<1xi32>
      %ge3A_3576 = arith.cmpi sge, %squeeze3A_2196, %scan3A_3561 : i32
      %jit3A_3577 = arith.constant 3.000000e-01 : f32
      %jit3A_3578 = arith.constant 0.000000e+00 : f32
      %select_n3A_3579 = arith.select %ge3A_3576, %jit3A_3577, %jit3A_3578 : f32
      %get3A_3580 = arith.index_cast %scan3A_3561 : i32 to index
      %get3A_3581 = tpu.vector_load %arg13[%get3A_3580] {strides = array<i32>} : memref<80xf32, #tpu.memory_space<vmem>>, vector<16xf32>,
      %slice3A_3582 = vector.extract_strided_slice %get3A_3581 {offsets = [0], sizes = [1], strides = [1]} : vector<16xf32> to vector<1xf32>
      %squeeze3A_3583 = vector.extract %slice3A_3582[0] : f32 from vector<1xf32>
      %mul3A_3584 = arith.mulf %squeeze3A_3583, %squeeze3A_3565 : f32
      %sub3A_3585 = arith.constant 1.000000e+00 : f32
      %sub3A_3586 = arith.subf %sub3A_3585, %mul3A_3584 : f32
      %mul3A_3587 = arith.mulf %select_n3A_3579, %sub3A_3586 : f32
      %mul3A_3588 = arith.constant 64 : i32
      %mul3A_3589 = arith.muli %squeeze3A_3575, %mul3A_3588 : i32
      %get3A_3590 = arith.constant 0 : index
      %get3A_3591 = tpu.vector_load %arg13[%get3A_3590] {strides = array<i32>} : memref<80xf32, #tpu.memory_space<vmem>>, vector<16xf32>,
      %mul3A_3592 = vector.broadcast %squeeze3A_3565 : f32 to vector<16xf32>
      %mul3A_3593 = arith.mulf %get3A_3591, %mul3A_3592 : vector<16xf32>
      %get3A_3594 = arith.constant 0 : index
      %get3A_3595 = tpu.vector_load %arg11[%get3A_3594] {strides = array<i32>} : memref<80xi32, #tpu.memory_space<vmem>>, vector<16xi32>,
      %eq3A_3596 = vector.broadcast %squeeze3A_3569 : i32 to vector<16xi32>
      %eq3A_3597 = arith.cmpi eq, %get3A_3595, %eq3A_3596 : vector<16xi32>
      %jit3A_3598 = arith.constant 0.000000e+00 : f32
      %broadcast_in_dim3A_3599 = vector.broadcast %mul3A_3587 : f32 to vector<16xf32>
      %broadcast_in_dim3A_3600 = vector.broadcast %jit3A_3598 : f32 to vector<16xf32>
      %select_n3A_3601 = arith.select %eq3A_3597, %broadcast_in_dim3A_3599, %broadcast_in_dim3A_3600 : vector<16xi1>, vector<16xf32>
      %add3A_3602 = arith.addf %mul3A_3593, %select_n3A_3601 : vector<16xf32>
      %swap3A_3603 = arith.constant 0 : index
      %swap3A_3604 = tpu.vector_load %arg13[%swap3A_3603] {strides = array<i32>} : memref<80xf32, #tpu.memory_space<vmem>>, vector<16xf32>,
      tpu.vector_store %arg13[%swap3A_3603], %add3A_3602 {strides = array<i32>} : memref<80xf32, #tpu.memory_space<vmem>>, vector<16xf32>,
      %add3A_3605 = arith.constant 0 : i32
      %add3A_3606 = arith.addi %mul3A_3589, %add3A_3605 : i32
      %swap3A_3607 = arith.index_cast %add3A_3606 : i32 to index
      %swap3A_3608 = tpu.vector_load %arg14[%swap3A_3607] {strides = array<i32>} : memref<256xf32, #tpu.memory_space<vmem>>, vector<16xf32>,
      tpu.vector_store %arg14[%swap3A_3607], %add3A_3602 {strides = array<i32>} : memref<256xf32, #tpu.memory_space<vmem>>, vector<16xf32>,
      %get3A_3609 = arith.constant 16 : index
      %get3A_3610 = tpu.vector_load %arg13[%get3A_3609] {strides = array<i32>} : memref<80xf32, #tpu.memory_space<vmem>>, vector<16xf32>,
      %mul3A_3611 = vector.broadcast %squeeze3A_3565 : f32 to vector<16xf32>
      %mul3A_3612 = arith.mulf %get3A_3610, %mul3A_3611 : vector<16xf32>
      %get3A_3613 = arith.constant 16 : index
      %get3A_3614 = tpu.vector_load %arg11[%get3A_3613] {strides = array<i32>} : memref<80xi32, #tpu.memory_space<vmem>>, vector<16xi32>,
      %eq3A_3615 = vector.broadcast %squeeze3A_3569 : i32 to vector<16xi32>
      %eq3A_3616 = arith.cmpi eq, %get3A_3614, %eq3A_3615 : vector<16xi32>
      %jit3A_3617 = arith.constant 0.000000e+00 : f32
      %broadcast_in_dim3A_3618 = vector.broadcast %mul3A_3587 : f32 to vector<16xf32>
      %broadcast_in_dim3A_3619 = vector.broadcast %jit3A_3617 : f32 to vector<16xf32>
      %select_n3A_3620 = arith.select %eq3A_3616, %broadcast_in_dim3A_3618, %broadcast_in_dim3A_3619 : vector<16xi1>, vector<16xf32>
      %add3A_3621 = arith.addf %mul3A_3612, %select_n3A_3620 : vector<16xf32>
      %swap3A_3622 = arith.constant 16 : index
      %swap3A_3623 = tpu.vector_load %arg13[%swap3A_3622] {strides = array<i32>} : memref<80xf32, #tpu.memory_space<vmem>>, vector<16xf32>,
      tpu.vector_store %arg13[%swap3A_3622], %add3A_3621 {strides = array<i32>} : memref<80xf32, #tpu.memory_space<vmem>>, vector<16xf32>,
      %add3A_3624 = arith.constant 16 : i32
      %add3A_3625 = arith.addi %mul3A_3589, %add3A_3624 : i32
      %swap3A_3626 = arith.index_cast %add3A_3625 : i32 to index
      %swap3A_3627 = tpu.vector_load %arg14[%swap3A_3626] {strides = array<i32>} : memref<256xf32, #tpu.memory_space<vmem>>, vector<16xf32>,
      tpu.vector_store %arg14[%swap3A_3626], %add3A_3621 {strides = array<i32>} : memref<256xf32, #tpu.memory_space<vmem>>, vector<16xf32>,
      %get3A_3628 = arith.constant 32 : index
      %get3A_3629 = tpu.vector_load %arg13[%get3A_3628] {strides = array<i32>} : memref<80xf32, #tpu.memory_space<vmem>>, vector<16xf32>,
      %mul3A_3630 = vector.broadcast %squeeze3A_3565 : f32 to vector<16xf32>
      %mul3A_3631 = arith.mulf %get3A_3629, %mul3A_3630 : vector<16xf32>
      %get3A_3632 = arith.constant 32 : index
      %get3A_3633 = tpu.vector_load %arg11[%get3A_3632] {strides = array<i32>} : memref<80xi32, #tpu.memory_space<vmem>>, vector<16xi32>,
      %eq3A_3634 = vector.broadcast %squeeze3A_3569 : i32 to vector<16xi32>
      %eq3A_3635 = arith.cmpi eq, %get3A_3633, %eq3A_3634 : vector<16xi32>
      %jit3A_3636 = arith.constant 0.000000e+00 : f32
      %broadcast_in_dim3A_3637 = vector.broadcast %mul3A_3587 : f32 to vector<16xf32>
      %broadcast_in_dim3A_3638 = vector.broadcast %jit3A_3636 : f32 to vector<16xf32>
      %select_n3A_3639 = arith.select %eq3A_3635, %broadcast_in_dim3A_3637, %broadcast_in_dim3A_3638 : vector<16xi1>, vector<16xf32>
      %add3A_3640 = arith.addf %mul3A_3631, %select_n3A_3639 : vector<16xf32>
      %swap3A_3641 = arith.constant 32 : index
      %swap3A_3642 = tpu.vector_load %arg13[%swap3A_3641] {strides = array<i32>} : memref<80xf32, #tpu.memory_space<vmem>>, vector<16xf32>,
      tpu.vector_store %arg13[%swap3A_3641], %add3A_3640 {strides = array<i32>} : memref<80xf32, #tpu.memory_space<vmem>>, vector<16xf32>,
      %add3A_3643 = arith.constant 32 : i32
      %add3A_3644 = arith.addi %mul3A_3589, %add3A_3643 : i32
      %swap3A_3645 = arith.index_cast %add3A_3644 : i32 to index
      %swap3A_3646 = tpu.vector_load %arg14[%swap3A_3645] {strides = array<i32>} : memref<256xf32, #tpu.memory_space<vmem>>, vector<16xf32>,
      tpu.vector_store %arg14[%swap3A_3645], %add3A_3640 {strides = array<i32>} : memref<256xf32, #tpu.memory_space<vmem>>, vector<16xf32>,
      %get3A_3647 = arith.constant 48 : index
      %get3A_3648 = tpu.vector_load %arg13[%get3A_3647] {strides = array<i32>} : memref<80xf32, #tpu.memory_space<vmem>>, vector<16xf32>,
      %mul3A_3649 = vector.broadcast %squeeze3A_3565 : f32 to vector<16xf32>
      %mul3A_3650 = arith.mulf %get3A_3648, %mul3A_3649 : vector<16xf32>
      %get3A_3651 = arith.constant 48 : index
      %get3A_3652 = tpu.vector_load %arg11[%get3A_3651] {strides = array<i32>} : memref<80xi32, #tpu.memory_space<vmem>>, vector<16xi32>,
      %eq3A_3653 = vector.broadcast %squeeze3A_3569 : i32 to vector<16xi32>
      %eq3A_3654 = arith.cmpi eq, %get3A_3652, %eq3A_3653 : vector<16xi32>
      %jit3A_3655 = arith.constant 0.000000e+00 : f32
      %broadcast_in_dim3A_3656 = vector.broadcast %mul3A_3587 : f32 to vector<16xf32>
      %broadcast_in_dim3A_3657 = vector.broadcast %jit3A_3655 : f32 to vector<16xf32>
      %select_n3A_3658 = arith.select %eq3A_3654, %broadcast_in_dim3A_3656, %broadcast_in_dim3A_3657 : vector<16xi1>, vector<16xf32>
      %add3A_3659 = arith.addf %mul3A_3650, %select_n3A_3658 : vector<16xf32>
      %swap3A_3660 = arith.constant 48 : index
      %swap3A_3661 = tpu.vector_load %arg13[%swap3A_3660] {strides = array<i32>} : memref<80xf32, #tpu.memory_space<vmem>>, vector<16xf32>,
      tpu.vector_store %arg13[%swap3A_3660], %add3A_3659 {strides = array<i32>} : memref<80xf32, #tpu.memory_space<vmem>>, vector<16xf32>,
      %add3A_3662 = arith.constant 48 : i32
      %add3A_3663 = arith.addi %mul3A_3589, %add3A_3662 : i32
      %swap3A_3664 = arith.index_cast %add3A_3663 : i32 to index
      %swap3A_3665 = tpu.vector_load %arg14[%swap3A_3664] {strides = array<i32>} : memref<256xf32, #tpu.memory_space<vmem>>, vector<16xf32>,
      tpu.vector_store %arg14[%swap3A_3664], %add3A_3659 {strides = array<i32>} : memref<256xf32, #tpu.memory_space<vmem>>, vector<16xf32>,
    }
    %scan3A_2202 = arith.constant 49 : i32
    %add3A_2203 = arith.constant 2 : i32
    %add3A_2204 = arith.addi %mul3A_2, %add3A_2203 : i32
    %dma_wait3A_2205 = arith.constant 0 : i32
    %dma_wait3A_2206 = arith.constant 2 : i32
    %dma_wait3A_2207 = arith.constant 0 : i32
    %dma_wait3A_2208 = arith.constant 0 : i32
    %dma_wait3A_2209 = arith.constant 0 : i32
    %dma_wait3A_2210 = tpu.memref_slice %arg15[%dma_wait3A_2205, %dma_wait3A_2207, %dma_wait3A_2208, %dma_wait3A_2209] : memref<2x2x96x96xf32, #tpu.memory_space<vmem>> -> memref<1x2x96x96xf32, #tpu.memory_space<vmem>>
    %dma_wait3A_2211 = tpu.memref_squeeze %dma_wait3A_2210 : memref<1x2x96x96xf32, #tpu.memory_space<vmem>> -> memref<2x96x96xf32, #tpu.memory_space<vmem>>
    %dma_wait3A_2212 = arith.constant 0 : i32
    %dma_wait3A_2213 = arith.constant 0 : i32
    %dma_wait3A_2214 = arith.constant 0 : i32
    %dma_wait3A_2215 = tpu.memref_slice %arg6[%add3A_1301, %dma_wait3A_2206, %dma_wait3A_2212, %dma_wait3A_2213, %dma_wait3A_2214] : memref<128x4x2x96x96xf32, #tpu.memory_space<hbm>> -> memref<1x1x2x96x96xf32, #tpu.memory_space<hbm>>
    %dma_wait3A_2216 = tpu.memref_squeeze %dma_wait3A_2215 : memref<1x1x2x96x96xf32, #tpu.memory_space<hbm>> -> memref<2x96x96xf32, #tpu.memory_space<hbm>>
    %dma_wait3A_2217 = arith.constant 0 : i32
    %dma_wait3A_2218 = arith.constant 0 : i32
    %dma_wait3A_2219 = arith.constant 0 : i32
    %dma_wait3A_2220 = tpu.memref_slice %arg6[%add3A_1301, %dma_wait3A_2206, %dma_wait3A_2217, %dma_wait3A_2218, %dma_wait3A_2219] : memref<128x4x2x96x96xf32, #tpu.memory_space<hbm>> -> memref<1x1x2x96x96xf32, #tpu.memory_space<hbm>>
    %dma_wait3A_2221 = tpu.memref_squeeze %dma_wait3A_2220 : memref<1x1x2x96x96xf32, #tpu.memory_space<hbm>> -> memref<2x96x96xf32, #tpu.memory_space<hbm>>
    %dma_wait3A_2222 = arith.constant 0 : i32
    %dma_wait3A_2223 = arith.constant 0 : i32
    %dma_wait3A_2224 = arith.constant 0 : i32
    %dma_wait3A_2225 = tpu.memref_slice %arg15[%dma_wait3A_2205, %dma_wait3A_2222, %dma_wait3A_2223, %dma_wait3A_2224] : memref<2x2x96x96xf32, #tpu.memory_space<vmem>> -> memref<1x2x96x96xf32, #tpu.memory_space<vmem>>
    %dma_wait3A_2226 = tpu.memref_squeeze %dma_wait3A_2225 : memref<1x2x96x96xf32, #tpu.memory_space<vmem>> -> memref<2x96x96xf32, #tpu.memory_space<vmem>>
    tpu.wait_dma2 semaphore(%arg16 : memref<!tpu.dma_semaphore, #tpu.memory_space<semaphore_mem>>) src(%dma_wait3A_2226 : memref<2x96x96xf32, #tpu.memory_space<vmem>>) dst(%dma_wait3A_2221 : memref<2x96x96xf32, #tpu.memory_space<hbm>>)
    %barrier3A_2227 = arith.constant 0 : index
    tpu.barrier barrier_id(%barrier3A_2227)
    %scatter3A_2228 = arith.constant 0 : i32
    %scatter3A_2229 = arith.constant 0 : i32
    %scatter3A_2230 = arith.constant 0 : i32
    %scatter3A_2231 = arith.constant 0 : i32
    %scatter3A_2232 = tpu.memref_slice %arg15[%scatter3A_2228, %scatter3A_2229, %scatter3A_2230, %scatter3A_2231] : memref<2x2x96x96xf32, #tpu.memory_space<vmem>> -> memref<1x2x96x96xf32, #tpu.memory_space<vmem>>
    %scatter3A_2233 = tpu.memref_squeeze %scatter3A_2232 : memref<1x2x96x96xf32, #tpu.memory_space<vmem>> -> memref<2x96x96xf32, #tpu.memory_space<vmem>>
    tpu.vector_store_idx %scatter3A_2233[%convert_element_type3A_836, %min3A_875, %min3A_881], %broadcast_in_dim3A_9 masked %and3A_869 : memref<2x96x96xf32, #tpu.memory_space<vmem>>[vector<16xi32>, vector<16xi32>, vector<16xi32>], vector<16xf32>, vector<16xi1>
    %scatter3A_2234 = arith.constant 0 : i32
    %scatter3A_2235 = arith.constant 0 : i32
    %scatter3A_2236 = arith.constant 0 : i32
    %scatter3A_2237 = arith.constant 0 : i32
    %scatter3A_2238 = tpu.memref_slice %arg15[%scatter3A_2234, %scatter3A_2235, %scatter3A_2236, %scatter3A_2237] : memref<2x2x96x96xf32, #tpu.memory_space<vmem>> -> memref<1x2x96x96xf32, #tpu.memory_space<vmem>>
    %scatter3A_2239 = tpu.memref_squeeze %scatter3A_2238 : memref<1x2x96x96xf32, #tpu.memory_space<vmem>> -> memref<2x96x96xf32, #tpu.memory_space<vmem>>
    tpu.vector_store_idx %scatter3A_2239[%convert_element_type3A_932, %min3A_971, %min3A_977], %broadcast_in_dim3A_9 masked %and3A_965 : memref<2x96x96xf32, #tpu.memory_space<vmem>>[vector<16xi32>, vector<16xi32>, vector<16xi32>], vector<16xf32>, vector<16xi1>
    %scatter3A_2240 = arith.constant 0 : i32
    %scatter3A_2241 = arith.constant 0 : i32
    %scatter3A_2242 = arith.constant 0 : i32
    %scatter3A_2243 = arith.constant 0 : i32
    %scatter3A_2244 = tpu.memref_slice %arg15[%scatter3A_2240, %scatter3A_2241, %scatter3A_2242, %scatter3A_2243] : memref<2x2x96x96xf32, #tpu.memory_space<vmem>> -> memref<1x2x96x96xf32, #tpu.memory_space<vmem>>
    %scatter3A_2245 = tpu.memref_squeeze %scatter3A_2244 : memref<1x2x96x96xf32, #tpu.memory_space<vmem>> -> memref<2x96x96xf32, #tpu.memory_space<vmem>>
    tpu.vector_store_idx %scatter3A_2245[%convert_element_type3A_1028, %min3A_1067, %min3A_1073], %broadcast_in_dim3A_9 masked %and3A_1061 : memref<2x96x96xf32, #tpu.memory_space<vmem>>[vector<16xi32>, vector<16xi32>, vector<16xi32>], vector<16xf32>, vector<16xi1>
    %scatter3A_2246 = arith.constant 0 : i32
    %scatter3A_2247 = arith.constant 0 : i32
    %scatter3A_2248 = arith.constant 0 : i32
    %scatter3A_2249 = arith.constant 0 : i32
    %scatter3A_2250 = tpu.memref_slice %arg15[%scatter3A_2246, %scatter3A_2247, %scatter3A_2248, %scatter3A_2249] : memref<2x2x96x96xf32, #tpu.memory_space<vmem>> -> memref<1x2x96x96xf32, #tpu.memory_space<vmem>>
    %scatter3A_2251 = tpu.memref_squeeze %scatter3A_2250 : memref<1x2x96x96xf32, #tpu.memory_space<vmem>> -> memref<2x96x96xf32, #tpu.memory_space<vmem>>
    tpu.vector_store_idx %scatter3A_2251[%convert_element_type3A_1124, %min3A_1163, %min3A_1169], %broadcast_in_dim3A_9 masked %and3A_1157 : memref<2x96x96xf32, #tpu.memory_space<vmem>>[vector<16xi32>, vector<16xi32>, vector<16xi32>], vector<16xf32>, vector<16xi1>
    %get3A_2252 = arith.constant 0 : index
    %get3A_2253 = tpu.vector_load %arg14[%get3A_2252] {strides = array<i32>} : memref<256xf32, #tpu.memory_space<vmem>>, vector<16xf32>,
    %scatter3A_2254 = arith.constant 0 : i32
    %scatter3A_2255 = arith.constant 0 : i32
    %scatter3A_2256 = arith.constant 0 : i32
    %scatter3A_2257 = arith.constant 0 : i32
    %scatter3A_2258 = tpu.memref_slice %arg15[%scatter3A_2254, %scatter3A_2255, %scatter3A_2256, %scatter3A_2257] : memref<2x2x96x96xf32, #tpu.memory_space<vmem>> -> memref<1x2x96x96xf32, #tpu.memory_space<vmem>>
    %scatter3A_2259 = tpu.memref_squeeze %scatter3A_2258 : memref<1x2x96x96xf32, #tpu.memory_space<vmem>> -> memref<2x96x96xf32, #tpu.memory_space<vmem>>
    tpu.vector_store_idx %scatter3A_2259[%convert_element_type3A_1739, %min3A_1778, %min3A_1784], %get3A_2253 masked %and3A_1772 : memref<2x96x96xf32, #tpu.memory_space<vmem>>[vector<16xi32>, vector<16xi32>, vector<16xi32>], vector<16xf32>, vector<16xi1>
    %get3A_2260 = arith.constant 16 : index
    %get3A_2261 = tpu.vector_load %arg14[%get3A_2260] {strides = array<i32>} : memref<256xf32, #tpu.memory_space<vmem>>, vector<16xf32>,
    %scatter3A_2262 = arith.constant 0 : i32
    %scatter3A_2263 = arith.constant 0 : i32
    %scatter3A_2264 = arith.constant 0 : i32
    %scatter3A_2265 = arith.constant 0 : i32
    %scatter3A_2266 = tpu.memref_slice %arg15[%scatter3A_2262, %scatter3A_2263, %scatter3A_2264, %scatter3A_2265] : memref<2x2x96x96xf32, #tpu.memory_space<vmem>> -> memref<1x2x96x96xf32, #tpu.memory_space<vmem>>
    %scatter3A_2267 = tpu.memref_squeeze %scatter3A_2266 : memref<1x2x96x96xf32, #tpu.memory_space<vmem>> -> memref<2x96x96xf32, #tpu.memory_space<vmem>>
    tpu.vector_store_idx %scatter3A_2267[%convert_element_type3A_1835, %min3A_1874, %min3A_1880], %get3A_2261 masked %and3A_1868 : memref<2x96x96xf32, #tpu.memory_space<vmem>>[vector<16xi32>, vector<16xi32>, vector<16xi32>], vector<16xf32>, vector<16xi1>
    %get3A_2268 = arith.constant 32 : index
    %get3A_2269 = tpu.vector_load %arg14[%get3A_2268] {strides = array<i32>} : memref<256xf32, #tpu.memory_space<vmem>>, vector<16xf32>,
    %scatter3A_2270 = arith.constant 0 : i32
    %scatter3A_2271 = arith.constant 0 : i32
    %scatter3A_2272 = arith.constant 0 : i32
    %scatter3A_2273 = arith.constant 0 : i32
    %scatter3A_2274 = tpu.memref_slice %arg15[%scatter3A_2270, %scatter3A_2271, %scatter3A_2272, %scatter3A_2273] : memref<2x2x96x96xf32, #tpu.memory_space<vmem>> -> memref<1x2x96x96xf32, #tpu.memory_space<vmem>>
    %scatter3A_2275 = tpu.memref_squeeze %scatter3A_2274 : memref<1x2x96x96xf32, #tpu.memory_space<vmem>> -> memref<2x96x96xf32, #tpu.memory_space<vmem>>
    tpu.vector_store_idx %scatter3A_2275[%convert_element_type3A_1931, %min3A_1970, %min3A_1976], %get3A_2269 masked %and3A_1964 : memref<2x96x96xf32, #tpu.memory_space<vmem>>[vector<16xi32>, vector<16xi32>, vector<16xi32>], vector<16xf32>, vector<16xi1>
    %get3A_2276 = arith.constant 48 : index
    %get3A_2277 = tpu.vector_load %arg14[%get3A_2276] {strides = array<i32>} : memref<256xf32, #tpu.memory_space<vmem>>, vector<16xf32>,
    %scatter3A_2278 = arith.constant 0 : i32
    %scatter3A_2279 = arith.constant 0 : i32
    %scatter3A_2280 = arith.constant 0 : i32
    %scatter3A_2281 = arith.constant 0 : i32
    %scatter3A_2282 = tpu.memref_slice %arg15[%scatter3A_2278, %scatter3A_2279, %scatter3A_2280, %scatter3A_2281] : memref<2x2x96x96xf32, #tpu.memory_space<vmem>> -> memref<1x2x96x96xf32, #tpu.memory_space<vmem>>
    %scatter3A_2283 = tpu.memref_squeeze %scatter3A_2282 : memref<1x2x96x96xf32, #tpu.memory_space<vmem>> -> memref<2x96x96xf32, #tpu.memory_space<vmem>>
    tpu.vector_store_idx %scatter3A_2283[%convert_element_type3A_2027, %min3A_2066, %min3A_2072], %get3A_2277 masked %and3A_2060 : memref<2x96x96xf32, #tpu.memory_space<vmem>>[vector<16xi32>, vector<16xi32>, vector<16xi32>], vector<16xf32>, vector<16xi1>
    %barrier3A_2284 = arith.constant 0 : index
    tpu.barrier barrier_id(%barrier3A_2284)
    %dma_start3A_2285 = arith.constant 0 : i32
    %dma_start3A_2286 = arith.constant 0 : i32
    %dma_start3A_2287 = arith.constant 0 : i32
    %dma_start3A_2288 = arith.constant 0 : i32
    %dma_start3A_2289 = arith.constant 0 : i32
    %dma_start3A_2290 = tpu.memref_slice %arg15[%dma_start3A_2285, %dma_start3A_2287, %dma_start3A_2288, %dma_start3A_2289] : memref<2x2x96x96xf32, #tpu.memory_space<vmem>> -> memref<1x2x96x96xf32, #tpu.memory_space<vmem>>
    %dma_start3A_2291 = tpu.memref_squeeze %dma_start3A_2290 : memref<1x2x96x96xf32, #tpu.memory_space<vmem>> -> memref<2x96x96xf32, #tpu.memory_space<vmem>>
    %dma_start3A_2292 = arith.constant 0 : i32
    %dma_start3A_2293 = arith.constant 0 : i32
    %dma_start3A_2294 = arith.constant 0 : i32
    %dma_start3A_2295 = tpu.memref_slice %arg6[%add3A_2204, %dma_start3A_2286, %dma_start3A_2292, %dma_start3A_2293, %dma_start3A_2294] : memref<128x4x2x96x96xf32, #tpu.memory_space<hbm>> -> memref<1x1x2x96x96xf32, #tpu.memory_space<hbm>>
    %dma_start3A_2296 = tpu.memref_squeeze %dma_start3A_2295 : memref<1x1x2x96x96xf32, #tpu.memory_space<hbm>> -> memref<2x96x96xf32, #tpu.memory_space<hbm>>
    %dma_start3A_2297 = arith.constant 0 : i32
    %dma_start3A_2298 = arith.constant 0 : i32
    %dma_start3A_2299 = arith.constant 0 : i32
    %dma_start3A_2300 = tpu.memref_slice %arg6[%add3A_2204, %dma_start3A_2286, %dma_start3A_2297, %dma_start3A_2298, %dma_start3A_2299] : memref<128x4x2x96x96xf32, #tpu.memory_space<hbm>> -> memref<1x1x2x96x96xf32, #tpu.memory_space<hbm>>
    %dma_start3A_2301 = tpu.memref_squeeze %dma_start3A_2300 : memref<1x1x2x96x96xf32, #tpu.memory_space<hbm>> -> memref<2x96x96xf32, #tpu.memory_space<hbm>>
    %dma_start3A_2302 = arith.constant 0 : i32
    %dma_start3A_2303 = arith.constant 0 : i32
    %dma_start3A_2304 = arith.constant 0 : i32
    %dma_start3A_2305 = tpu.memref_slice %arg15[%dma_start3A_2285, %dma_start3A_2302, %dma_start3A_2303, %dma_start3A_2304] : memref<2x2x96x96xf32, #tpu.memory_space<vmem>> -> memref<1x2x96x96xf32, #tpu.memory_space<vmem>>
    %dma_start3A_2306 = tpu.memref_squeeze %dma_start3A_2305 : memref<1x2x96x96xf32, #tpu.memory_space<vmem>> -> memref<2x96x96xf32, #tpu.memory_space<vmem>>
    tpu.enqueue_dma source(%dma_start3A_2306 : memref<2x96x96xf32, #tpu.memory_space<vmem>>) target(%dma_start3A_2301 : memref<2x96x96xf32, #tpu.memory_space<hbm>>) target_semaphore(%arg16 : memref<!tpu.dma_semaphore, #tpu.memory_space<semaphore_mem>>)
    %dma_wait3A_2307 = arith.constant 1 : i32
    %dma_wait3A_2308 = arith.constant 3 : i32
    %dma_wait3A_2309 = arith.constant 0 : i32
    %dma_wait3A_2310 = arith.constant 0 : i32
    %dma_wait3A_2311 = arith.constant 0 : i32
    %dma_wait3A_2312 = tpu.memref_slice %arg15[%dma_wait3A_2307, %dma_wait3A_2309, %dma_wait3A_2310, %dma_wait3A_2311] : memref<2x2x96x96xf32, #tpu.memory_space<vmem>> -> memref<1x2x96x96xf32, #tpu.memory_space<vmem>>
    %dma_wait3A_2313 = tpu.memref_squeeze %dma_wait3A_2312 : memref<1x2x96x96xf32, #tpu.memory_space<vmem>> -> memref<2x96x96xf32, #tpu.memory_space<vmem>>
    %dma_wait3A_2314 = arith.constant 0 : i32
    %dma_wait3A_2315 = arith.constant 0 : i32
    %dma_wait3A_2316 = arith.constant 0 : i32
    %dma_wait3A_2317 = tpu.memref_slice %arg6[%add3A_1301, %dma_wait3A_2308, %dma_wait3A_2314, %dma_wait3A_2315, %dma_wait3A_2316] : memref<128x4x2x96x96xf32, #tpu.memory_space<hbm>> -> memref<1x1x2x96x96xf32, #tpu.memory_space<hbm>>
    %dma_wait3A_2318 = tpu.memref_squeeze %dma_wait3A_2317 : memref<1x1x2x96x96xf32, #tpu.memory_space<hbm>> -> memref<2x96x96xf32, #tpu.memory_space<hbm>>
    %dma_wait3A_2319 = arith.constant 0 : i32
    %dma_wait3A_2320 = arith.constant 0 : i32
    %dma_wait3A_2321 = arith.constant 0 : i32
    %dma_wait3A_2322 = tpu.memref_slice %arg6[%add3A_1301, %dma_wait3A_2308, %dma_wait3A_2319, %dma_wait3A_2320, %dma_wait3A_2321] : memref<128x4x2x96x96xf32, #tpu.memory_space<hbm>> -> memref<1x1x2x96x96xf32, #tpu.memory_space<hbm>>
    %dma_wait3A_2323 = tpu.memref_squeeze %dma_wait3A_2322 : memref<1x1x2x96x96xf32, #tpu.memory_space<hbm>> -> memref<2x96x96xf32, #tpu.memory_space<hbm>>
    %dma_wait3A_2324 = arith.constant 0 : i32
    %dma_wait3A_2325 = arith.constant 0 : i32
    %dma_wait3A_2326 = arith.constant 0 : i32
    %dma_wait3A_2327 = tpu.memref_slice %arg15[%dma_wait3A_2307, %dma_wait3A_2324, %dma_wait3A_2325, %dma_wait3A_2326] : memref<2x2x96x96xf32, #tpu.memory_space<vmem>> -> memref<1x2x96x96xf32, #tpu.memory_space<vmem>>
    %dma_wait3A_2328 = tpu.memref_squeeze %dma_wait3A_2327 : memref<1x2x96x96xf32, #tpu.memory_space<vmem>> -> memref<2x96x96xf32, #tpu.memory_space<vmem>>
    tpu.wait_dma2 semaphore(%arg17 : memref<!tpu.dma_semaphore, #tpu.memory_space<semaphore_mem>>) src(%dma_wait3A_2328 : memref<2x96x96xf32, #tpu.memory_space<vmem>>) dst(%dma_wait3A_2323 : memref<2x96x96xf32, #tpu.memory_space<hbm>>)
    %barrier3A_2329 = arith.constant 0 : index
    tpu.barrier barrier_id(%barrier3A_2329)
    %scatter3A_2330 = arith.constant 1 : i32
    %scatter3A_2331 = arith.constant 0 : i32
    %scatter3A_2332 = arith.constant 0 : i32
    %scatter3A_2333 = arith.constant 0 : i32
    %scatter3A_2334 = tpu.memref_slice %arg15[%scatter3A_2330, %scatter3A_2331, %scatter3A_2332, %scatter3A_2333] : memref<2x2x96x96xf32, #tpu.memory_space<vmem>> -> memref<1x2x96x96xf32, #tpu.memory_space<vmem>>
    %scatter3A_2335 = tpu.memref_squeeze %scatter3A_2334 : memref<1x2x96x96xf32, #tpu.memory_space<vmem>> -> memref<2x96x96xf32, #tpu.memory_space<vmem>>
    tpu.vector_store_idx %scatter3A_2335[%convert_element_type3A_836, %min3A_875, %min3A_881], %broadcast_in_dim3A_9 masked %and3A_869 : memref<2x96x96xf32, #tpu.memory_space<vmem>>[vector<16xi32>, vector<16xi32>, vector<16xi32>], vector<16xf32>, vector<16xi1>
    %scatter3A_2336 = arith.constant 1 : i32
    %scatter3A_2337 = arith.constant 0 : i32
    %scatter3A_2338 = arith.constant 0 : i32
    %scatter3A_2339 = arith.constant 0 : i32
    %scatter3A_2340 = tpu.memref_slice %arg15[%scatter3A_2336, %scatter3A_2337, %scatter3A_2338, %scatter3A_2339] : memref<2x2x96x96xf32, #tpu.memory_space<vmem>> -> memref<1x2x96x96xf32, #tpu.memory_space<vmem>>
    %scatter3A_2341 = tpu.memref_squeeze %scatter3A_2340 : memref<1x2x96x96xf32, #tpu.memory_space<vmem>> -> memref<2x96x96xf32, #tpu.memory_space<vmem>>
    tpu.vector_store_idx %scatter3A_2341[%convert_element_type3A_932, %min3A_971, %min3A_977], %broadcast_in_dim3A_9 masked %and3A_965 : memref<2x96x96xf32, #tpu.memory_space<vmem>>[vector<16xi32>, vector<16xi32>, vector<16xi32>], vector<16xf32>, vector<16xi1>
    %scatter3A_2342 = arith.constant 1 : i32
    %scatter3A_2343 = arith.constant 0 : i32
    %scatter3A_2344 = arith.constant 0 : i32
    %scatter3A_2345 = arith.constant 0 : i32
    %scatter3A_2346 = tpu.memref_slice %arg15[%scatter3A_2342, %scatter3A_2343, %scatter3A_2344, %scatter3A_2345] : memref<2x2x96x96xf32, #tpu.memory_space<vmem>> -> memref<1x2x96x96xf32, #tpu.memory_space<vmem>>
    %scatter3A_2347 = tpu.memref_squeeze %scatter3A_2346 : memref<1x2x96x96xf32, #tpu.memory_space<vmem>> -> memref<2x96x96xf32, #tpu.memory_space<vmem>>
    tpu.vector_store_idx %scatter3A_2347[%convert_element_type3A_1028, %min3A_1067, %min3A_1073], %broadcast_in_dim3A_9 masked %and3A_1061 : memref<2x96x96xf32, #tpu.memory_space<vmem>>[vector<16xi32>, vector<16xi32>, vector<16xi32>], vector<16xf32>, vector<16xi1>
    %scatter3A_2348 = arith.constant 1 : i32
    %scatter3A_2349 = arith.constant 0 : i32
    %scatter3A_2350 = arith.constant 0 : i32
    %scatter3A_2351 = arith.constant 0 : i32
    %scatter3A_2352 = tpu.memref_slice %arg15[%scatter3A_2348, %scatter3A_2349, %scatter3A_2350, %scatter3A_2351] : memref<2x2x96x96xf32, #tpu.memory_space<vmem>> -> memref<1x2x96x96xf32, #tpu.memory_space<vmem>>
    %scatter3A_2353 = tpu.memref_squeeze %scatter3A_2352 : memref<1x2x96x96xf32, #tpu.memory_space<vmem>> -> memref<2x96x96xf32, #tpu.memory_space<vmem>>
    tpu.vector_store_idx %scatter3A_2353[%convert_element_type3A_1124, %min3A_1163, %min3A_1169], %broadcast_in_dim3A_9 masked %and3A_1157 : memref<2x96x96xf32, #tpu.memory_space<vmem>>[vector<16xi32>, vector<16xi32>, vector<16xi32>], vector<16xf32>, vector<16xi1>
    %get3A_2354 = arith.constant 64 : index
    %get3A_2355 = tpu.vector_load %arg14[%get3A_2354] {strides = array<i32>} : memref<256xf32, #tpu.memory_space<vmem>>, vector<16xf32>,
    %scatter3A_2356 = arith.constant 1 : i32
    %scatter3A_2357 = arith.constant 0 : i32
    %scatter3A_2358 = arith.constant 0 : i32
    %scatter3A_2359 = arith.constant 0 : i32
    %scatter3A_2360 = tpu.memref_slice %arg15[%scatter3A_2356, %scatter3A_2357, %scatter3A_2358, %scatter3A_2359] : memref<2x2x96x96xf32, #tpu.memory_space<vmem>> -> memref<1x2x96x96xf32, #tpu.memory_space<vmem>>
    %scatter3A_2361 = tpu.memref_squeeze %scatter3A_2360 : memref<1x2x96x96xf32, #tpu.memory_space<vmem>> -> memref<2x96x96xf32, #tpu.memory_space<vmem>>
    tpu.vector_store_idx %scatter3A_2361[%convert_element_type3A_1739, %min3A_1778, %min3A_1784], %get3A_2355 masked %and3A_1772 : memref<2x96x96xf32, #tpu.memory_space<vmem>>[vector<16xi32>, vector<16xi32>, vector<16xi32>], vector<16xf32>, vector<16xi1>
    %get3A_2362 = arith.constant 80 : index
    %get3A_2363 = tpu.vector_load %arg14[%get3A_2362] {strides = array<i32>} : memref<256xf32, #tpu.memory_space<vmem>>, vector<16xf32>,
    %scatter3A_2364 = arith.constant 1 : i32
    %scatter3A_2365 = arith.constant 0 : i32
    %scatter3A_2366 = arith.constant 0 : i32
    %scatter3A_2367 = arith.constant 0 : i32
    %scatter3A_2368 = tpu.memref_slice %arg15[%scatter3A_2364, %scatter3A_2365, %scatter3A_2366, %scatter3A_2367] : memref<2x2x96x96xf32, #tpu.memory_space<vmem>> -> memref<1x2x96x96xf32, #tpu.memory_space<vmem>>
    %scatter3A_2369 = tpu.memref_squeeze %scatter3A_2368 : memref<1x2x96x96xf32, #tpu.memory_space<vmem>> -> memref<2x96x96xf32, #tpu.memory_space<vmem>>
    tpu.vector_store_idx %scatter3A_2369[%convert_element_type3A_1835, %min3A_1874, %min3A_1880], %get3A_2363 masked %and3A_1868 : memref<2x96x96xf32, #tpu.memory_space<vmem>>[vector<16xi32>, vector<16xi32>, vector<16xi32>], vector<16xf32>, vector<16xi1>
    %get3A_2370 = arith.constant 96 : index
    %get3A_2371 = tpu.vector_load %arg14[%get3A_2370] {strides = array<i32>} : memref<256xf32, #tpu.memory_space<vmem>>, vector<16xf32>,
    %scatter3A_2372 = arith.constant 1 : i32
    %scatter3A_2373 = arith.constant 0 : i32
    %scatter3A_2374 = arith.constant 0 : i32
    %scatter3A_2375 = arith.constant 0 : i32
    %scatter3A_2376 = tpu.memref_slice %arg15[%scatter3A_2372, %scatter3A_2373, %scatter3A_2374, %scatter3A_2375] : memref<2x2x96x96xf32, #tpu.memory_space<vmem>> -> memref<1x2x96x96xf32, #tpu.memory_space<vmem>>
    %scatter3A_2377 = tpu.memref_squeeze %scatter3A_2376 : memref<1x2x96x96xf32, #tpu.memory_space<vmem>> -> memref<2x96x96xf32, #tpu.memory_space<vmem>>
    tpu.vector_store_idx %scatter3A_2377[%convert_element_type3A_1931, %min3A_1970, %min3A_1976], %get3A_2371 masked %and3A_1964 : memref<2x96x96xf32, #tpu.memory_space<vmem>>[vector<16xi32>, vector<16xi32>, vector<16xi32>], vector<16xf32>, vector<16xi1>
    %get3A_2378 = arith.constant 112 : index
    %get3A_2379 = tpu.vector_load %arg14[%get3A_2378] {strides = array<i32>} : memref<256xf32, #tpu.memory_space<vmem>>, vector<16xf32>,
    %scatter3A_2380 = arith.constant 1 : i32
    %scatter3A_2381 = arith.constant 0 : i32
    %scatter3A_2382 = arith.constant 0 : i32
    %scatter3A_2383 = arith.constant 0 : i32
    %scatter3A_2384 = tpu.memref_slice %arg15[%scatter3A_2380, %scatter3A_2381, %scatter3A_2382, %scatter3A_2383] : memref<2x2x96x96xf32, #tpu.memory_space<vmem>> -> memref<1x2x96x96xf32, #tpu.memory_space<vmem>>
    %scatter3A_2385 = tpu.memref_squeeze %scatter3A_2384 : memref<1x2x96x96xf32, #tpu.memory_space<vmem>> -> memref<2x96x96xf32, #tpu.memory_space<vmem>>
    tpu.vector_store_idx %scatter3A_2385[%convert_element_type3A_2027, %min3A_2066, %min3A_2072], %get3A_2379 masked %and3A_2060 : memref<2x96x96xf32, #tpu.memory_space<vmem>>[vector<16xi32>, vector<16xi32>, vector<16xi32>], vector<16xf32>, vector<16xi1>
    %barrier3A_2386 = arith.constant 0 : index
    tpu.barrier barrier_id(%barrier3A_2386)
    %dma_start3A_2387 = arith.constant 1 : i32
    %dma_start3A_2388 = arith.constant 1 : i32
    %dma_start3A_2389 = arith.constant 0 : i32
    %dma_start3A_2390 = arith.constant 0 : i32
    %dma_start3A_2391 = arith.constant 0 : i32
    %dma_start3A_2392 = tpu.memref_slice %arg15[%dma_start3A_2387, %dma_start3A_2389, %dma_start3A_2390, %dma_start3A_2391] : memref<2x2x96x96xf32, #tpu.memory_space<vmem>> -> memref<1x2x96x96xf32, #tpu.memory_space<vmem>>
    %dma_start3A_2393 = tpu.memref_squeeze %dma_start3A_2392 : memref<1x2x96x96xf32, #tpu.memory_space<vmem>> -> memref<2x96x96xf32, #tpu.memory_space<vmem>>
    %dma_start3A_2394 = arith.constant 0 : i32
    %dma_start3A_2395 = arith.constant 0 : i32
    %dma_start3A_2396 = arith.constant 0 : i32
    %dma_start3A_2397 = tpu.memref_slice %arg6[%add3A_2204, %dma_start3A_2388, %dma_start3A_2394, %dma_start3A_2395, %dma_start3A_2396] : memref<128x4x2x96x96xf32, #tpu.memory_space<hbm>> -> memref<1x1x2x96x96xf32, #tpu.memory_space<hbm>>
    %dma_start3A_2398 = tpu.memref_squeeze %dma_start3A_2397 : memref<1x1x2x96x96xf32, #tpu.memory_space<hbm>> -> memref<2x96x96xf32, #tpu.memory_space<hbm>>
    %dma_start3A_2399 = arith.constant 0 : i32
    %dma_start3A_2400 = arith.constant 0 : i32
    %dma_start3A_2401 = arith.constant 0 : i32
    %dma_start3A_2402 = tpu.memref_slice %arg6[%add3A_2204, %dma_start3A_2388, %dma_start3A_2399, %dma_start3A_2400, %dma_start3A_2401] : memref<128x4x2x96x96xf32, #tpu.memory_space<hbm>> -> memref<1x1x2x96x96xf32, #tpu.memory_space<hbm>>
    %dma_start3A_2403 = tpu.memref_squeeze %dma_start3A_2402 : memref<1x1x2x96x96xf32, #tpu.memory_space<hbm>> -> memref<2x96x96xf32, #tpu.memory_space<hbm>>
    %dma_start3A_2404 = arith.constant 0 : i32
    %dma_start3A_2405 = arith.constant 0 : i32
    %dma_start3A_2406 = arith.constant 0 : i32
    %dma_start3A_2407 = tpu.memref_slice %arg15[%dma_start3A_2387, %dma_start3A_2404, %dma_start3A_2405, %dma_start3A_2406] : memref<2x2x96x96xf32, #tpu.memory_space<vmem>> -> memref<1x2x96x96xf32, #tpu.memory_space<vmem>>
    %dma_start3A_2408 = tpu.memref_squeeze %dma_start3A_2407 : memref<1x2x96x96xf32, #tpu.memory_space<vmem>> -> memref<2x96x96xf32, #tpu.memory_space<vmem>>
    tpu.enqueue_dma source(%dma_start3A_2408 : memref<2x96x96xf32, #tpu.memory_space<vmem>>) target(%dma_start3A_2403 : memref<2x96x96xf32, #tpu.memory_space<hbm>>) target_semaphore(%arg17 : memref<!tpu.dma_semaphore, #tpu.memory_space<semaphore_mem>>)
    %dma_wait3A_2409 = arith.constant 0 : i32
    %dma_wait3A_2410 = arith.constant 0 : i32
    %dma_wait3A_2411 = arith.constant 0 : i32
    %dma_wait3A_2412 = arith.constant 0 : i32
    %dma_wait3A_2413 = arith.constant 0 : i32
    %dma_wait3A_2414 = tpu.memref_slice %arg15[%dma_wait3A_2409, %dma_wait3A_2411, %dma_wait3A_2412, %dma_wait3A_2413] : memref<2x2x96x96xf32, #tpu.memory_space<vmem>> -> memref<1x2x96x96xf32, #tpu.memory_space<vmem>>
    %dma_wait3A_2415 = tpu.memref_squeeze %dma_wait3A_2414 : memref<1x2x96x96xf32, #tpu.memory_space<vmem>> -> memref<2x96x96xf32, #tpu.memory_space<vmem>>
    %dma_wait3A_2416 = arith.constant 0 : i32
    %dma_wait3A_2417 = arith.constant 0 : i32
    %dma_wait3A_2418 = arith.constant 0 : i32
    %dma_wait3A_2419 = tpu.memref_slice %arg6[%add3A_2204, %dma_wait3A_2410, %dma_wait3A_2416, %dma_wait3A_2417, %dma_wait3A_2418] : memref<128x4x2x96x96xf32, #tpu.memory_space<hbm>> -> memref<1x1x2x96x96xf32, #tpu.memory_space<hbm>>
    %dma_wait3A_2420 = tpu.memref_squeeze %dma_wait3A_2419 : memref<1x1x2x96x96xf32, #tpu.memory_space<hbm>> -> memref<2x96x96xf32, #tpu.memory_space<hbm>>
    %dma_wait3A_2421 = arith.constant 0 : i32
    %dma_wait3A_2422 = arith.constant 0 : i32
    %dma_wait3A_2423 = arith.constant 0 : i32
    %dma_wait3A_2424 = tpu.memref_slice %arg6[%add3A_2204, %dma_wait3A_2410, %dma_wait3A_2421, %dma_wait3A_2422, %dma_wait3A_2423] : memref<128x4x2x96x96xf32, #tpu.memory_space<hbm>> -> memref<1x1x2x96x96xf32, #tpu.memory_space<hbm>>
    %dma_wait3A_2425 = tpu.memref_squeeze %dma_wait3A_2424 : memref<1x1x2x96x96xf32, #tpu.memory_space<hbm>> -> memref<2x96x96xf32, #tpu.memory_space<hbm>>
    %dma_wait3A_2426 = arith.constant 0 : i32
    %dma_wait3A_2427 = arith.constant 0 : i32
    %dma_wait3A_2428 = arith.constant 0 : i32
    %dma_wait3A_2429 = tpu.memref_slice %arg15[%dma_wait3A_2409, %dma_wait3A_2426, %dma_wait3A_2427, %dma_wait3A_2428] : memref<2x2x96x96xf32, #tpu.memory_space<vmem>> -> memref<1x2x96x96xf32, #tpu.memory_space<vmem>>
    %dma_wait3A_2430 = tpu.memref_squeeze %dma_wait3A_2429 : memref<1x2x96x96xf32, #tpu.memory_space<vmem>> -> memref<2x96x96xf32, #tpu.memory_space<vmem>>
    tpu.wait_dma2 semaphore(%arg16 : memref<!tpu.dma_semaphore, #tpu.memory_space<semaphore_mem>>) src(%dma_wait3A_2430 : memref<2x96x96xf32, #tpu.memory_space<vmem>>) dst(%dma_wait3A_2425 : memref<2x96x96xf32, #tpu.memory_space<hbm>>)
    %barrier3A_2431 = arith.constant 0 : index
    tpu.barrier barrier_id(%barrier3A_2431)
    %scatter3A_2432 = arith.constant 0 : i32
    %scatter3A_2433 = arith.constant 0 : i32
    %scatter3A_2434 = arith.constant 0 : i32
    %scatter3A_2435 = arith.constant 0 : i32
    %scatter3A_2436 = tpu.memref_slice %arg15[%scatter3A_2432, %scatter3A_2433, %scatter3A_2434, %scatter3A_2435] : memref<2x2x96x96xf32, #tpu.memory_space<vmem>> -> memref<1x2x96x96xf32, #tpu.memory_space<vmem>>
    %scatter3A_2437 = tpu.memref_squeeze %scatter3A_2436 : memref<1x2x96x96xf32, #tpu.memory_space<vmem>> -> memref<2x96x96xf32, #tpu.memory_space<vmem>>
    tpu.vector_store_idx %scatter3A_2437[%convert_element_type3A_1739, %min3A_1778, %min3A_1784], %broadcast_in_dim3A_9 masked %and3A_1772 : memref<2x96x96xf32, #tpu.memory_space<vmem>>[vector<16xi32>, vector<16xi32>, vector<16xi32>], vector<16xf32>, vector<16xi1>
    %scatter3A_2438 = arith.constant 0 : i32
    %scatter3A_2439 = arith.constant 0 : i32
    %scatter3A_2440 = arith.constant 0 : i32
    %scatter3A_2441 = arith.constant 0 : i32
    %scatter3A_2442 = tpu.memref_slice %arg15[%scatter3A_2438, %scatter3A_2439, %scatter3A_2440, %scatter3A_2441] : memref<2x2x96x96xf32, #tpu.memory_space<vmem>> -> memref<1x2x96x96xf32, #tpu.memory_space<vmem>>
    %scatter3A_2443 = tpu.memref_squeeze %scatter3A_2442 : memref<1x2x96x96xf32, #tpu.memory_space<vmem>> -> memref<2x96x96xf32, #tpu.memory_space<vmem>>
    tpu.vector_store_idx %scatter3A_2443[%convert_element_type3A_1835, %min3A_1874, %min3A_1880], %broadcast_in_dim3A_9 masked %and3A_1868 : memref<2x96x96xf32, #tpu.memory_space<vmem>>[vector<16xi32>, vector<16xi32>, vector<16xi32>], vector<16xf32>, vector<16xi1>
    %scatter3A_2444 = arith.constant 0 : i32
    %scatter3A_2445 = arith.constant 0 : i32
    %scatter3A_2446 = arith.constant 0 : i32
    %scatter3A_2447 = arith.constant 0 : i32
    %scatter3A_2448 = tpu.memref_slice %arg15[%scatter3A_2444, %scatter3A_2445, %scatter3A_2446, %scatter3A_2447] : memref<2x2x96x96xf32, #tpu.memory_space<vmem>> -> memref<1x2x96x96xf32, #tpu.memory_space<vmem>>
    %scatter3A_2449 = tpu.memref_squeeze %scatter3A_2448 : memref<1x2x96x96xf32, #tpu.memory_space<vmem>> -> memref<2x96x96xf32, #tpu.memory_space<vmem>>
    tpu.vector_store_idx %scatter3A_2449[%convert_element_type3A_1931, %min3A_1970, %min3A_1976], %broadcast_in_dim3A_9 masked %and3A_1964 : memref<2x96x96xf32, #tpu.memory_space<vmem>>[vector<16xi32>, vector<16xi32>, vector<16xi32>], vector<16xf32>, vector<16xi1>
    %scatter3A_2450 = arith.constant 0 : i32
    %scatter3A_2451 = arith.constant 0 : i32
    %scatter3A_2452 = arith.constant 0 : i32
    %scatter3A_2453 = arith.constant 0 : i32
    %scatter3A_2454 = tpu.memref_slice %arg15[%scatter3A_2450, %scatter3A_2451, %scatter3A_2452, %scatter3A_2453] : memref<2x2x96x96xf32, #tpu.memory_space<vmem>> -> memref<1x2x96x96xf32, #tpu.memory_space<vmem>>
    %scatter3A_2455 = tpu.memref_squeeze %scatter3A_2454 : memref<1x2x96x96xf32, #tpu.memory_space<vmem>> -> memref<2x96x96xf32, #tpu.memory_space<vmem>>
    tpu.vector_store_idx %scatter3A_2455[%convert_element_type3A_2027, %min3A_2066, %min3A_2072], %broadcast_in_dim3A_9 masked %and3A_2060 : memref<2x96x96xf32, #tpu.memory_space<vmem>>[vector<16xi32>, vector<16xi32>, vector<16xi32>], vector<16xf32>, vector<16xi1>
    %get3A_2456 = arith.constant 128 : index
    %get3A_2457 = tpu.vector_load %arg14[%get3A_2456] {strides = array<i32>} : memref<256xf32, #tpu.memory_space<vmem>>, vector<16xf32>,
    %scatter3A_2458 = arith.constant 0 : i32
    %scatter3A_2459 = arith.constant 0 : i32
    %scatter3A_2460 = arith.constant 0 : i32
    %scatter3A_2461 = arith.constant 0 : i32
    %scatter3A_2462 = tpu.memref_slice %arg15[%scatter3A_2458, %scatter3A_2459, %scatter3A_2460, %scatter3A_2461] : memref<2x2x96x96xf32, #tpu.memory_space<vmem>> -> memref<1x2x96x96xf32, #tpu.memory_space<vmem>>
    %scatter3A_2463 = tpu.memref_squeeze %scatter3A_2462 : memref<1x2x96x96xf32, #tpu.memory_space<vmem>> -> memref<2x96x96xf32, #tpu.memory_space<vmem>>
    tpu.vector_store_idx %scatter3A_2463[%convert_element_type3A_1739, %min3A_1778, %min3A_1784], %get3A_2457 masked %and3A_1772 : memref<2x96x96xf32, #tpu.memory_space<vmem>>[vector<16xi32>, vector<16xi32>, vector<16xi32>], vector<16xf32>, vector<16xi1>
    %get3A_2464 = arith.constant 144 : index
    %get3A_2465 = tpu.vector_load %arg14[%get3A_2464] {strides = array<i32>} : memref<256xf32, #tpu.memory_space<vmem>>, vector<16xf32>,
    %scatter3A_2466 = arith.constant 0 : i32
    %scatter3A_2467 = arith.constant 0 : i32
    %scatter3A_2468 = arith.constant 0 : i32
    %scatter3A_2469 = arith.constant 0 : i32
    %scatter3A_2470 = tpu.memref_slice %arg15[%scatter3A_2466, %scatter3A_2467, %scatter3A_2468, %scatter3A_2469] : memref<2x2x96x96xf32, #tpu.memory_space<vmem>> -> memref<1x2x96x96xf32, #tpu.memory_space<vmem>>
    %scatter3A_2471 = tpu.memref_squeeze %scatter3A_2470 : memref<1x2x96x96xf32, #tpu.memory_space<vmem>> -> memref<2x96x96xf32, #tpu.memory_space<vmem>>
    tpu.vector_store_idx %scatter3A_2471[%convert_element_type3A_1835, %min3A_1874, %min3A_1880], %get3A_2465 masked %and3A_1868 : memref<2x96x96xf32, #tpu.memory_space<vmem>>[vector<16xi32>, vector<16xi32>, vector<16xi32>], vector<16xf32>, vector<16xi1>
    %get3A_2472 = arith.constant 160 : index
    %get3A_2473 = tpu.vector_load %arg14[%get3A_2472] {strides = array<i32>} : memref<256xf32, #tpu.memory_space<vmem>>, vector<16xf32>,
    %scatter3A_2474 = arith.constant 0 : i32
    %scatter3A_2475 = arith.constant 0 : i32
    %scatter3A_2476 = arith.constant 0 : i32
    %scatter3A_2477 = arith.constant 0 : i32
    %scatter3A_2478 = tpu.memref_slice %arg15[%scatter3A_2474, %scatter3A_2475, %scatter3A_2476, %scatter3A_2477] : memref<2x2x96x96xf32, #tpu.memory_space<vmem>> -> memref<1x2x96x96xf32, #tpu.memory_space<vmem>>
    %scatter3A_2479 = tpu.memref_squeeze %scatter3A_2478 : memref<1x2x96x96xf32, #tpu.memory_space<vmem>> -> memref<2x96x96xf32, #tpu.memory_space<vmem>>
    tpu.vector_store_idx %scatter3A_2479[%convert_element_type3A_1931, %min3A_1970, %min3A_1976], %get3A_2473 masked %and3A_1964 : memref<2x96x96xf32, #tpu.memory_space<vmem>>[vector<16xi32>, vector<16xi32>, vector<16xi32>], vector<16xf32>, vector<16xi1>
    %get3A_2480 = arith.constant 176 : index
    %get3A_2481 = tpu.vector_load %arg14[%get3A_2480] {strides = array<i32>} : memref<256xf32, #tpu.memory_space<vmem>>, vector<16xf32>,
    %scatter3A_2482 = arith.constant 0 : i32
    %scatter3A_2483 = arith.constant 0 : i32
    %scatter3A_2484 = arith.constant 0 : i32
    %scatter3A_2485 = arith.constant 0 : i32
    %scatter3A_2486 = tpu.memref_slice %arg15[%scatter3A_2482, %scatter3A_2483, %scatter3A_2484, %scatter3A_2485] : memref<2x2x96x96xf32, #tpu.memory_space<vmem>> -> memref<1x2x96x96xf32, #tpu.memory_space<vmem>>
    %scatter3A_2487 = tpu.memref_squeeze %scatter3A_2486 : memref<1x2x96x96xf32, #tpu.memory_space<vmem>> -> memref<2x96x96xf32, #tpu.memory_space<vmem>>
    tpu.vector_store_idx %scatter3A_2487[%convert_element_type3A_2027, %min3A_2066, %min3A_2072], %get3A_2481 masked %and3A_2060 : memref<2x96x96xf32, #tpu.memory_space<vmem>>[vector<16xi32>, vector<16xi32>, vector<16xi32>], vector<16xf32>, vector<16xi1>
    %barrier3A_2488 = arith.constant 0 : index
    tpu.barrier barrier_id(%barrier3A_2488)
    %dma_start3A_2489 = arith.constant 0 : i32
    %dma_start3A_2490 = arith.constant 2 : i32
    %dma_start3A_2491 = arith.constant 0 : i32
    %dma_start3A_2492 = arith.constant 0 : i32
    %dma_start3A_2493 = arith.constant 0 : i32
    %dma_start3A_2494 = tpu.memref_slice %arg15[%dma_start3A_2489, %dma_start3A_2491, %dma_start3A_2492, %dma_start3A_2493] : memref<2x2x96x96xf32, #tpu.memory_space<vmem>> -> memref<1x2x96x96xf32, #tpu.memory_space<vmem>>
    %dma_start3A_2495 = tpu.memref_squeeze %dma_start3A_2494 : memref<1x2x96x96xf32, #tpu.memory_space<vmem>> -> memref<2x96x96xf32, #tpu.memory_space<vmem>>
    %dma_start3A_2496 = arith.constant 0 : i32
    %dma_start3A_2497 = arith.constant 0 : i32
    %dma_start3A_2498 = arith.constant 0 : i32
    %dma_start3A_2499 = tpu.memref_slice %arg6[%add3A_2204, %dma_start3A_2490, %dma_start3A_2496, %dma_start3A_2497, %dma_start3A_2498] : memref<128x4x2x96x96xf32, #tpu.memory_space<hbm>> -> memref<1x1x2x96x96xf32, #tpu.memory_space<hbm>>
    %dma_start3A_2500 = tpu.memref_squeeze %dma_start3A_2499 : memref<1x1x2x96x96xf32, #tpu.memory_space<hbm>> -> memref<2x96x96xf32, #tpu.memory_space<hbm>>
    %dma_start3A_2501 = arith.constant 0 : i32
    %dma_start3A_2502 = arith.constant 0 : i32
    %dma_start3A_2503 = arith.constant 0 : i32
    %dma_start3A_2504 = tpu.memref_slice %arg6[%add3A_2204, %dma_start3A_2490, %dma_start3A_2501, %dma_start3A_2502, %dma_start3A_2503] : memref<128x4x2x96x96xf32, #tpu.memory_space<hbm>> -> memref<1x1x2x96x96xf32, #tpu.memory_space<hbm>>
    %dma_start3A_2505 = tpu.memref_squeeze %dma_start3A_2504 : memref<1x1x2x96x96xf32, #tpu.memory_space<hbm>> -> memref<2x96x96xf32, #tpu.memory_space<hbm>>
    %dma_start3A_2506 = arith.constant 0 : i32
    %dma_start3A_2507 = arith.constant 0 : i32
    %dma_start3A_2508 = arith.constant 0 : i32
    %dma_start3A_2509 = tpu.memref_slice %arg15[%dma_start3A_2489, %dma_start3A_2506, %dma_start3A_2507, %dma_start3A_2508] : memref<2x2x96x96xf32, #tpu.memory_space<vmem>> -> memref<1x2x96x96xf32, #tpu.memory_space<vmem>>
    %dma_start3A_2510 = tpu.memref_squeeze %dma_start3A_2509 : memref<1x2x96x96xf32, #tpu.memory_space<vmem>> -> memref<2x96x96xf32, #tpu.memory_space<vmem>>
    tpu.enqueue_dma source(%dma_start3A_2510 : memref<2x96x96xf32, #tpu.memory_space<vmem>>) target(%dma_start3A_2505 : memref<2x96x96xf32, #tpu.memory_space<hbm>>) target_semaphore(%arg16 : memref<!tpu.dma_semaphore, #tpu.memory_space<semaphore_mem>>)
    %dma_wait3A_2511 = arith.constant 1 : i32
    %dma_wait3A_2512 = arith.constant 1 : i32
    %dma_wait3A_2513 = arith.constant 0 : i32
    %dma_wait3A_2514 = arith.constant 0 : i32
    %dma_wait3A_2515 = arith.constant 0 : i32
    %dma_wait3A_2516 = tpu.memref_slice %arg15[%dma_wait3A_2511, %dma_wait3A_2513, %dma_wait3A_2514, %dma_wait3A_2515] : memref<2x2x96x96xf32, #tpu.memory_space<vmem>> -> memref<1x2x96x96xf32, #tpu.memory_space<vmem>>
    %dma_wait3A_2517 = tpu.memref_squeeze %dma_wait3A_2516 : memref<1x2x96x96xf32, #tpu.memory_space<vmem>> -> memref<2x96x96xf32, #tpu.memory_space<vmem>>
    %dma_wait3A_2518 = arith.constant 0 : i32
    %dma_wait3A_2519 = arith.constant 0 : i32
    %dma_wait3A_2520 = arith.constant 0 : i32
    %dma_wait3A_2521 = tpu.memref_slice %arg6[%add3A_2204, %dma_wait3A_2512, %dma_wait3A_2518, %dma_wait3A_2519, %dma_wait3A_2520] : memref<128x4x2x96x96xf32, #tpu.memory_space<hbm>> -> memref<1x1x2x96x96xf32, #tpu.memory_space<hbm>>
    %dma_wait3A_2522 = tpu.memref_squeeze %dma_wait3A_2521 : memref<1x1x2x96x96xf32, #tpu.memory_space<hbm>> -> memref<2x96x96xf32, #tpu.memory_space<hbm>>
    %dma_wait3A_2523 = arith.constant 0 : i32
    %dma_wait3A_2524 = arith.constant 0 : i32
    %dma_wait3A_2525 = arith.constant 0 : i32
    %dma_wait3A_2526 = tpu.memref_slice %arg6[%add3A_2204, %dma_wait3A_2512, %dma_wait3A_2523, %dma_wait3A_2524, %dma_wait3A_2525] : memref<128x4x2x96x96xf32, #tpu.memory_space<hbm>> -> memref<1x1x2x96x96xf32, #tpu.memory_space<hbm>>
    %dma_wait3A_2527 = tpu.memref_squeeze %dma_wait3A_2526 : memref<1x1x2x96x96xf32, #tpu.memory_space<hbm>> -> memref<2x96x96xf32, #tpu.memory_space<hbm>>
    %dma_wait3A_2528 = arith.constant 0 : i32
    %dma_wait3A_2529 = arith.constant 0 : i32
    %dma_wait3A_2530 = arith.constant 0 : i32
    %dma_wait3A_2531 = tpu.memref_slice %arg15[%dma_wait3A_2511, %dma_wait3A_2528, %dma_wait3A_2529, %dma_wait3A_2530] : memref<2x2x96x96xf32, #tpu.memory_space<vmem>> -> memref<1x2x96x96xf32, #tpu.memory_space<vmem>>
    %dma_wait3A_2532 = tpu.memref_squeeze %dma_wait3A_2531 : memref<1x2x96x96xf32, #tpu.memory_space<vmem>> -> memref<2x96x96xf32, #tpu.memory_space<vmem>>
    tpu.wait_dma2 semaphore(%arg17 : memref<!tpu.dma_semaphore, #tpu.memory_space<semaphore_mem>>) src(%dma_wait3A_2532 : memref<2x96x96xf32, #tpu.memory_space<vmem>>) dst(%dma_wait3A_2527 : memref<2x96x96xf32, #tpu.memory_space<hbm>>)
    %barrier3A_2533 = arith.constant 0 : index
    tpu.barrier barrier_id(%barrier3A_2533)
    %scatter3A_2534 = arith.constant 1 : i32
    %scatter3A_2535 = arith.constant 0 : i32
    %scatter3A_2536 = arith.constant 0 : i32
    %scatter3A_2537 = arith.constant 0 : i32
    %scatter3A_2538 = tpu.memref_slice %arg15[%scatter3A_2534, %scatter3A_2535, %scatter3A_2536, %scatter3A_2537] : memref<2x2x96x96xf32, #tpu.memory_space<vmem>> -> memref<1x2x96x96xf32, #tpu.memory_space<vmem>>
    %scatter3A_2539 = tpu.memref_squeeze %scatter3A_2538 : memref<1x2x96x96xf32, #tpu.memory_space<vmem>> -> memref<2x96x96xf32, #tpu.memory_space<vmem>>
    tpu.vector_store_idx %scatter3A_2539[%convert_element_type3A_1739, %min3A_1778, %min3A_1784], %broadcast_in_dim3A_9 masked %and3A_1772 : memref<2x96x96xf32, #tpu.memory_space<vmem>>[vector<16xi32>, vector<16xi32>, vector<16xi32>], vector<16xf32>, vector<16xi1>
    %scatter3A_2540 = arith.constant 1 : i32
    %scatter3A_2541 = arith.constant 0 : i32
    %scatter3A_2542 = arith.constant 0 : i32
    %scatter3A_2543 = arith.constant 0 : i32
    %scatter3A_2544 = tpu.memref_slice %arg15[%scatter3A_2540, %scatter3A_2541, %scatter3A_2542, %scatter3A_2543] : memref<2x2x96x96xf32, #tpu.memory_space<vmem>> -> memref<1x2x96x96xf32, #tpu.memory_space<vmem>>
    %scatter3A_2545 = tpu.memref_squeeze %scatter3A_2544 : memref<1x2x96x96xf32, #tpu.memory_space<vmem>> -> memref<2x96x96xf32, #tpu.memory_space<vmem>>
    tpu.vector_store_idx %scatter3A_2545[%convert_element_type3A_1835, %min3A_1874, %min3A_1880], %broadcast_in_dim3A_9 masked %and3A_1868 : memref<2x96x96xf32, #tpu.memory_space<vmem>>[vector<16xi32>, vector<16xi32>, vector<16xi32>], vector<16xf32>, vector<16xi1>
    %scatter3A_2546 = arith.constant 1 : i32
    %scatter3A_2547 = arith.constant 0 : i32
    %scatter3A_2548 = arith.constant 0 : i32
    %scatter3A_2549 = arith.constant 0 : i32
    %scatter3A_2550 = tpu.memref_slice %arg15[%scatter3A_2546, %scatter3A_2547, %scatter3A_2548, %scatter3A_2549] : memref<2x2x96x96xf32, #tpu.memory_space<vmem>> -> memref<1x2x96x96xf32, #tpu.memory_space<vmem>>
    %scatter3A_2551 = tpu.memref_squeeze %scatter3A_2550 : memref<1x2x96x96xf32, #tpu.memory_space<vmem>> -> memref<2x96x96xf32, #tpu.memory_space<vmem>>
    tpu.vector_store_idx %scatter3A_2551[%convert_element_type3A_1931, %min3A_1970, %min3A_1976], %broadcast_in_dim3A_9 masked %and3A_1964 : memref<2x96x96xf32, #tpu.memory_space<vmem>>[vector<16xi32>, vector<16xi32>, vector<16xi32>], vector<16xf32>, vector<16xi1>
    %scatter3A_2552 = arith.constant 1 : i32
    %scatter3A_2553 = arith.constant 0 : i32
    %scatter3A_2554 = arith.constant 0 : i32
    %scatter3A_2555 = arith.constant 0 : i32
    %scatter3A_2556 = tpu.memref_slice %arg15[%scatter3A_2552, %scatter3A_2553, %scatter3A_2554, %scatter3A_2555] : memref<2x2x96x96xf32, #tpu.memory_space<vmem>> -> memref<1x2x96x96xf32, #tpu.memory_space<vmem>>
    %scatter3A_2557 = tpu.memref_squeeze %scatter3A_2556 : memref<1x2x96x96xf32, #tpu.memory_space<vmem>> -> memref<2x96x96xf32, #tpu.memory_space<vmem>>
    tpu.vector_store_idx %scatter3A_2557[%convert_element_type3A_2027, %min3A_2066, %min3A_2072], %broadcast_in_dim3A_9 masked %and3A_2060 : memref<2x96x96xf32, #tpu.memory_space<vmem>>[vector<16xi32>, vector<16xi32>, vector<16xi32>], vector<16xf32>, vector<16xi1>
    %get3A_2558 = arith.constant 192 : index
    %get3A_2559 = tpu.vector_load %arg14[%get3A_2558] {strides = array<i32>} : memref<256xf32, #tpu.memory_space<vmem>>, vector<16xf32>,
    %scatter3A_2560 = arith.constant 1 : i32
    %scatter3A_2561 = arith.constant 0 : i32
    %scatter3A_2562 = arith.constant 0 : i32
    %scatter3A_2563 = arith.constant 0 : i32
    %scatter3A_2564 = tpu.memref_slice %arg15[%scatter3A_2560, %scatter3A_2561, %scatter3A_2562, %scatter3A_2563] : memref<2x2x96x96xf32, #tpu.memory_space<vmem>> -> memref<1x2x96x96xf32, #tpu.memory_space<vmem>>
    %scatter3A_2565 = tpu.memref_squeeze %scatter3A_2564 : memref<1x2x96x96xf32, #tpu.memory_space<vmem>> -> memref<2x96x96xf32, #tpu.memory_space<vmem>>
    tpu.vector_store_idx %scatter3A_2565[%convert_element_type3A_1739, %min3A_1778, %min3A_1784], %get3A_2559 masked %and3A_1772 : memref<2x96x96xf32, #tpu.memory_space<vmem>>[vector<16xi32>, vector<16xi32>, vector<16xi32>], vector<16xf32>, vector<16xi1>
    %get3A_2566 = arith.constant 208 : index
    %get3A_2567 = tpu.vector_load %arg14[%get3A_2566] {strides = array<i32>} : memref<256xf32, #tpu.memory_space<vmem>>, vector<16xf32>,
    %scatter3A_2568 = arith.constant 1 : i32
    %scatter3A_2569 = arith.constant 0 : i32
    %scatter3A_2570 = arith.constant 0 : i32
    %scatter3A_2571 = arith.constant 0 : i32
    %scatter3A_2572 = tpu.memref_slice %arg15[%scatter3A_2568, %scatter3A_2569, %scatter3A_2570, %scatter3A_2571] : memref<2x2x96x96xf32, #tpu.memory_space<vmem>> -> memref<1x2x96x96xf32, #tpu.memory_space<vmem>>
    %scatter3A_2573 = tpu.memref_squeeze %scatter3A_2572 : memref<1x2x96x96xf32, #tpu.memory_space<vmem>> -> memref<2x96x96xf32, #tpu.memory_space<vmem>>
    tpu.vector_store_idx %scatter3A_2573[%convert_element_type3A_1835, %min3A_1874, %min3A_1880], %get3A_2567 masked %and3A_1868 : memref<2x96x96xf32, #tpu.memory_space<vmem>>[vector<16xi32>, vector<16xi32>, vector<16xi32>], vector<16xf32>, vector<16xi1>
    %get3A_2574 = arith.constant 224 : index
    %get3A_2575 = tpu.vector_load %arg14[%get3A_2574] {strides = array<i32>} : memref<256xf32, #tpu.memory_space<vmem>>, vector<16xf32>,
    %scatter3A_2576 = arith.constant 1 : i32
    %scatter3A_2577 = arith.constant 0 : i32
    %scatter3A_2578 = arith.constant 0 : i32
    %scatter3A_2579 = arith.constant 0 : i32
    %scatter3A_2580 = tpu.memref_slice %arg15[%scatter3A_2576, %scatter3A_2577, %scatter3A_2578, %scatter3A_2579] : memref<2x2x96x96xf32, #tpu.memory_space<vmem>> -> memref<1x2x96x96xf32, #tpu.memory_space<vmem>>
    %scatter3A_2581 = tpu.memref_squeeze %scatter3A_2580 : memref<1x2x96x96xf32, #tpu.memory_space<vmem>> -> memref<2x96x96xf32, #tpu.memory_space<vmem>>
    tpu.vector_store_idx %scatter3A_2581[%convert_element_type3A_1931, %min3A_1970, %min3A_1976], %get3A_2575 masked %and3A_1964 : memref<2x96x96xf32, #tpu.memory_space<vmem>>[vector<16xi32>, vector<16xi32>, vector<16xi32>], vector<16xf32>, vector<16xi1>
    %get3A_2582 = arith.constant 240 : index
    %get3A_2583 = tpu.vector_load %arg14[%get3A_2582] {strides = array<i32>} : memref<256xf32, #tpu.memory_space<vmem>>, vector<16xf32>,
    %scatter3A_2584 = arith.constant 1 : i32
    %scatter3A_2585 = arith.constant 0 : i32
    %scatter3A_2586 = arith.constant 0 : i32
    %scatter3A_2587 = arith.constant 0 : i32
    %scatter3A_2588 = tpu.memref_slice %arg15[%scatter3A_2584, %scatter3A_2585, %scatter3A_2586, %scatter3A_2587] : memref<2x2x96x96xf32, #tpu.memory_space<vmem>> -> memref<1x2x96x96xf32, #tpu.memory_space<vmem>>
    %scatter3A_2589 = tpu.memref_squeeze %scatter3A_2588 : memref<1x2x96x96xf32, #tpu.memory_space<vmem>> -> memref<2x96x96xf32, #tpu.memory_space<vmem>>
    tpu.vector_store_idx %scatter3A_2589[%convert_element_type3A_2027, %min3A_2066, %min3A_2072], %get3A_2583 masked %and3A_2060 : memref<2x96x96xf32, #tpu.memory_space<vmem>>[vector<16xi32>, vector<16xi32>, vector<16xi32>], vector<16xf32>, vector<16xi1>
    %barrier3A_2590 = arith.constant 0 : index
    tpu.barrier barrier_id(%barrier3A_2590)
    %dma_start3A_2591 = arith.constant 1 : i32
    %dma_start3A_2592 = arith.constant 3 : i32
    %dma_start3A_2593 = arith.constant 0 : i32
    %dma_start3A_2594 = arith.constant 0 : i32
    %dma_start3A_2595 = arith.constant 0 : i32
    %dma_start3A_2596 = tpu.memref_slice %arg15[%dma_start3A_2591, %dma_start3A_2593, %dma_start3A_2594, %dma_start3A_2595] : memref<2x2x96x96xf32, #tpu.memory_space<vmem>> -> memref<1x2x96x96xf32, #tpu.memory_space<vmem>>
    %dma_start3A_2597 = tpu.memref_squeeze %dma_start3A_2596 : memref<1x2x96x96xf32, #tpu.memory_space<vmem>> -> memref<2x96x96xf32, #tpu.memory_space<vmem>>
    %dma_start3A_2598 = arith.constant 0 : i32
    %dma_start3A_2599 = arith.constant 0 : i32
    %dma_start3A_2600 = arith.constant 0 : i32
    %dma_start3A_2601 = tpu.memref_slice %arg6[%add3A_2204, %dma_start3A_2592, %dma_start3A_2598, %dma_start3A_2599, %dma_start3A_2600] : memref<128x4x2x96x96xf32, #tpu.memory_space<hbm>> -> memref<1x1x2x96x96xf32, #tpu.memory_space<hbm>>
    %dma_start3A_2602 = tpu.memref_squeeze %dma_start3A_2601 : memref<1x1x2x96x96xf32, #tpu.memory_space<hbm>> -> memref<2x96x96xf32, #tpu.memory_space<hbm>>
    %dma_start3A_2603 = arith.constant 0 : i32
    %dma_start3A_2604 = arith.constant 0 : i32
    %dma_start3A_2605 = arith.constant 0 : i32
    %dma_start3A_2606 = tpu.memref_slice %arg6[%add3A_2204, %dma_start3A_2592, %dma_start3A_2603, %dma_start3A_2604, %dma_start3A_2605] : memref<128x4x2x96x96xf32, #tpu.memory_space<hbm>> -> memref<1x1x2x96x96xf32, #tpu.memory_space<hbm>>
    %dma_start3A_2607 = tpu.memref_squeeze %dma_start3A_2606 : memref<1x1x2x96x96xf32, #tpu.memory_space<hbm>> -> memref<2x96x96xf32, #tpu.memory_space<hbm>>
    %dma_start3A_2608 = arith.constant 0 : i32
    %dma_start3A_2609 = arith.constant 0 : i32
    %dma_start3A_2610 = arith.constant 0 : i32
    %dma_start3A_2611 = tpu.memref_slice %arg15[%dma_start3A_2591, %dma_start3A_2608, %dma_start3A_2609, %dma_start3A_2610] : memref<2x2x96x96xf32, #tpu.memory_space<vmem>> -> memref<1x2x96x96xf32, #tpu.memory_space<vmem>>
    %dma_start3A_2612 = tpu.memref_squeeze %dma_start3A_2611 : memref<1x2x96x96xf32, #tpu.memory_space<vmem>> -> memref<2x96x96xf32, #tpu.memory_space<vmem>>
    tpu.enqueue_dma source(%dma_start3A_2612 : memref<2x96x96xf32, #tpu.memory_space<vmem>>) target(%dma_start3A_2607 : memref<2x96x96xf32, #tpu.memory_space<hbm>>) target_semaphore(%arg17 : memref<!tpu.dma_semaphore, #tpu.memory_space<semaphore_mem>>)
    %add3A_2613 = arith.constant 0 : i32
    %add3A_2614 = vector.broadcast %add3A_2613 : i32 to vector<16xi32>
    %add3A_2615 = arith.addi %add3A_2614, %iota3A : vector<16xi32>
    %mul3A_2616 = arith.constant 4 : i32
    %mul3A_2617 = vector.broadcast %mul3A_2616 : i32 to vector<16xi32>
    %mul3A_2618 = arith.muli %mul3A_2617, %add3A_2615 : vector<16xi32>
    %add3A_2619 = arith.constant 600 : i32
    %add3A_2620 = vector.broadcast %add3A_2619 : i32 to vector<16xi32>
    %add3A_2621 = arith.addi %add3A_2620, %mul3A_2618 : vector<16xi32>
    %add3A_2622 = arith.constant 0 : i32
    %add3A_2623 = vector.broadcast %add3A_2622 : i32 to vector<16xi32>
    %add3A_2624 = arith.addi %add3A_2623, %iota3A : vector<16xi32>
    %lt3A_2625 = arith.constant 50 : i32
    %lt3A_2626 = vector.broadcast %lt3A_2625 : i32 to vector<16xi32>
    %lt3A_2627 = arith.cmpi slt, %add3A_2624, %lt3A_2626 : vector<16xi32>
    %jit3A_2628 = arith.constant 600 : i32
    %broadcast_in_dim3A_2629 = vector.broadcast %jit3A_2628 : i32 to vector<16xi32>
    %select_n3A_2630 = arith.select %lt3A_2627, %add3A_2621, %broadcast_in_dim3A_2629 : vector<16xi1>, vector<16xi32>
    %gather3A_2631 = tpu.vector_load_idx %arg7[%select_n3A_2630] : memref<816xf32, #tpu.memory_space<vmem>>[vector<16xi32>], vector<16xf32>,
    %convert_element_type3A_2632 = arith.fptosi %gather3A_2631 : vector<16xf32> to vector<16xi32>
    %add3A_2633 = arith.constant 1 : i32
    %add3A_2634 = vector.broadcast %add3A_2633 : i32 to vector<16xi32>
    %add3A_2635 = arith.addi %select_n3A_2630, %add3A_2634 : vector<16xi32>
    %gather3A_2636 = tpu.vector_load_idx %arg7[%add3A_2635] : memref<816xf32, #tpu.memory_space<vmem>>[vector<16xi32>], vector<16xf32>,
    %convert_element_type3A_2637 = arith.fptosi %gather3A_2636 : vector<16xf32> to vector<16xi32>
    %add3A_2638 = arith.constant 2 : i32
    %add3A_2639 = vector.broadcast %add3A_2638 : i32 to vector<16xi32>
    %add3A_2640 = arith.addi %select_n3A_2630, %add3A_2639 : vector<16xi32>
    %gather3A_2641 = tpu.vector_load_idx %arg7[%add3A_2640] : memref<816xf32, #tpu.memory_space<vmem>>[vector<16xi32>], vector<16xf32>,
    %convert_element_type3A_2642 = arith.fptosi %gather3A_2641 : vector<16xf32> to vector<16xi32>
    %mul3A_2643 = arith.constant 128 : i32
    %mul3A_2644 = vector.broadcast %mul3A_2643 : i32 to vector<16xi32>
    %mul3A_2645 = arith.muli %convert_element_type3A_2642, %mul3A_2644 : vector<16xi32>
    %add3A_2646 = arith.addi %mul3A_2645, %convert_element_type3A_2632 : vector<16xi32>
    %mul3A_2647 = arith.constant 128 : i32
    %mul3A_2648 = vector.broadcast %mul3A_2647 : i32 to vector<16xi32>
    %mul3A_2649 = arith.muli %add3A_2646, %mul3A_2648 : vector<16xi32>
    %add3A_2650 = arith.addi %mul3A_2649, %convert_element_type3A_2637 : vector<16xi32>
    %jit3A_2651 = arith.constant -1 : i32
    %broadcast_in_dim3A_2652 = vector.broadcast %jit3A_2651 : i32 to vector<16xi32>
    %select_n3A_2653 = arith.select %lt3A_2627, %add3A_2650, %broadcast_in_dim3A_2652 : vector<16xi1>, vector<16xi32>
    %swap3A_2654 = arith.constant 0 : index
    %swap3A_2655 = tpu.vector_load %arg11[%swap3A_2654] {strides = array<i32>} : memref<80xi32, #tpu.memory_space<vmem>>, vector<16xi32>,
    tpu.vector_store %arg11[%swap3A_2654], %select_n3A_2653 {strides = array<i32>} : memref<80xi32, #tpu.memory_space<vmem>>, vector<16xi32>,
    %sub3A_2656 = vector.broadcast %squeeze3A : i32 to vector<16xi32>
    %sub3A_2657 = arith.subi %convert_element_type3A_2632, %sub3A_2656 : vector<16xi32>
    %sub3A_2658 = vector.broadcast %squeeze3A : i32 to vector<16xi32>
    %sub3A_2659 = arith.subi %convert_element_type3A_2637, %sub3A_2658 : vector<16xi32>
    %ge3A_2660 = arith.constant 0 : i32
    %ge3A_2661 = vector.broadcast %ge3A_2660 : i32 to vector<16xi32>
    %ge3A_2662 = arith.cmpi sge, %sub3A_2657, %ge3A_2661 : vector<16xi32>
    %and3A_2663 = arith.andi %lt3A_2627, %ge3A_2662 : vector<16xi1>
    %lt3A_2664 = arith.constant 96 : i32
    %lt3A_2665 = vector.broadcast %lt3A_2664 : i32 to vector<16xi32>
    %lt3A_2666 = arith.cmpi slt, %sub3A_2657, %lt3A_2665 : vector<16xi32>
    %and3A_2667 = arith.andi %and3A_2663, %lt3A_2666 : vector<16xi1>
    %ge3A_2668 = arith.constant 0 : i32
    %ge3A_2669 = vector.broadcast %ge3A_2668 : i32 to vector<16xi32>
    %ge3A_2670 = arith.cmpi sge, %sub3A_2659, %ge3A_2669 : vector<16xi32>
    %and3A_2671 = arith.andi %and3A_2667, %ge3A_2670 : vector<16xi1>
    %lt3A_2672 = arith.constant 96 : i32
    %lt3A_2673 = vector.broadcast %lt3A_2672 : i32 to vector<16xi32>
    %lt3A_2674 = arith.cmpi slt, %sub3A_2659, %lt3A_2673 : vector<16xi32>
    %and3A_2675 = arith.andi %and3A_2671, %lt3A_2674 : vector<16xi1>
    %jit3A_2676 = arith.constant 0 : i32
    %jit3A_2677 = arith.constant 95 : i32
    %max3A_2678 = vector.broadcast %jit3A_2676 : i32 to vector<16xi32>
    %max3A_2679 = arith.maxsi %max3A_2678, %sub3A_2657 : vector<16xi32>
    %min3A_2680 = vector.broadcast %jit3A_2677 : i32 to vector<16xi32>
    %min3A_2681 = arith.minsi %min3A_2680, %max3A_2679 : vector<16xi32>
    %jit3A_2682 = arith.constant 0 : i32
    %jit3A_2683 = arith.constant 95 : i32
    %max3A_2684 = vector.broadcast %jit3A_2682 : i32 to vector<16xi32>
    %max3A_2685 = arith.maxsi %max3A_2684, %sub3A_2659 : vector<16xi32>
    %min3A_2686 = vector.broadcast %jit3A_2683 : i32 to vector<16xi32>
    %min3A_2687 = arith.minsi %min3A_2686, %max3A_2685 : vector<16xi32>
    %add3A_2688 = arith.constant 3 : i32
    %add3A_2689 = vector.broadcast %add3A_2688 : i32 to vector<16xi32>
    %add3A_2690 = arith.addi %select_n3A_2630, %add3A_2689 : vector<16xi32>
    %gather3A_2691 = tpu.vector_load_idx %arg7[%add3A_2690] : memref<816xf32, #tpu.memory_space<vmem>>[vector<16xi32>], vector<16xf32>,
    %sub3A_2692 = arith.constant 4 : i32
    %sub3A_2693 = vector.broadcast %sub3A_2692 : i32 to vector<16xi32>
    %sub3A_2694 = arith.subi %select_n3A_2630, %sub3A_2693 : vector<16xi32>
    %max3A_2695 = arith.constant 600 : i32
    %max3A_2696 = vector.broadcast %max3A_2695 : i32 to vector<16xi32>
    %max3A_2697 = arith.maxsi %sub3A_2694, %max3A_2696 : vector<16xi32>
    %add3A_2698 = arith.constant 3 : i32
    %add3A_2699 = vector.broadcast %add3A_2698 : i32 to vector<16xi32>
    %add3A_2700 = arith.addi %max3A_2697, %add3A_2699 : vector<16xi32>
    %gather3A_2701 = tpu.vector_load_idx %arg7[%add3A_2700] : memref<816xf32, #tpu.memory_space<vmem>>[vector<16xi32>], vector<16xf32>,
    %sub3A_2702 = arith.subf %gather3A_2701, %gather3A_2691 : vector<16xf32>
    %div3A_2703 = arith.constant 5.000000e+01 : f32
    %div3A_2704 = vector.broadcast %div3A_2703 : f32 to vector<16xf32>
    %div3A_2705 = arith.divf %sub3A_2702, %div3A_2704 : vector<16xf32>
    %exp3A_2706 = math.exp %div3A_2705 : vector<16xf32>
    %swap3A_2707 = arith.constant 0 : index
    %swap3A_2708 = tpu.vector_load %arg12[%swap3A_2707] {strides = array<i32>} : memref<80xf32, #tpu.memory_space<vmem>>, vector<16xf32>,
    tpu.vector_store %arg12[%swap3A_2707], %exp3A_2706 {strides = array<i32>} : memref<80xf32, #tpu.memory_space<vmem>>, vector<16xf32>,
    %add3A_2709 = arith.constant 16 : i32
    %add3A_2710 = vector.broadcast %add3A_2709 : i32 to vector<16xi32>
    %add3A_2711 = arith.addi %add3A_2710, %iota3A : vector<16xi32>
    %mul3A_2712 = arith.constant 4 : i32
    %mul3A_2713 = vector.broadcast %mul3A_2712 : i32 to vector<16xi32>
    %mul3A_2714 = arith.muli %mul3A_2713, %add3A_2711 : vector<16xi32>
    %add3A_2715 = arith.constant 600 : i32
    %add3A_2716 = vector.broadcast %add3A_2715 : i32 to vector<16xi32>
    %add3A_2717 = arith.addi %add3A_2716, %mul3A_2714 : vector<16xi32>
    %add3A_2718 = arith.constant 16 : i32
    %add3A_2719 = vector.broadcast %add3A_2718 : i32 to vector<16xi32>
    %add3A_2720 = arith.addi %add3A_2719, %iota3A : vector<16xi32>
    %lt3A_2721 = arith.constant 50 : i32
    %lt3A_2722 = vector.broadcast %lt3A_2721 : i32 to vector<16xi32>
    %lt3A_2723 = arith.cmpi slt, %add3A_2720, %lt3A_2722 : vector<16xi32>
    %jit3A_2724 = arith.constant 600 : i32
    %broadcast_in_dim3A_2725 = vector.broadcast %jit3A_2724 : i32 to vector<16xi32>
    %select_n3A_2726 = arith.select %lt3A_2723, %add3A_2717, %broadcast_in_dim3A_2725 : vector<16xi1>, vector<16xi32>
    %gather3A_2727 = tpu.vector_load_idx %arg7[%select_n3A_2726] : memref<816xf32, #tpu.memory_space<vmem>>[vector<16xi32>], vector<16xf32>,
    %convert_element_type3A_2728 = arith.fptosi %gather3A_2727 : vector<16xf32> to vector<16xi32>
    %add3A_2729 = arith.constant 1 : i32
    %add3A_2730 = vector.broadcast %add3A_2729 : i32 to vector<16xi32>
    %add3A_2731 = arith.addi %select_n3A_2726, %add3A_2730 : vector<16xi32>
    %gather3A_2732 = tpu.vector_load_idx %arg7[%add3A_2731] : memref<816xf32, #tpu.memory_space<vmem>>[vector<16xi32>], vector<16xf32>,
    %convert_element_type3A_2733 = arith.fptosi %gather3A_2732 : vector<16xf32> to vector<16xi32>
    %add3A_2734 = arith.constant 2 : i32
    %add3A_2735 = vector.broadcast %add3A_2734 : i32 to vector<16xi32>
    %add3A_2736 = arith.addi %select_n3A_2726, %add3A_2735 : vector<16xi32>
    %gather3A_2737 = tpu.vector_load_idx %arg7[%add3A_2736] : memref<816xf32, #tpu.memory_space<vmem>>[vector<16xi32>], vector<16xf32>,
    %convert_element_type3A_2738 = arith.fptosi %gather3A_2737 : vector<16xf32> to vector<16xi32>
    %mul3A_2739 = arith.constant 128 : i32
    %mul3A_2740 = vector.broadcast %mul3A_2739 : i32 to vector<16xi32>
    %mul3A_2741 = arith.muli %convert_element_type3A_2738, %mul3A_2740 : vector<16xi32>
    %add3A_2742 = arith.addi %mul3A_2741, %convert_element_type3A_2728 : vector<16xi32>
    %mul3A_2743 = arith.constant 128 : i32
    %mul3A_2744 = vector.broadcast %mul3A_2743 : i32 to vector<16xi32>
    %mul3A_2745 = arith.muli %add3A_2742, %mul3A_2744 : vector<16xi32>
    %add3A_2746 = arith.addi %mul3A_2745, %convert_element_type3A_2733 : vector<16xi32>
    %jit3A_2747 = arith.constant -1 : i32
    %broadcast_in_dim3A_2748 = vector.broadcast %jit3A_2747 : i32 to vector<16xi32>
    %select_n3A_2749 = arith.select %lt3A_2723, %add3A_2746, %broadcast_in_dim3A_2748 : vector<16xi1>, vector<16xi32>
    %swap3A_2750 = arith.constant 16 : index
    %swap3A_2751 = tpu.vector_load %arg11[%swap3A_2750] {strides = array<i32>} : memref<80xi32, #tpu.memory_space<vmem>>, vector<16xi32>,
    tpu.vector_store %arg11[%swap3A_2750], %select_n3A_2749 {strides = array<i32>} : memref<80xi32, #tpu.memory_space<vmem>>, vector<16xi32>,
    %sub3A_2752 = vector.broadcast %squeeze3A : i32 to vector<16xi32>
    %sub3A_2753 = arith.subi %convert_element_type3A_2728, %sub3A_2752 : vector<16xi32>
    %sub3A_2754 = vector.broadcast %squeeze3A : i32 to vector<16xi32>
    %sub3A_2755 = arith.subi %convert_element_type3A_2733, %sub3A_2754 : vector<16xi32>
    %ge3A_2756 = arith.constant 0 : i32
    %ge3A_2757 = vector.broadcast %ge3A_2756 : i32 to vector<16xi32>
    %ge3A_2758 = arith.cmpi sge, %sub3A_2753, %ge3A_2757 : vector<16xi32>
    %and3A_2759 = arith.andi %lt3A_2723, %ge3A_2758 : vector<16xi1>
    %lt3A_2760 = arith.constant 96 : i32
    %lt3A_2761 = vector.broadcast %lt3A_2760 : i32 to vector<16xi32>
    %lt3A_2762 = arith.cmpi slt, %sub3A_2753, %lt3A_2761 : vector<16xi32>
    %and3A_2763 = arith.andi %and3A_2759, %lt3A_2762 : vector<16xi1>
    %ge3A_2764 = arith.constant 0 : i32
    %ge3A_2765 = vector.broadcast %ge3A_2764 : i32 to vector<16xi32>
    %ge3A_2766 = arith.cmpi sge, %sub3A_2755, %ge3A_2765 : vector<16xi32>
    %and3A_2767 = arith.andi %and3A_2763, %ge3A_2766 : vector<16xi1>
    %lt3A_2768 = arith.constant 96 : i32
    %lt3A_2769 = vector.broadcast %lt3A_2768 : i32 to vector<16xi32>
    %lt3A_2770 = arith.cmpi slt, %sub3A_2755, %lt3A_2769 : vector<16xi32>
    %and3A_2771 = arith.andi %and3A_2767, %lt3A_2770 : vector<16xi1>
    %jit3A_2772 = arith.constant 0 : i32
    %jit3A_2773 = arith.constant 95 : i32
    %max3A_2774 = vector.broadcast %jit3A_2772 : i32 to vector<16xi32>
    %max3A_2775 = arith.maxsi %max3A_2774, %sub3A_2753 : vector<16xi32>
    %min3A_2776 = vector.broadcast %jit3A_2773 : i32 to vector<16xi32>
    %min3A_2777 = arith.minsi %min3A_2776, %max3A_2775 : vector<16xi32>
    %jit3A_2778 = arith.constant 0 : i32
    %jit3A_2779 = arith.constant 95 : i32
    %max3A_2780 = vector.broadcast %jit3A_2778 : i32 to vector<16xi32>
    %max3A_2781 = arith.maxsi %max3A_2780, %sub3A_2755 : vector<16xi32>
    %min3A_2782 = vector.broadcast %jit3A_2779 : i32 to vector<16xi32>
    %min3A_2783 = arith.minsi %min3A_2782, %max3A_2781 : vector<16xi32>
    %add3A_2784 = arith.constant 3 : i32
    %add3A_2785 = vector.broadcast %add3A_2784 : i32 to vector<16xi32>
    %add3A_2786 = arith.addi %select_n3A_2726, %add3A_2785 : vector<16xi32>
    %gather3A_2787 = tpu.vector_load_idx %arg7[%add3A_2786] : memref<816xf32, #tpu.memory_space<vmem>>[vector<16xi32>], vector<16xf32>,
    %sub3A_2788 = arith.constant 4 : i32
    %sub3A_2789 = vector.broadcast %sub3A_2788 : i32 to vector<16xi32>
    %sub3A_2790 = arith.subi %select_n3A_2726, %sub3A_2789 : vector<16xi32>
    %max3A_2791 = arith.constant 600 : i32
    %max3A_2792 = vector.broadcast %max3A_2791 : i32 to vector<16xi32>
    %max3A_2793 = arith.maxsi %sub3A_2790, %max3A_2792 : vector<16xi32>
    %add3A_2794 = arith.constant 3 : i32
    %add3A_2795 = vector.broadcast %add3A_2794 : i32 to vector<16xi32>
    %add3A_2796 = arith.addi %max3A_2793, %add3A_2795 : vector<16xi32>
    %gather3A_2797 = tpu.vector_load_idx %arg7[%add3A_2796] : memref<816xf32, #tpu.memory_space<vmem>>[vector<16xi32>], vector<16xf32>,
    %sub3A_2798 = arith.subf %gather3A_2797, %gather3A_2787 : vector<16xf32>
    %div3A_2799 = arith.constant 5.000000e+01 : f32
    %div3A_2800 = vector.broadcast %div3A_2799 : f32 to vector<16xf32>
    %div3A_2801 = arith.divf %sub3A_2798, %div3A_2800 : vector<16xf32>
    %exp3A_2802 = math.exp %div3A_2801 : vector<16xf32>
    %swap3A_2803 = arith.constant 16 : index
    %swap3A_2804 = tpu.vector_load %arg12[%swap3A_2803] {strides = array<i32>} : memref<80xf32, #tpu.memory_space<vmem>>, vector<16xf32>,
    tpu.vector_store %arg12[%swap3A_2803], %exp3A_2802 {strides = array<i32>} : memref<80xf32, #tpu.memory_space<vmem>>, vector<16xf32>,
    %add3A_2805 = arith.constant 32 : i32
    %add3A_2806 = vector.broadcast %add3A_2805 : i32 to vector<16xi32>
    %add3A_2807 = arith.addi %add3A_2806, %iota3A : vector<16xi32>
    %mul3A_2808 = arith.constant 4 : i32
    %mul3A_2809 = vector.broadcast %mul3A_2808 : i32 to vector<16xi32>
    %mul3A_2810 = arith.muli %mul3A_2809, %add3A_2807 : vector<16xi32>
    %add3A_2811 = arith.constant 600 : i32
    %add3A_2812 = vector.broadcast %add3A_2811 : i32 to vector<16xi32>
    %add3A_2813 = arith.addi %add3A_2812, %mul3A_2810 : vector<16xi32>
    %add3A_2814 = arith.constant 32 : i32
    %add3A_2815 = vector.broadcast %add3A_2814 : i32 to vector<16xi32>
    %add3A_2816 = arith.addi %add3A_2815, %iota3A : vector<16xi32>
    %lt3A_2817 = arith.constant 50 : i32
    %lt3A_2818 = vector.broadcast %lt3A_2817 : i32 to vector<16xi32>
    %lt3A_2819 = arith.cmpi slt, %add3A_2816, %lt3A_2818 : vector<16xi32>
    %jit3A_2820 = arith.constant 600 : i32
    %broadcast_in_dim3A_2821 = vector.broadcast %jit3A_2820 : i32 to vector<16xi32>
    %select_n3A_2822 = arith.select %lt3A_2819, %add3A_2813, %broadcast_in_dim3A_2821 : vector<16xi1>, vector<16xi32>
    %gather3A_2823 = tpu.vector_load_idx %arg7[%select_n3A_2822] : memref<816xf32, #tpu.memory_space<vmem>>[vector<16xi32>], vector<16xf32>,
    %convert_element_type3A_2824 = arith.fptosi %gather3A_2823 : vector<16xf32> to vector<16xi32>
    %add3A_2825 = arith.constant 1 : i32
    %add3A_2826 = vector.broadcast %add3A_2825 : i32 to vector<16xi32>
    %add3A_2827 = arith.addi %select_n3A_2822, %add3A_2826 : vector<16xi32>
    %gather3A_2828 = tpu.vector_load_idx %arg7[%add3A_2827] : memref<816xf32, #tpu.memory_space<vmem>>[vector<16xi32>], vector<16xf32>,
    %convert_element_type3A_2829 = arith.fptosi %gather3A_2828 : vector<16xf32> to vector<16xi32>
    %add3A_2830 = arith.constant 2 : i32
    %add3A_2831 = vector.broadcast %add3A_2830 : i32 to vector<16xi32>
    %add3A_2832 = arith.addi %select_n3A_2822, %add3A_2831 : vector<16xi32>
    %gather3A_2833 = tpu.vector_load_idx %arg7[%add3A_2832] : memref<816xf32, #tpu.memory_space<vmem>>[vector<16xi32>], vector<16xf32>,
    %convert_element_type3A_2834 = arith.fptosi %gather3A_2833 : vector<16xf32> to vector<16xi32>
    %mul3A_2835 = arith.constant 128 : i32
    %mul3A_2836 = vector.broadcast %mul3A_2835 : i32 to vector<16xi32>
    %mul3A_2837 = arith.muli %convert_element_type3A_2834, %mul3A_2836 : vector<16xi32>
    %add3A_2838 = arith.addi %mul3A_2837, %convert_element_type3A_2824 : vector<16xi32>
    %mul3A_2839 = arith.constant 128 : i32
    %mul3A_2840 = vector.broadcast %mul3A_2839 : i32 to vector<16xi32>
    %mul3A_2841 = arith.muli %add3A_2838, %mul3A_2840 : vector<16xi32>
    %add3A_2842 = arith.addi %mul3A_2841, %convert_element_type3A_2829 : vector<16xi32>
    %jit3A_2843 = arith.constant -1 : i32
    %broadcast_in_dim3A_2844 = vector.broadcast %jit3A_2843 : i32 to vector<16xi32>
    %select_n3A_2845 = arith.select %lt3A_2819, %add3A_2842, %broadcast_in_dim3A_2844 : vector<16xi1>, vector<16xi32>
    %swap3A_2846 = arith.constant 32 : index
    %swap3A_2847 = tpu.vector_load %arg11[%swap3A_2846] {strides = array<i32>} : memref<80xi32, #tpu.memory_space<vmem>>, vector<16xi32>,
    tpu.vector_store %arg11[%swap3A_2846], %select_n3A_2845 {strides = array<i32>} : memref<80xi32, #tpu.memory_space<vmem>>, vector<16xi32>,
    %sub3A_2848 = vector.broadcast %squeeze3A : i32 to vector<16xi32>
    %sub3A_2849 = arith.subi %convert_element_type3A_2824, %sub3A_2848 : vector<16xi32>
    %sub3A_2850 = vector.broadcast %squeeze3A : i32 to vector<16xi32>
    %sub3A_2851 = arith.subi %convert_element_type3A_2829, %sub3A_2850 : vector<16xi32>
    %ge3A_2852 = arith.constant 0 : i32
    %ge3A_2853 = vector.broadcast %ge3A_2852 : i32 to vector<16xi32>
    %ge3A_2854 = arith.cmpi sge, %sub3A_2849, %ge3A_2853 : vector<16xi32>
    %and3A_2855 = arith.andi %lt3A_2819, %ge3A_2854 : vector<16xi1>
    %lt3A_2856 = arith.constant 96 : i32
    %lt3A_2857 = vector.broadcast %lt3A_2856 : i32 to vector<16xi32>
    %lt3A_2858 = arith.cmpi slt, %sub3A_2849, %lt3A_2857 : vector<16xi32>
    %and3A_2859 = arith.andi %and3A_2855, %lt3A_2858 : vector<16xi1>
    %ge3A_2860 = arith.constant 0 : i32
    %ge3A_2861 = vector.broadcast %ge3A_2860 : i32 to vector<16xi32>
    %ge3A_2862 = arith.cmpi sge, %sub3A_2851, %ge3A_2861 : vector<16xi32>
    %and3A_2863 = arith.andi %and3A_2859, %ge3A_2862 : vector<16xi1>
    %lt3A_2864 = arith.constant 96 : i32
    %lt3A_2865 = vector.broadcast %lt3A_2864 : i32 to vector<16xi32>
    %lt3A_2866 = arith.cmpi slt, %sub3A_2851, %lt3A_2865 : vector<16xi32>
    %and3A_2867 = arith.andi %and3A_2863, %lt3A_2866 : vector<16xi1>
    %jit3A_2868 = arith.constant 0 : i32
    %jit3A_2869 = arith.constant 95 : i32
    %max3A_2870 = vector.broadcast %jit3A_2868 : i32 to vector<16xi32>
    %max3A_2871 = arith.maxsi %max3A_2870, %sub3A_2849 : vector<16xi32>
    %min3A_2872 = vector.broadcast %jit3A_2869 : i32 to vector<16xi32>
    %min3A_2873 = arith.minsi %min3A_2872, %max3A_2871 : vector<16xi32>
    %jit3A_2874 = arith.constant 0 : i32
    %jit3A_2875 = arith.constant 95 : i32
    %max3A_2876 = vector.broadcast %jit3A_2874 : i32 to vector<16xi32>
    %max3A_2877 = arith.maxsi %max3A_2876, %sub3A_2851 : vector<16xi32>
    %min3A_2878 = vector.broadcast %jit3A_2875 : i32 to vector<16xi32>
    %min3A_2879 = arith.minsi %min3A_2878, %max3A_2877 : vector<16xi32>
    %add3A_2880 = arith.constant 3 : i32
    %add3A_2881 = vector.broadcast %add3A_2880 : i32 to vector<16xi32>
    %add3A_2882 = arith.addi %select_n3A_2822, %add3A_2881 : vector<16xi32>
    %gather3A_2883 = tpu.vector_load_idx %arg7[%add3A_2882] : memref<816xf32, #tpu.memory_space<vmem>>[vector<16xi32>], vector<16xf32>,
    %sub3A_2884 = arith.constant 4 : i32
    %sub3A_2885 = vector.broadcast %sub3A_2884 : i32 to vector<16xi32>
    %sub3A_2886 = arith.subi %select_n3A_2822, %sub3A_2885 : vector<16xi32>
    %max3A_2887 = arith.constant 600 : i32
    %max3A_2888 = vector.broadcast %max3A_2887 : i32 to vector<16xi32>
    %max3A_2889 = arith.maxsi %sub3A_2886, %max3A_2888 : vector<16xi32>
    %add3A_2890 = arith.constant 3 : i32
    %add3A_2891 = vector.broadcast %add3A_2890 : i32 to vector<16xi32>
    %add3A_2892 = arith.addi %max3A_2889, %add3A_2891 : vector<16xi32>
    %gather3A_2893 = tpu.vector_load_idx %arg7[%add3A_2892] : memref<816xf32, #tpu.memory_space<vmem>>[vector<16xi32>], vector<16xf32>,
    %sub3A_2894 = arith.subf %gather3A_2893, %gather3A_2883 : vector<16xf32>
    %div3A_2895 = arith.constant 5.000000e+01 : f32
    %div3A_2896 = vector.broadcast %div3A_2895 : f32 to vector<16xf32>
    %div3A_2897 = arith.divf %sub3A_2894, %div3A_2896 : vector<16xf32>
    %exp3A_2898 = math.exp %div3A_2897 : vector<16xf32>
    %swap3A_2899 = arith.constant 32 : index
    %swap3A_2900 = tpu.vector_load %arg12[%swap3A_2899] {strides = array<i32>} : memref<80xf32, #tpu.memory_space<vmem>>, vector<16xf32>,
    tpu.vector_store %arg12[%swap3A_2899], %exp3A_2898 {strides = array<i32>} : memref<80xf32, #tpu.memory_space<vmem>>, vector<16xf32>,
    %add3A_2901 = arith.constant 48 : i32
    %add3A_2902 = vector.broadcast %add3A_2901 : i32 to vector<16xi32>
    %add3A_2903 = arith.addi %add3A_2902, %iota3A : vector<16xi32>
    %mul3A_2904 = arith.constant 4 : i32
    %mul3A_2905 = vector.broadcast %mul3A_2904 : i32 to vector<16xi32>
    %mul3A_2906 = arith.muli %mul3A_2905, %add3A_2903 : vector<16xi32>
    %add3A_2907 = arith.constant 600 : i32
    %add3A_2908 = vector.broadcast %add3A_2907 : i32 to vector<16xi32>
    %add3A_2909 = arith.addi %add3A_2908, %mul3A_2906 : vector<16xi32>
    %add3A_2910 = arith.constant 48 : i32
    %add3A_2911 = vector.broadcast %add3A_2910 : i32 to vector<16xi32>
    %add3A_2912 = arith.addi %add3A_2911, %iota3A : vector<16xi32>
    %lt3A_2913 = arith.constant 50 : i32
    %lt3A_2914 = vector.broadcast %lt3A_2913 : i32 to vector<16xi32>
    %lt3A_2915 = arith.cmpi slt, %add3A_2912, %lt3A_2914 : vector<16xi32>
    %jit3A_2916 = arith.constant 600 : i32
    %broadcast_in_dim3A_2917 = vector.broadcast %jit3A_2916 : i32 to vector<16xi32>
    %select_n3A_2918 = arith.select %lt3A_2915, %add3A_2909, %broadcast_in_dim3A_2917 : vector<16xi1>, vector<16xi32>
    %gather3A_2919 = tpu.vector_load_idx %arg7[%select_n3A_2918] : memref<816xf32, #tpu.memory_space<vmem>>[vector<16xi32>], vector<16xf32>,
    %convert_element_type3A_2920 = arith.fptosi %gather3A_2919 : vector<16xf32> to vector<16xi32>
    %add3A_2921 = arith.constant 1 : i32
    %add3A_2922 = vector.broadcast %add3A_2921 : i32 to vector<16xi32>
    %add3A_2923 = arith.addi %select_n3A_2918, %add3A_2922 : vector<16xi32>
    %gather3A_2924 = tpu.vector_load_idx %arg7[%add3A_2923] : memref<816xf32, #tpu.memory_space<vmem>>[vector<16xi32>], vector<16xf32>,
    %convert_element_type3A_2925 = arith.fptosi %gather3A_2924 : vector<16xf32> to vector<16xi32>
    %add3A_2926 = arith.constant 2 : i32
    %add3A_2927 = vector.broadcast %add3A_2926 : i32 to vector<16xi32>
    %add3A_2928 = arith.addi %select_n3A_2918, %add3A_2927 : vector<16xi32>
    %gather3A_2929 = tpu.vector_load_idx %arg7[%add3A_2928] : memref<816xf32, #tpu.memory_space<vmem>>[vector<16xi32>], vector<16xf32>,
    %convert_element_type3A_2930 = arith.fptosi %gather3A_2929 : vector<16xf32> to vector<16xi32>
    %mul3A_2931 = arith.constant 128 : i32
    %mul3A_2932 = vector.broadcast %mul3A_2931 : i32 to vector<16xi32>
    %mul3A_2933 = arith.muli %convert_element_type3A_2930, %mul3A_2932 : vector<16xi32>
    %add3A_2934 = arith.addi %mul3A_2933, %convert_element_type3A_2920 : vector<16xi32>
    %mul3A_2935 = arith.constant 128 : i32
    %mul3A_2936 = vector.broadcast %mul3A_2935 : i32 to vector<16xi32>
    %mul3A_2937 = arith.muli %add3A_2934, %mul3A_2936 : vector<16xi32>
    %add3A_2938 = arith.addi %mul3A_2937, %convert_element_type3A_2925 : vector<16xi32>
    %jit3A_2939 = arith.constant -1 : i32
    %broadcast_in_dim3A_2940 = vector.broadcast %jit3A_2939 : i32 to vector<16xi32>
    %select_n3A_2941 = arith.select %lt3A_2915, %add3A_2938, %broadcast_in_dim3A_2940 : vector<16xi1>, vector<16xi32>
    %swap3A_2942 = arith.constant 48 : index
    %swap3A_2943 = tpu.vector_load %arg11[%swap3A_2942] {strides = array<i32>} : memref<80xi32, #tpu.memory_space<vmem>>, vector<16xi32>,
    tpu.vector_store %arg11[%swap3A_2942], %select_n3A_2941 {strides = array<i32>} : memref<80xi32, #tpu.memory_space<vmem>>, vector<16xi32>,
    %sub3A_2944 = vector.broadcast %squeeze3A : i32 to vector<16xi32>
    %sub3A_2945 = arith.subi %convert_element_type3A_2920, %sub3A_2944 : vector<16xi32>
    %sub3A_2946 = vector.broadcast %squeeze3A : i32 to vector<16xi32>
    %sub3A_2947 = arith.subi %convert_element_type3A_2925, %sub3A_2946 : vector<16xi32>
    %ge3A_2948 = arith.constant 0 : i32
    %ge3A_2949 = vector.broadcast %ge3A_2948 : i32 to vector<16xi32>
    %ge3A_2950 = arith.cmpi sge, %sub3A_2945, %ge3A_2949 : vector<16xi32>
    %and3A_2951 = arith.andi %lt3A_2915, %ge3A_2950 : vector<16xi1>
    %lt3A_2952 = arith.constant 96 : i32
    %lt3A_2953 = vector.broadcast %lt3A_2952 : i32 to vector<16xi32>
    %lt3A_2954 = arith.cmpi slt, %sub3A_2945, %lt3A_2953 : vector<16xi32>
    %and3A_2955 = arith.andi %and3A_2951, %lt3A_2954 : vector<16xi1>
    %ge3A_2956 = arith.constant 0 : i32
    %ge3A_2957 = vector.broadcast %ge3A_2956 : i32 to vector<16xi32>
    %ge3A_2958 = arith.cmpi sge, %sub3A_2947, %ge3A_2957 : vector<16xi32>
    %and3A_2959 = arith.andi %and3A_2955, %ge3A_2958 : vector<16xi1>
    %lt3A_2960 = arith.constant 96 : i32
    %lt3A_2961 = vector.broadcast %lt3A_2960 : i32 to vector<16xi32>
    %lt3A_2962 = arith.cmpi slt, %sub3A_2947, %lt3A_2961 : vector<16xi32>
    %and3A_2963 = arith.andi %and3A_2959, %lt3A_2962 : vector<16xi1>
    %jit3A_2964 = arith.constant 0 : i32
    %jit3A_2965 = arith.constant 95 : i32
    %max3A_2966 = vector.broadcast %jit3A_2964 : i32 to vector<16xi32>
    %max3A_2967 = arith.maxsi %max3A_2966, %sub3A_2945 : vector<16xi32>
    %min3A_2968 = vector.broadcast %jit3A_2965 : i32 to vector<16xi32>
    %min3A_2969 = arith.minsi %min3A_2968, %max3A_2967 : vector<16xi32>
    %jit3A_2970 = arith.constant 0 : i32
    %jit3A_2971 = arith.constant 95 : i32
    %max3A_2972 = vector.broadcast %jit3A_2970 : i32 to vector<16xi32>
    %max3A_2973 = arith.maxsi %max3A_2972, %sub3A_2947 : vector<16xi32>
    %min3A_2974 = vector.broadcast %jit3A_2971 : i32 to vector<16xi32>
    %min3A_2975 = arith.minsi %min3A_2974, %max3A_2973 : vector<16xi32>
    %add3A_2976 = arith.constant 3 : i32
    %add3A_2977 = vector.broadcast %add3A_2976 : i32 to vector<16xi32>
    %add3A_2978 = arith.addi %select_n3A_2918, %add3A_2977 : vector<16xi32>
    %gather3A_2979 = tpu.vector_load_idx %arg7[%add3A_2978] : memref<816xf32, #tpu.memory_space<vmem>>[vector<16xi32>], vector<16xf32>,
    %sub3A_2980 = arith.constant 4 : i32
    %sub3A_2981 = vector.broadcast %sub3A_2980 : i32 to vector<16xi32>
    %sub3A_2982 = arith.subi %select_n3A_2918, %sub3A_2981 : vector<16xi32>
    %max3A_2983 = arith.constant 600 : i32
    %max3A_2984 = vector.broadcast %max3A_2983 : i32 to vector<16xi32>
    %max3A_2985 = arith.maxsi %sub3A_2982, %max3A_2984 : vector<16xi32>
    %add3A_2986 = arith.constant 3 : i32
    %add3A_2987 = vector.broadcast %add3A_2986 : i32 to vector<16xi32>
    %add3A_2988 = arith.addi %max3A_2985, %add3A_2987 : vector<16xi32>
    %gather3A_2989 = tpu.vector_load_idx %arg7[%add3A_2988] : memref<816xf32, #tpu.memory_space<vmem>>[vector<16xi32>], vector<16xf32>,
    %sub3A_2990 = arith.subf %gather3A_2989, %gather3A_2979 : vector<16xf32>
    %div3A_2991 = arith.constant 5.000000e+01 : f32
    %div3A_2992 = vector.broadcast %div3A_2991 : f32 to vector<16xf32>
    %div3A_2993 = arith.divf %sub3A_2990, %div3A_2992 : vector<16xf32>
    %exp3A_2994 = math.exp %div3A_2993 : vector<16xf32>
    %swap3A_2995 = arith.constant 48 : index
    %swap3A_2996 = tpu.vector_load %arg12[%swap3A_2995] {strides = array<i32>} : memref<80xf32, #tpu.memory_space<vmem>>, vector<16xf32>,
    tpu.vector_store %arg12[%swap3A_2995], %exp3A_2994 {strides = array<i32>} : memref<80xf32, #tpu.memory_space<vmem>>, vector<16xf32>,
    %get3A_2997 = arith.constant 0 : index
    %get3A_2998 = tpu.vector_load %arg11[%get3A_2997] {strides = array<i32>} : memref<80xi32, #tpu.memory_space<vmem>>, vector<16xi32>,
    %slice3A_2999 = vector.extract_strided_slice %get3A_2998 {offsets = [0], sizes = [1], strides = [1]} : vector<16xi32> to vector<1xi32>
    %squeeze3A_3000 = vector.extract %slice3A_2999[0] : i32 from vector<1xi32>
    %get3A_3001 = arith.constant 150 : index
    %get3A_3002 = tpu.vector_load %arg8[%get3A_3001] {strides = array<i32>} : memref<216xi32, #tpu.memory_space<vmem>>, vector<16xi32>,
    %slice3A_3003 = vector.extract_strided_slice %get3A_3002 {offsets = [0], sizes = [1], strides = [1]} : vector<16xi32> to vector<1xi32>
    %squeeze3A_3004 = vector.extract %slice3A_3003[0] : i32 from vector<1xi32>
    %eq3A_3005 = arith.constant 0 : i32
    %eq3A_3006 = arith.cmpi eq, %squeeze3A_3004, %eq3A_3005 : i32
    %jit3A_3007 = arith.constant 3.000000e-01 : f32
    %jit3A_3008 = arith.constant 0.000000e+00 : f32
    %select_n3A_3009 = arith.select %eq3A_3006, %jit3A_3007, %jit3A_3008 : f32
    %eq3A_3010 = vector.broadcast %squeeze3A_3000 : i32 to vector<16xi32>
    %eq3A_3011 = arith.cmpi eq, %select_n3A_2653, %eq3A_3010 : vector<16xi32>
    %jit3A_3012 = arith.constant 0.000000e+00 : f32
    %broadcast_in_dim3A_3013 = vector.broadcast %select_n3A_3009 : f32 to vector<16xf32>
    %broadcast_in_dim3A_3014 = vector.broadcast %jit3A_3012 : f32 to vector<16xf32>
    %select_n3A_3015 = arith.select %eq3A_3011, %broadcast_in_dim3A_3013, %broadcast_in_dim3A_3014 : vector<16xi1>, vector<16xf32>
    %swap3A_3016 = arith.constant 0 : index
    %swap3A_3017 = tpu.vector_load %arg13[%swap3A_3016] {strides = array<i32>} : memref<80xf32, #tpu.memory_space<vmem>>, vector<16xf32>,
    tpu.vector_store %arg13[%swap3A_3016], %select_n3A_3015 {strides = array<i32>} : memref<80xf32, #tpu.memory_space<vmem>>, vector<16xf32>,
    %jit3A_3018 = arith.constant 3.000000e-01 : f32
    %jit3A_3019 = arith.constant 0.000000e+00 : f32
    %broadcast_in_dim3A_3020 = vector.broadcast %jit3A_3018 : f32 to vector<16xf32>
    %broadcast_in_dim3A_3021 = vector.broadcast %jit3A_3019 : f32 to vector<16xf32>
    %select_n3A_3022 = arith.select %eq3A_3011, %broadcast_in_dim3A_3020, %broadcast_in_dim3A_3021 : vector<16xi1>, vector<16xf32>
    %swap3A_3023 = arith.constant 0 : index
    %swap3A_3024 = tpu.vector_load %arg14[%swap3A_3023] {strides = array<i32>} : memref<256xf32, #tpu.memory_space<vmem>>, vector<16xf32>,
    tpu.vector_store %arg14[%swap3A_3023], %select_n3A_3022 {strides = array<i32>} : memref<256xf32, #tpu.memory_space<vmem>>, vector<16xf32>,
    %swap3A_3025 = arith.constant 64 : index
    %swap3A_3026 = tpu.vector_load %arg14[%swap3A_3025] {strides = array<i32>} : memref<256xf32, #tpu.memory_space<vmem>>, vector<16xf32>,
    tpu.vector_store %arg14[%swap3A_3025], %broadcast_in_dim3A_9 {strides = array<i32>} : memref<256xf32, #tpu.memory_space<vmem>>, vector<16xf32>,
    %swap3A_3027 = arith.constant 128 : index
    %swap3A_3028 = tpu.vector_load %arg14[%swap3A_3027] {strides = array<i32>} : memref<256xf32, #tpu.memory_space<vmem>>, vector<16xf32>,
    tpu.vector_store %arg14[%swap3A_3027], %broadcast_in_dim3A_9 {strides = array<i32>} : memref<256xf32, #tpu.memory_space<vmem>>, vector<16xf32>,
    %swap3A_3029 = arith.constant 192 : index
    %swap3A_3030 = tpu.vector_load %arg14[%swap3A_3029] {strides = array<i32>} : memref<256xf32, #tpu.memory_space<vmem>>, vector<16xf32>,
    tpu.vector_store %arg14[%swap3A_3029], %broadcast_in_dim3A_9 {strides = array<i32>} : memref<256xf32, #tpu.memory_space<vmem>>, vector<16xf32>,
    %eq3A_3031 = vector.broadcast %squeeze3A_3000 : i32 to vector<16xi32>
    %eq3A_3032 = arith.cmpi eq, %select_n3A_2749, %eq3A_3031 : vector<16xi32>
    %jit3A_3033 = arith.constant 0.000000e+00 : f32
    %broadcast_in_dim3A_3034 = vector.broadcast %select_n3A_3009 : f32 to vector<16xf32>
    %broadcast_in_dim3A_3035 = vector.broadcast %jit3A_3033 : f32 to vector<16xf32>
    %select_n3A_3036 = arith.select %eq3A_3032, %broadcast_in_dim3A_3034, %broadcast_in_dim3A_3035 : vector<16xi1>, vector<16xf32>
    %swap3A_3037 = arith.constant 16 : index
    %swap3A_3038 = tpu.vector_load %arg13[%swap3A_3037] {strides = array<i32>} : memref<80xf32, #tpu.memory_space<vmem>>, vector<16xf32>,
    tpu.vector_store %arg13[%swap3A_3037], %select_n3A_3036 {strides = array<i32>} : memref<80xf32, #tpu.memory_space<vmem>>, vector<16xf32>,
    %jit3A_3039 = arith.constant 3.000000e-01 : f32
    %jit3A_3040 = arith.constant 0.000000e+00 : f32
    %broadcast_in_dim3A_3041 = vector.broadcast %jit3A_3039 : f32 to vector<16xf32>
    %broadcast_in_dim3A_3042 = vector.broadcast %jit3A_3040 : f32 to vector<16xf32>
    %select_n3A_3043 = arith.select %eq3A_3032, %broadcast_in_dim3A_3041, %broadcast_in_dim3A_3042 : vector<16xi1>, vector<16xf32>
    %swap3A_3044 = arith.constant 16 : index
    %swap3A_3045 = tpu.vector_load %arg14[%swap3A_3044] {strides = array<i32>} : memref<256xf32, #tpu.memory_space<vmem>>, vector<16xf32>,
    tpu.vector_store %arg14[%swap3A_3044], %select_n3A_3043 {strides = array<i32>} : memref<256xf32, #tpu.memory_space<vmem>>, vector<16xf32>,
    %swap3A_3046 = arith.constant 80 : index
    %swap3A_3047 = tpu.vector_load %arg14[%swap3A_3046] {strides = array<i32>} : memref<256xf32, #tpu.memory_space<vmem>>, vector<16xf32>,
    tpu.vector_store %arg14[%swap3A_3046], %broadcast_in_dim3A_9 {strides = array<i32>} : memref<256xf32, #tpu.memory_space<vmem>>, vector<16xf32>,
    %swap3A_3048 = arith.constant 144 : index
    %swap3A_3049 = tpu.vector_load %arg14[%swap3A_3048] {strides = array<i32>} : memref<256xf32, #tpu.memory_space<vmem>>, vector<16xf32>,
    tpu.vector_store %arg14[%swap3A_3048], %broadcast_in_dim3A_9 {strides = array<i32>} : memref<256xf32, #tpu.memory_space<vmem>>, vector<16xf32>,
    %swap3A_3050 = arith.constant 208 : index
    %swap3A_3051 = tpu.vector_load %arg14[%swap3A_3050] {strides = array<i32>} : memref<256xf32, #tpu.memory_space<vmem>>, vector<16xf32>,
    tpu.vector_store %arg14[%swap3A_3050], %broadcast_in_dim3A_9 {strides = array<i32>} : memref<256xf32, #tpu.memory_space<vmem>>, vector<16xf32>,
    %eq3A_3052 = vector.broadcast %squeeze3A_3000 : i32 to vector<16xi32>
    %eq3A_3053 = arith.cmpi eq, %select_n3A_2845, %eq3A_3052 : vector<16xi32>
    %jit3A_3054 = arith.constant 0.000000e+00 : f32
    %broadcast_in_dim3A_3055 = vector.broadcast %select_n3A_3009 : f32 to vector<16xf32>
    %broadcast_in_dim3A_3056 = vector.broadcast %jit3A_3054 : f32 to vector<16xf32>
    %select_n3A_3057 = arith.select %eq3A_3053, %broadcast_in_dim3A_3055, %broadcast_in_dim3A_3056 : vector<16xi1>, vector<16xf32>
    %swap3A_3058 = arith.constant 32 : index
    %swap3A_3059 = tpu.vector_load %arg13[%swap3A_3058] {strides = array<i32>} : memref<80xf32, #tpu.memory_space<vmem>>, vector<16xf32>,
    tpu.vector_store %arg13[%swap3A_3058], %select_n3A_3057 {strides = array<i32>} : memref<80xf32, #tpu.memory_space<vmem>>, vector<16xf32>,
    %jit3A_3060 = arith.constant 3.000000e-01 : f32
    %jit3A_3061 = arith.constant 0.000000e+00 : f32
    %broadcast_in_dim3A_3062 = vector.broadcast %jit3A_3060 : f32 to vector<16xf32>
    %broadcast_in_dim3A_3063 = vector.broadcast %jit3A_3061 : f32 to vector<16xf32>
    %select_n3A_3064 = arith.select %eq3A_3053, %broadcast_in_dim3A_3062, %broadcast_in_dim3A_3063 : vector<16xi1>, vector<16xf32>
    %swap3A_3065 = arith.constant 32 : index
    %swap3A_3066 = tpu.vector_load %arg14[%swap3A_3065] {strides = array<i32>} : memref<256xf32, #tpu.memory_space<vmem>>, vector<16xf32>,
    tpu.vector_store %arg14[%swap3A_3065], %select_n3A_3064 {strides = array<i32>} : memref<256xf32, #tpu.memory_space<vmem>>, vector<16xf32>,
    %swap3A_3067 = arith.constant 96 : index
    %swap3A_3068 = tpu.vector_load %arg14[%swap3A_3067] {strides = array<i32>} : memref<256xf32, #tpu.memory_space<vmem>>, vector<16xf32>,
    tpu.vector_store %arg14[%swap3A_3067], %broadcast_in_dim3A_9 {strides = array<i32>} : memref<256xf32, #tpu.memory_space<vmem>>, vector<16xf32>,
    %swap3A_3069 = arith.constant 160 : index
    %swap3A_3070 = tpu.vector_load %arg14[%swap3A_3069] {strides = array<i32>} : memref<256xf32, #tpu.memory_space<vmem>>, vector<16xf32>,
    tpu.vector_store %arg14[%swap3A_3069], %broadcast_in_dim3A_9 {strides = array<i32>} : memref<256xf32, #tpu.memory_space<vmem>>, vector<16xf32>,
    %swap3A_3071 = arith.constant 224 : index
    %swap3A_3072 = tpu.vector_load %arg14[%swap3A_3071] {strides = array<i32>} : memref<256xf32, #tpu.memory_space<vmem>>, vector<16xf32>,
    tpu.vector_store %arg14[%swap3A_3071], %broadcast_in_dim3A_9 {strides = array<i32>} : memref<256xf32, #tpu.memory_space<vmem>>, vector<16xf32>,
    %eq3A_3073 = vector.broadcast %squeeze3A_3000 : i32 to vector<16xi32>
    %eq3A_3074 = arith.cmpi eq, %select_n3A_2941, %eq3A_3073 : vector<16xi32>
    %jit3A_3075 = arith.constant 0.000000e+00 : f32
    %broadcast_in_dim3A_3076 = vector.broadcast %select_n3A_3009 : f32 to vector<16xf32>
    %broadcast_in_dim3A_3077 = vector.broadcast %jit3A_3075 : f32 to vector<16xf32>
    %select_n3A_3078 = arith.select %eq3A_3074, %broadcast_in_dim3A_3076, %broadcast_in_dim3A_3077 : vector<16xi1>, vector<16xf32>
    %swap3A_3079 = arith.constant 48 : index
    %swap3A_3080 = tpu.vector_load %arg13[%swap3A_3079] {strides = array<i32>} : memref<80xf32, #tpu.memory_space<vmem>>, vector<16xf32>,
    tpu.vector_store %arg13[%swap3A_3079], %select_n3A_3078 {strides = array<i32>} : memref<80xf32, #tpu.memory_space<vmem>>, vector<16xf32>,
    %jit3A_3081 = arith.constant 3.000000e-01 : f32
    %jit3A_3082 = arith.constant 0.000000e+00 : f32
    %broadcast_in_dim3A_3083 = vector.broadcast %jit3A_3081 : f32 to vector<16xf32>
    %broadcast_in_dim3A_3084 = vector.broadcast %jit3A_3082 : f32 to vector<16xf32>
    %select_n3A_3085 = arith.select %eq3A_3074, %broadcast_in_dim3A_3083, %broadcast_in_dim3A_3084 : vector<16xi1>, vector<16xf32>
    %swap3A_3086 = arith.constant 48 : index
    %swap3A_3087 = tpu.vector_load %arg14[%swap3A_3086] {strides = array<i32>} : memref<256xf32, #tpu.memory_space<vmem>>, vector<16xf32>,
    tpu.vector_store %arg14[%swap3A_3086], %select_n3A_3085 {strides = array<i32>} : memref<256xf32, #tpu.memory_space<vmem>>, vector<16xf32>,
    %swap3A_3088 = arith.constant 112 : index
    %swap3A_3089 = tpu.vector_load %arg14[%swap3A_3088] {strides = array<i32>} : memref<256xf32, #tpu.memory_space<vmem>>, vector<16xf32>,
    tpu.vector_store %arg14[%swap3A_3088], %broadcast_in_dim3A_9 {strides = array<i32>} : memref<256xf32, #tpu.memory_space<vmem>>, vector<16xf32>,
    %swap3A_3090 = arith.constant 176 : index
    %swap3A_3091 = tpu.vector_load %arg14[%swap3A_3090] {strides = array<i32>} : memref<256xf32, #tpu.memory_space<vmem>>, vector<16xf32>,
    tpu.vector_store %arg14[%swap3A_3090], %broadcast_in_dim3A_9 {strides = array<i32>} : memref<256xf32, #tpu.memory_space<vmem>>, vector<16xf32>,
    %swap3A_3092 = arith.constant 240 : index
    %swap3A_3093 = tpu.vector_load %arg14[%swap3A_3092] {strides = array<i32>} : memref<256xf32, #tpu.memory_space<vmem>>, vector<16xf32>,
    tpu.vector_store %arg14[%swap3A_3092], %broadcast_in_dim3A_9 {strides = array<i32>} : memref<256xf32, #tpu.memory_space<vmem>>, vector<16xf32>,
    %add3A_3094 = arith.constant 3 : i32
    %add3A_3095 = arith.addi %mul3A_2, %add3A_3094 : i32
    %get3A_3096 = arith.index_cast %add3A_3095 : i32 to index
    %get3A_3097 = tpu.vector_load %arg9[%get3A_3096] {strides = array<i32>} : memref<144xi32, #tpu.memory_space<vmem>>, vector<16xi32>,
    %slice3A_3098 = vector.extract_strided_slice %get3A_3097 {offsets = [0], sizes = [1], strides = [1]} : vector<16xi32> to vector<1xi32>
    %squeeze3A_3099 = vector.extract %slice3A_3098[0] : i32 from vector<1xi32>
    %scan3A_3100 = arith.constant 0 : i32
    %scan3A_3101 = arith.constant 1 : i32
    %scan3A_3102 = arith.constant 49 : i32
    %scan3A_3103 = arith.addi %scan3A_3101, %scan3A_3102 : i32
    %scan3A_3104 = arith.constant 1 : i32
    scf.for %scan3A_3561 = %scan3A_3101 to %scan3A_3103 step %scan3A_3104  : i32 {
      %get3A_3562 = arith.index_cast %scan3A_3561 : i32 to index
      %get3A_3563 = tpu.vector_load %arg12[%get3A_3562] {strides = array<i32>} : memref<80xf32, #tpu.memory_space<vmem>>, vector<16xf32>,
      %slice3A_3564 = vector.extract_strided_slice %get3A_3563 {offsets = [0], sizes = [1], strides = [1]} : vector<16xf32> to vector<1xf32>
      %squeeze3A_3565 = vector.extract %slice3A_3564[0] : f32 from vector<1xf32>
      %get3A_3566 = arith.index_cast %scan3A_3561 : i32 to index
      %get3A_3567 = tpu.vector_load %arg11[%get3A_3566] {strides = array<i32>} : memref<80xi32, #tpu.memory_space<vmem>>, vector<16xi32>,
      %slice3A_3568 = vector.extract_strided_slice %get3A_3567 {offsets = [0], sizes = [1], strides = [1]} : vector<16xi32> to vector<1xi32>
      %squeeze3A_3569 = vector.extract %slice3A_3568[0] : i32 from vector<1xi32>
      %add3A_3570 = arith.constant 150 : i32
      %add3A_3571 = arith.addi %add3A_3570, %scan3A_3561 : i32
      %get3A_3572 = arith.index_cast %add3A_3571 : i32 to index
      %get3A_3573 = tpu.vector_load %arg8[%get3A_3572] {strides = array<i32>} : memref<216xi32, #tpu.memory_space<vmem>>, vector<16xi32>,
      %slice3A_3574 = vector.extract_strided_slice %get3A_3573 {offsets = [0], sizes = [1], strides = [1]} : vector<16xi32> to vector<1xi32>
      %squeeze3A_3575 = vector.extract %slice3A_3574[0] : i32 from vector<1xi32>
      %ge3A_3576 = arith.cmpi sge, %squeeze3A_3099, %scan3A_3561 : i32
      %jit3A_3577 = arith.constant 3.000000e-01 : f32
      %jit3A_3578 = arith.constant 0.000000e+00 : f32
      %select_n3A_3579 = arith.select %ge3A_3576, %jit3A_3577, %jit3A_3578 : f32
      %get3A_3580 = arith.index_cast %scan3A_3561 : i32 to index
      %get3A_3581 = tpu.vector_load %arg13[%get3A_3580] {strides = array<i32>} : memref<80xf32, #tpu.memory_space<vmem>>, vector<16xf32>,
      %slice3A_3582 = vector.extract_strided_slice %get3A_3581 {offsets = [0], sizes = [1], strides = [1]} : vector<16xf32> to vector<1xf32>
      %squeeze3A_3583 = vector.extract %slice3A_3582[0] : f32 from vector<1xf32>
      %mul3A_3584 = arith.mulf %squeeze3A_3583, %squeeze3A_3565 : f32
      %sub3A_3585 = arith.constant 1.000000e+00 : f32
      %sub3A_3586 = arith.subf %sub3A_3585, %mul3A_3584 : f32
      %mul3A_3587 = arith.mulf %select_n3A_3579, %sub3A_3586 : f32
      %mul3A_3588 = arith.constant 64 : i32
      %mul3A_3589 = arith.muli %squeeze3A_3575, %mul3A_3588 : i32
      %get3A_3590 = arith.constant 0 : index
      %get3A_3591 = tpu.vector_load %arg13[%get3A_3590] {strides = array<i32>} : memref<80xf32, #tpu.memory_space<vmem>>, vector<16xf32>,
      %mul3A_3592 = vector.broadcast %squeeze3A_3565 : f32 to vector<16xf32>
      %mul3A_3593 = arith.mulf %get3A_3591, %mul3A_3592 : vector<16xf32>
      %get3A_3594 = arith.constant 0 : index
      %get3A_3595 = tpu.vector_load %arg11[%get3A_3594] {strides = array<i32>} : memref<80xi32, #tpu.memory_space<vmem>>, vector<16xi32>,
      %eq3A_3596 = vector.broadcast %squeeze3A_3569 : i32 to vector<16xi32>
      %eq3A_3597 = arith.cmpi eq, %get3A_3595, %eq3A_3596 : vector<16xi32>
      %jit3A_3598 = arith.constant 0.000000e+00 : f32
      %broadcast_in_dim3A_3599 = vector.broadcast %mul3A_3587 : f32 to vector<16xf32>
      %broadcast_in_dim3A_3600 = vector.broadcast %jit3A_3598 : f32 to vector<16xf32>
      %select_n3A_3601 = arith.select %eq3A_3597, %broadcast_in_dim3A_3599, %broadcast_in_dim3A_3600 : vector<16xi1>, vector<16xf32>
      %add3A_3602 = arith.addf %mul3A_3593, %select_n3A_3601 : vector<16xf32>
      %swap3A_3603 = arith.constant 0 : index
      %swap3A_3604 = tpu.vector_load %arg13[%swap3A_3603] {strides = array<i32>} : memref<80xf32, #tpu.memory_space<vmem>>, vector<16xf32>,
      tpu.vector_store %arg13[%swap3A_3603], %add3A_3602 {strides = array<i32>} : memref<80xf32, #tpu.memory_space<vmem>>, vector<16xf32>,
      %add3A_3605 = arith.constant 0 : i32
      %add3A_3606 = arith.addi %mul3A_3589, %add3A_3605 : i32
      %swap3A_3607 = arith.index_cast %add3A_3606 : i32 to index
      %swap3A_3608 = tpu.vector_load %arg14[%swap3A_3607] {strides = array<i32>} : memref<256xf32, #tpu.memory_space<vmem>>, vector<16xf32>,
      tpu.vector_store %arg14[%swap3A_3607], %add3A_3602 {strides = array<i32>} : memref<256xf32, #tpu.memory_space<vmem>>, vector<16xf32>,
      %get3A_3609 = arith.constant 16 : index
      %get3A_3610 = tpu.vector_load %arg13[%get3A_3609] {strides = array<i32>} : memref<80xf32, #tpu.memory_space<vmem>>, vector<16xf32>,
      %mul3A_3611 = vector.broadcast %squeeze3A_3565 : f32 to vector<16xf32>
      %mul3A_3612 = arith.mulf %get3A_3610, %mul3A_3611 : vector<16xf32>
      %get3A_3613 = arith.constant 16 : index
      %get3A_3614 = tpu.vector_load %arg11[%get3A_3613] {strides = array<i32>} : memref<80xi32, #tpu.memory_space<vmem>>, vector<16xi32>,
      %eq3A_3615 = vector.broadcast %squeeze3A_3569 : i32 to vector<16xi32>
      %eq3A_3616 = arith.cmpi eq, %get3A_3614, %eq3A_3615 : vector<16xi32>
      %jit3A_3617 = arith.constant 0.000000e+00 : f32
      %broadcast_in_dim3A_3618 = vector.broadcast %mul3A_3587 : f32 to vector<16xf32>
      %broadcast_in_dim3A_3619 = vector.broadcast %jit3A_3617 : f32 to vector<16xf32>
      %select_n3A_3620 = arith.select %eq3A_3616, %broadcast_in_dim3A_3618, %broadcast_in_dim3A_3619 : vector<16xi1>, vector<16xf32>
      %add3A_3621 = arith.addf %mul3A_3612, %select_n3A_3620 : vector<16xf32>
      %swap3A_3622 = arith.constant 16 : index
      %swap3A_3623 = tpu.vector_load %arg13[%swap3A_3622] {strides = array<i32>} : memref<80xf32, #tpu.memory_space<vmem>>, vector<16xf32>,
      tpu.vector_store %arg13[%swap3A_3622], %add3A_3621 {strides = array<i32>} : memref<80xf32, #tpu.memory_space<vmem>>, vector<16xf32>,
      %add3A_3624 = arith.constant 16 : i32
      %add3A_3625 = arith.addi %mul3A_3589, %add3A_3624 : i32
      %swap3A_3626 = arith.index_cast %add3A_3625 : i32 to index
      %swap3A_3627 = tpu.vector_load %arg14[%swap3A_3626] {strides = array<i32>} : memref<256xf32, #tpu.memory_space<vmem>>, vector<16xf32>,
      tpu.vector_store %arg14[%swap3A_3626], %add3A_3621 {strides = array<i32>} : memref<256xf32, #tpu.memory_space<vmem>>, vector<16xf32>,
      %get3A_3628 = arith.constant 32 : index
      %get3A_3629 = tpu.vector_load %arg13[%get3A_3628] {strides = array<i32>} : memref<80xf32, #tpu.memory_space<vmem>>, vector<16xf32>,
      %mul3A_3630 = vector.broadcast %squeeze3A_3565 : f32 to vector<16xf32>
      %mul3A_3631 = arith.mulf %get3A_3629, %mul3A_3630 : vector<16xf32>
      %get3A_3632 = arith.constant 32 : index
      %get3A_3633 = tpu.vector_load %arg11[%get3A_3632] {strides = array<i32>} : memref<80xi32, #tpu.memory_space<vmem>>, vector<16xi32>,
      %eq3A_3634 = vector.broadcast %squeeze3A_3569 : i32 to vector<16xi32>
      %eq3A_3635 = arith.cmpi eq, %get3A_3633, %eq3A_3634 : vector<16xi32>
      %jit3A_3636 = arith.constant 0.000000e+00 : f32
      %broadcast_in_dim3A_3637 = vector.broadcast %mul3A_3587 : f32 to vector<16xf32>
      %broadcast_in_dim3A_3638 = vector.broadcast %jit3A_3636 : f32 to vector<16xf32>
      %select_n3A_3639 = arith.select %eq3A_3635, %broadcast_in_dim3A_3637, %broadcast_in_dim3A_3638 : vector<16xi1>, vector<16xf32>
      %add3A_3640 = arith.addf %mul3A_3631, %select_n3A_3639 : vector<16xf32>
      %swap3A_3641 = arith.constant 32 : index
      %swap3A_3642 = tpu.vector_load %arg13[%swap3A_3641] {strides = array<i32>} : memref<80xf32, #tpu.memory_space<vmem>>, vector<16xf32>,
      tpu.vector_store %arg13[%swap3A_3641], %add3A_3640 {strides = array<i32>} : memref<80xf32, #tpu.memory_space<vmem>>, vector<16xf32>,
      %add3A_3643 = arith.constant 32 : i32
      %add3A_3644 = arith.addi %mul3A_3589, %add3A_3643 : i32
      %swap3A_3645 = arith.index_cast %add3A_3644 : i32 to index
      %swap3A_3646 = tpu.vector_load %arg14[%swap3A_3645] {strides = array<i32>} : memref<256xf32, #tpu.memory_space<vmem>>, vector<16xf32>,
      tpu.vector_store %arg14[%swap3A_3645], %add3A_3640 {strides = array<i32>} : memref<256xf32, #tpu.memory_space<vmem>>, vector<16xf32>,
      %get3A_3647 = arith.constant 48 : index
      %get3A_3648 = tpu.vector_load %arg13[%get3A_3647] {strides = array<i32>} : memref<80xf32, #tpu.memory_space<vmem>>, vector<16xf32>,
      %mul3A_3649 = vector.broadcast %squeeze3A_3565 : f32 to vector<16xf32>
      %mul3A_3650 = arith.mulf %get3A_3648, %mul3A_3649 : vector<16xf32>
      %get3A_3651 = arith.constant 48 : index
      %get3A_3652 = tpu.vector_load %arg11[%get3A_3651] {strides = array<i32>} : memref<80xi32, #tpu.memory_space<vmem>>, vector<16xi32>,
      %eq3A_3653 = vector.broadcast %squeeze3A_3569 : i32 to vector<16xi32>
      %eq3A_3654 = arith.cmpi eq, %get3A_3652, %eq3A_3653 : vector<16xi32>
      %jit3A_3655 = arith.constant 0.000000e+00 : f32
      %broadcast_in_dim3A_3656 = vector.broadcast %mul3A_3587 : f32 to vector<16xf32>
      %broadcast_in_dim3A_3657 = vector.broadcast %jit3A_3655 : f32 to vector<16xf32>
      %select_n3A_3658 = arith.select %eq3A_3654, %broadcast_in_dim3A_3656, %broadcast_in_dim3A_3657 : vector<16xi1>, vector<16xf32>
      %add3A_3659 = arith.addf %mul3A_3650, %select_n3A_3658 : vector<16xf32>
      %swap3A_3660 = arith.constant 48 : index
      %swap3A_3661 = tpu.vector_load %arg13[%swap3A_3660] {strides = array<i32>} : memref<80xf32, #tpu.memory_space<vmem>>, vector<16xf32>,
      tpu.vector_store %arg13[%swap3A_3660], %add3A_3659 {strides = array<i32>} : memref<80xf32, #tpu.memory_space<vmem>>, vector<16xf32>,
      %add3A_3662 = arith.constant 48 : i32
      %add3A_3663 = arith.addi %mul3A_3589, %add3A_3662 : i32
      %swap3A_3664 = arith.index_cast %add3A_3663 : i32 to index
      %swap3A_3665 = tpu.vector_load %arg14[%swap3A_3664] {strides = array<i32>} : memref<256xf32, #tpu.memory_space<vmem>>, vector<16xf32>,
      tpu.vector_store %arg14[%swap3A_3664], %add3A_3659 {strides = array<i32>} : memref<256xf32, #tpu.memory_space<vmem>>, vector<16xf32>,
    }
    %scan3A_3105 = arith.constant 49 : i32
    %add3A_3106 = arith.constant 3 : i32
    %add3A_3107 = arith.addi %mul3A_2, %add3A_3106 : i32
    %dma_wait3A_3108 = arith.constant 0 : i32
    %dma_wait3A_3109 = arith.constant 2 : i32
    %dma_wait3A_3110 = arith.constant 0 : i32
    %dma_wait3A_3111 = arith.constant 0 : i32
    %dma_wait3A_3112 = arith.constant 0 : i32
    %dma_wait3A_3113 = tpu.memref_slice %arg15[%dma_wait3A_3108, %dma_wait3A_3110, %dma_wait3A_3111, %dma_wait3A_3112] : memref<2x2x96x96xf32, #tpu.memory_space<vmem>> -> memref<1x2x96x96xf32, #tpu.memory_space<vmem>>
    %dma_wait3A_3114 = tpu.memref_squeeze %dma_wait3A_3113 : memref<1x2x96x96xf32, #tpu.memory_space<vmem>> -> memref<2x96x96xf32, #tpu.memory_space<vmem>>
    %dma_wait3A_3115 = arith.constant 0 : i32
    %dma_wait3A_3116 = arith.constant 0 : i32
    %dma_wait3A_3117 = arith.constant 0 : i32
    %dma_wait3A_3118 = tpu.memref_slice %arg6[%add3A_2204, %dma_wait3A_3109, %dma_wait3A_3115, %dma_wait3A_3116, %dma_wait3A_3117] : memref<128x4x2x96x96xf32, #tpu.memory_space<hbm>> -> memref<1x1x2x96x96xf32, #tpu.memory_space<hbm>>
    %dma_wait3A_3119 = tpu.memref_squeeze %dma_wait3A_3118 : memref<1x1x2x96x96xf32, #tpu.memory_space<hbm>> -> memref<2x96x96xf32, #tpu.memory_space<hbm>>
    %dma_wait3A_3120 = arith.constant 0 : i32
    %dma_wait3A_3121 = arith.constant 0 : i32
    %dma_wait3A_3122 = arith.constant 0 : i32
    %dma_wait3A_3123 = tpu.memref_slice %arg6[%add3A_2204, %dma_wait3A_3109, %dma_wait3A_3120, %dma_wait3A_3121, %dma_wait3A_3122] : memref<128x4x2x96x96xf32, #tpu.memory_space<hbm>> -> memref<1x1x2x96x96xf32, #tpu.memory_space<hbm>>
    %dma_wait3A_3124 = tpu.memref_squeeze %dma_wait3A_3123 : memref<1x1x2x96x96xf32, #tpu.memory_space<hbm>> -> memref<2x96x96xf32, #tpu.memory_space<hbm>>
    %dma_wait3A_3125 = arith.constant 0 : i32
    %dma_wait3A_3126 = arith.constant 0 : i32
    %dma_wait3A_3127 = arith.constant 0 : i32
    %dma_wait3A_3128 = tpu.memref_slice %arg15[%dma_wait3A_3108, %dma_wait3A_3125, %dma_wait3A_3126, %dma_wait3A_3127] : memref<2x2x96x96xf32, #tpu.memory_space<vmem>> -> memref<1x2x96x96xf32, #tpu.memory_space<vmem>>
    %dma_wait3A_3129 = tpu.memref_squeeze %dma_wait3A_3128 : memref<1x2x96x96xf32, #tpu.memory_space<vmem>> -> memref<2x96x96xf32, #tpu.memory_space<vmem>>
    tpu.wait_dma2 semaphore(%arg16 : memref<!tpu.dma_semaphore, #tpu.memory_space<semaphore_mem>>) src(%dma_wait3A_3129 : memref<2x96x96xf32, #tpu.memory_space<vmem>>) dst(%dma_wait3A_3124 : memref<2x96x96xf32, #tpu.memory_space<hbm>>)
    %barrier3A_3130 = arith.constant 0 : index
    tpu.barrier barrier_id(%barrier3A_3130)
    %scatter3A_3131 = arith.constant 0 : i32
    %scatter3A_3132 = arith.constant 0 : i32
    %scatter3A_3133 = arith.constant 0 : i32
    %scatter3A_3134 = arith.constant 0 : i32
    %scatter3A_3135 = tpu.memref_slice %arg15[%scatter3A_3131, %scatter3A_3132, %scatter3A_3133, %scatter3A_3134] : memref<2x2x96x96xf32, #tpu.memory_space<vmem>> -> memref<1x2x96x96xf32, #tpu.memory_space<vmem>>
    %scatter3A_3136 = tpu.memref_squeeze %scatter3A_3135 : memref<1x2x96x96xf32, #tpu.memory_space<vmem>> -> memref<2x96x96xf32, #tpu.memory_space<vmem>>
    tpu.vector_store_idx %scatter3A_3136[%convert_element_type3A_1739, %min3A_1778, %min3A_1784], %broadcast_in_dim3A_9 masked %and3A_1772 : memref<2x96x96xf32, #tpu.memory_space<vmem>>[vector<16xi32>, vector<16xi32>, vector<16xi32>], vector<16xf32>, vector<16xi1>
    %scatter3A_3137 = arith.constant 0 : i32
    %scatter3A_3138 = arith.constant 0 : i32
    %scatter3A_3139 = arith.constant 0 : i32
    %scatter3A_3140 = arith.constant 0 : i32
    %scatter3A_3141 = tpu.memref_slice %arg15[%scatter3A_3137, %scatter3A_3138, %scatter3A_3139, %scatter3A_3140] : memref<2x2x96x96xf32, #tpu.memory_space<vmem>> -> memref<1x2x96x96xf32, #tpu.memory_space<vmem>>
    %scatter3A_3142 = tpu.memref_squeeze %scatter3A_3141 : memref<1x2x96x96xf32, #tpu.memory_space<vmem>> -> memref<2x96x96xf32, #tpu.memory_space<vmem>>
    tpu.vector_store_idx %scatter3A_3142[%convert_element_type3A_1835, %min3A_1874, %min3A_1880], %broadcast_in_dim3A_9 masked %and3A_1868 : memref<2x96x96xf32, #tpu.memory_space<vmem>>[vector<16xi32>, vector<16xi32>, vector<16xi32>], vector<16xf32>, vector<16xi1>
    %scatter3A_3143 = arith.constant 0 : i32
    %scatter3A_3144 = arith.constant 0 : i32
    %scatter3A_3145 = arith.constant 0 : i32
    %scatter3A_3146 = arith.constant 0 : i32
    %scatter3A_3147 = tpu.memref_slice %arg15[%scatter3A_3143, %scatter3A_3144, %scatter3A_3145, %scatter3A_3146] : memref<2x2x96x96xf32, #tpu.memory_space<vmem>> -> memref<1x2x96x96xf32, #tpu.memory_space<vmem>>
    %scatter3A_3148 = tpu.memref_squeeze %scatter3A_3147 : memref<1x2x96x96xf32, #tpu.memory_space<vmem>> -> memref<2x96x96xf32, #tpu.memory_space<vmem>>
    tpu.vector_store_idx %scatter3A_3148[%convert_element_type3A_1931, %min3A_1970, %min3A_1976], %broadcast_in_dim3A_9 masked %and3A_1964 : memref<2x96x96xf32, #tpu.memory_space<vmem>>[vector<16xi32>, vector<16xi32>, vector<16xi32>], vector<16xf32>, vector<16xi1>
    %scatter3A_3149 = arith.constant 0 : i32
    %scatter3A_3150 = arith.constant 0 : i32
    %scatter3A_3151 = arith.constant 0 : i32
    %scatter3A_3152 = arith.constant 0 : i32
    %scatter3A_3153 = tpu.memref_slice %arg15[%scatter3A_3149, %scatter3A_3150, %scatter3A_3151, %scatter3A_3152] : memref<2x2x96x96xf32, #tpu.memory_space<vmem>> -> memref<1x2x96x96xf32, #tpu.memory_space<vmem>>
    %scatter3A_3154 = tpu.memref_squeeze %scatter3A_3153 : memref<1x2x96x96xf32, #tpu.memory_space<vmem>> -> memref<2x96x96xf32, #tpu.memory_space<vmem>>
    tpu.vector_store_idx %scatter3A_3154[%convert_element_type3A_2027, %min3A_2066, %min3A_2072], %broadcast_in_dim3A_9 masked %and3A_2060 : memref<2x96x96xf32, #tpu.memory_space<vmem>>[vector<16xi32>, vector<16xi32>, vector<16xi32>], vector<16xf32>, vector<16xi1>
    %get3A_3155 = arith.constant 0 : index
    %get3A_3156 = tpu.vector_load %arg14[%get3A_3155] {strides = array<i32>} : memref<256xf32, #tpu.memory_space<vmem>>, vector<16xf32>,
    %scatter3A_3157 = arith.constant 0 : i32
    %scatter3A_3158 = arith.constant 0 : i32
    %scatter3A_3159 = arith.constant 0 : i32
    %scatter3A_3160 = arith.constant 0 : i32
    %scatter3A_3161 = tpu.memref_slice %arg15[%scatter3A_3157, %scatter3A_3158, %scatter3A_3159, %scatter3A_3160] : memref<2x2x96x96xf32, #tpu.memory_space<vmem>> -> memref<1x2x96x96xf32, #tpu.memory_space<vmem>>
    %scatter3A_3162 = tpu.memref_squeeze %scatter3A_3161 : memref<1x2x96x96xf32, #tpu.memory_space<vmem>> -> memref<2x96x96xf32, #tpu.memory_space<vmem>>
    tpu.vector_store_idx %scatter3A_3162[%convert_element_type3A_2642, %min3A_2681, %min3A_2687], %get3A_3156 masked %and3A_2675 : memref<2x96x96xf32, #tpu.memory_space<vmem>>[vector<16xi32>, vector<16xi32>, vector<16xi32>], vector<16xf32>, vector<16xi1>
    %get3A_3163 = arith.constant 16 : index
    %get3A_3164 = tpu.vector_load %arg14[%get3A_3163] {strides = array<i32>} : memref<256xf32, #tpu.memory_space<vmem>>, vector<16xf32>,
    %scatter3A_3165 = arith.constant 0 : i32
    %scatter3A_3166 = arith.constant 0 : i32
    %scatter3A_3167 = arith.constant 0 : i32
    %scatter3A_3168 = arith.constant 0 : i32
    %scatter3A_3169 = tpu.memref_slice %arg15[%scatter3A_3165, %scatter3A_3166, %scatter3A_3167, %scatter3A_3168] : memref<2x2x96x96xf32, #tpu.memory_space<vmem>> -> memref<1x2x96x96xf32, #tpu.memory_space<vmem>>
    %scatter3A_3170 = tpu.memref_squeeze %scatter3A_3169 : memref<1x2x96x96xf32, #tpu.memory_space<vmem>> -> memref<2x96x96xf32, #tpu.memory_space<vmem>>
    tpu.vector_store_idx %scatter3A_3170[%convert_element_type3A_2738, %min3A_2777, %min3A_2783], %get3A_3164 masked %and3A_2771 : memref<2x96x96xf32, #tpu.memory_space<vmem>>[vector<16xi32>, vector<16xi32>, vector<16xi32>], vector<16xf32>, vector<16xi1>
    %get3A_3171 = arith.constant 32 : index
    %get3A_3172 = tpu.vector_load %arg14[%get3A_3171] {strides = array<i32>} : memref<256xf32, #tpu.memory_space<vmem>>, vector<16xf32>,
    %scatter3A_3173 = arith.constant 0 : i32
    %scatter3A_3174 = arith.constant 0 : i32
    %scatter3A_3175 = arith.constant 0 : i32
    %scatter3A_3176 = arith.constant 0 : i32
    %scatter3A_3177 = tpu.memref_slice %arg15[%scatter3A_3173, %scatter3A_3174, %scatter3A_3175, %scatter3A_3176] : memref<2x2x96x96xf32, #tpu.memory_space<vmem>> -> memref<1x2x96x96xf32, #tpu.memory_space<vmem>>
    %scatter3A_3178 = tpu.memref_squeeze %scatter3A_3177 : memref<1x2x96x96xf32, #tpu.memory_space<vmem>> -> memref<2x96x96xf32, #tpu.memory_space<vmem>>
    tpu.vector_store_idx %scatter3A_3178[%convert_element_type3A_2834, %min3A_2873, %min3A_2879], %get3A_3172 masked %and3A_2867 : memref<2x96x96xf32, #tpu.memory_space<vmem>>[vector<16xi32>, vector<16xi32>, vector<16xi32>], vector<16xf32>, vector<16xi1>
    %get3A_3179 = arith.constant 48 : index
    %get3A_3180 = tpu.vector_load %arg14[%get3A_3179] {strides = array<i32>} : memref<256xf32, #tpu.memory_space<vmem>>, vector<16xf32>,
    %scatter3A_3181 = arith.constant 0 : i32
    %scatter3A_3182 = arith.constant 0 : i32
    %scatter3A_3183 = arith.constant 0 : i32
    %scatter3A_3184 = arith.constant 0 : i32
    %scatter3A_3185 = tpu.memref_slice %arg15[%scatter3A_3181, %scatter3A_3182, %scatter3A_3183, %scatter3A_3184] : memref<2x2x96x96xf32, #tpu.memory_space<vmem>> -> memref<1x2x96x96xf32, #tpu.memory_space<vmem>>
    %scatter3A_3186 = tpu.memref_squeeze %scatter3A_3185 : memref<1x2x96x96xf32, #tpu.memory_space<vmem>> -> memref<2x96x96xf32, #tpu.memory_space<vmem>>
    tpu.vector_store_idx %scatter3A_3186[%convert_element_type3A_2930, %min3A_2969, %min3A_2975], %get3A_3180 masked %and3A_2963 : memref<2x96x96xf32, #tpu.memory_space<vmem>>[vector<16xi32>, vector<16xi32>, vector<16xi32>], vector<16xf32>, vector<16xi1>
    %barrier3A_3187 = arith.constant 0 : index
    tpu.barrier barrier_id(%barrier3A_3187)
    %dma_start3A_3188 = arith.constant 0 : i32
    %dma_start3A_3189 = arith.constant 0 : i32
    %dma_start3A_3190 = arith.constant 0 : i32
    %dma_start3A_3191 = arith.constant 0 : i32
    %dma_start3A_3192 = arith.constant 0 : i32
    %dma_start3A_3193 = tpu.memref_slice %arg15[%dma_start3A_3188, %dma_start3A_3190, %dma_start3A_3191, %dma_start3A_3192] : memref<2x2x96x96xf32, #tpu.memory_space<vmem>> -> memref<1x2x96x96xf32, #tpu.memory_space<vmem>>
    %dma_start3A_3194 = tpu.memref_squeeze %dma_start3A_3193 : memref<1x2x96x96xf32, #tpu.memory_space<vmem>> -> memref<2x96x96xf32, #tpu.memory_space<vmem>>
    %dma_start3A_3195 = arith.constant 0 : i32
    %dma_start3A_3196 = arith.constant 0 : i32
    %dma_start3A_3197 = arith.constant 0 : i32
    %dma_start3A_3198 = tpu.memref_slice %arg6[%add3A_3107, %dma_start3A_3189, %dma_start3A_3195, %dma_start3A_3196, %dma_start3A_3197] : memref<128x4x2x96x96xf32, #tpu.memory_space<hbm>> -> memref<1x1x2x96x96xf32, #tpu.memory_space<hbm>>
    %dma_start3A_3199 = tpu.memref_squeeze %dma_start3A_3198 : memref<1x1x2x96x96xf32, #tpu.memory_space<hbm>> -> memref<2x96x96xf32, #tpu.memory_space<hbm>>
    %dma_start3A_3200 = arith.constant 0 : i32
    %dma_start3A_3201 = arith.constant 0 : i32
    %dma_start3A_3202 = arith.constant 0 : i32
    %dma_start3A_3203 = tpu.memref_slice %arg6[%add3A_3107, %dma_start3A_3189, %dma_start3A_3200, %dma_start3A_3201, %dma_start3A_3202] : memref<128x4x2x96x96xf32, #tpu.memory_space<hbm>> -> memref<1x1x2x96x96xf32, #tpu.memory_space<hbm>>
    %dma_start3A_3204 = tpu.memref_squeeze %dma_start3A_3203 : memref<1x1x2x96x96xf32, #tpu.memory_space<hbm>> -> memref<2x96x96xf32, #tpu.memory_space<hbm>>
    %dma_start3A_3205 = arith.constant 0 : i32
    %dma_start3A_3206 = arith.constant 0 : i32
    %dma_start3A_3207 = arith.constant 0 : i32
    %dma_start3A_3208 = tpu.memref_slice %arg15[%dma_start3A_3188, %dma_start3A_3205, %dma_start3A_3206, %dma_start3A_3207] : memref<2x2x96x96xf32, #tpu.memory_space<vmem>> -> memref<1x2x96x96xf32, #tpu.memory_space<vmem>>
    %dma_start3A_3209 = tpu.memref_squeeze %dma_start3A_3208 : memref<1x2x96x96xf32, #tpu.memory_space<vmem>> -> memref<2x96x96xf32, #tpu.memory_space<vmem>>
    tpu.enqueue_dma source(%dma_start3A_3209 : memref<2x96x96xf32, #tpu.memory_space<vmem>>) target(%dma_start3A_3204 : memref<2x96x96xf32, #tpu.memory_space<hbm>>) target_semaphore(%arg16 : memref<!tpu.dma_semaphore, #tpu.memory_space<semaphore_mem>>)
    %dma_wait3A_3210 = arith.constant 1 : i32
    %dma_wait3A_3211 = arith.constant 3 : i32
    %dma_wait3A_3212 = arith.constant 0 : i32
    %dma_wait3A_3213 = arith.constant 0 : i32
    %dma_wait3A_3214 = arith.constant 0 : i32
    %dma_wait3A_3215 = tpu.memref_slice %arg15[%dma_wait3A_3210, %dma_wait3A_3212, %dma_wait3A_3213, %dma_wait3A_3214] : memref<2x2x96x96xf32, #tpu.memory_space<vmem>> -> memref<1x2x96x96xf32, #tpu.memory_space<vmem>>
    %dma_wait3A_3216 = tpu.memref_squeeze %dma_wait3A_3215 : memref<1x2x96x96xf32, #tpu.memory_space<vmem>> -> memref<2x96x96xf32, #tpu.memory_space<vmem>>
    %dma_wait3A_3217 = arith.constant 0 : i32
    %dma_wait3A_3218 = arith.constant 0 : i32
    %dma_wait3A_3219 = arith.constant 0 : i32
    %dma_wait3A_3220 = tpu.memref_slice %arg6[%add3A_2204, %dma_wait3A_3211, %dma_wait3A_3217, %dma_wait3A_3218, %dma_wait3A_3219] : memref<128x4x2x96x96xf32, #tpu.memory_space<hbm>> -> memref<1x1x2x96x96xf32, #tpu.memory_space<hbm>>
    %dma_wait3A_3221 = tpu.memref_squeeze %dma_wait3A_3220 : memref<1x1x2x96x96xf32, #tpu.memory_space<hbm>> -> memref<2x96x96xf32, #tpu.memory_space<hbm>>
    %dma_wait3A_3222 = arith.constant 0 : i32
    %dma_wait3A_3223 = arith.constant 0 : i32
    %dma_wait3A_3224 = arith.constant 0 : i32
    %dma_wait3A_3225 = tpu.memref_slice %arg6[%add3A_2204, %dma_wait3A_3211, %dma_wait3A_3222, %dma_wait3A_3223, %dma_wait3A_3224] : memref<128x4x2x96x96xf32, #tpu.memory_space<hbm>> -> memref<1x1x2x96x96xf32, #tpu.memory_space<hbm>>
    %dma_wait3A_3226 = tpu.memref_squeeze %dma_wait3A_3225 : memref<1x1x2x96x96xf32, #tpu.memory_space<hbm>> -> memref<2x96x96xf32, #tpu.memory_space<hbm>>
    %dma_wait3A_3227 = arith.constant 0 : i32
    %dma_wait3A_3228 = arith.constant 0 : i32
    %dma_wait3A_3229 = arith.constant 0 : i32
    %dma_wait3A_3230 = tpu.memref_slice %arg15[%dma_wait3A_3210, %dma_wait3A_3227, %dma_wait3A_3228, %dma_wait3A_3229] : memref<2x2x96x96xf32, #tpu.memory_space<vmem>> -> memref<1x2x96x96xf32, #tpu.memory_space<vmem>>
    %dma_wait3A_3231 = tpu.memref_squeeze %dma_wait3A_3230 : memref<1x2x96x96xf32, #tpu.memory_space<vmem>> -> memref<2x96x96xf32, #tpu.memory_space<vmem>>
    tpu.wait_dma2 semaphore(%arg17 : memref<!tpu.dma_semaphore, #tpu.memory_space<semaphore_mem>>) src(%dma_wait3A_3231 : memref<2x96x96xf32, #tpu.memory_space<vmem>>) dst(%dma_wait3A_3226 : memref<2x96x96xf32, #tpu.memory_space<hbm>>)
    %barrier3A_3232 = arith.constant 0 : index
    tpu.barrier barrier_id(%barrier3A_3232)
    %scatter3A_3233 = arith.constant 1 : i32
    %scatter3A_3234 = arith.constant 0 : i32
    %scatter3A_3235 = arith.constant 0 : i32
    %scatter3A_3236 = arith.constant 0 : i32
    %scatter3A_3237 = tpu.memref_slice %arg15[%scatter3A_3233, %scatter3A_3234, %scatter3A_3235, %scatter3A_3236] : memref<2x2x96x96xf32, #tpu.memory_space<vmem>> -> memref<1x2x96x96xf32, #tpu.memory_space<vmem>>
    %scatter3A_3238 = tpu.memref_squeeze %scatter3A_3237 : memref<1x2x96x96xf32, #tpu.memory_space<vmem>> -> memref<2x96x96xf32, #tpu.memory_space<vmem>>
    tpu.vector_store_idx %scatter3A_3238[%convert_element_type3A_1739, %min3A_1778, %min3A_1784], %broadcast_in_dim3A_9 masked %and3A_1772 : memref<2x96x96xf32, #tpu.memory_space<vmem>>[vector<16xi32>, vector<16xi32>, vector<16xi32>], vector<16xf32>, vector<16xi1>
    %scatter3A_3239 = arith.constant 1 : i32
    %scatter3A_3240 = arith.constant 0 : i32
    %scatter3A_3241 = arith.constant 0 : i32
    %scatter3A_3242 = arith.constant 0 : i32
    %scatter3A_3243 = tpu.memref_slice %arg15[%scatter3A_3239, %scatter3A_3240, %scatter3A_3241, %scatter3A_3242] : memref<2x2x96x96xf32, #tpu.memory_space<vmem>> -> memref<1x2x96x96xf32, #tpu.memory_space<vmem>>
    %scatter3A_3244 = tpu.memref_squeeze %scatter3A_3243 : memref<1x2x96x96xf32, #tpu.memory_space<vmem>> -> memref<2x96x96xf32, #tpu.memory_space<vmem>>
    tpu.vector_store_idx %scatter3A_3244[%convert_element_type3A_1835, %min3A_1874, %min3A_1880], %broadcast_in_dim3A_9 masked %and3A_1868 : memref<2x96x96xf32, #tpu.memory_space<vmem>>[vector<16xi32>, vector<16xi32>, vector<16xi32>], vector<16xf32>, vector<16xi1>
    %scatter3A_3245 = arith.constant 1 : i32
    %scatter3A_3246 = arith.constant 0 : i32
    %scatter3A_3247 = arith.constant 0 : i32
    %scatter3A_3248 = arith.constant 0 : i32
    %scatter3A_3249 = tpu.memref_slice %arg15[%scatter3A_3245, %scatter3A_3246, %scatter3A_3247, %scatter3A_3248] : memref<2x2x96x96xf32, #tpu.memory_space<vmem>> -> memref<1x2x96x96xf32, #tpu.memory_space<vmem>>
    %scatter3A_3250 = tpu.memref_squeeze %scatter3A_3249 : memref<1x2x96x96xf32, #tpu.memory_space<vmem>> -> memref<2x96x96xf32, #tpu.memory_space<vmem>>
    tpu.vector_store_idx %scatter3A_3250[%convert_element_type3A_1931, %min3A_1970, %min3A_1976], %broadcast_in_dim3A_9 masked %and3A_1964 : memref<2x96x96xf32, #tpu.memory_space<vmem>>[vector<16xi32>, vector<16xi32>, vector<16xi32>], vector<16xf32>, vector<16xi1>
    %scatter3A_3251 = arith.constant 1 : i32
    %scatter3A_3252 = arith.constant 0 : i32
    %scatter3A_3253 = arith.constant 0 : i32
    %scatter3A_3254 = arith.constant 0 : i32
    %scatter3A_3255 = tpu.memref_slice %arg15[%scatter3A_3251, %scatter3A_3252, %scatter3A_3253, %scatter3A_3254] : memref<2x2x96x96xf32, #tpu.memory_space<vmem>> -> memref<1x2x96x96xf32, #tpu.memory_space<vmem>>
    %scatter3A_3256 = tpu.memref_squeeze %scatter3A_3255 : memref<1x2x96x96xf32, #tpu.memory_space<vmem>> -> memref<2x96x96xf32, #tpu.memory_space<vmem>>
    tpu.vector_store_idx %scatter3A_3256[%convert_element_type3A_2027, %min3A_2066, %min3A_2072], %broadcast_in_dim3A_9 masked %and3A_2060 : memref<2x96x96xf32, #tpu.memory_space<vmem>>[vector<16xi32>, vector<16xi32>, vector<16xi32>], vector<16xf32>, vector<16xi1>
    %get3A_3257 = arith.constant 64 : index
    %get3A_3258 = tpu.vector_load %arg14[%get3A_3257] {strides = array<i32>} : memref<256xf32, #tpu.memory_space<vmem>>, vector<16xf32>,
    %scatter3A_3259 = arith.constant 1 : i32
    %scatter3A_3260 = arith.constant 0 : i32
    %scatter3A_3261 = arith.constant 0 : i32
    %scatter3A_3262 = arith.constant 0 : i32
    %scatter3A_3263 = tpu.memref_slice %arg15[%scatter3A_3259, %scatter3A_3260, %scatter3A_3261, %scatter3A_3262] : memref<2x2x96x96xf32, #tpu.memory_space<vmem>> -> memref<1x2x96x96xf32, #tpu.memory_space<vmem>>
    %scatter3A_3264 = tpu.memref_squeeze %scatter3A_3263 : memref<1x2x96x96xf32, #tpu.memory_space<vmem>> -> memref<2x96x96xf32, #tpu.memory_space<vmem>>
    tpu.vector_store_idx %scatter3A_3264[%convert_element_type3A_2642, %min3A_2681, %min3A_2687], %get3A_3258 masked %and3A_2675 : memref<2x96x96xf32, #tpu.memory_space<vmem>>[vector<16xi32>, vector<16xi32>, vector<16xi32>], vector<16xf32>, vector<16xi1>
    %get3A_3265 = arith.constant 80 : index
    %get3A_3266 = tpu.vector_load %arg14[%get3A_3265] {strides = array<i32>} : memref<256xf32, #tpu.memory_space<vmem>>, vector<16xf32>,
    %scatter3A_3267 = arith.constant 1 : i32
    %scatter3A_3268 = arith.constant 0 : i32
    %scatter3A_3269 = arith.constant 0 : i32
    %scatter3A_3270 = arith.constant 0 : i32
    %scatter3A_3271 = tpu.memref_slice %arg15[%scatter3A_3267, %scatter3A_3268, %scatter3A_3269, %scatter3A_3270] : memref<2x2x96x96xf32, #tpu.memory_space<vmem>> -> memref<1x2x96x96xf32, #tpu.memory_space<vmem>>
    %scatter3A_3272 = tpu.memref_squeeze %scatter3A_3271 : memref<1x2x96x96xf32, #tpu.memory_space<vmem>> -> memref<2x96x96xf32, #tpu.memory_space<vmem>>
    tpu.vector_store_idx %scatter3A_3272[%convert_element_type3A_2738, %min3A_2777, %min3A_2783], %get3A_3266 masked %and3A_2771 : memref<2x96x96xf32, #tpu.memory_space<vmem>>[vector<16xi32>, vector<16xi32>, vector<16xi32>], vector<16xf32>, vector<16xi1>
    %get3A_3273 = arith.constant 96 : index
    %get3A_3274 = tpu.vector_load %arg14[%get3A_3273] {strides = array<i32>} : memref<256xf32, #tpu.memory_space<vmem>>, vector<16xf32>,
    %scatter3A_3275 = arith.constant 1 : i32
    %scatter3A_3276 = arith.constant 0 : i32
    %scatter3A_3277 = arith.constant 0 : i32
    %scatter3A_3278 = arith.constant 0 : i32
    %scatter3A_3279 = tpu.memref_slice %arg15[%scatter3A_3275, %scatter3A_3276, %scatter3A_3277, %scatter3A_3278] : memref<2x2x96x96xf32, #tpu.memory_space<vmem>> -> memref<1x2x96x96xf32, #tpu.memory_space<vmem>>
    %scatter3A_3280 = tpu.memref_squeeze %scatter3A_3279 : memref<1x2x96x96xf32, #tpu.memory_space<vmem>> -> memref<2x96x96xf32, #tpu.memory_space<vmem>>
    tpu.vector_store_idx %scatter3A_3280[%convert_element_type3A_2834, %min3A_2873, %min3A_2879], %get3A_3274 masked %and3A_2867 : memref<2x96x96xf32, #tpu.memory_space<vmem>>[vector<16xi32>, vector<16xi32>, vector<16xi32>], vector<16xf32>, vector<16xi1>
    %get3A_3281 = arith.constant 112 : index
    %get3A_3282 = tpu.vector_load %arg14[%get3A_3281] {strides = array<i32>} : memref<256xf32, #tpu.memory_space<vmem>>, vector<16xf32>,
    %scatter3A_3283 = arith.constant 1 : i32
    %scatter3A_3284 = arith.constant 0 : i32
    %scatter3A_3285 = arith.constant 0 : i32
    %scatter3A_3286 = arith.constant 0 : i32
    %scatter3A_3287 = tpu.memref_slice %arg15[%scatter3A_3283, %scatter3A_3284, %scatter3A_3285, %scatter3A_3286] : memref<2x2x96x96xf32, #tpu.memory_space<vmem>> -> memref<1x2x96x96xf32, #tpu.memory_space<vmem>>
    %scatter3A_3288 = tpu.memref_squeeze %scatter3A_3287 : memref<1x2x96x96xf32, #tpu.memory_space<vmem>> -> memref<2x96x96xf32, #tpu.memory_space<vmem>>
    tpu.vector_store_idx %scatter3A_3288[%convert_element_type3A_2930, %min3A_2969, %min3A_2975], %get3A_3282 masked %and3A_2963 : memref<2x96x96xf32, #tpu.memory_space<vmem>>[vector<16xi32>, vector<16xi32>, vector<16xi32>], vector<16xf32>, vector<16xi1>
    %barrier3A_3289 = arith.constant 0 : index
    tpu.barrier barrier_id(%barrier3A_3289)
    %dma_start3A_3290 = arith.constant 1 : i32
    %dma_start3A_3291 = arith.constant 1 : i32
    %dma_start3A_3292 = arith.constant 0 : i32
    %dma_start3A_3293 = arith.constant 0 : i32
    %dma_start3A_3294 = arith.constant 0 : i32
    %dma_start3A_3295 = tpu.memref_slice %arg15[%dma_start3A_3290, %dma_start3A_3292, %dma_start3A_3293, %dma_start3A_3294] : memref<2x2x96x96xf32, #tpu.memory_space<vmem>> -> memref<1x2x96x96xf32, #tpu.memory_space<vmem>>
    %dma_start3A_3296 = tpu.memref_squeeze %dma_start3A_3295 : memref<1x2x96x96xf32, #tpu.memory_space<vmem>> -> memref<2x96x96xf32, #tpu.memory_space<vmem>>
    %dma_start3A_3297 = arith.constant 0 : i32
    %dma_start3A_3298 = arith.constant 0 : i32
    %dma_start3A_3299 = arith.constant 0 : i32
    %dma_start3A_3300 = tpu.memref_slice %arg6[%add3A_3107, %dma_start3A_3291, %dma_start3A_3297, %dma_start3A_3298, %dma_start3A_3299] : memref<128x4x2x96x96xf32, #tpu.memory_space<hbm>> -> memref<1x1x2x96x96xf32, #tpu.memory_space<hbm>>
    %dma_start3A_3301 = tpu.memref_squeeze %dma_start3A_3300 : memref<1x1x2x96x96xf32, #tpu.memory_space<hbm>> -> memref<2x96x96xf32, #tpu.memory_space<hbm>>
    %dma_start3A_3302 = arith.constant 0 : i32
    %dma_start3A_3303 = arith.constant 0 : i32
    %dma_start3A_3304 = arith.constant 0 : i32
    %dma_start3A_3305 = tpu.memref_slice %arg6[%add3A_3107, %dma_start3A_3291, %dma_start3A_3302, %dma_start3A_3303, %dma_start3A_3304] : memref<128x4x2x96x96xf32, #tpu.memory_space<hbm>> -> memref<1x1x2x96x96xf32, #tpu.memory_space<hbm>>
    %dma_start3A_3306 = tpu.memref_squeeze %dma_start3A_3305 : memref<1x1x2x96x96xf32, #tpu.memory_space<hbm>> -> memref<2x96x96xf32, #tpu.memory_space<hbm>>
    %dma_start3A_3307 = arith.constant 0 : i32
    %dma_start3A_3308 = arith.constant 0 : i32
    %dma_start3A_3309 = arith.constant 0 : i32
    %dma_start3A_3310 = tpu.memref_slice %arg15[%dma_start3A_3290, %dma_start3A_3307, %dma_start3A_3308, %dma_start3A_3309] : memref<2x2x96x96xf32, #tpu.memory_space<vmem>> -> memref<1x2x96x96xf32, #tpu.memory_space<vmem>>
    %dma_start3A_3311 = tpu.memref_squeeze %dma_start3A_3310 : memref<1x2x96x96xf32, #tpu.memory_space<vmem>> -> memref<2x96x96xf32, #tpu.memory_space<vmem>>
    tpu.enqueue_dma source(%dma_start3A_3311 : memref<2x96x96xf32, #tpu.memory_space<vmem>>) target(%dma_start3A_3306 : memref<2x96x96xf32, #tpu.memory_space<hbm>>) target_semaphore(%arg17 : memref<!tpu.dma_semaphore, #tpu.memory_space<semaphore_mem>>)
    %dma_wait3A_3312 = arith.constant 0 : i32
    %dma_wait3A_3313 = arith.constant 0 : i32
    %dma_wait3A_3314 = arith.constant 0 : i32
    %dma_wait3A_3315 = arith.constant 0 : i32
    %dma_wait3A_3316 = arith.constant 0 : i32
    %dma_wait3A_3317 = tpu.memref_slice %arg15[%dma_wait3A_3312, %dma_wait3A_3314, %dma_wait3A_3315, %dma_wait3A_3316] : memref<2x2x96x96xf32, #tpu.memory_space<vmem>> -> memref<1x2x96x96xf32, #tpu.memory_space<vmem>>
    %dma_wait3A_3318 = tpu.memref_squeeze %dma_wait3A_3317 : memref<1x2x96x96xf32, #tpu.memory_space<vmem>> -> memref<2x96x96xf32, #tpu.memory_space<vmem>>
    %dma_wait3A_3319 = arith.constant 0 : i32
    %dma_wait3A_3320 = arith.constant 0 : i32
    %dma_wait3A_3321 = arith.constant 0 : i32
    %dma_wait3A_3322 = tpu.memref_slice %arg6[%add3A_3107, %dma_wait3A_3313, %dma_wait3A_3319, %dma_wait3A_3320, %dma_wait3A_3321] : memref<128x4x2x96x96xf32, #tpu.memory_space<hbm>> -> memref<1x1x2x96x96xf32, #tpu.memory_space<hbm>>
    %dma_wait3A_3323 = tpu.memref_squeeze %dma_wait3A_3322 : memref<1x1x2x96x96xf32, #tpu.memory_space<hbm>> -> memref<2x96x96xf32, #tpu.memory_space<hbm>>
    %dma_wait3A_3324 = arith.constant 0 : i32
    %dma_wait3A_3325 = arith.constant 0 : i32
    %dma_wait3A_3326 = arith.constant 0 : i32
    %dma_wait3A_3327 = tpu.memref_slice %arg6[%add3A_3107, %dma_wait3A_3313, %dma_wait3A_3324, %dma_wait3A_3325, %dma_wait3A_3326] : memref<128x4x2x96x96xf32, #tpu.memory_space<hbm>> -> memref<1x1x2x96x96xf32, #tpu.memory_space<hbm>>
    %dma_wait3A_3328 = tpu.memref_squeeze %dma_wait3A_3327 : memref<1x1x2x96x96xf32, #tpu.memory_space<hbm>> -> memref<2x96x96xf32, #tpu.memory_space<hbm>>
    %dma_wait3A_3329 = arith.constant 0 : i32
    %dma_wait3A_3330 = arith.constant 0 : i32
    %dma_wait3A_3331 = arith.constant 0 : i32
    %dma_wait3A_3332 = tpu.memref_slice %arg15[%dma_wait3A_3312, %dma_wait3A_3329, %dma_wait3A_3330, %dma_wait3A_3331] : memref<2x2x96x96xf32, #tpu.memory_space<vmem>> -> memref<1x2x96x96xf32, #tpu.memory_space<vmem>>
    %dma_wait3A_3333 = tpu.memref_squeeze %dma_wait3A_3332 : memref<1x2x96x96xf32, #tpu.memory_space<vmem>> -> memref<2x96x96xf32, #tpu.memory_space<vmem>>
    tpu.wait_dma2 semaphore(%arg16 : memref<!tpu.dma_semaphore, #tpu.memory_space<semaphore_mem>>) src(%dma_wait3A_3333 : memref<2x96x96xf32, #tpu.memory_space<vmem>>) dst(%dma_wait3A_3328 : memref<2x96x96xf32, #tpu.memory_space<hbm>>)
    %barrier3A_3334 = arith.constant 0 : index
    tpu.barrier barrier_id(%barrier3A_3334)
    %scatter3A_3335 = arith.constant 0 : i32
    %scatter3A_3336 = arith.constant 0 : i32
    %scatter3A_3337 = arith.constant 0 : i32
    %scatter3A_3338 = arith.constant 0 : i32
    %scatter3A_3339 = tpu.memref_slice %arg15[%scatter3A_3335, %scatter3A_3336, %scatter3A_3337, %scatter3A_3338] : memref<2x2x96x96xf32, #tpu.memory_space<vmem>> -> memref<1x2x96x96xf32, #tpu.memory_space<vmem>>
    %scatter3A_3340 = tpu.memref_squeeze %scatter3A_3339 : memref<1x2x96x96xf32, #tpu.memory_space<vmem>> -> memref<2x96x96xf32, #tpu.memory_space<vmem>>
    tpu.vector_store_idx %scatter3A_3340[%convert_element_type3A_2642, %min3A_2681, %min3A_2687], %broadcast_in_dim3A_9 masked %and3A_2675 : memref<2x96x96xf32, #tpu.memory_space<vmem>>[vector<16xi32>, vector<16xi32>, vector<16xi32>], vector<16xf32>, vector<16xi1>
    %scatter3A_3341 = arith.constant 0 : i32
    %scatter3A_3342 = arith.constant 0 : i32
    %scatter3A_3343 = arith.constant 0 : i32
    %scatter3A_3344 = arith.constant 0 : i32
    %scatter3A_3345 = tpu.memref_slice %arg15[%scatter3A_3341, %scatter3A_3342, %scatter3A_3343, %scatter3A_3344] : memref<2x2x96x96xf32, #tpu.memory_space<vmem>> -> memref<1x2x96x96xf32, #tpu.memory_space<vmem>>
    %scatter3A_3346 = tpu.memref_squeeze %scatter3A_3345 : memref<1x2x96x96xf32, #tpu.memory_space<vmem>> -> memref<2x96x96xf32, #tpu.memory_space<vmem>>
    tpu.vector_store_idx %scatter3A_3346[%convert_element_type3A_2738, %min3A_2777, %min3A_2783], %broadcast_in_dim3A_9 masked %and3A_2771 : memref<2x96x96xf32, #tpu.memory_space<vmem>>[vector<16xi32>, vector<16xi32>, vector<16xi32>], vector<16xf32>, vector<16xi1>
    %scatter3A_3347 = arith.constant 0 : i32
    %scatter3A_3348 = arith.constant 0 : i32
    %scatter3A_3349 = arith.constant 0 : i32
    %scatter3A_3350 = arith.constant 0 : i32
    %scatter3A_3351 = tpu.memref_slice %arg15[%scatter3A_3347, %scatter3A_3348, %scatter3A_3349, %scatter3A_3350] : memref<2x2x96x96xf32, #tpu.memory_space<vmem>> -> memref<1x2x96x96xf32, #tpu.memory_space<vmem>>
    %scatter3A_3352 = tpu.memref_squeeze %scatter3A_3351 : memref<1x2x96x96xf32, #tpu.memory_space<vmem>> -> memref<2x96x96xf32, #tpu.memory_space<vmem>>
    tpu.vector_store_idx %scatter3A_3352[%convert_element_type3A_2834, %min3A_2873, %min3A_2879], %broadcast_in_dim3A_9 masked %and3A_2867 : memref<2x96x96xf32, #tpu.memory_space<vmem>>[vector<16xi32>, vector<16xi32>, vector<16xi32>], vector<16xf32>, vector<16xi1>
    %scatter3A_3353 = arith.constant 0 : i32
    %scatter3A_3354 = arith.constant 0 : i32
    %scatter3A_3355 = arith.constant 0 : i32
    %scatter3A_3356 = arith.constant 0 : i32
    %scatter3A_3357 = tpu.memref_slice %arg15[%scatter3A_3353, %scatter3A_3354, %scatter3A_3355, %scatter3A_3356] : memref<2x2x96x96xf32, #tpu.memory_space<vmem>> -> memref<1x2x96x96xf32, #tpu.memory_space<vmem>>
    %scatter3A_3358 = tpu.memref_squeeze %scatter3A_3357 : memref<1x2x96x96xf32, #tpu.memory_space<vmem>> -> memref<2x96x96xf32, #tpu.memory_space<vmem>>
    tpu.vector_store_idx %scatter3A_3358[%convert_element_type3A_2930, %min3A_2969, %min3A_2975], %broadcast_in_dim3A_9 masked %and3A_2963 : memref<2x96x96xf32, #tpu.memory_space<vmem>>[vector<16xi32>, vector<16xi32>, vector<16xi32>], vector<16xf32>, vector<16xi1>
    %get3A_3359 = arith.constant 128 : index
    %get3A_3360 = tpu.vector_load %arg14[%get3A_3359] {strides = array<i32>} : memref<256xf32, #tpu.memory_space<vmem>>, vector<16xf32>,
    %scatter3A_3361 = arith.constant 0 : i32
    %scatter3A_3362 = arith.constant 0 : i32
    %scatter3A_3363 = arith.constant 0 : i32
    %scatter3A_3364 = arith.constant 0 : i32
    %scatter3A_3365 = tpu.memref_slice %arg15[%scatter3A_3361, %scatter3A_3362, %scatter3A_3363, %scatter3A_3364] : memref<2x2x96x96xf32, #tpu.memory_space<vmem>> -> memref<1x2x96x96xf32, #tpu.memory_space<vmem>>
    %scatter3A_3366 = tpu.memref_squeeze %scatter3A_3365 : memref<1x2x96x96xf32, #tpu.memory_space<vmem>> -> memref<2x96x96xf32, #tpu.memory_space<vmem>>
    tpu.vector_store_idx %scatter3A_3366[%convert_element_type3A_2642, %min3A_2681, %min3A_2687], %get3A_3360 masked %and3A_2675 : memref<2x96x96xf32, #tpu.memory_space<vmem>>[vector<16xi32>, vector<16xi32>, vector<16xi32>], vector<16xf32>, vector<16xi1>
    %get3A_3367 = arith.constant 144 : index
    %get3A_3368 = tpu.vector_load %arg14[%get3A_3367] {strides = array<i32>} : memref<256xf32, #tpu.memory_space<vmem>>, vector<16xf32>,
    %scatter3A_3369 = arith.constant 0 : i32
    %scatter3A_3370 = arith.constant 0 : i32
    %scatter3A_3371 = arith.constant 0 : i32
    %scatter3A_3372 = arith.constant 0 : i32
    %scatter3A_3373 = tpu.memref_slice %arg15[%scatter3A_3369, %scatter3A_3370, %scatter3A_3371, %scatter3A_3372] : memref<2x2x96x96xf32, #tpu.memory_space<vmem>> -> memref<1x2x96x96xf32, #tpu.memory_space<vmem>>
    %scatter3A_3374 = tpu.memref_squeeze %scatter3A_3373 : memref<1x2x96x96xf32, #tpu.memory_space<vmem>> -> memref<2x96x96xf32, #tpu.memory_space<vmem>>
    tpu.vector_store_idx %scatter3A_3374[%convert_element_type3A_2738, %min3A_2777, %min3A_2783], %get3A_3368 masked %and3A_2771 : memref<2x96x96xf32, #tpu.memory_space<vmem>>[vector<16xi32>, vector<16xi32>, vector<16xi32>], vector<16xf32>, vector<16xi1>
    %get3A_3375 = arith.constant 160 : index
    %get3A_3376 = tpu.vector_load %arg14[%get3A_3375] {strides = array<i32>} : memref<256xf32, #tpu.memory_space<vmem>>, vector<16xf32>,
    %scatter3A_3377 = arith.constant 0 : i32
    %scatter3A_3378 = arith.constant 0 : i32
    %scatter3A_3379 = arith.constant 0 : i32
    %scatter3A_3380 = arith.constant 0 : i32
    %scatter3A_3381 = tpu.memref_slice %arg15[%scatter3A_3377, %scatter3A_3378, %scatter3A_3379, %scatter3A_3380] : memref<2x2x96x96xf32, #tpu.memory_space<vmem>> -> memref<1x2x96x96xf32, #tpu.memory_space<vmem>>
    %scatter3A_3382 = tpu.memref_squeeze %scatter3A_3381 : memref<1x2x96x96xf32, #tpu.memory_space<vmem>> -> memref<2x96x96xf32, #tpu.memory_space<vmem>>
    tpu.vector_store_idx %scatter3A_3382[%convert_element_type3A_2834, %min3A_2873, %min3A_2879], %get3A_3376 masked %and3A_2867 : memref<2x96x96xf32, #tpu.memory_space<vmem>>[vector<16xi32>, vector<16xi32>, vector<16xi32>], vector<16xf32>, vector<16xi1>
    %get3A_3383 = arith.constant 176 : index
    %get3A_3384 = tpu.vector_load %arg14[%get3A_3383] {strides = array<i32>} : memref<256xf32, #tpu.memory_space<vmem>>, vector<16xf32>,
    %scatter3A_3385 = arith.constant 0 : i32
    %scatter3A_3386 = arith.constant 0 : i32
    %scatter3A_3387 = arith.constant 0 : i32
    %scatter3A_3388 = arith.constant 0 : i32
    %scatter3A_3389 = tpu.memref_slice %arg15[%scatter3A_3385, %scatter3A_3386, %scatter3A_3387, %scatter3A_3388] : memref<2x2x96x96xf32, #tpu.memory_space<vmem>> -> memref<1x2x96x96xf32, #tpu.memory_space<vmem>>
    %scatter3A_3390 = tpu.memref_squeeze %scatter3A_3389 : memref<1x2x96x96xf32, #tpu.memory_space<vmem>> -> memref<2x96x96xf32, #tpu.memory_space<vmem>>
    tpu.vector_store_idx %scatter3A_3390[%convert_element_type3A_2930, %min3A_2969, %min3A_2975], %get3A_3384 masked %and3A_2963 : memref<2x96x96xf32, #tpu.memory_space<vmem>>[vector<16xi32>, vector<16xi32>, vector<16xi32>], vector<16xf32>, vector<16xi1>
    %barrier3A_3391 = arith.constant 0 : index
    tpu.barrier barrier_id(%barrier3A_3391)
    %dma_start3A_3392 = arith.constant 0 : i32
    %dma_start3A_3393 = arith.constant 2 : i32
    %dma_start3A_3394 = arith.constant 0 : i32
    %dma_start3A_3395 = arith.constant 0 : i32
    %dma_start3A_3396 = arith.constant 0 : i32
    %dma_start3A_3397 = tpu.memref_slice %arg15[%dma_start3A_3392, %dma_start3A_3394, %dma_start3A_3395, %dma_start3A_3396] : memref<2x2x96x96xf32, #tpu.memory_space<vmem>> -> memref<1x2x96x96xf32, #tpu.memory_space<vmem>>
    %dma_start3A_3398 = tpu.memref_squeeze %dma_start3A_3397 : memref<1x2x96x96xf32, #tpu.memory_space<vmem>> -> memref<2x96x96xf32, #tpu.memory_space<vmem>>
    %dma_start3A_3399 = arith.constant 0 : i32
    %dma_start3A_3400 = arith.constant 0 : i32
    %dma_start3A_3401 = arith.constant 0 : i32
    %dma_start3A_3402 = tpu.memref_slice %arg6[%add3A_3107, %dma_start3A_3393, %dma_start3A_3399, %dma_start3A_3400, %dma_start3A_3401] : memref<128x4x2x96x96xf32, #tpu.memory_space<hbm>> -> memref<1x1x2x96x96xf32, #tpu.memory_space<hbm>>
    %dma_start3A_3403 = tpu.memref_squeeze %dma_start3A_3402 : memref<1x1x2x96x96xf32, #tpu.memory_space<hbm>> -> memref<2x96x96xf32, #tpu.memory_space<hbm>>
    %dma_start3A_3404 = arith.constant 0 : i32
    %dma_start3A_3405 = arith.constant 0 : i32
    %dma_start3A_3406 = arith.constant 0 : i32
    %dma_start3A_3407 = tpu.memref_slice %arg6[%add3A_3107, %dma_start3A_3393, %dma_start3A_3404, %dma_start3A_3405, %dma_start3A_3406] : memref<128x4x2x96x96xf32, #tpu.memory_space<hbm>> -> memref<1x1x2x96x96xf32, #tpu.memory_space<hbm>>
    %dma_start3A_3408 = tpu.memref_squeeze %dma_start3A_3407 : memref<1x1x2x96x96xf32, #tpu.memory_space<hbm>> -> memref<2x96x96xf32, #tpu.memory_space<hbm>>
    %dma_start3A_3409 = arith.constant 0 : i32
    %dma_start3A_3410 = arith.constant 0 : i32
    %dma_start3A_3411 = arith.constant 0 : i32
    %dma_start3A_3412 = tpu.memref_slice %arg15[%dma_start3A_3392, %dma_start3A_3409, %dma_start3A_3410, %dma_start3A_3411] : memref<2x2x96x96xf32, #tpu.memory_space<vmem>> -> memref<1x2x96x96xf32, #tpu.memory_space<vmem>>
    %dma_start3A_3413 = tpu.memref_squeeze %dma_start3A_3412 : memref<1x2x96x96xf32, #tpu.memory_space<vmem>> -> memref<2x96x96xf32, #tpu.memory_space<vmem>>
    tpu.enqueue_dma source(%dma_start3A_3413 : memref<2x96x96xf32, #tpu.memory_space<vmem>>) target(%dma_start3A_3408 : memref<2x96x96xf32, #tpu.memory_space<hbm>>) target_semaphore(%arg16 : memref<!tpu.dma_semaphore, #tpu.memory_space<semaphore_mem>>)
    %dma_wait3A_3414 = arith.constant 1 : i32
    %dma_wait3A_3415 = arith.constant 1 : i32
    %dma_wait3A_3416 = arith.constant 0 : i32
    %dma_wait3A_3417 = arith.constant 0 : i32
    %dma_wait3A_3418 = arith.constant 0 : i32
    %dma_wait3A_3419 = tpu.memref_slice %arg15[%dma_wait3A_3414, %dma_wait3A_3416, %dma_wait3A_3417, %dma_wait3A_3418] : memref<2x2x96x96xf32, #tpu.memory_space<vmem>> -> memref<1x2x96x96xf32, #tpu.memory_space<vmem>>
    %dma_wait3A_3420 = tpu.memref_squeeze %dma_wait3A_3419 : memref<1x2x96x96xf32, #tpu.memory_space<vmem>> -> memref<2x96x96xf32, #tpu.memory_space<vmem>>
    %dma_wait3A_3421 = arith.constant 0 : i32
    %dma_wait3A_3422 = arith.constant 0 : i32
    %dma_wait3A_3423 = arith.constant 0 : i32
    %dma_wait3A_3424 = tpu.memref_slice %arg6[%add3A_3107, %dma_wait3A_3415, %dma_wait3A_3421, %dma_wait3A_3422, %dma_wait3A_3423] : memref<128x4x2x96x96xf32, #tpu.memory_space<hbm>> -> memref<1x1x2x96x96xf32, #tpu.memory_space<hbm>>
    %dma_wait3A_3425 = tpu.memref_squeeze %dma_wait3A_3424 : memref<1x1x2x96x96xf32, #tpu.memory_space<hbm>> -> memref<2x96x96xf32, #tpu.memory_space<hbm>>
    %dma_wait3A_3426 = arith.constant 0 : i32
    %dma_wait3A_3427 = arith.constant 0 : i32
    %dma_wait3A_3428 = arith.constant 0 : i32
    %dma_wait3A_3429 = tpu.memref_slice %arg6[%add3A_3107, %dma_wait3A_3415, %dma_wait3A_3426, %dma_wait3A_3427, %dma_wait3A_3428] : memref<128x4x2x96x96xf32, #tpu.memory_space<hbm>> -> memref<1x1x2x96x96xf32, #tpu.memory_space<hbm>>
    %dma_wait3A_3430 = tpu.memref_squeeze %dma_wait3A_3429 : memref<1x1x2x96x96xf32, #tpu.memory_space<hbm>> -> memref<2x96x96xf32, #tpu.memory_space<hbm>>
    %dma_wait3A_3431 = arith.constant 0 : i32
    %dma_wait3A_3432 = arith.constant 0 : i32
    %dma_wait3A_3433 = arith.constant 0 : i32
    %dma_wait3A_3434 = tpu.memref_slice %arg15[%dma_wait3A_3414, %dma_wait3A_3431, %dma_wait3A_3432, %dma_wait3A_3433] : memref<2x2x96x96xf32, #tpu.memory_space<vmem>> -> memref<1x2x96x96xf32, #tpu.memory_space<vmem>>
    %dma_wait3A_3435 = tpu.memref_squeeze %dma_wait3A_3434 : memref<1x2x96x96xf32, #tpu.memory_space<vmem>> -> memref<2x96x96xf32, #tpu.memory_space<vmem>>
    tpu.wait_dma2 semaphore(%arg17 : memref<!tpu.dma_semaphore, #tpu.memory_space<semaphore_mem>>) src(%dma_wait3A_3435 : memref<2x96x96xf32, #tpu.memory_space<vmem>>) dst(%dma_wait3A_3430 : memref<2x96x96xf32, #tpu.memory_space<hbm>>)
    %barrier3A_3436 = arith.constant 0 : index
    tpu.barrier barrier_id(%barrier3A_3436)
    %scatter3A_3437 = arith.constant 1 : i32
    %scatter3A_3438 = arith.constant 0 : i32
    %scatter3A_3439 = arith.constant 0 : i32
    %scatter3A_3440 = arith.constant 0 : i32
    %scatter3A_3441 = tpu.memref_slice %arg15[%scatter3A_3437, %scatter3A_3438, %scatter3A_3439, %scatter3A_3440] : memref<2x2x96x96xf32, #tpu.memory_space<vmem>> -> memref<1x2x96x96xf32, #tpu.memory_space<vmem>>
    %scatter3A_3442 = tpu.memref_squeeze %scatter3A_3441 : memref<1x2x96x96xf32, #tpu.memory_space<vmem>> -> memref<2x96x96xf32, #tpu.memory_space<vmem>>
    tpu.vector_store_idx %scatter3A_3442[%convert_element_type3A_2642, %min3A_2681, %min3A_2687], %broadcast_in_dim3A_9 masked %and3A_2675 : memref<2x96x96xf32, #tpu.memory_space<vmem>>[vector<16xi32>, vector<16xi32>, vector<16xi32>], vector<16xf32>, vector<16xi1>
    %scatter3A_3443 = arith.constant 1 : i32
    %scatter3A_3444 = arith.constant 0 : i32
    %scatter3A_3445 = arith.constant 0 : i32
    %scatter3A_3446 = arith.constant 0 : i32
    %scatter3A_3447 = tpu.memref_slice %arg15[%scatter3A_3443, %scatter3A_3444, %scatter3A_3445, %scatter3A_3446] : memref<2x2x96x96xf32, #tpu.memory_space<vmem>> -> memref<1x2x96x96xf32, #tpu.memory_space<vmem>>
    %scatter3A_3448 = tpu.memref_squeeze %scatter3A_3447 : memref<1x2x96x96xf32, #tpu.memory_space<vmem>> -> memref<2x96x96xf32, #tpu.memory_space<vmem>>
    tpu.vector_store_idx %scatter3A_3448[%convert_element_type3A_2738, %min3A_2777, %min3A_2783], %broadcast_in_dim3A_9 masked %and3A_2771 : memref<2x96x96xf32, #tpu.memory_space<vmem>>[vector<16xi32>, vector<16xi32>, vector<16xi32>], vector<16xf32>, vector<16xi1>
    %scatter3A_3449 = arith.constant 1 : i32
    %scatter3A_3450 = arith.constant 0 : i32
    %scatter3A_3451 = arith.constant 0 : i32
    %scatter3A_3452 = arith.constant 0 : i32
    %scatter3A_3453 = tpu.memref_slice %arg15[%scatter3A_3449, %scatter3A_3450, %scatter3A_3451, %scatter3A_3452] : memref<2x2x96x96xf32, #tpu.memory_space<vmem>> -> memref<1x2x96x96xf32, #tpu.memory_space<vmem>>
    %scatter3A_3454 = tpu.memref_squeeze %scatter3A_3453 : memref<1x2x96x96xf32, #tpu.memory_space<vmem>> -> memref<2x96x96xf32, #tpu.memory_space<vmem>>
    tpu.vector_store_idx %scatter3A_3454[%convert_element_type3A_2834, %min3A_2873, %min3A_2879], %broadcast_in_dim3A_9 masked %and3A_2867 : memref<2x96x96xf32, #tpu.memory_space<vmem>>[vector<16xi32>, vector<16xi32>, vector<16xi32>], vector<16xf32>, vector<16xi1>
    %scatter3A_3455 = arith.constant 1 : i32
    %scatter3A_3456 = arith.constant 0 : i32
    %scatter3A_3457 = arith.constant 0 : i32
    %scatter3A_3458 = arith.constant 0 : i32
    %scatter3A_3459 = tpu.memref_slice %arg15[%scatter3A_3455, %scatter3A_3456, %scatter3A_3457, %scatter3A_3458] : memref<2x2x96x96xf32, #tpu.memory_space<vmem>> -> memref<1x2x96x96xf32, #tpu.memory_space<vmem>>
    %scatter3A_3460 = tpu.memref_squeeze %scatter3A_3459 : memref<1x2x96x96xf32, #tpu.memory_space<vmem>> -> memref<2x96x96xf32, #tpu.memory_space<vmem>>
    tpu.vector_store_idx %scatter3A_3460[%convert_element_type3A_2930, %min3A_2969, %min3A_2975], %broadcast_in_dim3A_9 masked %and3A_2963 : memref<2x96x96xf32, #tpu.memory_space<vmem>>[vector<16xi32>, vector<16xi32>, vector<16xi32>], vector<16xf32>, vector<16xi1>
    %get3A_3461 = arith.constant 192 : index
    %get3A_3462 = tpu.vector_load %arg14[%get3A_3461] {strides = array<i32>} : memref<256xf32, #tpu.memory_space<vmem>>, vector<16xf32>,
    %scatter3A_3463 = arith.constant 1 : i32
    %scatter3A_3464 = arith.constant 0 : i32
    %scatter3A_3465 = arith.constant 0 : i32
    %scatter3A_3466 = arith.constant 0 : i32
    %scatter3A_3467 = tpu.memref_slice %arg15[%scatter3A_3463, %scatter3A_3464, %scatter3A_3465, %scatter3A_3466] : memref<2x2x96x96xf32, #tpu.memory_space<vmem>> -> memref<1x2x96x96xf32, #tpu.memory_space<vmem>>
    %scatter3A_3468 = tpu.memref_squeeze %scatter3A_3467 : memref<1x2x96x96xf32, #tpu.memory_space<vmem>> -> memref<2x96x96xf32, #tpu.memory_space<vmem>>
    tpu.vector_store_idx %scatter3A_3468[%convert_element_type3A_2642, %min3A_2681, %min3A_2687], %get3A_3462 masked %and3A_2675 : memref<2x96x96xf32, #tpu.memory_space<vmem>>[vector<16xi32>, vector<16xi32>, vector<16xi32>], vector<16xf32>, vector<16xi1>
    %get3A_3469 = arith.constant 208 : index
    %get3A_3470 = tpu.vector_load %arg14[%get3A_3469] {strides = array<i32>} : memref<256xf32, #tpu.memory_space<vmem>>, vector<16xf32>,
    %scatter3A_3471 = arith.constant 1 : i32
    %scatter3A_3472 = arith.constant 0 : i32
    %scatter3A_3473 = arith.constant 0 : i32
    %scatter3A_3474 = arith.constant 0 : i32
    %scatter3A_3475 = tpu.memref_slice %arg15[%scatter3A_3471, %scatter3A_3472, %scatter3A_3473, %scatter3A_3474] : memref<2x2x96x96xf32, #tpu.memory_space<vmem>> -> memref<1x2x96x96xf32, #tpu.memory_space<vmem>>
    %scatter3A_3476 = tpu.memref_squeeze %scatter3A_3475 : memref<1x2x96x96xf32, #tpu.memory_space<vmem>> -> memref<2x96x96xf32, #tpu.memory_space<vmem>>
    tpu.vector_store_idx %scatter3A_3476[%convert_element_type3A_2738, %min3A_2777, %min3A_2783], %get3A_3470 masked %and3A_2771 : memref<2x96x96xf32, #tpu.memory_space<vmem>>[vector<16xi32>, vector<16xi32>, vector<16xi32>], vector<16xf32>, vector<16xi1>
    %get3A_3477 = arith.constant 224 : index
    %get3A_3478 = tpu.vector_load %arg14[%get3A_3477] {strides = array<i32>} : memref<256xf32, #tpu.memory_space<vmem>>, vector<16xf32>,
    %scatter3A_3479 = arith.constant 1 : i32
    %scatter3A_3480 = arith.constant 0 : i32
    %scatter3A_3481 = arith.constant 0 : i32
    %scatter3A_3482 = arith.constant 0 : i32
    %scatter3A_3483 = tpu.memref_slice %arg15[%scatter3A_3479, %scatter3A_3480, %scatter3A_3481, %scatter3A_3482] : memref<2x2x96x96xf32, #tpu.memory_space<vmem>> -> memref<1x2x96x96xf32, #tpu.memory_space<vmem>>
    %scatter3A_3484 = tpu.memref_squeeze %scatter3A_3483 : memref<1x2x96x96xf32, #tpu.memory_space<vmem>> -> memref<2x96x96xf32, #tpu.memory_space<vmem>>
    tpu.vector_store_idx %scatter3A_3484[%convert_element_type3A_2834, %min3A_2873, %min3A_2879], %get3A_3478 masked %and3A_2867 : memref<2x96x96xf32, #tpu.memory_space<vmem>>[vector<16xi32>, vector<16xi32>, vector<16xi32>], vector<16xf32>, vector<16xi1>
    %get3A_3485 = arith.constant 240 : index
    %get3A_3486 = tpu.vector_load %arg14[%get3A_3485] {strides = array<i32>} : memref<256xf32, #tpu.memory_space<vmem>>, vector<16xf32>,
    %scatter3A_3487 = arith.constant 1 : i32
    %scatter3A_3488 = arith.constant 0 : i32
    %scatter3A_3489 = arith.constant 0 : i32
    %scatter3A_3490 = arith.constant 0 : i32
    %scatter3A_3491 = tpu.memref_slice %arg15[%scatter3A_3487, %scatter3A_3488, %scatter3A_3489, %scatter3A_3490] : memref<2x2x96x96xf32, #tpu.memory_space<vmem>> -> memref<1x2x96x96xf32, #tpu.memory_space<vmem>>
    %scatter3A_3492 = tpu.memref_squeeze %scatter3A_3491 : memref<1x2x96x96xf32, #tpu.memory_space<vmem>> -> memref<2x96x96xf32, #tpu.memory_space<vmem>>
    tpu.vector_store_idx %scatter3A_3492[%convert_element_type3A_2930, %min3A_2969, %min3A_2975], %get3A_3486 masked %and3A_2963 : memref<2x96x96xf32, #tpu.memory_space<vmem>>[vector<16xi32>, vector<16xi32>, vector<16xi32>], vector<16xf32>, vector<16xi1>
    %barrier3A_3493 = arith.constant 0 : index
    tpu.barrier barrier_id(%barrier3A_3493)
    %dma_start3A_3494 = arith.constant 1 : i32
    %dma_start3A_3495 = arith.constant 3 : i32
    %dma_start3A_3496 = arith.constant 0 : i32
    %dma_start3A_3497 = arith.constant 0 : i32
    %dma_start3A_3498 = arith.constant 0 : i32
    %dma_start3A_3499 = tpu.memref_slice %arg15[%dma_start3A_3494, %dma_start3A_3496, %dma_start3A_3497, %dma_start3A_3498] : memref<2x2x96x96xf32, #tpu.memory_space<vmem>> -> memref<1x2x96x96xf32, #tpu.memory_space<vmem>>
    %dma_start3A_3500 = tpu.memref_squeeze %dma_start3A_3499 : memref<1x2x96x96xf32, #tpu.memory_space<vmem>> -> memref<2x96x96xf32, #tpu.memory_space<vmem>>
    %dma_start3A_3501 = arith.constant 0 : i32
    %dma_start3A_3502 = arith.constant 0 : i32
    %dma_start3A_3503 = arith.constant 0 : i32
    %dma_start3A_3504 = tpu.memref_slice %arg6[%add3A_3107, %dma_start3A_3495, %dma_start3A_3501, %dma_start3A_3502, %dma_start3A_3503] : memref<128x4x2x96x96xf32, #tpu.memory_space<hbm>> -> memref<1x1x2x96x96xf32, #tpu.memory_space<hbm>>
    %dma_start3A_3505 = tpu.memref_squeeze %dma_start3A_3504 : memref<1x1x2x96x96xf32, #tpu.memory_space<hbm>> -> memref<2x96x96xf32, #tpu.memory_space<hbm>>
    %dma_start3A_3506 = arith.constant 0 : i32
    %dma_start3A_3507 = arith.constant 0 : i32
    %dma_start3A_3508 = arith.constant 0 : i32
    %dma_start3A_3509 = tpu.memref_slice %arg6[%add3A_3107, %dma_start3A_3495, %dma_start3A_3506, %dma_start3A_3507, %dma_start3A_3508] : memref<128x4x2x96x96xf32, #tpu.memory_space<hbm>> -> memref<1x1x2x96x96xf32, #tpu.memory_space<hbm>>
    %dma_start3A_3510 = tpu.memref_squeeze %dma_start3A_3509 : memref<1x1x2x96x96xf32, #tpu.memory_space<hbm>> -> memref<2x96x96xf32, #tpu.memory_space<hbm>>
    %dma_start3A_3511 = arith.constant 0 : i32
    %dma_start3A_3512 = arith.constant 0 : i32
    %dma_start3A_3513 = arith.constant 0 : i32
    %dma_start3A_3514 = tpu.memref_slice %arg15[%dma_start3A_3494, %dma_start3A_3511, %dma_start3A_3512, %dma_start3A_3513] : memref<2x2x96x96xf32, #tpu.memory_space<vmem>> -> memref<1x2x96x96xf32, #tpu.memory_space<vmem>>
    %dma_start3A_3515 = tpu.memref_squeeze %dma_start3A_3514 : memref<1x2x96x96xf32, #tpu.memory_space<vmem>> -> memref<2x96x96xf32, #tpu.memory_space<vmem>>
    tpu.enqueue_dma source(%dma_start3A_3515 : memref<2x96x96xf32, #tpu.memory_space<vmem>>) target(%dma_start3A_3510 : memref<2x96x96xf32, #tpu.memory_space<hbm>>) target_semaphore(%arg17 : memref<!tpu.dma_semaphore, #tpu.memory_space<semaphore_mem>>)
    %dma_wait3A_3516 = arith.constant 0 : i32
    %dma_wait3A_3517 = arith.constant 2 : i32
    %dma_wait3A_3518 = arith.constant 0 : i32
    %dma_wait3A_3519 = arith.constant 0 : i32
    %dma_wait3A_3520 = arith.constant 0 : i32
    %dma_wait3A_3521 = tpu.memref_slice %arg15[%dma_wait3A_3516, %dma_wait3A_3518, %dma_wait3A_3519, %dma_wait3A_3520] : memref<2x2x96x96xf32, #tpu.memory_space<vmem>> -> memref<1x2x96x96xf32, #tpu.memory_space<vmem>>
    %dma_wait3A_3522 = tpu.memref_squeeze %dma_wait3A_3521 : memref<1x2x96x96xf32, #tpu.memory_space<vmem>> -> memref<2x96x96xf32, #tpu.memory_space<vmem>>
    %dma_wait3A_3523 = arith.constant 0 : i32
    %dma_wait3A_3524 = arith.constant 0 : i32
    %dma_wait3A_3525 = arith.constant 0 : i32
    %dma_wait3A_3526 = tpu.memref_slice %arg6[%add3A_3107, %dma_wait3A_3517, %dma_wait3A_3523, %dma_wait3A_3524, %dma_wait3A_3525] : memref<128x4x2x96x96xf32, #tpu.memory_space<hbm>> -> memref<1x1x2x96x96xf32, #tpu.memory_space<hbm>>
    %dma_wait3A_3527 = tpu.memref_squeeze %dma_wait3A_3526 : memref<1x1x2x96x96xf32, #tpu.memory_space<hbm>> -> memref<2x96x96xf32, #tpu.memory_space<hbm>>
    %dma_wait3A_3528 = arith.constant 0 : i32
    %dma_wait3A_3529 = arith.constant 0 : i32
    %dma_wait3A_3530 = arith.constant 0 : i32
    %dma_wait3A_3531 = tpu.memref_slice %arg6[%add3A_3107, %dma_wait3A_3517, %dma_wait3A_3528, %dma_wait3A_3529, %dma_wait3A_3530] : memref<128x4x2x96x96xf32, #tpu.memory_space<hbm>> -> memref<1x1x2x96x96xf32, #tpu.memory_space<hbm>>
    %dma_wait3A_3532 = tpu.memref_squeeze %dma_wait3A_3531 : memref<1x1x2x96x96xf32, #tpu.memory_space<hbm>> -> memref<2x96x96xf32, #tpu.memory_space<hbm>>
    %dma_wait3A_3533 = arith.constant 0 : i32
    %dma_wait3A_3534 = arith.constant 0 : i32
    %dma_wait3A_3535 = arith.constant 0 : i32
    %dma_wait3A_3536 = tpu.memref_slice %arg15[%dma_wait3A_3516, %dma_wait3A_3533, %dma_wait3A_3534, %dma_wait3A_3535] : memref<2x2x96x96xf32, #tpu.memory_space<vmem>> -> memref<1x2x96x96xf32, #tpu.memory_space<vmem>>
    %dma_wait3A_3537 = tpu.memref_squeeze %dma_wait3A_3536 : memref<1x2x96x96xf32, #tpu.memory_space<vmem>> -> memref<2x96x96xf32, #tpu.memory_space<vmem>>
    tpu.wait_dma2 semaphore(%arg16 : memref<!tpu.dma_semaphore, #tpu.memory_space<semaphore_mem>>) src(%dma_wait3A_3537 : memref<2x96x96xf32, #tpu.memory_space<vmem>>) dst(%dma_wait3A_3532 : memref<2x96x96xf32, #tpu.memory_space<hbm>>)
    %dma_wait3A_3538 = arith.constant 1 : i32
    %dma_wait3A_3539 = arith.constant 3 : i32
    %dma_wait3A_3540 = arith.constant 0 : i32
    %dma_wait3A_3541 = arith.constant 0 : i32
    %dma_wait3A_3542 = arith.constant 0 : i32
    %dma_wait3A_3543 = tpu.memref_slice %arg15[%dma_wait3A_3538, %dma_wait3A_3540, %dma_wait3A_3541, %dma_wait3A_3542] : memref<2x2x96x96xf32, #tpu.memory_space<vmem>> -> memref<1x2x96x96xf32, #tpu.memory_space<vmem>>
    %dma_wait3A_3544 = tpu.memref_squeeze %dma_wait3A_3543 : memref<1x2x96x96xf32, #tpu.memory_space<vmem>> -> memref<2x96x96xf32, #tpu.memory_space<vmem>>
    %dma_wait3A_3545 = arith.constant 0 : i32
    %dma_wait3A_3546 = arith.constant 0 : i32
    %dma_wait3A_3547 = arith.constant 0 : i32
    %dma_wait3A_3548 = tpu.memref_slice %arg6[%add3A_3107, %dma_wait3A_3539, %dma_wait3A_3545, %dma_wait3A_3546, %dma_wait3A_3547] : memref<128x4x2x96x96xf32, #tpu.memory_space<hbm>> -> memref<1x1x2x96x96xf32, #tpu.memory_space<hbm>>
    %dma_wait3A_3549 = tpu.memref_squeeze %dma_wait3A_3548 : memref<1x1x2x96x96xf32, #tpu.memory_space<hbm>> -> memref<2x96x96xf32, #tpu.memory_space<hbm>>
    %dma_wait3A_3550 = arith.constant 0 : i32
    %dma_wait3A_3551 = arith.constant 0 : i32
    %dma_wait3A_3552 = arith.constant 0 : i32
    %dma_wait3A_3553 = tpu.memref_slice %arg6[%add3A_3107, %dma_wait3A_3539, %dma_wait3A_3550, %dma_wait3A_3551, %dma_wait3A_3552] : memref<128x4x2x96x96xf32, #tpu.memory_space<hbm>> -> memref<1x1x2x96x96xf32, #tpu.memory_space<hbm>>
    %dma_wait3A_3554 = tpu.memref_squeeze %dma_wait3A_3553 : memref<1x1x2x96x96xf32, #tpu.memory_space<hbm>> -> memref<2x96x96xf32, #tpu.memory_space<hbm>>
    %dma_wait3A_3555 = arith.constant 0 : i32
    %dma_wait3A_3556 = arith.constant 0 : i32
    %dma_wait3A_3557 = arith.constant 0 : i32
    %dma_wait3A_3558 = tpu.memref_slice %arg15[%dma_wait3A_3538, %dma_wait3A_3555, %dma_wait3A_3556, %dma_wait3A_3557] : memref<2x2x96x96xf32, #tpu.memory_space<vmem>> -> memref<1x2x96x96xf32, #tpu.memory_space<vmem>>
    %dma_wait3A_3559 = tpu.memref_squeeze %dma_wait3A_3558 : memref<1x2x96x96xf32, #tpu.memory_space<vmem>> -> memref<2x96x96xf32, #tpu.memory_space<vmem>>
    tpu.wait_dma2 semaphore(%arg17 : memref<!tpu.dma_semaphore, #tpu.memory_space<semaphore_mem>>) src(%dma_wait3A_3559 : memref<2x96x96xf32, #tpu.memory_space<vmem>>) dst(%dma_wait3A_3554 : memref<2x96x96xf32, #tpu.memory_space<hbm>>)
    %barrier3A_3560 = arith.constant 0 : index
    tpu.barrier barrier_id(%barrier3A_3560)
    return
  }
}

</mosaic_0001>

<sc_bundles>
// kernel: _run.3.cloned.1.call-start
scs
__scs_entry_jumppad:
0x0: {  	(pc) =	sbr.rel $0x88, $3  }
0x1: {  	(tag) =	ssettag $0x0;
	lr =	simm.s32 $0x1  }
0x2: {  	[smem:$0x3F9D] =	sst lr;
	_ =	strace $0xD0000000  }
0x3: {  	_ = 	snop  }
0x4: {  	_ = 	snop  }
0x5: {  	_ = 	snop  }
0x6: {  	_ = 	snop  }
0x7: {  	_ = 	snop  }
__scs_overlays_trampoline_lowered:
0x8: {  	[smem:$0x3FAC] =	sst s0  }
0x9: {  	[smem:$0x3FAD] =	sst s1  }
0xa: {  	[smem:$0x3FAE] =	sst s2  }
0xb: {  	[smem:$0x3FAF] =	sst s3  }
0xc: {  	[smem:$0x3FB0] =	sst s4  }
0xd: {  	[smem:$0x3FB1] =	sst s5  }
0xe: {  	[smem:$0x3FB2] =	sst s6  }
0xf: {  	[smem:$0x3FB3] =	sst s7  }
0x10: {  	[smem:$0x3FB4] =	sst s8  }
0x11: {  	[smem:$0x3FB5] =	sst s9;
	s0 =	simm.s32 @!p0 $0x0  }
0x12: {  	s1 =	sld [smem:$0x3F9B];
	s0 =	simm.s32 @p0 $0x1  }
0x13: {  	[smem:$0x3FB6] =	sst s0;
	s0 =	simm.s32 @!p1 $0x0  }
0x14: {  	s2 =	sld [smem:$0x3F9A];
	s0 =	simm.s32 @p1 $0x1  }
0x15: {  	[smem:$0x3FB7] =	sst s0;
	s0 =	simm.s32 @!p2 $0x0  }
0x16: {  	s3 =	sld [smem:$0x3FDB];
	s0 =	simm.s32 @p2 $0x1  }
0x17: {  	s4 =	simm.s32 $0x1BF5;
	[smem:$0x3FB9] =	sst s0  }
0x18: {  	s0 =	sld [smem:$0x3F9C];
	_ =	swait.ge [sflag:s4], $0x0  }
0x19: {  	s7 =	sld [smem:$0x3F9D]  }
0x1a: {  	s8 =	sadd.s32 $0xFFFFE003, lr  }
0x1b: {  	s9 =	sadd.s32 $0xFFFFFEF7, lr;
	s5 =	simm.s32 $0xFFFFFFFF;
	p2 =	slt.u32 s8, $0xFFFFF086  }
0x1c: {  	p1 =	slt.u32 s9, $0xF7A;
	s5 =	simm.s32 @!p2 $0x0  }
0x1d: {  	s5 =	simm.s32 @p1 $0x1;
	p0 =	seq.s32 s7, s2  }
0x1e: {  	s7 =	smul.u32 @!p0 $0xF7A, s2;
	p2 =	seq.s32 @!p0 s5, $0x0  }
0x1f: {  	s9 =	smul.u32 $0xF7A, s1;
	s8 =	simm.s32 @!p0 $0x1BF5;
	p2 =	por !p2, p0  }
0x20: {  	[sflag:s8] =	ssyncset.s32 @!p0 $0xFFFFF086;
	s6 =	sadd.s32 @!p0 s3, s7;
	s7 =	simm.s32 @!p0 $0x108  }
0x21: {  	s3 =	sadd.s32 s3, s9;
	s6 =	sadd.s32 @!p0 $0x88, s6;
	s7 =	simm.s32 @p2 $0x1082  }
0x22: {  	[simem:s7], [sflag:s8] =	dma.local @!p0 [hbm:s6], $0xF7A  }
0x23: {  	s9 =	sor.u32 $0xD0000000, s2;
	s6 =	simm.s32 $0x108;
	_ =	swait.ge @!p0 [sflag:s8], $0x0  }
0x24: {  	s3 =	sadd.s32 $0x88, s3;
	s6 =	simm.s32 @!p1 $0x1082;
	[sflag:s4] =	ssyncset.s32 $0xFFFFF086  }
0x25: {  	[simem:s6], [sflag:s4] =	dma.local [hbm:s3], $0xF7A  }
0x26: {  	[smem:$0x3F9D] =	sst s1;
	(tag) =	ssettag s2;
	_ =	strace s9  }
0x27: {  	s1 =	sld [smem:$0x3FAD]  }
0x28: {  	s2 =	sld [smem:$0x3FAE]  }
0x29: {  	s4 =	sld [smem:$0x3FB0]  }
0x2a: {  	p0 =	seq.s32 s5, $0x0;
	s5 =	sld [smem:$0x3FB1]  }
0x2b: {  	s6 =	sld [smem:$0x3FB2]  }
0x2c: {  	s7 =	sld [smem:$0x3FB3]  }
0x2d: {  	s3 =	simm.s32 $0x108;
	s8 =	sld [smem:$0x3FB4]  }
0x2e: {  	s3 =	simm.s32 @!p0 $0x1082;
	s9 =	sld [smem:$0x3FB5]  }
0x2f: {  	lr =	sadd.s32 s0, s3;
	s0 =	sld [smem:$0x3FAC]  }
0x30: {  	s3 =	sld [smem:$0x3FAF]  }
0x31: {  	[smem:$0x3FB8] =	sst s10  }
0x32: {  	s10 =	sld [smem:$0x3FB6];
	_ =	sdelay $0x3  }
0x33: {  	p0 =	seq.s32 s10, $0x1;
	s10 =	sld [smem:$0x3FB8];
	_ =	sdelay $0x3  }
0x34: {  	[smem:$0x3FB8] =	sst s10  }
0x35: {  	s10 =	sld [smem:$0x3FB7];
	_ =	sdelay $0x3  }
0x36: {  	p1 =	seq.s32 s10, $0x1;
	s10 =	sld [smem:$0x3FB8];
	_ =	sdelay $0x3  }
0x37: {  	[smem:$0x3FB8] =	sst s10  }
0x38: {  	s10 =	sld [smem:$0x3FB9]  }
0x39: {  	_ = 	snop;
	(pc) =	sbr.ind lr, $3  }
0x3a: {  	_ = 	snop  }
0x3b: {  	_ = 	snop  }
0x3c: {  	p2 =	seq.s32 s10, $0x1;
	s10 =	sld [smem:$0x3FB8]  }
0x3d: {  	_ =	shalt  }
0x3e: {  	_ =	shalt  }
0x3f: {  	_ =	shalt  }
0x40: {  	_ =	shalt  }
0x41: {  	_ =	shalt  }
0x42: {  	_ =	shalt  }
0x43: {  	_ =	shalt  }
0x44: {  	_ =	shalt  }
0x45: {  	_ =	shalt  }
0x46: {  	_ =	shalt  }
0x47: {  	_ =	shalt  }
0x48: {  	_ =	shalt  }
0x49: {  	_ =	shalt  }
0x4a: {  	_ =	shalt  }
0x4b: {  	_ =	shalt  }
0x4c: {  	_ =	shalt  }
0x4d: {  	_ =	shalt  }
0x4e: {  	_ =	shalt  }
0x4f: {  	_ =	shalt  }
0x50: {  	_ =	shalt  }
0x51: {  	_ =	shalt  }
0x52: {  	_ =	shalt  }
0x53: {  	_ =	shalt  }
0x54: {  	_ =	shalt  }
0x55: {  	_ =	shalt  }
0x56: {  	_ =	shalt  }
0x57: {  	_ =	shalt  }
0x58: {  	_ =	shalt  }
0x59: {  	_ =	shalt  }
0x5a: {  	_ =	shalt  }
0x5b: {  	_ =	shalt  }
0x5c: {  	_ =	shalt  }
0x5d: {  	_ =	shalt  }
0x5e: {  	_ =	shalt  }
0x5f: {  	_ =	shalt  }
0x60: {  	_ =	shalt  }
0x61: {  	_ =	shalt  }
0x62: {  	_ =	shalt  }
0x63: {  	_ =	shalt  }
0x64: {  	_ =	shalt  }
0x65: {  	_ =	shalt  }
0x66: {  	_ =	shalt  }
0x67: {  	_ =	shalt  }
0x68: {  	_ =	shalt  }
0x69: {  	_ =	shalt  }
0x6a: {  	_ =	shalt  }
0x6b: {  	_ =	shalt  }
0x6c: {  	_ =	shalt  }
0x6d: {  	_ =	shalt  }
0x6e: {  	_ =	shalt  }
0x6f: {  	_ =	shalt  }
0x70: {  	_ =	shalt  }
0x71: {  	_ =	shalt  }
0x72: {  	_ =	shalt  }
0x73: {  	_ =	shalt  }
0x74: {  	_ =	shalt  }
0x75: {  	_ =	shalt  }
0x76: {  	_ =	shalt  }
0x77: {  	_ =	shalt  }
0x78: {  	_ =	shalt  }
0x79: {  	_ =	shalt  }
0x7a: {  	_ =	shalt  }
0x7b: {  	_ =	shalt  }
0x7c: {  	_ =	shalt  }
0x7d: {  	_ =	shalt  }
0x7e: {  	_ =	shalt  }
0x7f: {  	_ =	shalt  }
0x80: {  	_ =	shalt  }
0x81: {  	_ =	shalt  }
0x82: {  	_ =	shalt  }
0x83: {  	_ =	shalt  }
0x84: {  	_ =	shalt  }
0x85: {  	_ =	shalt  }
0x86: {  	_ =	shalt  }
0x87: {  	_ =	shalt  }
.Lfunc_end0:
.L_simem_size_0:
called_computation_lowered:
.L_overlay_start_0:
0x88: {  	s2 =	sld [smem:$0x3FD9]  }
0x89: {  	s3 =	sld [smem:$0x3FFE];
	_ =	sdelay $0x1  }
0x8a: {  	s1 =	srdreg.scid  }
0x8b: {  	s0 =	sand.u32 $0x1, s1  }
0x8c: {  	s17 =	sshll.u32 s0, $0xA;
	s2 =	sadd.s32 s3, s2  }
0x8d: {  	s2 =	sadd.s32 s2, s17  }
0x8e: {  	[smem:$0x3FC4] =	sst s2  }
0x8f: {  	_ = 	snop  }
0x90: {  	s2 =	sld [smem:$0x3FC9]  }
0x91: {  	s18 =	sld [smem:$0x3FC8]  }
0x92: {  	s4 =	sld [smem:$0x3FC7]  }
0x93: {  	s5 =	sld [smem:$0x3FC6];
	(tm) =	ssettm $0x1  }
0x94: {  	s6 =	sld [smem:$0x3FFB];
	_ =	sdelay $0x3  }
0x95: {  	_ =	strace s6  }
0x96: {  	s6 =	sld [smem:$0x3FFC];
	_ =	sdelay $0x3  }
0x97: {  	_ =	strace s6  }
0x98: {  	s6 =	sld [smem:$0x3FFD];
	_ =	sdelay $0x3  }
0x99: {  	_ =	strace s6  }
0x9a: {  	_ =	strace $0x8FFFFFFF  }
0x9b: {  	s19 =	sld [smem:$0x3FDB];
	_ =	sdelay $0x1  }
0x9c: {  	s7 =	simm.s32 $_scs_section_size  }
0x9d: {  	s8 =	simm.s32 $_size__tile_overlayer_lowered;
	s9 =	simm.s32 $_tile_overlayer_lowered  }
0x9e: {  	s22 =	simm.s32 $0x1BFF;
	s21 =	sshll.u32 s9, $0x1;
	s6 =	sadd.s32 s7, s19  }
0x9f: {  	s10 =	simm.s32 $0x0;
	s20 =	sshll.u32 s8, $0x1;
	s8 =	sadd.s32 s21, s6  }
0xa0: {  	[timem:s10], [sflag:s22] =	dma.local [hbm:s8], s20  }
0xa1: {  	_ =	swait.ge [sflag:s22], s20  }
0xa2: {  	s7 =	ssub.s32 $0x0, s20;
	[sflag:s22] =	ssyncset.done $0x0  }
0xa3: {  	[sflag:s22] =	ssyncadd.s32 s7;
	_ =	sdelay $0x1  }
0xa4: {  	s23 =	simm.s32 $0x1B8B  }
0xa5: {  	_ =	swait.ge [sflag:s23], $0x1  }
0xa6: {  	[sflag:s23] =	ssyncset.done $0x0  }
0xa7: {  	s25 =	simm.s32 $0x1B8E;
	s24 =	sld [smem:$0x3FFE];
	[sflag:s23] =	ssyncadd.s32 $0xFFFFFFFF  }
0xa8: {  	s26 =	simm.s32 $execute0_lowered;
	[smem:$0x3FD2] =	sst s25  }
0xa9: {  	s8 =	sshll.u32 s26, $0x1;
	_ =	strace $0x80000046;
	[dreg:$0x1] =	wrdreg $0xFFFFFFFF  }
0xaa: {  	s28 =	simm.s32 $_size_execute0_lowered;
	s6 =	sadd.s32 s6, s8;
	[dreg:$0x0] =	wrdreg $0x0  }
0xab: {  	s8 =	sshll.u32 s28, $0x1;
	[dreg:$0x2] =	wrdreg s6  }
0xac: {  	[dreg:$0x3] =	wrdreg s8  }
0xad: {  	[dreg:$0x4] =	wrdreg $0xC0  }
0xae: {  	_ =	task [dreg:s10], $0x5FFFF  }
0xaf: {  	[dreg:$0x1] =	wrdreg $0xFFFFFFFF  }
0xb0: {  	[dreg:$0x0] =	wrdreg $0x60  }
0xb1: {  	[dreg:$0x2] =	wrdreg s2  }
0xb2: {  	[dreg:$0x3] =	wrdreg s18  }
0xb3: {  	[dreg:$0x4] =	wrdreg s4  }
0xb4: {  	[dreg:$0x5] =	wrdreg s5  }
0xb5: {  	[dreg:$0x6] =	wrdreg s24  }
0xb6: {  	[dreg:$0x7] =	wrdreg $0x9  }
0xb7: {  	_ =	task.clear_ibuf [dreg:s10], $0x8FFFF;
	_ =	strace $0x90000046  }
0xb8: {  	s29 =	simm.s32 $0x9;
	_ =	strace $0x80000048  }
0xb9: {  	_ =	swait.ge [sflag:s29], $0x1  }
0xba: {  	[sflag:s29] =	ssyncadd.s32 $0xFFFFFFFF  }
0xbb: {  	_ =	strace $0x90000048  }
0xbc: {  	_ =	sfence  }
0xbd: {  	s30 =	sld [smem:$0x0];
	_ =	sdelay $0x2  }
0xbe: {  	s31 =	sshll.u32 s1, $0xD;
	s1 =	sshrl.u32 s1, $0x2  }
0xbf: {  	s3 =	sand.u32 $0x4000, s31;
	s1 =	sadd.s32 s1, s30  }
0xc0: {  	s0 =	sor.u32 s3, s0;
	s1 =	sshll.u32 s1, $0x11  }
0xc1: {  	s0 =	sor.u32 s1, s0  }
0xc2: {  	s0 =	sadd.s32 $0x8F2B, s0  }
0xc3: {  	[sflag:s0] =	ssyncadd.remote.s32 $0x1  }
0xc4: {  	_ =	sfence.sel $0xFFFF  }
0xc5: {  	[dreg:$0x0] =	wrdreg $0xFFFFFFFF;
	(pc) =	sbr.abs _section_cstart, $3  }
0xc6: {  	[dreg:$0x1] =	wrdreg $0xFFFFFFFF  }
0xc7: {  	_ =	task.clear_ibuf [dreg:s10], $0x2FFFF;
	_ =	strace $0x9FFFFFFF  }
0xc8: {  	(tm) =	ssettm $0x7FFFFFFF  }
0xc9: {  	_ =	shalt  }
tec
execute0_lowered:
.L_overlay_start_1:
0x0: {  	(tag) =	ssettag $0x1  }
0x1: {  	v0 =	vimm.s32 $0xFB733  }
0x2: {  	v1 =	vlaneseq.u32;
	v3 =	vimm.f32 $5.000000000e+01;
	v4 =	vimm.s32 $0x2B27232F  }
0x3: {  	vm0 =	vcmask $0x2314;
	v5 =	vimm.s32 $0x3B373300;
	vm1 =	vcmask $0x704  }
0x4: {  	v54 =	vimm.s32 $0xD3CFCBCB;
	v55 =	vimm.s32 $0x2;
	v56 =	vimm.s32 $0xE3DFDBD7  }
0x5: {  	vm2 =	vcmask $0xF00;
	v6 =	vimm.s32 $0xF3EFEBE7;
	v7 =	vimm.s32 $0xFFFBF7  }
0x6: {  	s2 =	rddreg [dreg:$0x0];
	v59 =	vimm.s32 $0x1CB;
	v60 =	vimm.s32 $0x293;
	v61 =	vimm.s32 $0xCB  }
0x7: {  	s1 =	rddreg [dreg:$0x1];
	s3 =	simm.s32 $0x0;
	v62 =	vimm.s32 $0x192;
	v46 =	vimm.s32 $0x193;
	v63 =	vimm.s32 $0x25A  }
0x8: {  	v51 =	vimm.s32 $0x25B;
	[smem:$0x7FF] =	sst s3;
	v2 =	vunpack.c.l.s4.s8 v0;
	v0 =	vmul.u32 $0x4, v1  }
0x9: {  	s0 =	rddreg [dreg:$0x4];
	v1 =	vimm.f32 $0.0e+00;
	v4 =	vunpack.c.0.s8.s32 v4;
	v6 =	vunpack.c.0.s8.s32 v6;
	_ =	strace $0x80000047  }
0xa: {  	v7 =	vunpack.c.0.s8.s32 v7;
	(erf) = vrcp.f32 v3;
	v2 =	vunpack.c.0.s8.s32 v2  }
0xb: {  	v3 =	vor.u32 $0x1, v0;
	v52 =	vor.u32 $0x2, v0;
	v53 =	vor.u32 $0x3, v0  }
0xc: {  	v14 =	vor.u32 $0x83, v0;
	v15 =	vadd.s32 $0x7F, v0;
	v57 =	vand.u32 $0xFF, v6  }
0xd: {  	v58 =	vand.u32 $0xFF, v7;
	v24 =	vadd.s32 $0xC8, v0;
	v25 =	vadd.s32 $0xC9, v0  }
0xe: {  	v26 =	vadd.s32 $0xCA, v0;
	v27 =	vadd.s32 $0xCB, v0;
	v28 =	vadd.s32 $0x108, v0  }
0xf: {  	v29 =	vadd.s32 $0x109, v0;
	v30 =	vadd.s32 $0x10A, v0;
	v31 =	vadd.s32 $0x10B, v0  }
0x10: {  	v32 =	vadd.s32 $0x107, v0;
	v33 =	vadd.s32 $0x148, v0;
	[tilespmem:$0x1FF40] =	vst v3;
	v3 =	vimm.s32 $0x1B17131F  }
0x11: {  	v34 =	vadd.s32 $0x149, v0;
	v35 =	vadd.s32 $0x14A, v0;
	v3 =	vunpack.c.0.s8.s32 v3  }
0x12: {  	v36 =	vadd.s32 $0x14B, v0;
	v37 =	vadd.s32 $0x147, v0;
	v2 =	vand.u32 $0xF, v2  }
0x13: {  	v2 =	vsel vm0, v3, v2;
	vm0 =	vcmask $0x3324;
	v3 =	vunpack.c.0.s8.s32 v5  }
0x14: {  	v5 =	vunpack.c.0.s8.s32 v56;
	v2 =	vsel vm0, v4, v2;
	vm0 =	vcmask $0x3F34  }
0x15: {  	v4 =	vunpack.c.0.s8.s32 v54;
	v2 =	vsel vm0, v3, v2;
	vm0 =	vcmask $0x300  }
0x16: {  	v3 =	vimm.s32 $0x1;
	v5 =	vand.u32 $0xFF, v5;
	[tilespmem:$0x1FF70] =	vst v2;
	v2 =	vor.u32 $0x40, v0  }
0x17: {  	v3 =	vsel vm0, $0xC1, v3;
	v4 =	vand.u32 $0xFF, v4;
	[tilespmem:$0x1FF80] =	vst v2;
	v2 =	vor.u32 $0x41, v0  }
0x18: {  	v4 =	vnsel vm2, $0x103, v4;
	vm2 =	vcmask $0x1F10;
	[tilespmem:$0x1FF90] =	vst v2;
	v2 =	vor.u32 $0x42, v0  }
0x19: {  	v4 =	vsel vm2, v5, v4;
	vm2 =	vcmask $0x2F20;
	[tilespmem:$0x1FFA0] =	vst v2;
	v2 =	vor.u32 $0x43, v0  }
0x1a: {  	v4 =	vsel vm2, v57, v4;
	vm2 =	vcmask $0x3B30;
	[tilespmem:$0x1FFB0] =	vst v2;
	v2 =	vadd.s32 $0x3F, v0  }
0x1b: {  	v19 =	vsel vm2, v58, v4;
	vm2 =	vcmask $0x700;
	[tilespmem:$0x1FFC0] =	vst v2;
	v2 =	vor.u32 $0x80, v0  }
0x1c: {  	v4 =	vsel vm2, $0x193, v59;
	v5 =	vsel vm2, $0x25B, v60;
	vm2 =	vcmask $0xB08  }
0x1d: {  	v17 =	vsel vm1, $0xC5, v3;
	[tilespmem:$0x1FFD0] =	vst v2;
	v2 =	vor.u32 $0x81, v0;
	v4 =	vsel vm2, $0x197, v4  }
0x1e: {  	v5 =	vsel vm2, $0x25F, v5;
	vm2 =	vcmask $0xF0C;
	[tilespmem:$0x1FFE0] =	vst v2;
	v2 =	vor.u32 $0x82, v0  }
0x1f: {  	v4 =	vsel vm2, $0x19B, v4;
	v5 =	vsel vm2, $0x263, v5;
	vm2 =	vcmask $0x1310  }
0x20: {  	v3 =	vimm.s32 $0x3;
	[tilespmem:$0x1FFF0] =	vst v2;
	v2 =	vimm.s32 $0x0;
	v4 =	vsel vm2, $0x19F, v4  }
0x21: {  	v5 =	vsel vm2, $0x267, v5;
	vm2 =	vcmask $0x1714;
	v2 =	vsel vm0, $0xC0, v2  }
0x22: {  	v4 =	vsel vm2, $0x1A3, v4;
	v5 =	vsel vm2, $0x26B, v5;
	vm2 =	vcmask $0x1B18  }
0x23: {  	v16 =	vsel vm1, $0xC4, v2;
	v2 =	vsel vm0, $0xC2, v55;
	v4 =	vsel vm2, $0x1A7, v4  }
0x24: {  	v5 =	vsel vm2, $0x26F, v5;
	vm2 =	vcmask $0x1F1C;
	v18 =	vsel vm1, $0xC6, v2  }
0x25: {  	s4 =	srdreg.scid;
	s5 =	stileid.u32;
	v4 =	vsel vm2, $0x1AB, v4;
	v5 =	vsel vm2, $0x273, v5;
	vm2 =	vcmask $0x2320  }
0x26: {  	s4 =	sand.u32 $0x1, s4;
	s5 =	sshll.u32 s5, $0x1;
	v2 =	vsel vm0, $0xC3, v3;
	v3 =	vsel vm0, $0xBF, v3;
	v4 =	vsel vm2, $0x1AF, v4  }
0x27: {  	s28 =	simm.s32 $0x3;
	s5 =	sor.u32 s4, s5;
	v5 =	vsel vm2, $0x277, v5;
	vm2 =	vcmask $0x2724;
	v22 =	vsel vm1, $0xC7, v2  }
0x28: {  	s29 =	simm.s32 $0x0;
	s10 =	sadd.s32 $0x400, s0;
	s6 =	smul.u32 $0x64, s5;
	v23 =	vsel vm1, $0xC3, v3;
	v2 =	vimm.s32 $0xC8;
	v3 =	vimm.s32 $0xCA  }
0x29: {  	s21 =	sadd.s32 $0x1000, s0;
	s4 =	ssub.s32 $0x2, s4;
	s7 =	smul.u32 $0x19, s5;
	v4 =	vsel vm2, $0x1B3, v4;
	v5 =	vsel vm2, $0x27B, v5;
	vm2 =	vcmask $0x2B28  }
0x2a: {  	s8 =	sshrl.u32 s4, $0x1;
	s9 =	smul.u32 $0x60000, s5;
	s5 =	sshll.u32 s5, $0x2;
	v2 =	vsel vm0, $0x188, v2;
	v4 =	vsel vm2, $0x1B7, v4;
	v5 =	vsel vm2, $0x27F, v5  }
0x2b: {  	s0 =	sadd.s32 $0x1C00, s0;
	s4 =	ssub.s32 s4, s8;
	s8 =	sor.u32 $0x1, s5;
	vm2 =	vcmask $0x2F2C;
	v38 =	vsel vm1, $0x18C, v2;
	v2 =	vimm.s32 $0xC9  }
0x2c: {  	s11 =	sor.u32 $0x2, s5;
	s2 =	sadd.s32 s2, s6;
	s1 =	sadd.s32 s1, s7;
	v4 =	vsel vm2, $0x1BB, v4;
	v5 =	vsel vm2, $0x283, v5;
	vm2 =	vcmask $0x3330  }
0x2d: {  	s20 =	sshrl.u32 s9, $0x3;
	s22 =	smul.u32 $0x18000, s8;
	[dreg:$0x6] =	wrdreg s2;
	v2 =	vsel vm0, $0x189, v2;
	v4 =	vsel vm2, $0x1BF, v4;
	v5 =	vsel vm2, $0x287, v5  }
0x2e: {  	s25 =	smul.u32 $0x18000, s11;
	[dreg:$0x7] =	wrdreg s1;
	s23 =	sadd.s32 s20, s21;
	vm2 =	vcmask $0x3734;
	v39 =	vsel vm1, $0x18D, v2;
	v2 =	vsel vm0, $0x18A, v3  }
0x2f: {  	s9 =	sadd.s32 s10, s20;
	s1 =	sadd.s32 s20, s0;
	[dreg:$0x8] =	wrdreg s23;
	v3 =	vsel vm0, $0x18B, v61;
	v4 =	vsel vm2, $0x1C3, v4;
	v5 =	vsel vm2, $0x28B, v5  }
0x30: {  	s2 =	simm.s32 $0x1;
	[dreg:$0x9] =	wrdreg s1;
	s24 =	sshrl.u32 s22, $0x3;
	vm2 =	vcmask $0x3B38;
	v40 =	vsel vm1, $0x18E, v2;
	v2 =	vsel vm0, $0x187, v61  }
0x31: {  	s26 =	sadd.s32 $0x2400, s9;
	s31 =	sshrl.u32 s25, $0x3;
	s22 =	sadd.s32 $0x9000, s9;
	v41 =	vsel vm1, $0x18F, v3;
	v42 =	vsel vm1, $0x18B, v2;
	v2 =	vimm.s32 $0x190  }
0x32: {  	s23 =	sadd.s32 $0x9C00, s9;
	s25 =	smax.u32 s4, $0x1;
	s4 =	simm.s32 $0x6880;
	v3 =	vimm.s32 $0x191;
	v20 =	vsel vm2, $0x1C7, v4;
	v2 =	vsel vm0, $0x250, v2  }
0x33: {  	[dreg:$0xa] =	wrdreg s26;
	s14 =	sadd.s32 s10, s24;
	s1 =	sadd.s32 s24, s21;
	v21 =	vsel vm2, $0x28F, v5;
	v43 =	vsel vm1, $0x254, v2;
	v2 =	vsel vm0, $0x252, v62  }
0x34: {  	s18 =	sadd.s32 s10, s31;
	s19 =	sadd.s32 s31, s21;
	s20 =	sadd.s32 s31, s0;
	v3 =	vsel vm0, $0x251, v3;
	v45 =	vsel vm1, $0x256, v2;
	v2 =	vimm.s32 $0x258  }
0x35: {  	s24 =	sadd.s32 $0xA800, s9;
	s26 =	sadd.s32 $0xB400, s9;
	s0 =	simm.s32 $0x880;
	v44 =	vsel vm1, $0x255, v3;
	v3 =	vimm.s32 $0x259;
	v2 =	vsel vm0, $0x318, v2  }
0x36: {  	[tilespmem:$0x1FF50] =	vst v52;
	[dreg:$0xb] =	wrdreg s1;
	s30 =	sadd.s32 $0x1800, s14;
	s17 =	sadd.s32 $0x2400, s14;
	v47 =	vsel vm1, $0x31C, v2;
	v2 =	vsel vm0, $0x319, v3;
	v3 =	vsel vm0, $0x31A, v63  }
0x37: {  	[tilespmem:$0x1FF60] =	vst v53;
	s21 =	sadd.s32 $0x2400, s18;
	s1 =	simm.s32 $0x2;
	[dreg:$0xc] =	wrdreg s30;
	v48 =	vpop (erf);
	vm2 =	vmmov $0x3;
	v49 =	vsel vm1, $0x31D, v2;
	v50 =	vsel vm1, $0x31E, v3  }
.LBB2_1:
0x38: {  	s6 =	rddreg [dreg:$0x6]  }
0x39: {  	[tilespmem:s3], [sflag:$0x3] =	stream.linear.gather [hbm4b:s6+s3], $0x320, $0x38;
	[tilespmem:$0xC880] =	vst v63  }
0x3a: {  	_ =	swait.ge [sflag:s28], $0x320  }
0x3b: {  	[sflag:s28] =	ssyncset.done $0x0  }
0x3c: {  	s7 =	simm.s32 $0x380;
	s13 =	rddreg [dreg:$0x7];
	[sflag:s28] =	ssyncadd.s32 $0xFFFFFCE0  }
0x3d: {  	[tilespmem:s7], [sflag:$0x3] =	stream.linear.gather [hbm4b:s13+s3], $0xC8, $0x38;
	[tilespmem:$0xC880] =	vst v63  }
0x3e: {  	_ =	swait.ge [sflag:s28], $0xC8  }
0x3f: {  	[sflag:s28] =	ssyncset.done $0x0  }
0x40: {  	[sflag:s28] =	ssyncadd.s32 $0xFFFFFF38  }
0x41: {  	s16 =	simm.s32 $0x480;
	s15 =	rddreg [dreg:$0x2]  }
0x42: {  	[tilespmem:s16], [sflag:$0x3] =	stream.linear.gather [hbm4b:s15+s3], $0x80, $0x38;
	[tilespmem:$0xC880] =	vst v63  }
0x43: {  	_ =	swait.ge [sflag:s28], $0x80  }
0x44: {  	[sflag:s28] =	ssyncset.done $0x0  }
0x45: {  	[sflag:s28] =	ssyncadd.s32 $0xFFFFFF80  }
0x46: {  	s31 =	simm.s32 $0x580;
	s30 =	rddreg [dreg:$0x3]  }
0x47: {  	[tilespmem:s31], [sflag:$0x3] =	stream.linear.gather [hbm4b:s30+s3], $0x80, $0x38;
	[tilespmem:$0xC880] =	vst v63  }
0x48: {  	_ =	swait.ge [sflag:s28], $0x80  }
0x49: {  	[sflag:s28] =	ssyncset.done $0x0  }
0x4a: {  	s6 =	simm.s32 $0x0;
	s7 =	simm.s32 $0x200;
	[sflag:s28] =	ssyncadd.s32 $0xFFFFFF80  }
.LBB2_2:
0x4b: {  	p0 =	sne.s32 s7, $0xBE00;
	[tilespmem:s6+$0x98D0] =	vst v1  }
0x4c: {  	[tilespmem:s6+$0x880] =	vst v1  }
0x4d: {  	[tilespmem:s6+$0x890] =	vst v1  }
0x4e: {  	[tilespmem:s6+$0x8A0] =	vst v1  }
0x4f: {  	[tilespmem:s6+$0x8B0] =	vst v1  }
0x50: {  	[tilespmem:s6+$0x8C0] =	vst v1  }
0x51: {  	[tilespmem:s6+$0x8D0] =	vst v1  }
0x52: {  	[tilespmem:s6+$0x3880] =	vst v1  }
0x53: {  	[tilespmem:s6+$0x3890] =	vst v1  }
0x54: {  	[tilespmem:s6+$0x38A0] =	vst v1  }
0x55: {  	[tilespmem:s6+$0x38B0] =	vst v1  }
0x56: {  	[tilespmem:s6+$0x38C0] =	vst v1  }
0x57: {  	[tilespmem:s6+$0x38D0] =	vst v1  }
0x58: {  	[tilespmem:s6+$0x6880] =	vst v1  }
0x59: {  	[tilespmem:s6+$0x6890] =	vst v1  }
0x5a: {  	[tilespmem:s6+$0x68A0] =	vst v1  }
0x5b: {  	[tilespmem:s6+$0x68B0] =	vst v1  }
0x5c: {  	[tilespmem:s6+$0x68C0] =	vst v1  }
0x5d: {  	[tilespmem:s6+$0x68D0] =	vst v1  }
.Ltmp0:
0x5e: {  	[tilespmem:s6+$0x9880] =	vst v1;
	(pc) =	sbr.rel @p0 .LBB2_2-.Ltmp0, $4  }
0x5f: {  	[tilespmem:s6+$0x9890] =	vst v1  }
0x60: {  	[tilespmem:s6+$0x98A0] =	vst v1  }
0x61: {  	[tilespmem:s6+$0x98B0] =	vst v1  }
0x62: {  	[tilespmem:s6+$0x98C0] =	vst v1;
	s6 =	sshra.s32 s7, $0x2;
	s7 =	sadd.s32 $0x200, s7  }
0x63: {  	[tilespmem:s6+$0x98D0] =	vst v1  }
0x64: {  	[tilespmem:s6+$0x880] =	vst v1  }
0x65: {  	[tilespmem:s6+$0x890] =	vst v1  }
0x66: {  	[tilespmem:s6+$0x8A0] =	vst v1  }
0x67: {  	[tilespmem:s6+$0x8B0] =	vst v1  }
0x68: {  	[tilespmem:s6+$0x8C0] =	vst v1  }
0x69: {  	[tilespmem:s6+$0x8D0] =	vst v1  }
0x6a: {  	[tilespmem:s6+$0x3880] =	vst v1  }
0x6b: {  	[tilespmem:s6+$0x3890] =	vst v1  }
0x6c: {  	[tilespmem:s6+$0x38A0] =	vst v1  }
0x6d: {  	[tilespmem:s6+$0x38B0] =	vst v1  }
0x6e: {  	[tilespmem:s6+$0x38C0] =	vst v1  }
0x6f: {  	[tilespmem:s6+$0x38D0] =	vst v1  }
0x70: {  	[tilespmem:s6+$0x6880] =	vst v1  }
0x71: {  	[tilespmem:s6+$0x6890] =	vst v1  }
0x72: {  	[tilespmem:s6+$0x68A0] =	vst v1  }
0x73: {  	[tilespmem:s6+$0x68B0] =	vst v1  }
0x74: {  	[tilespmem:s6+$0x68C0] =	vst v1;
	v3 =	vld [tilespmem:$0x1FF40]  }
0x75: {  	[tilespmem:s6+$0x68D0] =	vst v1;
	v4 =	vld [tilespmem:$0x1FF50]  }
0x76: {  	[tilespmem:s6+$0x9880] =	vst v1  }
0x77: {  	[tilespmem:s6+$0x9890] =	vst v1  }
0x78: {  	[tilespmem:s6+$0x98A0] =	vst v1  }
0x79: {  	[tilespmem:s6+$0x98B0] =	vst v1  }
0x7a: {  	[tilespmem:s6+$0x98C0] =	vst v1  }
0x7b: {  	v2 =	vld.idx.msk [tilespmem:v0+s3+$0x0], $0xffff  }
0x7c: {  	v3 =	vld.idx.msk [tilespmem:v3+s3+$0x0], $0xffff  }
0x7d: {  	v4 =	vld.idx.msk [tilespmem:v4+s3+$0x0], $0xffff;
	_ =	sdelay $0x2  }
0x7e: {  	v2 =	vtrunc.f32 v2  }
0x7f: {  	v2 =	vcvt.f32.s32 v2  }
0x80: {  	v3 =	vtrunc.f32 v3;
	v4 =	vtrunc.f32 v4  }
0x81: {  	v3 =	vcvt.f32.s32 v3;
	v53 =	vcvt.f32.s32 v4  }
0x82: {  	v4 =	vshll.u32 v2, $0x7  }
0x83: {  	v5 =	vshll.u32 v53, $0xE;
	v4 =	vadd.s32 v3, v4  }
0x84: {  	v7 =	vadd.s32 v5, v4;
	v4 =	vld [tilespmem:$0x1FF60]  }
0x85: {  	v5 =	vld [tilespmem:$0x1FF70];
	_ =	sdelay $0x5  }
0x86: {  	[tilespmem:$0x600] =	vst v7  }
0x87: {  	v4 =	vld.idx.msk [tilespmem:v4+s3+$0x0], $0xffff  }
0x88: {  	v5 =	vld.idx.msk [tilespmem:v5+s3+$0x0], $0xffff;
	_ =	sdelay $0x4  }
0x89: {  	v4 =	vsub.f32 v5, v4;
	_ =	sdelay $0x1  }
0x8a: {  	v4 =	vmul.f32 v4, v48;
	_ =	sdelay $0x1  }
0x8b: {  	v4 =	vmul.f32 $1.442695020e+00, v4;
	_ =	sdelay $0x1  }
0x8c: {  	(erf) = vpow2.f32 v4;
	_ =	sdelay $0x2  }
0x8d: {  	v5 =	vld [tilespmem:$0x1FF90];
	_ =	sdelay $0x5  }
0x8e: {  	v4 =	vpop (erf)  }
0x8f: {  	[tilespmem:$0x680] =	vst v4;
	v4 =	vld [tilespmem:$0x1FF80]  }
0x90: {  	v6 =	vld.idx.msk [tilespmem:v5+s3+$0x0], $0xffff  }
0x91: {  	v5 =	vld [tilespmem:$0x1FFA0];
	_ =	sdelay $0x5  }
0x92: {  	v4 =	vld.idx.msk [tilespmem:v4+s3+$0x0], $0xffff;
	_ =	sdelay $0x1  }
0x93: {  	v8 =	vld.idx.msk [tilespmem:v5+s3+$0x0], $0xffff;
	_ =	sdelay $0x2  }
0x94: {  	v4 =	vtrunc.f32 v4  }
0x95: {  	v5 =	vcvt.f32.s32 v4  }
0x96: {  	v4 =	vtrunc.f32 v6;
	v6 =	vtrunc.f32 v8  }
0x97: {  	v55 =	vcvt.f32.s32 v4;
	v4 =	vcvt.f32.s32 v6  }
0x98: {  	v6 =	vshll.u32 v5, $0x7  }
0x99: {  	v9 =	vld [tilespmem:$0x1FFC0];
	v8 =	vshll.u32 v4, $0xE;
	v6 =	vadd.s32 v55, v6  }
0x9a: {  	v8 =	vadd.s32 v8, v6;
	v6 =	vld [tilespmem:$0x1FFB0];
	_ =	sdelay $0x5  }
0x9b: {  	[tilespmem:$0x610] =	vst v8  }
0x9c: {  	v52 =	vld.idx.msk [tilespmem:v9+s3+$0x0], $0xffff  }
0x9d: {  	v6 =	vld.idx.msk [tilespmem:v6+s3+$0x0], $0xffff;
	_ =	sdelay $0x4  }
0x9e: {  	v6 =	vsub.f32 v52, v6;
	_ =	sdelay $0x1  }
0x9f: {  	v6 =	vmul.f32 v6, v48;
	_ =	sdelay $0x1  }
0xa0: {  	v6 =	vmul.f32 $1.442695020e+00, v6;
	_ =	sdelay $0x1  }
0xa1: {  	(erf) = vpow2.f32 v6;
	_ =	sdelay $0x8  }
0xa2: {  	v59 =	vld [tilespmem:$0x1FFF0];
	v6 =	vpop (erf)  }
0xa3: {  	[tilespmem:$0x690] =	vst v6;
	v6 =	vld [tilespmem:$0x1FFD0]  }
0xa4: {  	v62 =	vld [tilespmem:$0x1FFE0];
	_ =	sdelay $0x5  }
0xa5: {  	v54 =	vld.idx.msk [tilespmem:v59+s3+$0x0], $0xffff  }
0xa6: {  	v6 =	vld.idx.msk [tilespmem:v6+s3+$0x0], $0xffff  }
0xa7: {  	v63 =	vld.idx.msk [tilespmem:v62+s3+$0x0], $0xffff;
	_ =	sdelay $0x3  }
0xa8: {  	v60 =	vtrunc.f32 v54;
	v6 =	vtrunc.f32 v6  }
0xa9: {  	v56 =	vcvt.f32.s32 v6;
	v6 =	vtrunc.f32 v63  }
0xaa: {  	v57 =	vcvt.f32.s32 v6;
	v6 =	vcvt.f32.s32 v60  }
0xab: {  	v61 =	vshll.u32 v56, $0x7  }
0xac: {  	v62 =	vshll.u32 v6, $0xE;
	v52 =	vadd.s32 v57, v61  }
0xad: {  	v52 =	vadd.s32 v62, v52  }
0xae: {  	[tilespmem:$0x620] =	vst v52  }
0xaf: {  	v63 =	vld.idx.msk [tilespmem:v14+s3+$0x0], $0xffff  }
0xb0: {  	v58 =	vld.idx.msk [tilespmem:v15+s3+$0x0], $0xffff;
	_ =	sdelay $0x4  }
0xb1: {  	v54 =	vsub.f32 v58, v63;
	_ =	sdelay $0x1  }
0xb2: {  	v54 =	vmul.f32 v54, v48;
	_ =	sdelay $0x1  }
0xb3: {  	v54 =	vmul.f32 $1.442695020e+00, v54;
	_ =	sdelay $0x1  }
0xb4: {  	(erf) = vpow2.f32 v54;
	_ =	sdelay $0x8  }
0xb5: {  	v54 =	vpop (erf)  }
0xb6: {  	[tilespmem:$0x6A0] =	vst v54  }
0xb7: {  	v54 =	vld.idx.msk [tilespmem:v16+s3+$0x0], $0xffff  }
0xb8: {  	v59 =	vld.idx.msk [tilespmem:v17+s3+$0x0], $0xffff  }
0xb9: {  	v60 =	vld.idx.msk [tilespmem:v18+s3+$0x0], $0xffff;
	_ =	sdelay $0x3  }
0xba: {  	v54 =	vtrunc.f32 v54;
	v9 =	vtrunc.f32 v59  }
0xbb: {  	v10 =	vtrunc.f32 v60;
	v58 =	vcvt.f32.s32 v54  }
0xbc: {  	v60 =	vcvt.f32.s32 v9;
	v59 =	vcvt.f32.s32 v10  }
0xbd: {  	v11 =	vshll.u32 v58, $0x7  }
0xbe: {  	v61 =	vshll.u32 v59, $0xE;
	v54 =	vadd.s32 v60, v11  }
0xbf: {  	v54 =	vadd.s32 v61, v54  }
0xc0: {  	v54 =	vnsel vm2, $0xFFFFFFFF, v54  }
0xc1: {  	[tilespmem:$0x630] =	vst v54  }
0xc2: {  	v9 =	vld.idx.msk [tilespmem:v22+s3+$0x0], $0xffff  }
0xc3: {  	v62 =	vld.idx.msk [tilespmem:v23+s3+$0x0], $0xffff;
	_ =	sdelay $0x4  }
0xc4: {  	v61 =	vsub.f32 v62, v9;
	_ =	sdelay $0x1  }
0xc5: {  	v61 =	vmul.f32 v61, v48;
	_ =	sdelay $0x1  }
0xc6: {  	v63 =	vld [tilespmem:$0x380];
	v61 =	vmul.f32 $1.442695020e+00, v61;
	_ =	sdelay $0x1  }
0xc7: {  	(erf) = vpow2.f32 v61;
	_ =	sdelay $0x2  }
0xc8: {  	(v2sf) =	vpush v63, $0x0;
	_ =	sdelay $0x5  }
0xc9: {  	v61 =	vpop (erf)  }
0xca: {  	[tilespmem:$0x6B0] =	vst v61  }
0xcb: {  	v61 =	vld.msk [tilespmem:$0x600 ss:$0x0], $0xffff;
	[tilespmem:$0x7C0] =	vst v1  }
0xcc: {  	[tilespmem:$0x800] =	vst v1  }
0xcd: {  	[tilespmem:$0x840] =	vst v1  }
0xce: {  	[tilespmem:$0x7D0] =	vst v1  }
0xcf: {  	[tilespmem:$0x810] =	vst v1  }
0xd0: {  	[tilespmem:$0x850] =	vst v1  }
0xd1: {  	[tilespmem:$0x7E0] =	vst v1  }
0xd2: {  	s13 =	spop (v2sf);
	[tilespmem:$0x820] =	vst v1  }
0xd3: {  	s6 =	simm.f32 $3.000000120e-01;
	p0 =	seq.s32 s13, $0x0;
	[tilespmem:$0x860] =	vst v1  }
0xd4: {  	s6 =	simm.s32 @!p0 $0x0;
	[tilespmem:$0x7F0] =	vst v1  }
0xd5: {  	[tilespmem:$0x830] =	vst v1;
	vm3 =	veq.s32 v7, v61;
	v7 =	vmov s6  }
0xd6: {  	[tilespmem:$0x870] =	vst v1;
	v10 =	vnsel vm3, $0x0, v7  }
0xd7: {  	v11 =	vsel vm3, $0x3E99999A, v1;
	vm3 =	veq.s32 v8, v61;
	[tilespmem:$0x700] =	vst v10  }
0xd8: {  	[tilespmem:$0x780] =	vst v11;
	v8 =	vnsel vm3, $0x0, v7  }
0xd9: {  	[tilespmem:$0x710] =	vst v8;
	v8 =	vsel vm3, $0x3E99999A, v1;
	vm3 =	veq.s32 v52, v61  }
0xda: {  	[tilespmem:$0x790] =	vst v8;
	v8 =	vnsel vm3, $0x0, v7  }
0xdb: {  	[tilespmem:$0x720] =	vst v8;
	v8 =	vsel vm3, $0x3E99999A, v1;
	vm3 =	veq.s32 v54, v61  }
0xdc: {  	[tilespmem:$0x7A0] =	vst v8;
	v7 =	vnsel vm3, $0x0, v7  }
0xdd: {  	[tilespmem:$0x730] =	vst v7;
	v7 =	vsel vm3, $0x3E99999A, v1  }
0xde: {  	[tilespmem:$0x7B0] =	vst v7  }
0xdf: {  	s15 =	simm.s32 $0x681;
	v7 =	vld [tilespmem:s5+$0x480]  }
0xe0: {  	s30 =	simm.s32 $0x701;
	v8 =	vld [tilespmem:s15+$0x0]  }
0xe1: {  	v62 =	vld [tilespmem:s30+$0x0];
	_ =	sdelay $0x2  }
0xe2: {  	(v2sf) =	vpush v7, $0x0  }
0xe3: {  	(v2sf) =	vpush v8, $0x0  }
0xe4: {  	(v2sf) =	vpush v62, $0x0;
	_ =	sdelay $0x2  }
0xe5: {  	s31 =	simm.s32 $0x381  }
0xe6: {  	v7 =	vld [tilespmem:s31+$0x0];
	_ =	sdelay $0x4  }
0xe7: {  	(v2sf) =	vpush v7, $0x0;
	_ =	sdelay $0x3  }
0xe8: {  	s6 =	spop (v2sf)  }
0xe9: {  	s10 =	spop (v2sf)  }
0xea: {  	s7 =	simm.s32 $0x601;
	v63 =	vld [tilespmem:$0x700];
	s12 =	spop (v2sf)  }
0xeb: {  	v54 =	vld.msk [tilespmem:s7+$0x0 ss:$0x0], $0xffff;
	s10 =	smul.f32 s12, s10  }
0xec: {  	v7 =	vld [tilespmem:$0x600]  }
0xed: {  	p0 =	slt.s32 s6, $0x1;
	s12 =	simm.f32 $0.0e+00;
	s10 =	ssub.f32 $1.000000000e+00, s10  }
0xee: {  	s12 =	simm.s32 @!p0 $0x3E99999A  }
0xef: {  	v8 =	vbroadcast v8, $0x0;
	s10 =	smul.f32 s10, s12;
	_ =	sdelay $0x1  }
0xf0: {  	v52 =	vmul.f32 v63, v8;
	vm3 =	veq.s32 v7, v54;
	v7 =	vmov s10  }
0xf1: {  	v11 =	vnsel vm3, $0x0, v7  }
0xf2: {  	s16 =	spop (v2sf);
	v61 =	vadd.f32 v11, v52  }
0xf3: {  	s10 =	sshll.u32 s16, $0x8  }
0xf4: {  	s13 =	sshra.s32 s10, $0x2;
	[tilespmem:$0x700] =	vst v61  }
0xf5: {  	v52 =	vld [tilespmem:$0x580];
	[tilespmem:s13+$0x780] =	vst v61  }
0xf6: {  	v61 =	vld [tilespmem:$0x710]  }
0xf7: {  	v9 =	vld [tilespmem:$0x610];
	_ =	sdelay $0x4  }
0xf8: {  	v61 =	vmul.f32 v61, v8;
	vm3 =	veq.s32 v9, v54  }
0xf9: {  	v62 =	vnsel vm3, $0x0, v7  }
0xfa: {  	v61 =	vadd.f32 v62, v61;
	_ =	sdelay $0x1  }
0xfb: {  	[tilespmem:$0x710] =	vst v61  }
0xfc: {  	[tilespmem:s13+$0x790] =	vst v61  }
0xfd: {  	v61 =	vld [tilespmem:$0x720]  }
0xfe: {  	v10 =	vld [tilespmem:$0x620];
	_ =	sdelay $0x4  }
0xff: {  	v61 =	vmul.f32 v61, v8;
	vm3 =	veq.s32 v10, v54  }
0x100: {  	v62 =	vnsel vm3, $0x0, v7  }
0x101: {  	v61 =	vadd.f32 v62, v61;
	_ =	sdelay $0x1  }
0x102: {  	[tilespmem:$0x720] =	vst v61  }
0x103: {  	[tilespmem:s13+$0x7A0] =	vst v61  }
0x104: {  	v61 =	vld [tilespmem:$0x630]  }
0x105: {  	v11 =	vld [tilespmem:$0x730];
	_ =	sdelay $0x4  }
0x106: {  	vm3 =	veq.s32 v61, v54;
	v54 =	vmul.f32 v11, v8  }
0x107: {  	s12 =	simm.s32 $0x682;
	s10 =	simm.s32 $0x2;
	v7 =	vnsel vm3, $0x0, v7  }
.LBB2_4:
0x108: {  	v7 =	vadd.f32 v7, v54;
	s30 =	sadd.s32 $0x1, s30;
	s31 =	sadd.s32 $0x1, s31;
	s7 =	sadd.s32 $0x1, s7  }
0x109: {  	p0 =	sne.s32 s10, $0x31;
	s15 =	smov.u32 s10;
	s10 =	sadd.s32 $0x1, s10  }
0x10a: {  	[tilespmem:$0x730] =	vst v7  }
0x10b: {  	[tilespmem:s13+$0x7B0] =	vst v7  }
0x10c: {  	v7 =	vld [tilespmem:s12+$0x0]  }
0x10d: {  	v8 =	vld [tilespmem:s30+$0x0];
	_ =	sdelay $0x3  }
0x10e: {  	(v2sf) =	vpush v7, $0x0  }
0x10f: {  	(v2sf) =	vpush v8, $0x0;
	_ =	sdelay $0x3  }
0x110: {  	v8 =	vld [tilespmem:s31+$0x0];
	_ =	sdelay $0x4  }
0x111: {  	(v2sf) =	vpush v8, $0x0;
	_ =	sdelay $0x4  }
0x112: {  	s13 =	spop (v2sf)  }
0x113: {  	v8 =	vld [tilespmem:$0x600];
	s16 =	spop (v2sf)  }
0x114: {  	s13 =	smul.f32 s16, s13;
	v61 =	vld.msk [tilespmem:s7+$0x0 ss:$0x0], $0xffff  }
0x115: {  	v54 =	vld [tilespmem:$0x700]  }
0x116: {  	p1 =	slt.s32 s6, s15;
	s15 =	simm.f32 $0.0e+00;
	s13 =	ssub.f32 $1.000000000e+00, s13  }
0x117: {  	s15 =	simm.s32 @!p1 $0x3E99999A  }
0x118: {  	v7 =	vbroadcast v7, $0x0;
	s13 =	smul.f32 s13, s15;
	_ =	sdelay $0x1  }
0x119: {  	vm3 =	veq.s32 v8, v61;
	v54 =	vmul.f32 v54, v7;
	v8 =	vmov s13  }
0x11a: {  	v62 =	vnsel vm3, $0x0, v8  }
0x11b: {  	v54 =	vadd.f32 v62, v54;
	s13 =	spop (v2sf)  }
0x11c: {  	s13 =	sshll.u32 s13, $0x8  }
0x11d: {  	[tilespmem:$0x700] =	vst v54;
	s13 =	sshra.s32 s13, $0x2  }
0x11e: {  	[tilespmem:s13+$0x780] =	vst v54  }
0x11f: {  	v54 =	vld [tilespmem:$0x710]  }
0x120: {  	v62 =	vld [tilespmem:$0x610];
	_ =	sdelay $0x3  }
0x121: {  	v54 =	vmul.f32 v54, v7  }
0x122: {  	vm3 =	veq.s32 v62, v61  }
0x123: {  	v62 =	vnsel vm3, $0x0, v8  }
0x124: {  	v54 =	vadd.f32 v62, v54;
	_ =	sdelay $0x1  }
0x125: {  	[tilespmem:$0x710] =	vst v54  }
0x126: {  	[tilespmem:s13+$0x790] =	vst v54  }
0x127: {  	v54 =	vld [tilespmem:$0x720]  }
0x128: {  	v62 =	vld [tilespmem:$0x620];
	_ =	sdelay $0x3  }
0x129: {  	v54 =	vmul.f32 v54, v7  }
0x12a: {  	vm3 =	veq.s32 v62, v61  }
0x12b: {  	v62 =	vnsel vm3, $0x0, v8  }
0x12c: {  	v54 =	vadd.f32 v62, v54;
	_ =	sdelay $0x1  }
0x12d: {  	[tilespmem:$0x720] =	vst v54  }
0x12e: {  	[tilespmem:s13+$0x7A0] =	vst v54  }
0x12f: {  	v54 =	vld [tilespmem:$0x730]  }
0x130: {  	v62 =	vld [tilespmem:$0x630];
	_ =	sdelay $0x1  }
.Ltmp1:
0x131: {  	(pc) =	sbr.rel @p0 .LBB2_4-.Ltmp1, $4  }
0x132: {  	_ = 	snop  }
0x133: {  	v54 =	vmul.f32 v54, v7  }
0x134: {  	vm3 =	veq.s32 v62, v61  }
0x135: {  	s12 =	sadd.s32 $0x1, s12;
	v7 =	vnsel vm3, $0x0, v8  }
0x136: {  	v52 =	vbroadcast v52, $0x0;
	_ =	sdelay $0x1  }
0x137: {  	v2 =	vsub.s32 v2, v52  }
0x138: {  	v7 =	vadd.f32 v7, v54;
	vm3 =	vgt.s32 v2, $0x0  }
0x139: {  	v3 =	vsub.s32 v3, v52;
	vm4 =	vlt.u32 v2, $0x60;
	v2 =	vnsel vm3, $0x0, v2  }
0x13a: {  	v8 =	vmul.u32 $0x3000, v53;
	vm3 =	vgt.s32 v3, $0x0;
	v2 =	vmin.u32 v2, $0x5F  }
0x13b: {  	[tilespmem:$0x730] =	vst v7;
	vm5 =	vlt.u32 v3, $0x60;
	v3 =	vnsel vm3, $0x0, v3;
	v2 =	vshll.u32 v2, $0x7  }
0x13c: {  	[tilespmem:s13+$0x7B0] =	vst v7;
	vm4 =	vmand vm4, vm5;
	v3 =	vmin.u32 v3, $0x5F;
	v2 =	vadd.s32 v8, v2  }
0x13d: {  	v5 =	vsub.s32 v5, v52;
	v7 =	vld [tilespmem:$0x780];
	v54 =	vor.u32 v3, v2  }
0x13e: {  	vm3 =	vgt.s32 v5, $0x0  }
0x13f: {  	v4 =	vmul.u32 $0x3000, v4;
	v2 =	vsub.s32 v55, v52;
	v3 =	vnsel vm3, $0x0, v5  }
0x140: {  	vm5 =	vlt.u32 v5, $0x60;
	v3 =	vmin.u32 v3, $0x5F;
	vm3 =	vgt.s32 v2, $0x0  }
0x141: {  	vm6 =	vlt.u32 v2, $0x60;
	v2 =	vnsel vm3, $0x0, v2;
	v3 =	vshll.u32 v3, $0x7  }
0x142: {  	vm6 =	vmand vm5, vm6;
	v2 =	vmin.u32 v2, $0x5F;
	v3 =	vadd.s32 v4, v3;
	[tilespmem:v54+s0+$0x0] =	vst.idx.msk vm4, v7  }
0x143: {  	v4 =	vsub.s32 v56, v52;
	v56 =	vor.u32 v2, v3;
	v5 =	vld [tilespmem:$0x790]  }
0x144: {  	vm3 =	vgt.s32 v4, $0x0  }
0x145: {  	v2 =	vsub.s32 v57, v52;
	vm5 =	vlt.u32 v4, $0x60;
	v3 =	vnsel vm3, $0x0, v4  }
0x146: {  	vm3 =	vgt.s32 v2, $0x0;
	v4 =	vmul.u32 $0x3000, v6;
	v3 =	vmin.u32 v3, $0x5F  }
0x147: {  	vm7 =	vlt.u32 v2, $0x60;
	v2 =	vnsel vm3, $0x0, v2;
	v3 =	vshll.u32 v3, $0x7  }
0x148: {  	vm8 =	vmand vm5, vm7;
	v2 =	vmin.u32 v2, $0x5F;
	v3 =	vadd.s32 v4, v3;
	[tilespmem:v56+s0+$0x0] =	vst.idx.msk vm6, v5  }
0x149: {  	v4 =	vsub.s32 v58, v52;
	v58 =	vor.u32 v2, v3;
	v5 =	vld [tilespmem:$0x7A0]  }
0x14a: {  	v2 =	vsub.s32 v60, v52;
	vm3 =	vgt.s32 v4, $0x0  }
0x14b: {  	vm5 =	vlt.u32 v4, $0x60;
	vm7 =	vlt.u32 v2, $0x60;
	v3 =	vnsel vm3, $0x0, v4  }
0x14c: {  	vm3 =	vgt.s32 v2, $0x0;
	v4 =	vmul.u32 $0x3000, v59;
	v3 =	vmin.u32 v3, $0x5F  }
0x14d: {  	vm5 =	vmand vm5, vm7;
	v2 =	vnsel vm3, $0x0, v2;
	v3 =	vshll.u32 v3, $0x7  }
0x14e: {  	vm10 =	vmand vm5, vm2;
	v2 =	vmin.u32 v2, $0x5F;
	v3 =	vadd.s32 v4, v3;
	[tilespmem:v58+s0+$0x0] =	vst.idx.msk vm8, v5  }
0x14f: {  	v60 =	vor.u32 v2, v3;
	v4 =	vld [tilespmem:$0x7B0];
	_ =	sdelay $0x4  }
0x150: {  	[tilespmem:v60+s0+$0x0] =	vst.idx.msk vm10, v4  }
0x151: {  	[bflag:$0x0] =	sbarrier.arrive $0xFFFF  }
0x152: {  	[hbm4b:s9+s3] =	stream.linear.scatter [tilespmem:s0], [sflag:$0x1], $0x6000, $0x38;
	[tilespmem:$0xC880] =	vst v63  }
0x153: {  	v2 =	vld [tilespmem:$0x7C0];
	_ =	sdelay $0x4  }
0x154: {  	[tilespmem:v54+s4+$0x0] =	vst.idx.msk vm4, v2  }
0x155: {  	v2 =	vld [tilespmem:$0x7D0];
	_ =	sdelay $0x4  }
0x156: {  	[tilespmem:v56+s4+$0x0] =	vst.idx.msk vm6, v2  }
0x157: {  	v2 =	vld [tilespmem:$0x7E0];
	_ =	sdelay $0x4  }
0x158: {  	[tilespmem:v58+s4+$0x0] =	vst.idx.msk vm8, v2  }
0x159: {  	v2 =	vld [tilespmem:$0x7F0];
	_ =	sdelay $0x4  }
0x15a: {  	[tilespmem:v60+s4+$0x0] =	vst.idx.msk vm10, v2  }
0x15b: {  	[bflag:$0x0] =	sbarrier.arrive $0xFFFF  }
0x15c: {  	s7 =	simm.s32 $0x1;
	s6 =	rddreg [dreg:$0x8]  }
0x15d: {  	[hbm4b:s6+s3] =	stream.linear.scatter [tilespmem:s4], [sflag:$0x2], $0x6000, $0x38;
	[tilespmem:$0xC880] =	vst v63  }
0x15e: {  	_ =	swait.ge [sflag:s7], $0x6000  }
0x15f: {  	[sflag:s7] =	ssyncset.done $0x0  }
0x160: {  	[sflag:s7] =	ssyncadd.s32 $0xFFFFA000  }
0x161: {  	[bflag:$0x0] =	sbarrier.arrive $0xFFFF  }
0x162: {  	[tilespmem:v54+s0+$0x0] =	vst.idx.msk vm4, v1  }
0x163: {  	[tilespmem:v56+s0+$0x0] =	vst.idx.msk vm6, v1  }
0x164: {  	[tilespmem:v58+s0+$0x0] =	vst.idx.msk vm8, v1  }
0x165: {  	[tilespmem:v60+s0+$0x0] =	vst.idx.msk vm10, v1  }
0x166: {  	v2 =	vld [tilespmem:$0x800];
	_ =	sdelay $0x4  }
0x167: {  	[tilespmem:v54+s0+$0x0] =	vst.idx.msk vm4, v2  }
0x168: {  	v2 =	vld [tilespmem:$0x810];
	_ =	sdelay $0x4  }
0x169: {  	[tilespmem:v56+s0+$0x0] =	vst.idx.msk vm6, v2  }
0x16a: {  	v2 =	vld [tilespmem:$0x820];
	_ =	sdelay $0x4  }
0x16b: {  	[tilespmem:v58+s0+$0x0] =	vst.idx.msk vm8, v2  }
0x16c: {  	v2 =	vld [tilespmem:$0x830];
	_ =	sdelay $0x4  }
0x16d: {  	[tilespmem:v60+s0+$0x0] =	vst.idx.msk vm10, v2  }
0x16e: {  	[bflag:$0x0] =	sbarrier.arrive $0xFFFF  }
0x16f: {  	s10 =	rddreg [dreg:$0x9]  }
0x170: {  	[hbm4b:s10+s3] =	stream.linear.scatter [tilespmem:s0], [sflag:$0x1], $0x6000, $0x38;
	[tilespmem:$0xC880] =	vst v63  }
0x171: {  	_ =	swait.ge [sflag:s1], $0x6000  }
0x172: {  	[sflag:s1] =	ssyncset.done $0x0  }
0x173: {  	[sflag:s1] =	ssyncadd.s32 $0xFFFFA000  }
0x174: {  	[bflag:$0x0] =	sbarrier.arrive $0xFFFF  }
0x175: {  	[tilespmem:v54+s4+$0x0] =	vst.idx.msk vm4, v1  }
0x176: {  	[tilespmem:v56+s4+$0x0] =	vst.idx.msk vm6, v1  }
0x177: {  	[tilespmem:v58+s4+$0x0] =	vst.idx.msk vm8, v1  }
0x178: {  	[tilespmem:v60+s4+$0x0] =	vst.idx.msk vm10, v1  }
0x179: {  	v2 =	vld [tilespmem:$0x840];
	_ =	sdelay $0x4  }
0x17a: {  	[tilespmem:v54+s4+$0x0] =	vst.idx.msk vm4, v2  }
0x17b: {  	v2 =	vld [tilespmem:$0x850];
	_ =	sdelay $0x4  }
0x17c: {  	[tilespmem:v56+s4+$0x0] =	vst.idx.msk vm6, v2  }
0x17d: {  	v2 =	vld [tilespmem:$0x860];
	_ =	sdelay $0x4  }
0x17e: {  	[tilespmem:v58+s4+$0x0] =	vst.idx.msk vm8, v2  }
0x17f: {  	v2 =	vld [tilespmem:$0x870];
	_ =	sdelay $0x4  }
0x180: {  	[tilespmem:v60+s4+$0x0] =	vst.idx.msk vm10, v2  }
0x181: {  	[bflag:$0x0] =	sbarrier.arrive $0xFFFF  }
0x182: {  	s12 =	rddreg [dreg:$0xa]  }
0x183: {  	[hbm4b:s12+s3] =	stream.linear.scatter [tilespmem:s4], [sflag:$0x2], $0x6000, $0x38;
	[tilespmem:$0xC880] =	vst v63  }
0x184: {  	v2 =	vld.idx.msk [tilespmem:v24+s3+$0x0], $0xffff  }
0x185: {  	v3 =	vld.idx.msk [tilespmem:v25+s3+$0x0], $0xffff  }
0x186: {  	v4 =	vld.idx.msk [tilespmem:v26+s3+$0x0], $0xffff;
	_ =	sdelay $0x2  }
0x187: {  	v2 =	vtrunc.f32 v2  }
0x188: {  	v59 =	vcvt.f32.s32 v2  }
0x189: {  	v2 =	vtrunc.f32 v3;
	v3 =	vtrunc.f32 v4  }
0x18a: {  	v57 =	vcvt.f32.s32 v2;
	v53 =	vcvt.f32.s32 v3  }
0x18b: {  	v2 =	vshll.u32 v59, $0x7  }
0x18c: {  	v3 =	vshll.u32 v53, $0xE;
	v2 =	vadd.s32 v57, v2  }
0x18d: {  	v7 =	vadd.s32 v3, v2  }
0x18e: {  	[tilespmem:$0x600] =	vst v7  }
0x18f: {  	v2 =	vld.idx.msk [tilespmem:v27+s3+$0x0], $0xffff  }
0x190: {  	v3 =	vld.idx.msk [tilespmem:v19+s3+$0x0], $0xffff;
	_ =	sdelay $0x4  }
0x191: {  	v2 =	vsub.f32 v3, v2;
	_ =	sdelay $0x1  }
0x192: {  	v2 =	vmul.f32 v2, v48;
	_ =	sdelay $0x1  }
0x193: {  	v2 =	vmul.f32 $1.442695020e+00, v2;
	_ =	sdelay $0x1  }
0x194: {  	(erf) = vpow2.f32 v2;
	_ =	sdelay $0x8  }
0x195: {  	v2 =	vpop (erf)  }
0x196: {  	[tilespmem:$0x680] =	vst v2  }
0x197: {  	v2 =	vld.idx.msk [tilespmem:v28+s3+$0x0], $0xffff  }
0x198: {  	v4 =	vld.idx.msk [tilespmem:v29+s3+$0x0], $0xffff  }
0x199: {  	v5 =	vld.idx.msk [tilespmem:v30+s3+$0x0], $0xffff;
	_ =	sdelay $0x2  }
0x19a: {  	v2 =	vtrunc.f32 v2  }
0x19b: {  	v3 =	vcvt.f32.s32 v2  }
0x19c: {  	v2 =	vtrunc.f32 v4;
	v4 =	vtrunc.f32 v5  }
0x19d: {  	v2 =	vcvt.f32.s32 v2;
	v55 =	vcvt.f32.s32 v4  }
0x19e: {  	v4 =	vshll.u32 v3, $0x7  }
0x19f: {  	v5 =	vshll.u32 v55, $0xE;
	v4 =	vadd.s32 v2, v4  }
0x1a0: {  	v8 =	vadd.s32 v5, v4  }
0x1a1: {  	[tilespmem:$0x610] =	vst v8  }
0x1a2: {  	v4 =	vld.idx.msk [tilespmem:v31+s3+$0x0], $0xffff  }
0x1a3: {  	v5 =	vld.idx.msk [tilespmem:v32+s3+$0x0], $0xffff;
	_ =	sdelay $0x4  }
0x1a4: {  	v4 =	vsub.f32 v5, v4;
	_ =	sdelay $0x1  }
0x1a5: {  	v4 =	vmul.f32 v4, v48;
	_ =	sdelay $0x1  }
0x1a6: {  	v4 =	vmul.f32 $1.442695020e+00, v4;
	_ =	sdelay $0x1  }
0x1a7: {  	(erf) = vpow2.f32 v4;
	_ =	sdelay $0x8  }
0x1a8: {  	v4 =	vpop (erf)  }
0x1a9: {  	[tilespmem:$0x690] =	vst v4  }
0x1aa: {  	v4 =	vld.idx.msk [tilespmem:v33+s3+$0x0], $0xffff  }
0x1ab: {  	v5 =	vld.idx.msk [tilespmem:v34+s3+$0x0], $0xffff  }
0x1ac: {  	v6 =	vld.idx.msk [tilespmem:v35+s3+$0x0], $0xffff;
	_ =	sdelay $0x2  }
0x1ad: {  	v4 =	vtrunc.f32 v4  }
0x1ae: {  	v63 =	vcvt.f32.s32 v4  }
0x1af: {  	v4 =	vtrunc.f32 v5;
	v5 =	vtrunc.f32 v6  }
0x1b0: {  	v4 =	vcvt.f32.s32 v4;
	v61 =	vcvt.f32.s32 v5  }
0x1b1: {  	v5 =	vshll.u32 v63, $0x7  }
0x1b2: {  	v6 =	vshll.u32 v61, $0xE;
	v5 =	vadd.s32 v4, v5  }
0x1b3: {  	v9 =	vadd.s32 v6, v5  }
0x1b4: {  	[tilespmem:$0x620] =	vst v9  }
0x1b5: {  	v5 =	vld.idx.msk [tilespmem:v36+s3+$0x0], $0xffff  }
0x1b6: {  	v6 =	vld.idx.msk [tilespmem:v37+s3+$0x0], $0xffff;
	_ =	sdelay $0x4  }
0x1b7: {  	v5 =	vsub.f32 v6, v5;
	_ =	sdelay $0x1  }
0x1b8: {  	v5 =	vmul.f32 v5, v48;
	_ =	sdelay $0x1  }
0x1b9: {  	v5 =	vmul.f32 $1.442695020e+00, v5;
	_ =	sdelay $0x1  }
0x1ba: {  	(erf) = vpow2.f32 v5;
	_ =	sdelay $0x8  }
0x1bb: {  	v5 =	vpop (erf)  }
0x1bc: {  	[tilespmem:$0x6A0] =	vst v5  }
0x1bd: {  	v5 =	vld.idx.msk [tilespmem:v38+s3+$0x0], $0xffff  }
0x1be: {  	v6 =	vld.idx.msk [tilespmem:v39+s3+$0x0], $0xffff  }
0x1bf: {  	v62 =	vld.idx.msk [tilespmem:v40+s3+$0x0], $0xffff;
	_ =	sdelay $0x3  }
0x1c0: {  	v5 =	vtrunc.f32 v5;
	v6 =	vtrunc.f32 v6  }
0x1c1: {  	v62 =	vtrunc.f32 v62;
	v5 =	vcvt.f32.s32 v5  }
0x1c2: {  	v6 =	vcvt.f32.s32 v6;
	v62 =	vcvt.f32.s32 v62  }
0x1c3: {  	v10 =	vshll.u32 v5, $0x7  }
0x1c4: {  	v11 =	vshll.u32 v62, $0xE;
	v10 =	vadd.s32 v6, v10  }
0x1c5: {  	v10 =	vadd.s32 v11, v10  }
0x1c6: {  	v10 =	vnsel vm2, $0xFFFFFFFF, v10  }
0x1c7: {  	[tilespmem:$0x630] =	vst v10  }
0x1c8: {  	v11 =	vld.idx.msk [tilespmem:v41+s3+$0x0], $0xffff  }
0x1c9: {  	v12 =	vld.idx.msk [tilespmem:v42+s3+$0x0], $0xffff;
	_ =	sdelay $0x4  }
0x1ca: {  	v11 =	vsub.f32 v12, v11;
	_ =	sdelay $0x1  }
0x1cb: {  	v11 =	vmul.f32 v11, v48;
	_ =	sdelay $0x1  }
0x1cc: {  	v13 =	vld [tilespmem:$0x3B2];
	v11 =	vmul.f32 $1.442695020e+00, v11;
	_ =	sdelay $0x1  }
0x1cd: {  	(erf) = vpow2.f32 v11;
	_ =	sdelay $0x2  }
0x1ce: {  	(v2sf) =	vpush v13, $0x0;
	_ =	sdelay $0x5  }
0x1cf: {  	v11 =	vpop (erf)  }
0x1d0: {  	[tilespmem:$0x6B0] =	vst v11  }
0x1d1: {  	v11 =	vld.msk [tilespmem:$0x600 ss:$0x0], $0xffff;
	[tilespmem:$0x7C0] =	vst v1  }
0x1d2: {  	[tilespmem:$0x800] =	vst v1  }
0x1d3: {  	[tilespmem:$0x840] =	vst v1  }
0x1d4: {  	[tilespmem:$0x7D0] =	vst v1  }
0x1d5: {  	[tilespmem:$0x810] =	vst v1  }
0x1d6: {  	[tilespmem:$0x850] =	vst v1  }
0x1d7: {  	[tilespmem:$0x7E0] =	vst v1  }
0x1d8: {  	s13 =	spop (v2sf);
	[tilespmem:$0x820] =	vst v1  }
0x1d9: {  	s6 =	simm.f32 $3.000000120e-01;
	p0 =	seq.s32 s13, $0x0;
	[tilespmem:$0x860] =	vst v1  }
0x1da: {  	s6 =	simm.s32 @!p0 $0x0;
	[tilespmem:$0x7F0] =	vst v1  }
0x1db: {  	[tilespmem:$0x830] =	vst v1;
	vm3 =	veq.s32 v7, v11;
	v7 =	vmov s6  }
0x1dc: {  	[tilespmem:$0x870] =	vst v1;
	v12 =	vnsel vm3, $0x0, v7  }
0x1dd: {  	[tilespmem:$0x700] =	vst v12;
	v12 =	vsel vm3, $0x3E99999A, v1;
	vm3 =	veq.s32 v8, v11  }
0x1de: {  	[tilespmem:$0x780] =	vst v12;
	v8 =	vnsel vm3, $0x0, v7  }
0x1df: {  	[tilespmem:$0x710] =	vst v8;
	v8 =	vsel vm3, $0x3E99999A, v1;
	vm3 =	veq.s32 v9, v11  }
0x1e0: {  	[tilespmem:$0x790] =	vst v8;
	v8 =	vnsel vm3, $0x0, v7  }
0x1e1: {  	[tilespmem:$0x720] =	vst v8;
	v8 =	vsel vm3, $0x3E99999A, v1;
	vm3 =	veq.s32 v10, v11  }
0x1e2: {  	[tilespmem:$0x7A0] =	vst v8;
	v7 =	vnsel vm3, $0x0, v7  }
0x1e3: {  	[tilespmem:$0x730] =	vst v7;
	v7 =	vsel vm3, $0x3E99999A, v1  }
0x1e4: {  	[tilespmem:$0x7B0] =	vst v7  }
0x1e5: {  	s15 =	simm.s32 $0x681;
	v7 =	vld [tilespmem:s8+$0x480]  }
0x1e6: {  	s30 =	simm.s32 $0x701;
	v8 =	vld [tilespmem:s15+$0x0]  }
0x1e7: {  	v9 =	vld [tilespmem:s30+$0x0];
	_ =	sdelay $0x2  }
0x1e8: {  	(v2sf) =	vpush v7, $0x0  }
0x1e9: {  	(v2sf) =	vpush v8, $0x0  }
0x1ea: {  	(v2sf) =	vpush v9, $0x0;
	_ =	sdelay $0x2  }
0x1eb: {  	s31 =	simm.s32 $0x3B3  }
0x1ec: {  	v7 =	vld [tilespmem:s31+$0x0];
	_ =	sdelay $0x4  }
0x1ed: {  	(v2sf) =	vpush v7, $0x0;
	_ =	sdelay $0x3  }
0x1ee: {  	s6 =	spop (v2sf)  }
0x1ef: {  	s10 =	spop (v2sf)  }
0x1f0: {  	s7 =	simm.s32 $0x601;
	v10 =	vld [tilespmem:$0x700];
	s12 =	spop (v2sf)  }
0x1f1: {  	v9 =	vld.msk [tilespmem:s7+$0x0 ss:$0x0], $0xffff;
	s10 =	smul.f32 s12, s10  }
0x1f2: {  	v7 =	vld [tilespmem:$0x600]  }
0x1f3: {  	p0 =	slt.s32 s6, $0x1;
	s12 =	simm.f32 $0.0e+00;
	s10 =	ssub.f32 $1.000000000e+00, s10  }
0x1f4: {  	s12 =	simm.s32 @!p0 $0x3E99999A  }
0x1f5: {  	v8 =	vbroadcast v8, $0x0;
	s10 =	smul.f32 s10, s12;
	_ =	sdelay $0x1  }
0x1f6: {  	v10 =	vmul.f32 v10, v8;
	vm3 =	veq.s32 v7, v9;
	v11 =	vmov s10  }
0x1f7: {  	v7 =	vnsel vm3, $0x0, v11  }
0x1f8: {  	s16 =	spop (v2sf);
	v7 =	vadd.f32 v7, v10  }
0x1f9: {  	s10 =	sshll.u32 s16, $0x8  }
0x1fa: {  	s13 =	sshra.s32 s10, $0x2;
	[tilespmem:$0x700] =	vst v7  }
0x1fb: {  	[tilespmem:s13+$0x780] =	vst v7  }
0x1fc: {  	v7 =	vld [tilespmem:$0x710]  }
0x1fd: {  	v10 =	vld [tilespmem:$0x610];
	_ =	sdelay $0x4  }
0x1fe: {  	v7 =	vmul.f32 v7, v8;
	vm3 =	veq.s32 v10, v9  }
0x1ff: {  	v10 =	vnsel vm3, $0x0, v11  }
0x200: {  	v7 =	vadd.f32 v10, v7;
	_ =	sdelay $0x1  }
0x201: {  	[tilespmem:$0x710] =	vst v7  }
0x202: {  	[tilespmem:s13+$0x790] =	vst v7  }
0x203: {  	v7 =	vld [tilespmem:$0x720]  }
0x204: {  	v10 =	vld [tilespmem:$0x620];
	_ =	sdelay $0x4  }
0x205: {  	v7 =	vmul.f32 v7, v8;
	vm3 =	veq.s32 v10, v9  }
0x206: {  	v10 =	vnsel vm3, $0x0, v11  }
0x207: {  	v7 =	vadd.f32 v10, v7;
	_ =	sdelay $0x1  }
0x208: {  	[tilespmem:$0x720] =	vst v7  }
0x209: {  	[tilespmem:s13+$0x7A0] =	vst v7  }
0x20a: {  	v7 =	vld [tilespmem:$0x630]  }
0x20b: {  	v10 =	vld [tilespmem:$0x730];
	_ =	sdelay $0x4  }
0x20c: {  	vm3 =	veq.s32 v7, v9;
	v7 =	vmul.f32 v10, v8  }
0x20d: {  	s12 =	simm.s32 $0x682;
	s10 =	simm.s32 $0x2;
	v8 =	vnsel vm3, $0x0, v11  }
.LBB2_6:
0x20e: {  	v7 =	vadd.f32 v8, v7;
	s30 =	sadd.s32 $0x1, s30;
	s31 =	sadd.s32 $0x1, s31;
	s7 =	sadd.s32 $0x1, s7  }
0x20f: {  	p0 =	sne.s32 s10, $0x31;
	s15 =	smov.u32 s10;
	s10 =	sadd.s32 $0x1, s10  }
0x210: {  	[tilespmem:$0x730] =	vst v7  }
0x211: {  	[tilespmem:s13+$0x7B0] =	vst v7  }
0x212: {  	v7 =	vld [tilespmem:s12+$0x0]  }
0x213: {  	v8 =	vld [tilespmem:s30+$0x0];
	_ =	sdelay $0x3  }
0x214: {  	(v2sf) =	vpush v7, $0x0  }
0x215: {  	(v2sf) =	vpush v8, $0x0;
	_ =	sdelay $0x3  }
0x216: {  	v8 =	vld [tilespmem:s31+$0x0];
	_ =	sdelay $0x4  }
0x217: {  	(v2sf) =	vpush v8, $0x0;
	_ =	sdelay $0x4  }
0x218: {  	s13 =	spop (v2sf)  }
0x219: {  	v8 =	vld [tilespmem:$0x600];
	s16 =	spop (v2sf)  }
0x21a: {  	s13 =	smul.f32 s16, s13;
	v9 =	vld.msk [tilespmem:s7+$0x0 ss:$0x0], $0xffff  }
0x21b: {  	v10 =	vld [tilespmem:$0x700]  }
0x21c: {  	p1 =	slt.s32 s6, s15;
	s15 =	simm.f32 $0.0e+00;
	s13 =	ssub.f32 $1.000000000e+00, s13  }
0x21d: {  	s15 =	simm.s32 @!p1 $0x3E99999A  }
0x21e: {  	v7 =	vbroadcast v7, $0x0;
	s13 =	smul.f32 s13, s15;
	_ =	sdelay $0x1  }
0x21f: {  	vm3 =	veq.s32 v8, v9;
	v10 =	vmul.f32 v10, v7;
	v8 =	vmov s13  }
0x220: {  	v11 =	vnsel vm3, $0x0, v8  }
0x221: {  	v10 =	vadd.f32 v11, v10;
	s13 =	spop (v2sf)  }
0x222: {  	s13 =	sshll.u32 s13, $0x8  }
0x223: {  	[tilespmem:$0x700] =	vst v10;
	s13 =	sshra.s32 s13, $0x2  }
0x224: {  	[tilespmem:s13+$0x780] =	vst v10  }
0x225: {  	v10 =	vld [tilespmem:$0x710]  }
0x226: {  	v11 =	vld [tilespmem:$0x610];
	_ =	sdelay $0x3  }
0x227: {  	v10 =	vmul.f32 v10, v7  }
0x228: {  	vm3 =	veq.s32 v11, v9  }
0x229: {  	v11 =	vnsel vm3, $0x0, v8  }
0x22a: {  	v10 =	vadd.f32 v11, v10;
	_ =	sdelay $0x1  }
0x22b: {  	[tilespmem:$0x710] =	vst v10  }
0x22c: {  	[tilespmem:s13+$0x790] =	vst v10  }
0x22d: {  	v10 =	vld [tilespmem:$0x720]  }
0x22e: {  	v11 =	vld [tilespmem:$0x620];
	_ =	sdelay $0x3  }
0x22f: {  	v10 =	vmul.f32 v10, v7  }
0x230: {  	vm3 =	veq.s32 v11, v9  }
0x231: {  	v11 =	vnsel vm3, $0x0, v8  }
0x232: {  	v10 =	vadd.f32 v11, v10;
	_ =	sdelay $0x1  }
0x233: {  	[tilespmem:$0x720] =	vst v10  }
0x234: {  	[tilespmem:s13+$0x7A0] =	vst v10  }
0x235: {  	v10 =	vld [tilespmem:$0x730]  }
0x236: {  	v11 =	vld [tilespmem:$0x630];
	_ =	sdelay $0x1  }
.Ltmp2:
0x237: {  	(pc) =	sbr.rel @p0 .LBB2_6-.Ltmp2, $4  }
0x238: {  	_ = 	snop  }
0x239: {  	v7 =	vmul.f32 v10, v7  }
0x23a: {  	vm3 =	veq.s32 v11, v9  }
0x23b: {  	s12 =	sadd.s32 $0x1, s12;
	v8 =	vnsel vm3, $0x0, v8  }
0x23c: {  	v7 =	vadd.f32 v8, v7;
	_ =	sdelay $0x1  }
0x23d: {  	[tilespmem:$0x730] =	vst v7  }
0x23e: {  	s6 =	simm.s32 $0x1;
	[tilespmem:s13+$0x7B0] =	vst v7  }
0x23f: {  	_ =	swait.ge [sflag:s6], $0x6000  }
0x240: {  	[sflag:s6] =	ssyncset.done $0x0  }
0x241: {  	v7 =	vsub.s32 v59, v52;
	[sflag:s6] =	ssyncadd.s32 $0xFFFFA000  }
0x242: {  	vm3 =	vgt.s32 v7, $0x0;
	[bflag:$0x0] =	sbarrier.arrive $0xFFFF  }
0x243: {  	v8 =	vsub.s32 v57, v52;
	vm5 =	vlt.u32 v7, $0x60;
	v7 =	vnsel vm3, $0x0, v7;
	[tilespmem:v54+s0+$0x0] =	vst.idx.msk vm4, v1  }
0x244: {  	v9 =	vmul.u32 $0x3000, v53;
	vm3 =	vgt.s32 v8, $0x0;
	v7 =	vmin.u32 v7, $0x5F;
	[tilespmem:v56+s0+$0x0] =	vst.idx.msk vm6, v1  }
0x245: {  	vm7 =	vlt.u32 v8, $0x60;
	v8 =	vnsel vm3, $0x0, v8;
	v7 =	vshll.u32 v7, $0x7;
	[tilespmem:v58+s0+$0x0] =	vst.idx.msk vm8, v1  }
0x246: {  	vm3 =	vmand vm5, vm7;
	v8 =	vmin.u32 v8, $0x5F;
	v7 =	vadd.s32 v9, v7;
	[tilespmem:v60+s0+$0x0] =	vst.idx.msk vm10, v1  }
0x247: {  	v3 =	vsub.s32 v3, v52;
	v53 =	vor.u32 v8, v7;
	v9 =	vld [tilespmem:$0x780]  }
0x248: {  	vm5 =	vgt.s32 v3, $0x0  }
0x249: {  	v2 =	vsub.s32 v2, v52;
	vm7 =	vlt.u32 v3, $0x60;
	v3 =	vnsel vm5, $0x0, v3  }
0x24a: {  	vm5 =	vgt.s32 v2, $0x0;
	v3 =	vmin.u32 v3, $0x5F;
	v7 =	vmul.u32 $0x3000, v55  }
0x24b: {  	vm9 =	vlt.u32 v2, $0x60;
	v2 =	vnsel vm5, $0x0, v2;
	v3 =	vshll.u32 v3, $0x7  }
0x24c: {  	vm5 =	vmand vm7, vm9;
	v2 =	vmin.u32 v2, $0x5F;
	v3 =	vadd.s32 v7, v3;
	[tilespmem:v53+s0+$0x0] =	vst.idx.msk vm3, v9  }
0x24d: {  	v7 =	vsub.s32 v63, v52;
	v55 =	vor.u32 v2, v3;
	v8 =	vld [tilespmem:$0x790]  }
0x24e: {  	vm7 =	vgt.s32 v7, $0x0  }
0x24f: {  	v2 =	vsub.s32 v4, v52;
	vm9 =	vlt.u32 v7, $0x60;
	v3 =	vnsel vm7, $0x0, v7  }
0x250: {  	v4 =	vmul.u32 $0x3000, v61;
	vm7 =	vgt.s32 v2, $0x0;
	v3 =	vmin.u32 v3, $0x5F  }
0x251: {  	vm11 =	vlt.u32 v2, $0x60;
	v2 =	vnsel vm7, $0x0, v2;
	v3 =	vshll.u32 v3, $0x7  }
0x252: {  	vm7 =	vmand vm9, vm11;
	v2 =	vmin.u32 v2, $0x5F;
	v3 =	vadd.s32 v4, v3;
	[tilespmem:v55+s0+$0x0] =	vst.idx.msk vm5, v8  }
0x253: {  	v4 =	vsub.s32 v5, v52;
	v57 =	vor.u32 v2, v3;
	v5 =	vld [tilespmem:$0x7A0]  }
0x254: {  	v2 =	vsub.s32 v6, v52;
	vm9 =	vgt.s32 v4, $0x0  }
0x255: {  	vm11 =	vlt.u32 v4, $0x60;
	vm12 =	vlt.u32 v2, $0x60;
	v3 =	vnsel vm9, $0x0, v4  }
0x256: {  	vm9 =	vgt.s32 v2, $0x0;
	v4 =	vmul.u32 $0x3000, v62;
	v3 =	vmin.u32 v3, $0x5F  }
0x257: {  	vm11 =	vmand vm11, vm12;
	v2 =	vnsel vm9, $0x0, v2;
	v3 =	vshll.u32 v3, $0x7  }
0x258: {  	vm9 =	vmand vm11, vm2;
	v2 =	vmin.u32 v2, $0x5F;
	v3 =	vadd.s32 v4, v3;
	[tilespmem:v57+s0+$0x0] =	vst.idx.msk vm7, v5  }
0x259: {  	v59 =	vor.u32 v2, v3;
	v4 =	vld [tilespmem:$0x7B0];
	_ =	sdelay $0x4  }
0x25a: {  	[tilespmem:v59+s0+$0x0] =	vst.idx.msk vm9, v4  }
0x25b: {  	[bflag:$0x0] =	sbarrier.arrive $0xFFFF  }
0x25c: {  	[hbm4b:s14+s3] =	stream.linear.scatter [tilespmem:s0], [sflag:$0x1], $0x6000, $0x38;
	[tilespmem:$0xC880] =	vst v63  }
0x25d: {  	_ =	swait.ge [sflag:s1], $0x6000  }
0x25e: {  	[sflag:s1] =	ssyncset.done $0x0  }
0x25f: {  	[sflag:s1] =	ssyncadd.s32 $0xFFFFA000  }
0x260: {  	[bflag:$0x0] =	sbarrier.arrive $0xFFFF  }
0x261: {  	[tilespmem:v54+s4+$0x0] =	vst.idx.msk vm4, v1  }
0x262: {  	[tilespmem:v56+s4+$0x0] =	vst.idx.msk vm6, v1  }
0x263: {  	[tilespmem:v58+s4+$0x0] =	vst.idx.msk vm8, v1  }
0x264: {  	[tilespmem:v60+s4+$0x0] =	vst.idx.msk vm10, v1  }
0x265: {  	v2 =	vld [tilespmem:$0x7C0];
	_ =	sdelay $0x4  }
0x266: {  	[tilespmem:v53+s4+$0x0] =	vst.idx.msk vm3, v2  }
0x267: {  	v2 =	vld [tilespmem:$0x7D0];
	_ =	sdelay $0x4  }
0x268: {  	[tilespmem:v55+s4+$0x0] =	vst.idx.msk vm5, v2  }
0x269: {  	v2 =	vld [tilespmem:$0x7E0];
	_ =	sdelay $0x4  }
0x26a: {  	[tilespmem:v57+s4+$0x0] =	vst.idx.msk vm7, v2  }
0x26b: {  	v2 =	vld [tilespmem:$0x7F0];
	_ =	sdelay $0x4  }
0x26c: {  	[tilespmem:v59+s4+$0x0] =	vst.idx.msk vm9, v2  }
0x26d: {  	[bflag:$0x0] =	sbarrier.arrive $0xFFFF  }
0x26e: {  	s7 =	rddreg [dreg:$0xb]  }
0x26f: {  	[hbm4b:s7+s3] =	stream.linear.scatter [tilespmem:s4], [sflag:$0x2], $0x6000, $0x38;
	[tilespmem:$0xC880] =	vst v63  }
0x270: {  	_ =	swait.ge [sflag:s6], $0x6000  }
0x271: {  	[sflag:s6] =	ssyncset.done $0x0  }
0x272: {  	[sflag:s6] =	ssyncadd.s32 $0xFFFFA000  }
0x273: {  	[bflag:$0x0] =	sbarrier.arrive $0xFFFF  }
0x274: {  	[tilespmem:v53+s0+$0x0] =	vst.idx.msk vm3, v1  }
0x275: {  	[tilespmem:v55+s0+$0x0] =	vst.idx.msk vm5, v1  }
0x276: {  	[tilespmem:v57+s0+$0x0] =	vst.idx.msk vm7, v1  }
0x277: {  	[tilespmem:v59+s0+$0x0] =	vst.idx.msk vm9, v1  }
0x278: {  	v2 =	vld [tilespmem:$0x800];
	_ =	sdelay $0x4  }
0x279: {  	[tilespmem:v53+s0+$0x0] =	vst.idx.msk vm3, v2  }
0x27a: {  	v2 =	vld [tilespmem:$0x810];
	_ =	sdelay $0x4  }
0x27b: {  	[tilespmem:v55+s0+$0x0] =	vst.idx.msk vm5, v2  }
0x27c: {  	v2 =	vld [tilespmem:$0x820];
	_ =	sdelay $0x4  }
0x27d: {  	[tilespmem:v57+s0+$0x0] =	vst.idx.msk vm7, v2  }
0x27e: {  	v2 =	vld [tilespmem:$0x830];
	_ =	sdelay $0x4  }
0x27f: {  	[tilespmem:v59+s0+$0x0] =	vst.idx.msk vm9, v2  }
0x280: {  	[bflag:$0x0] =	sbarrier.arrive $0xFFFF  }
0x281: {  	s12 =	rddreg [dreg:$0xc]  }
0x282: {  	[hbm4b:s12+s3] =	stream.linear.scatter [tilespmem:s0], [sflag:$0x1], $0x6000, $0x38;
	[tilespmem:$0xC880] =	vst v63  }
0x283: {  	_ =	swait.ge [sflag:s1], $0x6000  }
0x284: {  	[sflag:s1] =	ssyncset.done $0x0  }
0x285: {  	[sflag:s1] =	ssyncadd.s32 $0xFFFFA000  }
0x286: {  	[bflag:$0x0] =	sbarrier.arrive $0xFFFF  }
0x287: {  	[tilespmem:v53+s4+$0x0] =	vst.idx.msk vm3, v1  }
0x288: {  	[tilespmem:v55+s4+$0x0] =	vst.idx.msk vm5, v1  }
0x289: {  	[tilespmem:v57+s4+$0x0] =	vst.idx.msk vm7, v1  }
0x28a: {  	[tilespmem:v59+s4+$0x0] =	vst.idx.msk vm9, v1  }
0x28b: {  	v2 =	vld [tilespmem:$0x840];
	_ =	sdelay $0x4  }
0x28c: {  	[tilespmem:v53+s4+$0x0] =	vst.idx.msk vm3, v2  }
0x28d: {  	v2 =	vld [tilespmem:$0x850];
	_ =	sdelay $0x4  }
0x28e: {  	[tilespmem:v55+s4+$0x0] =	vst.idx.msk vm5, v2  }
0x28f: {  	v2 =	vld [tilespmem:$0x860];
	_ =	sdelay $0x4  }
0x290: {  	[tilespmem:v57+s4+$0x0] =	vst.idx.msk vm7, v2  }
0x291: {  	v2 =	vld [tilespmem:$0x870];
	_ =	sdelay $0x2  }
0x292: {  	v3 =	vadd.s32 $0x190, v0  }
0x293: {  	v4 =	vadd.s32 $0x191, v0  }
0x294: {  	[tilespmem:v59+s4+$0x0] =	vst.idx.msk vm9, v2;
	v2 =	vadd.s32 $0x192, v0  }
0x295: {  	[bflag:$0x0] =	sbarrier.arrive $0xFFFF  }
0x296: {  	[hbm4b:s17+s3] =	stream.linear.scatter [tilespmem:s4], [sflag:$0x2], $0x6000, $0x38;
	[tilespmem:$0xC880] =	vst v63  }
0x297: {  	v3 =	vld.idx.msk [tilespmem:v3+s3+$0x0], $0xffff  }
0x298: {  	v4 =	vld.idx.msk [tilespmem:v4+s3+$0x0], $0xffff  }
0x299: {  	v2 =	vld.idx.msk [tilespmem:v2+s3+$0x0], $0xffff;
	_ =	sdelay $0x2  }
0x29a: {  	v3 =	vtrunc.f32 v3  }
0x29b: {  	v58 =	vcvt.f32.s32 v3  }
0x29c: {  	v3 =	vtrunc.f32 v4;
	v2 =	vtrunc.f32 v2  }
0x29d: {  	v56 =	vcvt.f32.s32 v3;
	v54 =	vcvt.f32.s32 v2;
	v2 =	vadd.s32 $0x193, v0  }
0x29e: {  	v3 =	vshll.u32 v58, $0x7  }
0x29f: {  	v3 =	vadd.s32 v56, v3;
	v4 =	vshll.u32 v54, $0xE  }
0x2a0: {  	v7 =	vadd.s32 v4, v3  }
0x2a1: {  	[tilespmem:$0x600] =	vst v7  }
0x2a2: {  	v2 =	vld.idx.msk [tilespmem:v2+s3+$0x0], $0xffff  }
0x2a3: {  	v3 =	vld.idx.msk [tilespmem:v20+s3+$0x0], $0xffff;
	_ =	sdelay $0x4  }
0x2a4: {  	v2 =	vsub.f32 v3, v2;
	_ =	sdelay $0x1  }
0x2a5: {  	v2 =	vmul.f32 v2, v48;
	_ =	sdelay $0x1  }
0x2a6: {  	v2 =	vmul.f32 $1.442695020e+00, v2;
	_ =	sdelay $0x1  }
0x2a7: {  	(erf) = vpow2.f32 v2;
	_ =	sdelay $0x5  }
0x2a8: {  	v2 =	vadd.s32 $0x1D0, v0  }
0x2a9: {  	v3 =	vadd.s32 $0x1D1, v0  }
0x2aa: {  	v4 =	vadd.s32 $0x1D2, v0  }
0x2ab: {  	v5 =	vpop (erf)  }
0x2ac: {  	[tilespmem:$0x680] =	vst v5  }
0x2ad: {  	v2 =	vld.idx.msk [tilespmem:v2+s3+$0x0], $0xffff  }
0x2ae: {  	v3 =	vld.idx.msk [tilespmem:v3+s3+$0x0], $0xffff  }
0x2af: {  	v4 =	vld.idx.msk [tilespmem:v4+s3+$0x0], $0xffff;
	_ =	sdelay $0x2  }
0x2b0: {  	v2 =	vtrunc.f32 v2  }
0x2b1: {  	v62 =	vcvt.f32.s32 v2  }
0x2b2: {  	v2 =	vtrunc.f32 v3;
	v3 =	vtrunc.f32 v4  }
0x2b3: {  	v61 =	vcvt.f32.s32 v2;
	v60 =	vcvt.f32.s32 v3;
	v2 =	vadd.s32 $0x1D3, v0  }
0x2b4: {  	v4 =	vadd.s32 $0x1CF, v0;
	v3 =	vshll.u32 v62, $0x7  }
0x2b5: {  	v5 =	vshll.u32 v60, $0xE;
	v3 =	vadd.s32 v61, v3  }
0x2b6: {  	v8 =	vadd.s32 v5, v3  }
0x2b7: {  	[tilespmem:$0x610] =	vst v8  }
0x2b8: {  	v2 =	vld.idx.msk [tilespmem:v2+s3+$0x0], $0xffff  }
0x2b9: {  	v3 =	vld.idx.msk [tilespmem:v4+s3+$0x0], $0xffff;
	_ =	sdelay $0x4  }
0x2ba: {  	v2 =	vsub.f32 v3, v2;
	_ =	sdelay $0x1  }
0x2bb: {  	v2 =	vmul.f32 v2, v48;
	_ =	sdelay $0x1  }
0x2bc: {  	v2 =	vmul.f32 $1.442695020e+00, v2;
	_ =	sdelay $0x1  }
0x2bd: {  	(erf) = vpow2.f32 v2;
	_ =	sdelay $0x5  }
0x2be: {  	v2 =	vadd.s32 $0x210, v0  }
0x2bf: {  	v4 =	vadd.s32 $0x212, v0  }
0x2c0: {  	v3 =	vadd.s32 $0x211, v0  }
0x2c1: {  	v5 =	vpop (erf)  }
0x2c2: {  	[tilespmem:$0x690] =	vst v5  }
0x2c3: {  	v2 =	vld.idx.msk [tilespmem:v2+s3+$0x0], $0xffff  }
0x2c4: {  	v4 =	vld.idx.msk [tilespmem:v4+s3+$0x0], $0xffff  }
0x2c5: {  	v5 =	vld.idx.msk [tilespmem:v3+s3+$0x0], $0xffff;
	_ =	sdelay $0x3  }
0x2c6: {  	v2 =	vtrunc.f32 v2;
	v4 =	vtrunc.f32 v4  }
0x2c7: {  	v3 =	vcvt.f32.s32 v2;
	v2 =	vtrunc.f32 v5  }
0x2c8: {  	v63 =	vcvt.f32.s32 v4;
	v4 =	vadd.s32 $0x213, v0;
	v2 =	vcvt.f32.s32 v2  }
0x2c9: {  	v6 =	vadd.s32 $0x20F, v0;
	v5 =	vshll.u32 v3, $0x7  }
0x2ca: {  	v9 =	vshll.u32 v63, $0xE;
	v5 =	vadd.s32 v2, v5  }
0x2cb: {  	v9 =	vadd.s32 v9, v5  }
0x2cc: {  	[tilespmem:$0x620] =	vst v9  }
0x2cd: {  	v4 =	vld.idx.msk [tilespmem:v4+s3+$0x0], $0xffff  }
0x2ce: {  	v5 =	vld.idx.msk [tilespmem:v6+s3+$0x0], $0xffff;
	_ =	sdelay $0x4  }
0x2cf: {  	v4 =	vsub.f32 v5, v4;
	_ =	sdelay $0x1  }
0x2d0: {  	v4 =	vmul.f32 v4, v48;
	_ =	sdelay $0x1  }
0x2d1: {  	v4 =	vmul.f32 $1.442695020e+00, v4;
	_ =	sdelay $0x1  }
0x2d2: {  	(erf) = vpow2.f32 v4;
	_ =	sdelay $0x8  }
0x2d3: {  	v4 =	vpop (erf)  }
0x2d4: {  	[tilespmem:$0x6A0] =	vst v4  }
0x2d5: {  	v4 =	vld.idx.msk [tilespmem:v43+s3+$0x0], $0xffff  }
0x2d6: {  	v10 =	vld.idx.msk [tilespmem:v45+s3+$0x0], $0xffff  }
0x2d7: {  	v6 =	vld.idx.msk [tilespmem:v44+s3+$0x0], $0xffff;
	_ =	sdelay $0x3  }
0x2d8: {  	v4 =	vtrunc.f32 v4;
	v10 =	vtrunc.f32 v10  }
0x2d9: {  	v5 =	vcvt.f32.s32 v4;
	v4 =	vtrunc.f32 v6  }
0x2da: {  	v6 =	vcvt.f32.s32 v4;
	v4 =	vcvt.f32.s32 v10;
	v10 =	vsel vm0, $0x253, v46  }
0x2db: {  	v12 =	vsel vm0, $0x24F, v46;
	v11 =	vshll.u32 v5, $0x7;
	v10 =	vsel vm1, $0x257, v10  }
0x2dc: {  	v12 =	vsel vm1, $0x253, v12;
	v13 =	vshll.u32 v4, $0xE;
	v11 =	vadd.s32 v6, v11  }
0x2dd: {  	v11 =	vadd.s32 v13, v11  }
0x2de: {  	v11 =	vnsel vm2, $0xFFFFFFFF, v11  }
0x2df: {  	[tilespmem:$0x630] =	vst v11  }
0x2e0: {  	v10 =	vld.idx.msk [tilespmem:v10+s3+$0x0], $0xffff  }
0x2e1: {  	v12 =	vld.idx.msk [tilespmem:v12+s3+$0x0], $0xffff;
	_ =	sdelay $0x4  }
0x2e2: {  	v10 =	vsub.f32 v12, v10;
	_ =	sdelay $0x1  }
0x2e3: {  	v10 =	vmul.f32 v10, v48;
	_ =	sdelay $0x1  }
0x2e4: {  	v13 =	vld [tilespmem:$0x3E4];
	v10 =	vmul.f32 $1.442695020e+00, v10;
	_ =	sdelay $0x1  }
0x2e5: {  	(erf) = vpow2.f32 v10;
	_ =	sdelay $0x2  }
0x2e6: {  	(v2sf) =	vpush v13, $0x0;
	_ =	sdelay $0x5  }
0x2e7: {  	v10 =	vpop (erf)  }
0x2e8: {  	[tilespmem:$0x6B0] =	vst v10  }
0x2e9: {  	v10 =	vld.msk [tilespmem:$0x600 ss:$0x0], $0xffff;
	[tilespmem:$0x7C0] =	vst v1  }
0x2ea: {  	[tilespmem:$0x800] =	vst v1  }
0x2eb: {  	[tilespmem:$0x840] =	vst v1  }
0x2ec: {  	[tilespmem:$0x7D0] =	vst v1  }
0x2ed: {  	[tilespmem:$0x810] =	vst v1  }
0x2ee: {  	[tilespmem:$0x850] =	vst v1  }
0x2ef: {  	[tilespmem:$0x7E0] =	vst v1  }
0x2f0: {  	s13 =	spop (v2sf);
	[tilespmem:$0x820] =	vst v1  }
0x2f1: {  	s6 =	simm.f32 $3.000000120e-01;
	p0 =	seq.s32 s13, $0x0;
	[tilespmem:$0x860] =	vst v1  }
0x2f2: {  	s6 =	simm.s32 @!p0 $0x0;
	[tilespmem:$0x7F0] =	vst v1  }
0x2f3: {  	[tilespmem:$0x830] =	vst v1;
	vm4 =	veq.s32 v7, v10;
	v7 =	vmov s6  }
0x2f4: {  	[tilespmem:$0x870] =	vst v1;
	v12 =	vnsel vm4, $0x0, v7  }
0x2f5: {  	[tilespmem:$0x700] =	vst v12;
	v12 =	vsel vm4, $0x3E99999A, v1;
	vm4 =	veq.s32 v8, v10  }
0x2f6: {  	[tilespmem:$0x780] =	vst v12;
	v8 =	vnsel vm4, $0x0, v7  }
0x2f7: {  	[tilespmem:$0x710] =	vst v8;
	v8 =	vsel vm4, $0x3E99999A, v1;
	vm4 =	veq.s32 v9, v10  }
0x2f8: {  	[tilespmem:$0x790] =	vst v8;
	v8 =	vnsel vm4, $0x0, v7  }
0x2f9: {  	[tilespmem:$0x720] =	vst v8;
	v8 =	vsel vm4, $0x3E99999A, v1;
	vm4 =	veq.s32 v11, v10  }
0x2fa: {  	[tilespmem:$0x7A0] =	vst v8;
	v7 =	vnsel vm4, $0x0, v7  }
0x2fb: {  	[tilespmem:$0x730] =	vst v7;
	v7 =	vsel vm4, $0x3E99999A, v1  }
0x2fc: {  	[tilespmem:$0x7B0] =	vst v7  }
0x2fd: {  	s15 =	simm.s32 $0x681;
	v7 =	vld [tilespmem:s11+$0x480]  }
0x2fe: {  	s30 =	simm.s32 $0x701;
	v8 =	vld [tilespmem:s15+$0x0]  }
0x2ff: {  	v9 =	vld [tilespmem:s30+$0x0];
	_ =	sdelay $0x2  }
0x300: {  	(v2sf) =	vpush v7, $0x0  }
0x301: {  	(v2sf) =	vpush v8, $0x0  }
0x302: {  	(v2sf) =	vpush v9, $0x0;
	_ =	sdelay $0x2  }
0x303: {  	s31 =	simm.s32 $0x3E5  }
0x304: {  	v7 =	vld [tilespmem:s31+$0x0];
	_ =	sdelay $0x4  }
0x305: {  	(v2sf) =	vpush v7, $0x0;
	_ =	sdelay $0x3  }
0x306: {  	s6 =	spop (v2sf)  }
0x307: {  	s10 =	spop (v2sf)  }
0x308: {  	s7 =	simm.s32 $0x601;
	v10 =	vld [tilespmem:$0x700];
	s12 =	spop (v2sf)  }
0x309: {  	v9 =	vld.msk [tilespmem:s7+$0x0 ss:$0x0], $0xffff;
	s10 =	smul.f32 s12, s10  }
0x30a: {  	v7 =	vld [tilespmem:$0x600]  }
0x30b: {  	p0 =	slt.s32 s6, $0x1;
	s12 =	simm.f32 $0.0e+00;
	s10 =	ssub.f32 $1.000000000e+00, s10  }
0x30c: {  	s12 =	simm.s32 @!p0 $0x3E99999A  }
0x30d: {  	v8 =	vbroadcast v8, $0x0;
	s10 =	smul.f32 s10, s12;
	_ =	sdelay $0x1  }
0x30e: {  	v10 =	vmul.f32 v10, v8;
	vm4 =	veq.s32 v7, v9;
	v11 =	vmov s10  }
0x30f: {  	v7 =	vnsel vm4, $0x0, v11  }
0x310: {  	s16 =	spop (v2sf);
	v7 =	vadd.f32 v7, v10  }
0x311: {  	s10 =	sshll.u32 s16, $0x8  }
0x312: {  	s13 =	sshra.s32 s10, $0x2;
	[tilespmem:$0x700] =	vst v7  }
0x313: {  	[tilespmem:s13+$0x780] =	vst v7  }
0x314: {  	v7 =	vld [tilespmem:$0x710]  }
0x315: {  	v10 =	vld [tilespmem:$0x610];
	_ =	sdelay $0x4  }
0x316: {  	v7 =	vmul.f32 v7, v8;
	vm4 =	veq.s32 v10, v9  }
0x317: {  	v10 =	vnsel vm4, $0x0, v11  }
0x318: {  	v7 =	vadd.f32 v10, v7;
	_ =	sdelay $0x1  }
0x319: {  	[tilespmem:$0x710] =	vst v7  }
0x31a: {  	[tilespmem:s13+$0x790] =	vst v7  }
0x31b: {  	v7 =	vld [tilespmem:$0x720]  }
0x31c: {  	v10 =	vld [tilespmem:$0x620];
	_ =	sdelay $0x4  }
0x31d: {  	v7 =	vmul.f32 v7, v8;
	vm4 =	veq.s32 v10, v9  }
0x31e: {  	v10 =	vnsel vm4, $0x0, v11  }
0x31f: {  	v7 =	vadd.f32 v10, v7;
	_ =	sdelay $0x1  }
0x320: {  	[tilespmem:$0x720] =	vst v7  }
0x321: {  	[tilespmem:s13+$0x7A0] =	vst v7  }
0x322: {  	v7 =	vld [tilespmem:$0x630]  }
0x323: {  	v10 =	vld [tilespmem:$0x730];
	_ =	sdelay $0x4  }
0x324: {  	vm4 =	veq.s32 v7, v9;
	v7 =	vmul.f32 v10, v8  }
0x325: {  	s12 =	simm.s32 $0x682;
	s10 =	simm.s32 $0x2;
	v8 =	vnsel vm4, $0x0, v11  }
.LBB2_8:
0x326: {  	v7 =	vadd.f32 v8, v7;
	s30 =	sadd.s32 $0x1, s30;
	s31 =	sadd.s32 $0x1, s31;
	s7 =	sadd.s32 $0x1, s7  }
0x327: {  	p0 =	sne.s32 s10, $0x31;
	s15 =	smov.u32 s10;
	s10 =	sadd.s32 $0x1, s10  }
0x328: {  	[tilespmem:$0x730] =	vst v7  }
0x329: {  	[tilespmem:s13+$0x7B0] =	vst v7  }
0x32a: {  	v7 =	vld [tilespmem:s12+$0x0]  }
0x32b: {  	v8 =	vld [tilespmem:s30+$0x0];
	_ =	sdelay $0x3  }
0x32c: {  	(v2sf) =	vpush v7, $0x0  }
0x32d: {  	(v2sf) =	vpush v8, $0x0;
	_ =	sdelay $0x3  }
0x32e: {  	v8 =	vld [tilespmem:s31+$0x0];
	_ =	sdelay $0x4  }
0x32f: {  	(v2sf) =	vpush v8, $0x0;
	_ =	sdelay $0x4  }
0x330: {  	s13 =	spop (v2sf)  }
0x331: {  	v8 =	vld [tilespmem:$0x600];
	s16 =	spop (v2sf)  }
0x332: {  	s13 =	smul.f32 s16, s13;
	v9 =	vld.msk [tilespmem:s7+$0x0 ss:$0x0], $0xffff  }
0x333: {  	v10 =	vld [tilespmem:$0x700]  }
0x334: {  	p1 =	slt.s32 s6, s15;
	s15 =	simm.f32 $0.0e+00;
	s13 =	ssub.f32 $1.000000000e+00, s13  }
0x335: {  	s15 =	simm.s32 @!p1 $0x3E99999A  }
0x336: {  	v7 =	vbroadcast v7, $0x0;
	s13 =	smul.f32 s13, s15;
	_ =	sdelay $0x1  }
0x337: {  	vm4 =	veq.s32 v8, v9;
	v10 =	vmul.f32 v10, v7;
	v8 =	vmov s13  }
0x338: {  	v11 =	vnsel vm4, $0x0, v8  }
0x339: {  	v10 =	vadd.f32 v11, v10;
	s13 =	spop (v2sf)  }
0x33a: {  	s13 =	sshll.u32 s13, $0x8  }
0x33b: {  	[tilespmem:$0x700] =	vst v10;
	s13 =	sshra.s32 s13, $0x2  }
0x33c: {  	[tilespmem:s13+$0x780] =	vst v10  }
0x33d: {  	v10 =	vld [tilespmem:$0x710]  }
0x33e: {  	v11 =	vld [tilespmem:$0x610];
	_ =	sdelay $0x3  }
0x33f: {  	v10 =	vmul.f32 v10, v7  }
0x340: {  	vm4 =	veq.s32 v11, v9  }
0x341: {  	v11 =	vnsel vm4, $0x0, v8  }
0x342: {  	v10 =	vadd.f32 v11, v10;
	_ =	sdelay $0x1  }
0x343: {  	[tilespmem:$0x710] =	vst v10  }
0x344: {  	[tilespmem:s13+$0x790] =	vst v10  }
0x345: {  	v10 =	vld [tilespmem:$0x720]  }
0x346: {  	v11 =	vld [tilespmem:$0x620];
	_ =	sdelay $0x3  }
0x347: {  	v10 =	vmul.f32 v10, v7  }
0x348: {  	vm4 =	veq.s32 v11, v9  }
0x349: {  	v11 =	vnsel vm4, $0x0, v8  }
0x34a: {  	v10 =	vadd.f32 v11, v10;
	_ =	sdelay $0x1  }
0x34b: {  	[tilespmem:$0x720] =	vst v10  }
0x34c: {  	[tilespmem:s13+$0x7A0] =	vst v10  }
0x34d: {  	v10 =	vld [tilespmem:$0x730]  }
0x34e: {  	v11 =	vld [tilespmem:$0x630];
	_ =	sdelay $0x1  }
.Ltmp3:
0x34f: {  	(pc) =	sbr.rel @p0 .LBB2_8-.Ltmp3, $4  }
0x350: {  	_ = 	snop  }
0x351: {  	v7 =	vmul.f32 v10, v7  }
0x352: {  	vm4 =	veq.s32 v11, v9  }
0x353: {  	s12 =	sadd.s32 $0x1, s12;
	v8 =	vnsel vm4, $0x0, v8  }
0x354: {  	v7 =	vadd.f32 v8, v7;
	_ =	sdelay $0x1  }
0x355: {  	[tilespmem:$0x730] =	vst v7  }
0x356: {  	s6 =	simm.s32 $0x1;
	[tilespmem:s13+$0x7B0] =	vst v7  }
0x357: {  	_ =	swait.ge [sflag:s6], $0x6000  }
0x358: {  	[sflag:s6] =	ssyncset.done $0x0  }
0x359: {  	v7 =	vsub.s32 v58, v52;
	[sflag:s6] =	ssyncadd.s32 $0xFFFFA000  }
0x35a: {  	vm4 =	vgt.s32 v7, $0x0;
	[bflag:$0x0] =	sbarrier.arrive $0xFFFF  }
0x35b: {  	v8 =	vsub.s32 v56, v52;
	vm6 =	vlt.u32 v7, $0x60;
	v7 =	vnsel vm4, $0x0, v7;
	[tilespmem:v53+s0+$0x0] =	vst.idx.msk vm3, v1  }
0x35c: {  	v9 =	vmul.u32 $0x3000, v54;
	vm4 =	vgt.s32 v8, $0x0;
	v7 =	vmin.u32 v7, $0x5F;
	[tilespmem:v55+s0+$0x0] =	vst.idx.msk vm5, v1  }
0x35d: {  	vm8 =	vlt.u32 v8, $0x60;
	v8 =	vnsel vm4, $0x0, v8;
	v7 =	vshll.u32 v7, $0x7;
	[tilespmem:v57+s0+$0x0] =	vst.idx.msk vm7, v1  }
0x35e: {  	vm4 =	vmand vm6, vm8;
	v8 =	vmin.u32 v8, $0x5F;
	v7 =	vadd.s32 v9, v7;
	[tilespmem:v59+s0+$0x0] =	vst.idx.msk vm9, v1  }
0x35f: {  	v9 =	vsub.s32 v62, v52;
	v54 =	vor.u32 v8, v7;
	v10 =	vld [tilespmem:$0x780]  }
0x360: {  	vm6 =	vgt.s32 v9, $0x0  }
0x361: {  	v7 =	vsub.s32 v61, v52;
	vm8 =	vlt.u32 v9, $0x60;
	v8 =	vnsel vm6, $0x0, v9  }
0x362: {  	vm6 =	vgt.s32 v7, $0x0;
	v9 =	vmul.u32 $0x3000, v60;
	v8 =	vmin.u32 v8, $0x5F  }
0x363: {  	vm10 =	vlt.u32 v7, $0x60;
	v7 =	vnsel vm6, $0x0, v7;
	v8 =	vshll.u32 v8, $0x7  }
0x364: {  	vm6 =	vmand vm8, vm10;
	v7 =	vmin.u32 v7, $0x5F;
	v8 =	vadd.s32 v9, v8;
	[tilespmem:v54+s0+$0x0] =	vst.idx.msk vm4, v10  }
0x365: {  	v3 =	vsub.s32 v3, v52;
	v56 =	vor.u32 v7, v8;
	v9 =	vld [tilespmem:$0x790]  }
0x366: {  	vm8 =	vgt.s32 v3, $0x0  }
0x367: {  	v2 =	vsub.s32 v2, v52;
	vm10 =	vlt.u32 v3, $0x60;
	v3 =	vnsel vm8, $0x0, v3  }
0x368: {  	vm8 =	vgt.s32 v2, $0x0;
	v3 =	vmin.u32 v3, $0x5F;
	v7 =	vmul.u32 $0x3000, v63  }
0x369: {  	vm11 =	vlt.u32 v2, $0x60;
	v2 =	vnsel vm8, $0x0, v2;
	v3 =	vshll.u32 v3, $0x7  }
0x36a: {  	vm8 =	vmand vm10, vm11;
	v2 =	vmin.u32 v2, $0x5F;
	v3 =	vadd.s32 v7, v3;
	[tilespmem:v56+s0+$0x0] =	vst.idx.msk vm6, v9  }
0x36b: {  	v5 =	vsub.s32 v5, v52;
	v58 =	vor.u32 v2, v3;
	v7 =	vld [tilespmem:$0x7A0]  }
0x36c: {  	v4 =	vmul.u32 $0x3000, v4;
	vm10 =	vgt.s32 v5, $0x0  }
0x36d: {  	vm11 =	vlt.u32 v5, $0x60;
	v2 =	vsub.s32 v6, v52;
	v3 =	vnsel vm10, $0x0, v5  }
0x36e: {  	vm12 =	vlt.u32 v2, $0x60;
	v3 =	vmin.u32 v3, $0x5F;
	vm10 =	vgt.s32 v2, $0x0  }
0x36f: {  	vm11 =	vmand vm11, vm12;
	v2 =	vnsel vm10, $0x0, v2;
	v3 =	vshll.u32 v3, $0x7  }
0x370: {  	vm10 =	vmand vm11, vm2;
	v2 =	vmin.u32 v2, $0x5F;
	v3 =	vadd.s32 v4, v3;
	[tilespmem:v58+s0+$0x0] =	vst.idx.msk vm8, v7  }
0x371: {  	v60 =	vor.u32 v2, v3;
	v4 =	vld [tilespmem:$0x7B0];
	_ =	sdelay $0x4  }
0x372: {  	[tilespmem:v60+s0+$0x0] =	vst.idx.msk vm10, v4  }
0x373: {  	[bflag:$0x0] =	sbarrier.arrive $0xFFFF  }
0x374: {  	[hbm4b:s18+s3] =	stream.linear.scatter [tilespmem:s0], [sflag:$0x1], $0x6000, $0x38;
	[tilespmem:$0xC880] =	vst v63  }
0x375: {  	_ =	swait.ge [sflag:s1], $0x6000  }
0x376: {  	[sflag:s1] =	ssyncset.done $0x0  }
0x377: {  	[sflag:s1] =	ssyncadd.s32 $0xFFFFA000  }
0x378: {  	[bflag:$0x0] =	sbarrier.arrive $0xFFFF  }
0x379: {  	[tilespmem:v53+s4+$0x0] =	vst.idx.msk vm3, v1  }
0x37a: {  	[tilespmem:v55+s4+$0x0] =	vst.idx.msk vm5, v1  }
0x37b: {  	[tilespmem:v57+s4+$0x0] =	vst.idx.msk vm7, v1  }
0x37c: {  	[tilespmem:v59+s4+$0x0] =	vst.idx.msk vm9, v1  }
0x37d: {  	v2 =	vld [tilespmem:$0x7C0];
	_ =	sdelay $0x4  }
0x37e: {  	[tilespmem:v54+s4+$0x0] =	vst.idx.msk vm4, v2  }
0x37f: {  	v2 =	vld [tilespmem:$0x7D0];
	_ =	sdelay $0x4  }
0x380: {  	[tilespmem:v56+s4+$0x0] =	vst.idx.msk vm6, v2  }
0x381: {  	v2 =	vld [tilespmem:$0x7E0];
	_ =	sdelay $0x4  }
0x382: {  	[tilespmem:v58+s4+$0x0] =	vst.idx.msk vm8, v2  }
0x383: {  	v2 =	vld [tilespmem:$0x7F0];
	_ =	sdelay $0x4  }
0x384: {  	[tilespmem:v60+s4+$0x0] =	vst.idx.msk vm10, v2  }
0x385: {  	[bflag:$0x0] =	sbarrier.arrive $0xFFFF  }
0x386: {  	[hbm4b:s19+s3] =	stream.linear.scatter [tilespmem:s4], [sflag:$0x2], $0x6000, $0x38;
	[tilespmem:$0xC880] =	vst v63  }
0x387: {  	_ =	swait.ge [sflag:s6], $0x6000  }
0x388: {  	[sflag:s6] =	ssyncset.done $0x0  }
0x389: {  	[sflag:s6] =	ssyncadd.s32 $0xFFFFA000  }
0x38a: {  	[bflag:$0x0] =	sbarrier.arrive $0xFFFF  }
0x38b: {  	[tilespmem:v54+s0+$0x0] =	vst.idx.msk vm4, v1  }
0x38c: {  	[tilespmem:v56+s0+$0x0] =	vst.idx.msk vm6, v1  }
0x38d: {  	[tilespmem:v58+s0+$0x0] =	vst.idx.msk vm8, v1  }
0x38e: {  	[tilespmem:v60+s0+$0x0] =	vst.idx.msk vm10, v1  }
0x38f: {  	v2 =	vld [tilespmem:$0x800];
	_ =	sdelay $0x4  }
0x390: {  	[tilespmem:v54+s0+$0x0] =	vst.idx.msk vm4, v2  }
0x391: {  	v2 =	vld [tilespmem:$0x810];
	_ =	sdelay $0x4  }
0x392: {  	[tilespmem:v56+s0+$0x0] =	vst.idx.msk vm6, v2  }
0x393: {  	v2 =	vld [tilespmem:$0x820];
	_ =	sdelay $0x4  }
0x394: {  	[tilespmem:v58+s0+$0x0] =	vst.idx.msk vm8, v2  }
0x395: {  	v2 =	vld [tilespmem:$0x830];
	_ =	sdelay $0x4  }
0x396: {  	[tilespmem:v60+s0+$0x0] =	vst.idx.msk vm10, v2  }
0x397: {  	[bflag:$0x0] =	sbarrier.arrive $0xFFFF  }
0x398: {  	[hbm4b:s20+s3] =	stream.linear.scatter [tilespmem:s0], [sflag:$0x1], $0x6000, $0x38;
	[tilespmem:$0xC880] =	vst v63  }
0x399: {  	_ =	swait.ge [sflag:s1], $0x6000  }
0x39a: {  	[sflag:s1] =	ssyncset.done $0x0  }
0x39b: {  	[sflag:s1] =	ssyncadd.s32 $0xFFFFA000  }
0x39c: {  	[bflag:$0x0] =	sbarrier.arrive $0xFFFF  }
0x39d: {  	[tilespmem:v54+s4+$0x0] =	vst.idx.msk vm4, v1  }
0x39e: {  	[tilespmem:v56+s4+$0x0] =	vst.idx.msk vm6, v1  }
0x39f: {  	[tilespmem:v58+s4+$0x0] =	vst.idx.msk vm8, v1  }
0x3a0: {  	[tilespmem:v60+s4+$0x0] =	vst.idx.msk vm10, v1  }
0x3a1: {  	v2 =	vld [tilespmem:$0x840];
	_ =	sdelay $0x4  }
0x3a2: {  	[tilespmem:v54+s4+$0x0] =	vst.idx.msk vm4, v2  }
0x3a3: {  	v2 =	vld [tilespmem:$0x850];
	_ =	sdelay $0x4  }
0x3a4: {  	[tilespmem:v56+s4+$0x0] =	vst.idx.msk vm6, v2  }
0x3a5: {  	v2 =	vld [tilespmem:$0x860];
	_ =	sdelay $0x4  }
0x3a6: {  	[tilespmem:v58+s4+$0x0] =	vst.idx.msk vm8, v2  }
0x3a7: {  	v2 =	vld [tilespmem:$0x870];
	_ =	sdelay $0x2  }
0x3a8: {  	v3 =	vadd.s32 $0x258, v0  }
0x3a9: {  	v4 =	vadd.s32 $0x259, v0  }
0x3aa: {  	[tilespmem:v60+s4+$0x0] =	vst.idx.msk vm10, v2;
	v2 =	vadd.s32 $0x25A, v0  }
0x3ab: {  	[bflag:$0x0] =	sbarrier.arrive $0xFFFF  }
0x3ac: {  	[hbm4b:s21+s3] =	stream.linear.scatter [tilespmem:s4], [sflag:$0x2], $0x6000, $0x38;
	[tilespmem:$0xC880] =	vst v63  }
0x3ad: {  	v3 =	vld.idx.msk [tilespmem:v3+s3+$0x0], $0xffff  }
0x3ae: {  	v4 =	vld.idx.msk [tilespmem:v4+s3+$0x0], $0xffff  }
0x3af: {  	v2 =	vld.idx.msk [tilespmem:v2+s3+$0x0], $0xffff;
	_ =	sdelay $0x2  }
0x3b0: {  	v3 =	vtrunc.f32 v3  }
0x3b1: {  	v57 =	vcvt.f32.s32 v3  }
0x3b2: {  	v3 =	vtrunc.f32 v4;
	v2 =	vtrunc.f32 v2  }
0x3b3: {  	v55 =	vcvt.f32.s32 v3;
	v53 =	vcvt.f32.s32 v2;
	v2 =	vadd.s32 $0x25B, v0  }
0x3b4: {  	v3 =	vshll.u32 v57, $0x7  }
0x3b5: {  	v3 =	vadd.s32 v55, v3;
	v4 =	vshll.u32 v53, $0xE  }
0x3b6: {  	v7 =	vadd.s32 v4, v3  }
0x3b7: {  	[tilespmem:$0x600] =	vst v7  }
0x3b8: {  	v2 =	vld.idx.msk [tilespmem:v2+s3+$0x0], $0xffff  }
0x3b9: {  	v3 =	vld.idx.msk [tilespmem:v21+s3+$0x0], $0xffff;
	_ =	sdelay $0x4  }
0x3ba: {  	v2 =	vsub.f32 v3, v2;
	_ =	sdelay $0x1  }
0x3bb: {  	v2 =	vmul.f32 v2, v48;
	_ =	sdelay $0x1  }
0x3bc: {  	v2 =	vmul.f32 $1.442695020e+00, v2;
	_ =	sdelay $0x1  }
0x3bd: {  	(erf) = vpow2.f32 v2;
	_ =	sdelay $0x5  }
0x3be: {  	v2 =	vadd.s32 $0x298, v0  }
0x3bf: {  	v3 =	vadd.s32 $0x299, v0  }
0x3c0: {  	v4 =	vadd.s32 $0x29A, v0  }
0x3c1: {  	v5 =	vpop (erf)  }
0x3c2: {  	[tilespmem:$0x680] =	vst v5  }
0x3c3: {  	v2 =	vld.idx.msk [tilespmem:v2+s3+$0x0], $0xffff  }
0x3c4: {  	v3 =	vld.idx.msk [tilespmem:v3+s3+$0x0], $0xffff  }
0x3c5: {  	v4 =	vld.idx.msk [tilespmem:v4+s3+$0x0], $0xffff;
	_ =	sdelay $0x2  }
0x3c6: {  	v2 =	vtrunc.f32 v2  }
0x3c7: {  	v62 =	vcvt.f32.s32 v2  }
0x3c8: {  	v2 =	vtrunc.f32 v3;
	v3 =	vtrunc.f32 v4  }
0x3c9: {  	v61 =	vcvt.f32.s32 v2;
	v59 =	vcvt.f32.s32 v3;
	v2 =	vadd.s32 $0x29B, v0  }
0x3ca: {  	v4 =	vadd.s32 $0x297, v0;
	v3 =	vshll.u32 v62, $0x7  }
0x3cb: {  	v5 =	vshll.u32 v59, $0xE;
	v3 =	vadd.s32 v61, v3  }
0x3cc: {  	v8 =	vadd.s32 v5, v3  }
0x3cd: {  	[tilespmem:$0x610] =	vst v8  }
0x3ce: {  	v2 =	vld.idx.msk [tilespmem:v2+s3+$0x0], $0xffff  }
0x3cf: {  	v3 =	vld.idx.msk [tilespmem:v4+s3+$0x0], $0xffff;
	_ =	sdelay $0x4  }
0x3d0: {  	v2 =	vsub.f32 v3, v2;
	_ =	sdelay $0x1  }
0x3d1: {  	v2 =	vmul.f32 v2, v48;
	_ =	sdelay $0x1  }
0x3d2: {  	v2 =	vmul.f32 $1.442695020e+00, v2;
	_ =	sdelay $0x1  }
0x3d3: {  	(erf) = vpow2.f32 v2;
	_ =	sdelay $0x5  }
0x3d4: {  	v2 =	vadd.s32 $0x2D8, v0  }
0x3d5: {  	v4 =	vadd.s32 $0x2DA, v0  }
0x3d6: {  	v3 =	vadd.s32 $0x2D9, v0  }
0x3d7: {  	v5 =	vpop (erf)  }
0x3d8: {  	[tilespmem:$0x690] =	vst v5  }
0x3d9: {  	v2 =	vld.idx.msk [tilespmem:v2+s3+$0x0], $0xffff  }
0x3da: {  	v4 =	vld.idx.msk [tilespmem:v4+s3+$0x0], $0xffff  }
0x3db: {  	v5 =	vld.idx.msk [tilespmem:v3+s3+$0x0], $0xffff;
	_ =	sdelay $0x3  }
0x3dc: {  	v2 =	vtrunc.f32 v2;
	v4 =	vtrunc.f32 v4  }
0x3dd: {  	v3 =	vcvt.f32.s32 v2;
	v2 =	vtrunc.f32 v5  }
0x3de: {  	v63 =	vcvt.f32.s32 v4;
	v4 =	vadd.s32 $0x2DB, v0;
	v2 =	vcvt.f32.s32 v2  }
0x3df: {  	v6 =	vadd.s32 $0x2D7, v0;
	v5 =	vshll.u32 v3, $0x7  }
0x3e0: {  	v9 =	vshll.u32 v63, $0xE;
	v5 =	vadd.s32 v2, v5  }
0x3e1: {  	v9 =	vadd.s32 v9, v5  }
0x3e2: {  	[tilespmem:$0x620] =	vst v9  }
0x3e3: {  	v4 =	vld.idx.msk [tilespmem:v4+s3+$0x0], $0xffff  }
0x3e4: {  	v5 =	vld.idx.msk [tilespmem:v6+s3+$0x0], $0xffff;
	_ =	sdelay $0x4  }
0x3e5: {  	v4 =	vsub.f32 v5, v4;
	_ =	sdelay $0x1  }
0x3e6: {  	v4 =	vmul.f32 v4, v48;
	_ =	sdelay $0x1  }
0x3e7: {  	v4 =	vmul.f32 $1.442695020e+00, v4;
	_ =	sdelay $0x1  }
0x3e8: {  	(erf) = vpow2.f32 v4;
	_ =	sdelay $0x8  }
0x3e9: {  	v4 =	vpop (erf)  }
0x3ea: {  	[tilespmem:$0x6A0] =	vst v4  }
0x3eb: {  	v4 =	vld.idx.msk [tilespmem:v47+s3+$0x0], $0xffff  }
0x3ec: {  	v10 =	vld.idx.msk [tilespmem:v50+s3+$0x0], $0xffff  }
0x3ed: {  	v6 =	vld.idx.msk [tilespmem:v49+s3+$0x0], $0xffff;
	_ =	sdelay $0x3  }
0x3ee: {  	v4 =	vtrunc.f32 v4;
	v10 =	vtrunc.f32 v10  }
0x3ef: {  	v5 =	vcvt.f32.s32 v4;
	v4 =	vtrunc.f32 v6  }
0x3f0: {  	v6 =	vcvt.f32.s32 v4;
	v4 =	vcvt.f32.s32 v10;
	v10 =	vsel vm0, $0x31B, v51  }
0x3f1: {  	v12 =	vsel vm0, $0x317, v51;
	v11 =	vshll.u32 v5, $0x7;
	v10 =	vsel vm1, $0x31F, v10  }
0x3f2: {  	v12 =	vsel vm1, $0x31B, v12;
	v13 =	vshll.u32 v4, $0xE;
	v11 =	vadd.s32 v6, v11  }
0x3f3: {  	v11 =	vadd.s32 v13, v11  }
0x3f4: {  	v11 =	vnsel vm2, $0xFFFFFFFF, v11  }
0x3f5: {  	[tilespmem:$0x630] =	vst v11  }
0x3f6: {  	v10 =	vld.idx.msk [tilespmem:v10+s3+$0x0], $0xffff  }
0x3f7: {  	v12 =	vld.idx.msk [tilespmem:v12+s3+$0x0], $0xffff;
	_ =	sdelay $0x4  }
0x3f8: {  	v10 =	vsub.f32 v12, v10;
	_ =	sdelay $0x1  }
0x3f9: {  	v10 =	vmul.f32 v10, v48;
	_ =	sdelay $0x1  }
0x3fa: {  	v13 =	vld [tilespmem:$0x416];
	v10 =	vmul.f32 $1.442695020e+00, v10;
	_ =	sdelay $0x1  }
0x3fb: {  	(erf) = vpow2.f32 v10;
	_ =	sdelay $0x2  }
0x3fc: {  	(v2sf) =	vpush v13, $0x0;
	_ =	sdelay $0x5  }
0x3fd: {  	v10 =	vpop (erf)  }
0x3fe: {  	[tilespmem:$0x6B0] =	vst v10  }
0x3ff: {  	v10 =	vld.msk [tilespmem:$0x600 ss:$0x0], $0xffff;
	[tilespmem:$0x7C0] =	vst v1  }
0x400: {  	[tilespmem:$0x800] =	vst v1  }
0x401: {  	[tilespmem:$0x840] =	vst v1  }
0x402: {  	[tilespmem:$0x7D0] =	vst v1  }
0x403: {  	[tilespmem:$0x810] =	vst v1  }
0x404: {  	[tilespmem:$0x850] =	vst v1  }
0x405: {  	[tilespmem:$0x7E0] =	vst v1  }
0x406: {  	s13 =	spop (v2sf);
	[tilespmem:$0x820] =	vst v1  }
0x407: {  	s6 =	simm.f32 $3.000000120e-01;
	p0 =	seq.s32 s13, $0x0;
	[tilespmem:$0x860] =	vst v1  }
0x408: {  	s6 =	simm.s32 @!p0 $0x0;
	[tilespmem:$0x7F0] =	vst v1  }
0x409: {  	[tilespmem:$0x830] =	vst v1;
	vm3 =	veq.s32 v7, v10;
	v7 =	vmov s6  }
0x40a: {  	[tilespmem:$0x870] =	vst v1;
	v12 =	vnsel vm3, $0x0, v7  }
0x40b: {  	[tilespmem:$0x700] =	vst v12;
	v12 =	vsel vm3, $0x3E99999A, v1;
	vm3 =	veq.s32 v8, v10  }
0x40c: {  	[tilespmem:$0x780] =	vst v12;
	v8 =	vnsel vm3, $0x0, v7  }
0x40d: {  	[tilespmem:$0x710] =	vst v8;
	v8 =	vsel vm3, $0x3E99999A, v1;
	vm3 =	veq.s32 v9, v10  }
0x40e: {  	[tilespmem:$0x790] =	vst v8;
	v8 =	vnsel vm3, $0x0, v7  }
0x40f: {  	[tilespmem:$0x720] =	vst v8;
	v8 =	vsel vm3, $0x3E99999A, v1;
	vm3 =	veq.s32 v11, v10  }
0x410: {  	[tilespmem:$0x7A0] =	vst v8;
	v7 =	vnsel vm3, $0x0, v7  }
0x411: {  	[tilespmem:$0x730] =	vst v7;
	v7 =	vsel vm3, $0x3E99999A, v1  }
0x412: {  	[tilespmem:$0x7B0] =	vst v7  }
0x413: {  	s15 =	simm.s32 $0x681;
	v7 =	vld [tilespmem:s5+$0x483]  }
0x414: {  	s30 =	simm.s32 $0x701;
	v8 =	vld [tilespmem:s15+$0x0]  }
0x415: {  	v9 =	vld [tilespmem:s30+$0x0];
	_ =	sdelay $0x2  }
0x416: {  	(v2sf) =	vpush v7, $0x0  }
0x417: {  	(v2sf) =	vpush v8, $0x0  }
0x418: {  	(v2sf) =	vpush v9, $0x0;
	_ =	sdelay $0x2  }
0x419: {  	s31 =	simm.s32 $0x417  }
0x41a: {  	v7 =	vld [tilespmem:s31+$0x0];
	_ =	sdelay $0x4  }
0x41b: {  	(v2sf) =	vpush v7, $0x0;
	_ =	sdelay $0x3  }
0x41c: {  	s6 =	spop (v2sf)  }
0x41d: {  	s10 =	spop (v2sf)  }
0x41e: {  	s7 =	simm.s32 $0x601;
	v10 =	vld [tilespmem:$0x700];
	s12 =	spop (v2sf)  }
0x41f: {  	v9 =	vld.msk [tilespmem:s7+$0x0 ss:$0x0], $0xffff;
	s10 =	smul.f32 s12, s10  }
0x420: {  	v7 =	vld [tilespmem:$0x600]  }
0x421: {  	p0 =	slt.s32 s6, $0x1;
	s12 =	simm.f32 $0.0e+00;
	s10 =	ssub.f32 $1.000000000e+00, s10  }
0x422: {  	s12 =	simm.s32 @!p0 $0x3E99999A  }
0x423: {  	v8 =	vbroadcast v8, $0x0;
	s10 =	smul.f32 s10, s12;
	_ =	sdelay $0x1  }
0x424: {  	v10 =	vmul.f32 v10, v8;
	vm3 =	veq.s32 v7, v9;
	v11 =	vmov s10  }
0x425: {  	v7 =	vnsel vm3, $0x0, v11  }
0x426: {  	s16 =	spop (v2sf);
	v7 =	vadd.f32 v7, v10  }
0x427: {  	s10 =	sshll.u32 s16, $0x8  }
0x428: {  	s13 =	sshra.s32 s10, $0x2;
	[tilespmem:$0x700] =	vst v7  }
0x429: {  	[tilespmem:s13+$0x780] =	vst v7  }
0x42a: {  	v7 =	vld [tilespmem:$0x710]  }
0x42b: {  	v10 =	vld [tilespmem:$0x610];
	_ =	sdelay $0x4  }
0x42c: {  	v7 =	vmul.f32 v7, v8;
	vm3 =	veq.s32 v10, v9  }
0x42d: {  	v10 =	vnsel vm3, $0x0, v11  }
0x42e: {  	v7 =	vadd.f32 v10, v7;
	_ =	sdelay $0x1  }
0x42f: {  	[tilespmem:$0x710] =	vst v7  }
0x430: {  	[tilespmem:s13+$0x790] =	vst v7  }
0x431: {  	v7 =	vld [tilespmem:$0x720]  }
0x432: {  	v10 =	vld [tilespmem:$0x620];
	_ =	sdelay $0x4  }
0x433: {  	v7 =	vmul.f32 v7, v8;
	vm3 =	veq.s32 v10, v9  }
0x434: {  	v10 =	vnsel vm3, $0x0, v11  }
0x435: {  	v7 =	vadd.f32 v10, v7;
	_ =	sdelay $0x1  }
0x436: {  	[tilespmem:$0x720] =	vst v7  }
0x437: {  	[tilespmem:s13+$0x7A0] =	vst v7  }
0x438: {  	v7 =	vld [tilespmem:$0x630]  }
0x439: {  	v10 =	vld [tilespmem:$0x730];
	_ =	sdelay $0x4  }
0x43a: {  	vm3 =	veq.s32 v7, v9;
	v7 =	vmul.f32 v10, v8  }
0x43b: {  	s12 =	simm.s32 $0x682;
	s10 =	simm.s32 $0x2;
	v8 =	vnsel vm3, $0x0, v11  }
.LBB2_10:
0x43c: {  	v7 =	vadd.f32 v8, v7;
	s30 =	sadd.s32 $0x1, s30;
	s31 =	sadd.s32 $0x1, s31;
	s7 =	sadd.s32 $0x1, s7  }
0x43d: {  	p0 =	sne.s32 s10, $0x31;
	s15 =	smov.u32 s10;
	s10 =	sadd.s32 $0x1, s10  }
0x43e: {  	[tilespmem:$0x730] =	vst v7  }
0x43f: {  	[tilespmem:s13+$0x7B0] =	vst v7  }
0x440: {  	v7 =	vld [tilespmem:s12+$0x0]  }
0x441: {  	v8 =	vld [tilespmem:s30+$0x0];
	_ =	sdelay $0x3  }
0x442: {  	(v2sf) =	vpush v7, $0x0  }
0x443: {  	(v2sf) =	vpush v8, $0x0;
	_ =	sdelay $0x3  }
0x444: {  	v8 =	vld [tilespmem:s31+$0x0];
	_ =	sdelay $0x4  }
0x445: {  	(v2sf) =	vpush v8, $0x0;
	_ =	sdelay $0x4  }
0x446: {  	s13 =	spop (v2sf)  }
0x447: {  	v8 =	vld [tilespmem:$0x600];
	s16 =	spop (v2sf)  }
0x448: {  	s13 =	smul.f32 s16, s13;
	v9 =	vld.msk [tilespmem:s7+$0x0 ss:$0x0], $0xffff  }
0x449: {  	v10 =	vld [tilespmem:$0x700]  }
0x44a: {  	p1 =	slt.s32 s6, s15;
	s15 =	simm.f32 $0.0e+00;
	s13 =	ssub.f32 $1.000000000e+00, s13  }
0x44b: {  	s15 =	simm.s32 @!p1 $0x3E99999A  }
0x44c: {  	v7 =	vbroadcast v7, $0x0;
	s13 =	smul.f32 s13, s15;
	_ =	sdelay $0x1  }
0x44d: {  	vm3 =	veq.s32 v8, v9;
	v10 =	vmul.f32 v10, v7;
	v8 =	vmov s13  }
0x44e: {  	v11 =	vnsel vm3, $0x0, v8  }
0x44f: {  	v10 =	vadd.f32 v11, v10;
	s13 =	spop (v2sf)  }
0x450: {  	s13 =	sshll.u32 s13, $0x8  }
0x451: {  	[tilespmem:$0x700] =	vst v10;
	s13 =	sshra.s32 s13, $0x2  }
0x452: {  	[tilespmem:s13+$0x780] =	vst v10  }
0x453: {  	v10 =	vld [tilespmem:$0x710]  }
0x454: {  	v11 =	vld [tilespmem:$0x610];
	_ =	sdelay $0x3  }
0x455: {  	v10 =	vmul.f32 v10, v7  }
0x456: {  	vm3 =	veq.s32 v11, v9  }
0x457: {  	v11 =	vnsel vm3, $0x0, v8  }
0x458: {  	v10 =	vadd.f32 v11, v10;
	_ =	sdelay $0x1  }
0x459: {  	[tilespmem:$0x710] =	vst v10  }
0x45a: {  	[tilespmem:s13+$0x790] =	vst v10  }
0x45b: {  	v10 =	vld [tilespmem:$0x720]  }
0x45c: {  	v11 =	vld [tilespmem:$0x620];
	_ =	sdelay $0x3  }
0x45d: {  	v10 =	vmul.f32 v10, v7  }
0x45e: {  	vm3 =	veq.s32 v11, v9  }
0x45f: {  	v11 =	vnsel vm3, $0x0, v8  }
0x460: {  	v10 =	vadd.f32 v11, v10;
	_ =	sdelay $0x1  }
0x461: {  	[tilespmem:$0x720] =	vst v10  }
0x462: {  	[tilespmem:s13+$0x7A0] =	vst v10  }
0x463: {  	v10 =	vld [tilespmem:$0x730]  }
0x464: {  	v11 =	vld [tilespmem:$0x630];
	_ =	sdelay $0x1  }
.Ltmp4:
0x465: {  	(pc) =	sbr.rel @p0 .LBB2_10-.Ltmp4, $4  }
0x466: {  	_ = 	snop  }
0x467: {  	v7 =	vmul.f32 v10, v7  }
0x468: {  	vm3 =	veq.s32 v11, v9  }
0x469: {  	s12 =	sadd.s32 $0x1, s12;
	v8 =	vnsel vm3, $0x0, v8  }
0x46a: {  	v7 =	vadd.f32 v8, v7;
	_ =	sdelay $0x1  }
0x46b: {  	[tilespmem:$0x730] =	vst v7  }
0x46c: {  	[tilespmem:s13+$0x7B0] =	vst v7  }
0x46d: {  	_ =	swait.ge [sflag:s2], $0x6000  }
0x46e: {  	[sflag:s2] =	ssyncset.done $0x0  }
0x46f: {  	v7 =	vsub.s32 v57, v52;
	[sflag:s2] =	ssyncadd.s32 $0xFFFFA000  }
0x470: {  	vm3 =	vgt.s32 v7, $0x0;
	[bflag:$0x0] =	sbarrier.arrive $0xFFFF  }
0x471: {  	v57 =	vsub.s32 v55, v52;
	vm5 =	vlt.u32 v7, $0x60;
	v7 =	vnsel vm3, $0x0, v7;
	[tilespmem:v54+s0+$0x0] =	vst.idx.msk vm4, v1  }
0x472: {  	v9 =	vmul.u32 $0x3000, v53;
	vm3 =	vgt.s32 v57, $0x0;
	v7 =	vmin.u32 v7, $0x5F;
	[tilespmem:v56+s0+$0x0] =	vst.idx.msk vm6, v1  }
0x473: {  	vm7 =	vlt.u32 v57, $0x60;
	v8 =	vnsel vm3, $0x0, v57;
	v7 =	vshll.u32 v7, $0x7;
	[tilespmem:v58+s0+$0x0] =	vst.idx.msk vm8, v1  }
0x474: {  	vm3 =	vmand vm5, vm7;
	v8 =	vmin.u32 v8, $0x5F;
	v7 =	vadd.s32 v9, v7;
	[tilespmem:v60+s0+$0x0] =	vst.idx.msk vm10, v1  }
0x475: {  	v62 =	vsub.s32 v62, v52;
	v7 =	vor.u32 v8, v7;
	v10 =	vld [tilespmem:$0x780]  }
0x476: {  	vm12 =	vgt.s32 v62, $0x0  }
0x477: {  	v53 =	vsub.s32 v61, v52;
	v11 =	vmul.u32 $0x3000, v59;
	v9 =	vnsel vm12, $0x0, v62  }
0x478: {  	vm13 =	vlt.u32 v62, $0x60;
	vm14 =	vgt.s32 v53, $0x0;
	v9 =	vmin.u32 v9, $0x5F  }
0x479: {  	vm9 =	vlt.u32 v53, $0x60;
	v8 =	vnsel vm14, $0x0, v53;
	v9 =	vshll.u32 v9, $0x7  }
0x47a: {  	vm5 =	vmand vm13, vm9;
	v8 =	vmin.u32 v8, $0x5F;
	v9 =	vadd.s32 v11, v9;
	[tilespmem:v7+s0+$0x0] =	vst.idx.msk vm3, v10  }
0x47b: {  	v3 =	vsub.s32 v3, v52;
	v8 =	vor.u32 v8, v9;
	v10 =	vld [tilespmem:$0x790]  }
0x47c: {  	vm15 =	vgt.s32 v3, $0x0  }
0x47d: {  	v2 =	vsub.s32 v2, v52;
	vm12 =	vlt.u32 v3, $0x60;
	v3 =	vnsel vm15, $0x0, v3  }
0x47e: {  	v55 =	vmul.u32 $0x3000, v63;
	vm13 =	vgt.s32 v2, $0x0;
	v3 =	vmin.u32 v3, $0x5F  }
0x47f: {  	vm11 =	vlt.u32 v2, $0x60;
	v2 =	vnsel vm13, $0x0, v2;
	v3 =	vshll.u32 v3, $0x7  }
0x480: {  	v2 =	vmin.u32 v2, $0x5F;
	vm7 =	vmand vm12, vm11;
	v3 =	vadd.s32 v55, v3;
	[tilespmem:v8+s0+$0x0] =	vst.idx.msk vm5, v10  }
0x481: {  	v5 =	vsub.s32 v5, v52;
	v2 =	vor.u32 v2, v3;
	v57 =	vld [tilespmem:$0x7A0]  }
0x482: {  	v4 =	vmul.u32 $0x3000, v4;
	vm9 =	vgt.s32 v5, $0x0  }
0x483: {  	vm11 =	vlt.u32 v5, $0x60;
	v5 =	vnsel vm9, $0x0, v5;
	v3 =	vsub.s32 v6, v52  }
0x484: {  	v5 =	vmin.u32 v5, $0x5F;
	vm12 =	vlt.u32 v3, $0x60;
	vm14 =	vgt.s32 v3, $0x0  }
0x485: {  	v5 =	vshll.u32 v5, $0x7;
	vm11 =	vmand vm11, vm12;
	v3 =	vnsel vm14, $0x0, v3  }
0x486: {  	v4 =	vadd.s32 v4, v5;
	vm15 =	vmand vm11, vm2;
	v3 =	vmin.u32 v3, $0x5F;
	[tilespmem:v2+s0+$0x0] =	vst.idx.msk vm7, v57  }
0x487: {  	v3 =	vor.u32 v3, v4;
	v59 =	vld [tilespmem:$0x7B0];
	_ =	sdelay $0x4  }
0x488: {  	[tilespmem:v3+s0+$0x0] =	vst.idx.msk vm15, v59  }
0x489: {  	[bflag:$0x0] =	sbarrier.arrive $0xFFFF  }
0x48a: {  	[hbm4b:s22+s3] =	stream.linear.scatter [tilespmem:s0], [sflag:$0x1], $0x6000, $0x38;
	[tilespmem:$0xC880] =	vst v63  }
0x48b: {  	_ =	swait.ge [sflag:s1], $0x6000  }
0x48c: {  	[sflag:s1] =	ssyncset.done $0x0  }
0x48d: {  	[sflag:s1] =	ssyncadd.s32 $0xFFFFA000  }
0x48e: {  	[bflag:$0x0] =	sbarrier.arrive $0xFFFF  }
0x48f: {  	[tilespmem:v54+s4+$0x0] =	vst.idx.msk vm4, v1  }
0x490: {  	[tilespmem:v56+s4+$0x0] =	vst.idx.msk vm6, v1  }
0x491: {  	[tilespmem:v58+s4+$0x0] =	vst.idx.msk vm8, v1  }
0x492: {  	[tilespmem:v60+s4+$0x0] =	vst.idx.msk vm10, v1  }
0x493: {  	v61 =	vld [tilespmem:$0x7C0];
	_ =	sdelay $0x4  }
0x494: {  	[tilespmem:v7+s4+$0x0] =	vst.idx.msk vm3, v61  }
0x495: {  	v4 =	vld [tilespmem:$0x7D0];
	_ =	sdelay $0x4  }
0x496: {  	[tilespmem:v8+s4+$0x0] =	vst.idx.msk vm5, v4  }
0x497: {  	v4 =	vld [tilespmem:$0x7E0];
	_ =	sdelay $0x4  }
0x498: {  	[tilespmem:v2+s4+$0x0] =	vst.idx.msk vm7, v4  }
0x499: {  	v4 =	vld [tilespmem:$0x7F0];
	_ =	sdelay $0x4  }
0x49a: {  	[tilespmem:v3+s4+$0x0] =	vst.idx.msk vm15, v4  }
0x49b: {  	[bflag:$0x0] =	sbarrier.arrive $0xFFFF  }
0x49c: {  	[hbm4b:s23+s3] =	stream.linear.scatter [tilespmem:s4], [sflag:$0x2], $0x6000, $0x38;
	[tilespmem:$0xC880] =	vst v63  }
0x49d: {  	_ =	swait.ge [sflag:s2], $0x6000  }
0x49e: {  	[sflag:s2] =	ssyncset.done $0x0  }
0x49f: {  	[sflag:s2] =	ssyncadd.s32 $0xFFFFA000  }
0x4a0: {  	[bflag:$0x0] =	sbarrier.arrive $0xFFFF  }
0x4a1: {  	[tilespmem:v7+s0+$0x0] =	vst.idx.msk vm3, v1  }
0x4a2: {  	[tilespmem:v8+s0+$0x0] =	vst.idx.msk vm5, v1  }
0x4a3: {  	[tilespmem:v2+s0+$0x0] =	vst.idx.msk vm7, v1  }
0x4a4: {  	[tilespmem:v3+s0+$0x0] =	vst.idx.msk vm15, v1  }
0x4a5: {  	v62 =	vld [tilespmem:$0x800];
	_ =	sdelay $0x4  }
0x4a6: {  	[tilespmem:v7+s0+$0x0] =	vst.idx.msk vm3, v62  }
0x4a7: {  	v4 =	vld [tilespmem:$0x810];
	_ =	sdelay $0x4  }
0x4a8: {  	[tilespmem:v8+s0+$0x0] =	vst.idx.msk vm5, v4  }
0x4a9: {  	v4 =	vld [tilespmem:$0x820];
	_ =	sdelay $0x4  }
0x4aa: {  	[tilespmem:v2+s0+$0x0] =	vst.idx.msk vm7, v4  }
0x4ab: {  	v4 =	vld [tilespmem:$0x830];
	_ =	sdelay $0x4  }
0x4ac: {  	[tilespmem:v3+s0+$0x0] =	vst.idx.msk vm15, v4  }
0x4ad: {  	[bflag:$0x0] =	sbarrier.arrive $0xFFFF  }
0x4ae: {  	[hbm4b:s24+s3] =	stream.linear.scatter [tilespmem:s0], [sflag:$0x1], $0x6000, $0x38;
	[tilespmem:$0xC880] =	vst v63  }
0x4af: {  	_ =	swait.ge [sflag:s1], $0x6000  }
0x4b0: {  	[sflag:s1] =	ssyncset.done $0x0  }
0x4b1: {  	[sflag:s1] =	ssyncadd.s32 $0xFFFFA000  }
0x4b2: {  	[bflag:$0x0] =	sbarrier.arrive $0xFFFF  }
0x4b3: {  	[tilespmem:v7+s4+$0x0] =	vst.idx.msk vm3, v1  }
0x4b4: {  	[tilespmem:v8+s4+$0x0] =	vst.idx.msk vm5, v1  }
0x4b5: {  	[tilespmem:v2+s4+$0x0] =	vst.idx.msk vm7, v1  }
0x4b6: {  	[tilespmem:v3+s4+$0x0] =	vst.idx.msk vm15, v1  }
0x4b7: {  	v63 =	vld [tilespmem:$0x840];
	_ =	sdelay $0x4  }
0x4b8: {  	[tilespmem:v7+s4+$0x0] =	vst.idx.msk vm3, v63  }
0x4b9: {  	v4 =	vld [tilespmem:$0x850];
	_ =	sdelay $0x4  }
0x4ba: {  	[tilespmem:v8+s4+$0x0] =	vst.idx.msk vm5, v4  }
0x4bb: {  	v4 =	vld [tilespmem:$0x860];
	_ =	sdelay $0x4  }
0x4bc: {  	[tilespmem:v2+s4+$0x0] =	vst.idx.msk vm7, v4  }
0x4bd: {  	v2 =	vld [tilespmem:$0x870];
	_ =	sdelay $0x4  }
0x4be: {  	[tilespmem:v3+s4+$0x0] =	vst.idx.msk vm15, v2  }
0x4bf: {  	[bflag:$0x0] =	sbarrier.arrive $0xFFFF  }
0x4c0: {  	[hbm4b:s26+s3] =	stream.linear.scatter [tilespmem:s4], [sflag:$0x2], $0x6000, $0x38;
	[tilespmem:$0xC880] =	vst v63  }
0x4c1: {  	_ =	swait.ge [sflag:s2], $0x6000  }
0x4c2: {  	s29 =	sadd.s32 $0x1, s29;
	[sflag:s2] =	ssyncset.done $0x0  }
0x4c3: {  	p0 =	sne.s32 s29, s25;
	[sflag:s2] =	ssyncadd.s32 $0xFFFFA000  }
.Ltmp5:
0x4c4: {  	_ =	swait.ge [sflag:s1], $0x6000;
	(pc) =	sbr.rel @p0 .LBB2_1-.Ltmp5, $3  }
0x4c5: {  	[sflag:s1] =	ssyncset.done $0x0  }
0x4c6: {  	[sflag:s1] =	ssyncadd.s32 $0xFFFFA000  }
0x4c7: {  	[bflag:$0x0] =	sbarrier.arrive $0xFFFF;
	_ =	sdelay $0x1  }
0x4c8: {  	_ =	sfence.sel $0x180000  }
0x4c9: {  	[bflag:$0x0] =	sbarrier.arrive $0xFFFF  }
0x4ca: {  	_ =	strace $0x90000047  }
0x4cb: {  	s0 =	stileid.u32;
	[bflag:$0x2] =	sbarrier.arrive $0xFFFF  }
0x4cc: {  	p0 =	sne.s32 s0, $0x0;
	s0 =	rddreg [dreg:$0x5]  }
0x4cd: {  	s0 =	sadd.s32 @!p0 $0x100000, s0  }
0x4ce: {  	[sflag:s0] =	ssyncadd.tile.s32 @!p0 $0x1;
	_ =	shalt  }
.Lfunc_end2:
_tile_overlayer_lowered:
.L_overlay_start_2:
0x4cf: {  	(tag) =	ssettag $0x2  }
0x4d0: {  	s0 =	rddreg [dreg:$0x0];
	s2 =	stileid.u32  }
0x4d1: {  	s1 =	rddreg [dreg:$0x1];
	p0 =	sne.s32 s2, $0x0  }
0x4d2: {  	s3 =	rddreg [dreg:$0x2];
	[bflag:$0x3] =	sbarrier.arrive $0xFFFF;
	s2 =	simm.s32 @!p0 $0x1C03  }
0x4d3: {  	[timem:s3], [sflag:s2] =	dma.local @!p0 [hbm:s0], s1  }
0x4d4: {  	s0 =	simm.s32 @!p0 $0x3  }
0x4d5: {  	_ =	swait.ge @!p0 [sflag:s0], s1  }
0x4d6: {  	s1 =	ssub.s32 @!p0 $0x0, s1;
	[sflag:s0] =	ssyncset.done @!p0 $0x0  }
0x4d7: {  	[sflag:s0] =	ssyncadd.s32 @!p0 s1  }
0x4d8: {  	[bflag:$0x3] =	sbarrier.arrive $0xFFFF  }
0x4d9: {  	_ =	shalt  }

</sc_bundles>
